<compile_context>
chip_gen: v7x
topology: tpu7x:2x2x1
jax: 0.10.2.dev20260603
libtpu: 0.0.44.dev20260713+nightly
codegen_flags: <defaults>
</compile_context>

<pallas_src>
import functools

import jax
import jax.numpy as jnp
from jax import lax
from jax.experimental import pallas as pl
from jax.experimental.pallas import tpu as pltpu
from jax.experimental.pallas import tpu_sc as plsc

N = 10000
E = 75000
F = 512
KC = 4
CW = 128
NSUB = 16
EB = 128
NBATCH = 37
EPT = NBATCH * EB
E_PAD = NSUB * EPT
N_ACC = 10240
STRIPE = N_ACC // NSUB
ZB = 64
PAD_DST = N + 8

@functools.cache
def _vmesh():
    return plsc.VectorSubcoreMesh(core_axis_name="c", subcore_axis_name="s")


def _agg_body(table_ref, srcs_ref, dsts_ref, zeros_ref, m0_out, m1_out,
              sidx, didx, rows_a, zbuf, acc):
    cid = lax.axis_index("c")
    sid = lax.axis_index("s")

    pltpu.sync_copy(zeros_ref, zbuf)

    def run_relation(r, out_r):
        pltpu.sync_copy(srcs_ref.at[r, sid], sidx)
        pltpu.sync_copy(dsts_ref.at[r, sid], didx)

        for c in range(KC):
            @pl.loop(0, STRIPE // ZB)
            def _(z):
                pltpu.sync_copy(zbuf, acc.at[pl.ds(sid * STRIPE + z * ZB, ZB)])
            plsc.subcore_barrier()

            @pl.loop(0, NBATCH)
            def _(b):
                pltpu.sync_copy(table_ref.at[c].at[sidx.at[b]], rows_a)
                pltpu.sync_copy(rows_a, acc.at[didx.at[b]], add=True)
            plsc.subcore_barrier()
            pltpu.sync_copy(acc.at[pl.ds(sid * STRIPE, STRIPE)],
                            out_r.at[c, pl.ds(sid * STRIPE, STRIPE)])

    @pl.when(cid == 0)
    def _():
        run_relation(0, m0_out)

    @pl.when(cid == 1)
    def _():
        run_relation(1, m1_out)


@functools.cache
def _agg_kernel():
    return pl.kernel(
        _agg_body,
        out_type=[
            jax.ShapeDtypeStruct((KC, N_ACC, CW), jnp.float32),
            jax.ShapeDtypeStruct((KC, N_ACC, CW), jnp.float32),
        ],
        mesh=_vmesh(),
        scratch_types=[
            pltpu.VMEM((NBATCH, EB), jnp.int32),
            pltpu.VMEM((NBATCH, EB), jnp.int32),
            pltpu.VMEM((EB, CW), jnp.float32),
            pltpu.VMEM((ZB, CW), jnp.float32),
            pltpu.VMEM_SHARED((N_ACC, CW), jnp.float32),
        ],
    )


def _deg_body(dsts_ref, ones_ref, zd_ref, deg_out,
              didx, ones_v, zd_v, dacc):
    cid = lax.axis_index("c")
    sid = lax.axis_index("s")
    pltpu.sync_copy(ones_ref, ones_v)
    pltpu.sync_copy(zd_ref, zd_v)

    def run_relation(r):
        pltpu.sync_copy(dsts_ref.at[r, sid], didx)

        @pl.loop(0, STRIPE // ZB)
        def _(z):
            pltpu.sync_copy(zd_v, dacc.at[pl.ds(sid * STRIPE + z * ZB, ZB)])
        plsc.subcore_barrier()

        @pl.loop(0, NBATCH)
        def _(b):
            pltpu.sync_copy(ones_v, dacc.at[didx.at[b]], add=True)
        plsc.subcore_barrier()
        pltpu.sync_copy(dacc.at[pl.ds(sid * STRIPE, STRIPE)],
                        deg_out.at[r, pl.ds(sid * STRIPE, STRIPE)])

    @pl.when(cid == 0)
    def _():
        run_relation(0)

    @pl.when(cid == 1)
    def _():
        run_relation(1)


@functools.cache
def _deg_kernel():
    return pl.kernel(
        _deg_body,
        out_type=jax.ShapeDtypeStruct((2, N_ACC, CW), jnp.float32),
        mesh=_vmesh(),
        scratch_types=[
            pltpu.VMEM((NBATCH, EB), jnp.int32),
            pltpu.VMEM((EB, CW), jnp.float32),
            pltpu.VMEM((ZB, CW), jnp.float32),
            pltpu.VMEM_SHARED((N_ACC, CW), jnp.float32),
        ],
    )


BN = 512


def _mm_body(relu, chunked_out, m0, m1, d0, d1, w0, w1, b0, b1, out):
    deg0 = d0[...][:, 0:1]
    deg1 = d1[...][:, 0:1]
    s0 = jnp.where(deg0 > 0, 0.5 / jnp.maximum(deg0, 1.0), 0.0)
    s1 = jnp.where(deg1 > 0, 0.5 / jnp.maximum(deg1, 1.0), 0.0)
    acc = jnp.zeros((BN, F), dtype=jnp.float32)
    for k in range(KC):
        acc += jnp.dot((m0[k] * s0).astype(jnp.bfloat16), w0[k],
                       preferred_element_type=jnp.float32)
        acc += jnp.dot((m1[k] * s1).astype(jnp.bfloat16), w1[k],
                       preferred_element_type=jnp.float32)
    acc += 0.5 * (b0[...] + b1[...])
    if relu:
        acc = jnp.maximum(acc, 0.0)
    if chunked_out:
        for k in range(KC):
            out[k] = acc[:, k * CW:(k + 1) * CW]
    else:
        out[...] = acc


def _mm_layer(m0, m1, deg0, deg1, w0, w1, b0, b1, *, relu, chunked_out):
    grid = (N_ACC // BN,)
    in_specs = [
        pl.BlockSpec((KC, BN, CW), lambda i: (0, i, 0)),
        pl.BlockSpec((KC, BN, CW), lambda i: (0, i, 0)),
        pl.BlockSpec((BN, 16), lambda i: (i, 0)),
        pl.BlockSpec((BN, 16), lambda i: (i, 0)),
        pl.BlockSpec((KC, CW, F), lambda i: (0, 0, 0)),
        pl.BlockSpec((KC, CW, F), lambda i: (0, 0, 0)),
        pl.BlockSpec((1, F), lambda i: (0, 0)),
        pl.BlockSpec((1, F), lambda i: (0, 0)),
    ]
    if chunked_out:
        out_shape = jax.ShapeDtypeStruct((KC, N_ACC, CW), jnp.float32)
        out_specs = pl.BlockSpec((KC, BN, CW), lambda i: (0, i, 0))
    else:
        out_shape = jax.ShapeDtypeStruct((N_ACC, F), jnp.float32)
        out_specs = pl.BlockSpec((BN, F), lambda i: (i, 0))
    return pl.pallas_call(
        functools.partial(_mm_body, relu, chunked_out),
        grid=grid,
        in_specs=in_specs,
        out_specs=out_specs,
        out_shape=out_shape,
    )(m0, m1, deg0, deg1, w0, w1, b0, b1)


def _fc_mm_body(gb, w, b, out):
    out[...] = jnp.dot(gb[...], w[...],
                       preferred_element_type=jnp.float32) + b[...]


BFC = 2048 // 4


def _fc_mm(gb, w, b):
    return pl.pallas_call(
        _fc_mm_body,
        grid=(2048 // BFC,),
        in_specs=[
            pl.BlockSpec((BFC, F), lambda i: (i, 0)),
            pl.BlockSpec((F, F), lambda i: (0, 0)),
            pl.BlockSpec((1, F), lambda i: (0, 0)),
        ],
        out_specs=pl.BlockSpec((BFC, F), lambda i: (i, 0)),
        out_shape=jax.ShapeDtypeStruct((2048, F), jnp.float32),
    )(gb, w, b)


BPT = 2048 // 32


def _gather_body(g_ref, bn_ref, out_ref, idx, rows):
    w = lax.axis_index("s") * 2 + lax.axis_index("c")
    pltpu.sync_copy(bn_ref.at[w], idx)
    pltpu.sync_copy(g_ref.at[idx.at[0]], rows)
    pltpu.sync_copy(rows, out_ref.at[pl.ds(w * BPT, BPT)])


@functools.cache
def _gather_kernel():
    return pl.kernel(
        _gather_body,
        out_type=jax.ShapeDtypeStruct((2048, F), jnp.float32),
        mesh=_vmesh(),
        scratch_types=[
            pltpu.VMEM((1, BPT), jnp.int32),
            pltpu.VMEM((BPT, F), jnp.float32),
        ],
    )


BPS = 2048 // NSUB


def _scatter_body(g_ref, bf_ref, bn_ref, out_ref, idx, crows, srows):
    cid = lax.axis_index("c")
    sid = lax.axis_index("s")

    @pl.when(cid == 0)
    def _():
        @pl.loop(0, STRIPE // 64)
        def _(z):
            base = sid * STRIPE + z * 64
            pltpu.sync_copy(g_ref.at[pl.ds(base, 64)], crows)
            pltpu.sync_copy(crows, out_ref.at[pl.ds(base, 64)])
        plsc.subcore_barrier()
        pltpu.sync_copy(bn_ref.at[sid], idx)
        pltpu.sync_copy(bf_ref.at[pl.ds(sid * BPS, BPS)], srows)
        pltpu.sync_copy(srows, out_ref.at[idx.at[0]])


@functools.cache
def _scatter_kernel():
    return pl.kernel(
        _scatter_body,
        out_type=jax.ShapeDtypeStruct((N_ACC, F), jnp.float32),
        mesh=_vmesh(),
        scratch_types=[
            pltpu.VMEM((1, BPS), jnp.int32),
            pltpu.VMEM((64, F), jnp.float32),
            pltpu.VMEM((BPS, F), jnp.float32),
        ],
    )


def kernel(x, edge_index_rel0, edge_index_rel1, batch_nodes,
           W1_0, b1_0, W1_1, b1_1, W2_0, b2_0, W2_1, b2_1, W_fc, b_fc):
    f32 = jnp.float32
    x4 = x.reshape(N, KC, CW).transpose(1, 0, 2)

    def pad_edges(ei):
        src = jnp.concatenate(
            [ei[0].astype(jnp.int32), jnp.zeros((E_PAD - E,), jnp.int32)])
        dst = jnp.concatenate(
            [ei[1].astype(jnp.int32),
             jnp.full((E_PAD - E,), PAD_DST, jnp.int32)])
        return src.reshape(NSUB, NBATCH, EB), dst.reshape(NSUB, NBATCH, EB)

    s0, d0 = pad_edges(edge_index_rel0)
    s1, d1 = pad_edges(edge_index_rel1)
    srcs = jnp.stack([s0, s1])
    dsts = jnp.stack([d0, d1])

    zeros_blk = jnp.zeros((ZB, CW), f32)
    ones_blk = jnp.ones((EB, CW), f32)

    bf16 = jnp.bfloat16
    w1 = jnp.stack([W1_0.reshape(KC, CW, F), W1_1.reshape(KC, CW, F)]).astype(bf16)
    w2 = jnp.stack([W2_0.reshape(KC, CW, F), W2_1.reshape(KC, CW, F)]).astype(bf16)

    deg = _deg_kernel()(dsts, ones_blk, zeros_blk)[:, :, :16]
    m0a, m1a = _agg_kernel()(x4, srcs, dsts, zeros_blk)
    h4 = _mm_layer(m0a, m1a, deg[0], deg[1], w1[0], w1[1],
                   b1_0.reshape(1, F), b1_1.reshape(1, F),
                   relu=True, chunked_out=True)

    m0b, m1b = _agg_kernel()(h4, srcs, dsts, zeros_blk)
    g = _mm_layer(m0b, m1b, deg[0], deg[1], w2[0], w2[1],
                  b2_0.reshape(1, F), b2_1.reshape(1, F),
                  relu=False, chunked_out=False)

    bn = batch_nodes.astype(jnp.int32)
    gb = _gather_kernel()(g, bn.reshape(32, 1, BPT))
    bf = _fc_mm(gb, W_fc, b_fc.reshape(1, F))
    out_full = _scatter_kernel()(g, bf, bn.reshape(NSUB, 1, BPS))
    return out_full[:N]

# --- scband reference (transcript-rebuilt; emitter-appended) ---
"""Pipeline reference for scband-memory-efficient-het-gnn-53721450939128 (READ-ONLY COPY).

The authoritative reference and input builder live on the scoring server;
editing this copy changes nothing except your own understanding.
"""

import jax, jax.numpy as jnp
import numpy as np

N = 10000
E = 75000
IN_FEATS = 512
HID_FEATS = 512
OUT_FEATS = 512
B = 2048


def setup_inputs(seed: int = 0) -> dict:
    key = jax.random.key(seed)
    ks = jax.random.split(key, 16)
    inp = {}
    inp["x"] = jax.random.normal(ks[0], (N, IN_FEATS), dtype=jnp.float32)
    inp["edge_index_rel0"] = jax.random.randint(ks[1], (2, E), 0, N)
    inp["edge_index_rel1"] = jax.random.randint(ks[2], (2, E), 0, N)
    inp["batch_nodes"] = jax.random.randint(ks[3], (B,), 0, N)
    s1 = 1.0 / np.sqrt(IN_FEATS)
    s2 = 1.0 / np.sqrt(HID_FEATS)
    s3 = 1.0 / np.sqrt(OUT_FEATS)
    inp["W1_0"] = jax.random.normal(ks[4], (IN_FEATS, HID_FEATS), dtype=jnp.float32) * s1
    inp["b1_0"] = jnp.zeros((HID_FEATS,), dtype=jnp.float32)
    inp["W1_1"] = jax.random.normal(ks[5], (IN_FEATS, HID_FEATS), dtype=jnp.float32) * s1
    inp["b1_1"] = jnp.zeros((HID_FEATS,), dtype=jnp.float32)
    inp["W2_0"] = jax.random.normal(ks[6], (HID_FEATS, OUT_FEATS), dtype=jnp.float32) * s2
    inp["b2_0"] = jnp.zeros((OUT_FEATS,), dtype=jnp.float32)
    inp["W2_1"] = jax.random.normal(ks[7], (HID_FEATS, OUT_FEATS), dtype=jnp.float32) * s2
    inp["b2_1"] = jnp.zeros((OUT_FEATS,), dtype=jnp.float32)
    inp["W_fc"] = jax.random.normal(ks[8], (OUT_FEATS, OUT_FEATS), dtype=jnp.float32) * s3
    inp["b_fc"] = jnp.zeros((OUT_FEATS,), dtype=jnp.float32)
    return inp


def _graph_conv_right(h, src, dst, W, b):
    # DGL GraphConv(norm='right'): aggregate incoming messages, divide by in-degree,
    # then apply weight + bias (math-equivalent to DGL's fused ordering).
    msg = jax.ops.segment_sum(h[src], dst, num_segments=N)
    deg = jax.ops.segment_sum(jnp.ones((src.shape[0],), dtype=h.dtype), dst, num_segments=N)
    norm = jnp.where(deg > 0, 1.0 / jnp.maximum(deg, 1.0), 0.0)
    return (msg * norm[:, None]) @ W + b


def reference(x, edge_index_rel0, edge_index_rel1, batch_nodes,
              W1_0, b1_0, W1_1, b1_1, W2_0, b2_0, W2_1, b2_1, W_fc, b_fc):
    src0, dst0 = edge_index_rel0[0], edge_index_rel0[1]
    src1, dst1 = edge_index_rel1[0], edge_index_rel1[1]
    # layer 1: HeteroGraphConv with aggregate='mean' over relations
    h0 = _graph_conv_right(x, src0, dst0, W1_0, b1_0)
    h1 = _graph_conv_right(x, src1, dst1, W1_1, b1_1)
    h = jax.nn.relu((h0 + h1) * 0.5)
    # layer 2
    g0 = _graph_conv_right(h, src0, dst0, W2_0, b2_0)
    g1 = _graph_conv_right(h, src1, dst1, W2_1, b2_1)
    g = (g0 + g1) * 0.5
    # fc applied to the batch nodes only, written back in place
    batch_feats = g[batch_nodes] @ W_fc + b_fc
    out = g.at[batch_nodes].set(batch_feats)
    return out

if __name__ == "__main__":
    import jax
    _d = setup_inputs()
    print(jax.jit(kernel)(*tuple(_d.values())))

</pallas_src>

<mosaic_0001>
#map = affine_map<(d0, d1) -> (0, 0)>
#map1 = affine_map<(d0, d1) -> (0, 0, 0)>
module attributes {stable_mosaic.version = 14 : i64} {
  func.func @_gather_body(%arg0: i32, %arg1: i32, %arg2: memref<10240x512xf32, #tpu.memory_space<hbm>>, %arg3: memref<32x1x64xi32, #tpu.memory_space<hbm>>, %arg4: memref<2048x512xf32, #tpu.memory_space<hbm>>, %arg5: memref<1x64xi32, #tpu.memory_space<vmem>>, %arg6: memref<64x512xf32, #tpu.memory_space<vmem>>) attributes {dimension_semantics = [#tpu.dimension_semantics<core_parallel>, #tpu.dimension_semantics<subcore_parallel>], iteration_bounds = array<i64: 2, 16>, scalar_prefetch = 0 : i64, scratch_operands = 2 : i64, tpu.core_type = #tpu.core_type<sc_vector_subcore>, window_params = [{transform_indices = #map}, {transform_indices = #map1}, {transform_indices = #map}]} {
    %mul3A = arith.constant 2 : i32
    %mul3A_0 = arith.muli %arg1, %mul3A : i32
    %add3A = arith.addi %mul3A_0, %arg0 : i32
    "tpu.region"() ({
      %run_scoped3A_3 = tpu.sem_alloc : memref<!tpu.dma_semaphore, #tpu.memory_space<semaphore_mem>>
      %dma_start3A = arith.constant 0 : i32
      %dma_start3A_4 = arith.constant 0 : i32
      %dma_start3A_5 = tpu.memref_slice %arg3[%add3A, %dma_start3A, %dma_start3A_4] : memref<32x1x64xi32, #tpu.memory_space<hbm>> -> memref<1x1x64xi32, #tpu.memory_space<hbm>>
      %dma_start3A_6 = tpu.memref_squeeze %dma_start3A_5 : memref<1x1x64xi32, #tpu.memory_space<hbm>> -> memref<1x64xi32, #tpu.memory_space<hbm>>
      %dma_start3A_7 = arith.constant 0 : i32
      %dma_start3A_8 = arith.constant 0 : i32
      %dma_start3A_9 = tpu.memref_slice %arg3[%add3A, %dma_start3A_7, %dma_start3A_8] : memref<32x1x64xi32, #tpu.memory_space<hbm>> -> memref<1x1x64xi32, #tpu.memory_space<hbm>>
      %dma_start3A_10 = tpu.memref_squeeze %dma_start3A_9 : memref<1x1x64xi32, #tpu.memory_space<hbm>> -> memref<1x64xi32, #tpu.memory_space<hbm>>
      tpu.enqueue_dma source(%dma_start3A_10 : memref<1x64xi32, #tpu.memory_space<hbm>>) target(%arg5 : memref<1x64xi32, #tpu.memory_space<vmem>>) target_semaphore(%run_scoped3A_3 : memref<!tpu.dma_semaphore, #tpu.memory_space<semaphore_mem>>)
      %dma_wait3A = arith.constant 0 : i32
      %dma_wait3A_11 = arith.constant 0 : i32
      %dma_wait3A_12 = tpu.memref_slice %arg3[%add3A, %dma_wait3A, %dma_wait3A_11] : memref<32x1x64xi32, #tpu.memory_space<hbm>> -> memref<1x1x64xi32, #tpu.memory_space<hbm>>
      %dma_wait3A_13 = tpu.memref_squeeze %dma_wait3A_12 : memref<1x1x64xi32, #tpu.memory_space<hbm>> -> memref<1x64xi32, #tpu.memory_space<hbm>>
      %dma_wait3A_14 = arith.constant 0 : i32
      %dma_wait3A_15 = arith.constant 0 : i32
      %dma_wait3A_16 = tpu.memref_slice %arg3[%add3A, %dma_wait3A_14, %dma_wait3A_15] : memref<32x1x64xi32, #tpu.memory_space<hbm>> -> memref<1x1x64xi32, #tpu.memory_space<hbm>>
      %dma_wait3A_17 = tpu.memref_squeeze %dma_wait3A_16 : memref<1x1x64xi32, #tpu.memory_space<hbm>> -> memref<1x64xi32, #tpu.memory_space<hbm>>
      tpu.wait_dma2 semaphore(%run_scoped3A_3 : memref<!tpu.dma_semaphore, #tpu.memory_space<semaphore_mem>>) src(%dma_wait3A_17 : memref<1x64xi32, #tpu.memory_space<hbm>>) dst(%arg5 : memref<1x64xi32, #tpu.memory_space<vmem>>)
      tpu.yield
    }) : () -> ()
    %run_scoped3A = arith.constant 0 : i32
    "tpu.region"() ({
      %run_scoped3A_3 = tpu.sem_alloc : memref<!tpu.dma_semaphore, #tpu.memory_space<semaphore_mem>>
      %dma_start3A = arith.constant 0 : i32
      %dma_start3A_4 = tpu.memref_slice %arg5[%run_scoped3A, %dma_start3A] : memref<1x64xi32, #tpu.memory_space<vmem>> -> memref<1x64xi32, #tpu.memory_space<vmem>>
      %dma_start3A_5 = tpu.memref_squeeze %dma_start3A_4 : memref<1x64xi32, #tpu.memory_space<vmem>> -> memref<64xi32, #tpu.memory_space<vmem>>
      %dma_start3A_6 = arith.constant 0 : i32
      %dma_start3A_7 = arith.constant 0 : i32
      %dma_start3A_8 = tpu.memref_slice %arg2[%dma_start3A_6, %dma_start3A_7] : memref<10240x512xf32, #tpu.memory_space<hbm>> -> memref<10240x512xf32, #tpu.memory_space<hbm>>
      tpu.enqueue_indirect_dma source(%dma_start3A_8 : memref<10240x512xf32, #tpu.memory_space<hbm>>) target(%arg6 : memref<64x512xf32, #tpu.memory_space<vmem>>) offsets(%dma_start3A_5 : memref<64xi32, #tpu.memory_space<vmem>>) semaphore(%run_scoped3A_3 : memref<!tpu.dma_semaphore, #tpu.memory_space<semaphore_mem>>)
      %dma_wait3A = arith.constant 0 : i32
      %dma_wait3A_9 = tpu.memref_slice %arg5[%run_scoped3A, %dma_wait3A] : memref<1x64xi32, #tpu.memory_space<vmem>> -> memref<1x64xi32, #tpu.memory_space<vmem>>
      %dma_wait3A_10 = tpu.memref_squeeze %dma_wait3A_9 : memref<1x64xi32, #tpu.memory_space<vmem>> -> memref<64xi32, #tpu.memory_space<vmem>>
      %dma_wait3A_11 = arith.constant 0 : i32
      %dma_wait3A_12 = arith.constant 0 : i32
      %dma_wait3A_13 = tpu.memref_slice %arg2[%dma_wait3A_11, %dma_wait3A_12] : memref<10240x512xf32, #tpu.memory_space<hbm>> -> memref<10240x512xf32, #tpu.memory_space<hbm>>
      tpu.wait_indirect_dma semaphore(%run_scoped3A_3 : memref<!tpu.dma_semaphore, #tpu.memory_space<semaphore_mem>>) src(%dma_wait3A_13 : memref<10240x512xf32, #tpu.memory_space<hbm>>) dst(%arg6 : memref<64x512xf32, #tpu.memory_space<vmem>>)
      tpu.yield
    }) : () -> ()
    %mul3A_1 = arith.constant 64 : i32
    %mul3A_2 = arith.muli %add3A, %mul3A_1 : i32
    "tpu.region"() ({
      %run_scoped3A_3 = tpu.sem_alloc : memref<!tpu.dma_semaphore, #tpu.memory_space<semaphore_mem>>
      %dma_start3A = arith.constant 0 : i32
      %dma_start3A_4 = tpu.memref_slice %arg4[%mul3A_2, %dma_start3A] : memref<2048x512xf32, #tpu.memory_space<hbm>> -> memref<64x512xf32, #tpu.memory_space<hbm>>
      %dma_start3A_5 = arith.constant 0 : i32
      %dma_start3A_6 = tpu.memref_slice %arg4[%mul3A_2, %dma_start3A_5] : memref<2048x512xf32, #tpu.memory_space<hbm>> -> memref<64x512xf32, #tpu.memory_space<hbm>>
      tpu.enqueue_dma source(%arg6 : memref<64x512xf32, #tpu.memory_space<vmem>>) target(%dma_start3A_6 : memref<64x512xf32, #tpu.memory_space<hbm>>) target_semaphore(%run_scoped3A_3 : memref<!tpu.dma_semaphore, #tpu.memory_space<semaphore_mem>>)
      %dma_wait3A = arith.constant 0 : i32
      %dma_wait3A_7 = tpu.memref_slice %arg4[%mul3A_2, %dma_wait3A] : memref<2048x512xf32, #tpu.memory_space<hbm>> -> memref<64x512xf32, #tpu.memory_space<hbm>>
      %dma_wait3A_8 = arith.constant 0 : i32
      %dma_wait3A_9 = tpu.memref_slice %arg4[%mul3A_2, %dma_wait3A_8] : memref<2048x512xf32, #tpu.memory_space<hbm>> -> memref<64x512xf32, #tpu.memory_space<hbm>>
      tpu.wait_dma2 semaphore(%run_scoped3A_3 : memref<!tpu.dma_semaphore, #tpu.memory_space<semaphore_mem>>) src(%arg6 : memref<64x512xf32, #tpu.memory_space<vmem>>) dst(%dma_wait3A_9 : memref<64x512xf32, #tpu.memory_space<hbm>>)
      tpu.yield
    }) : () -> ()
    return
  }
}

#map = affine_map<(d0, d1) -> (0, 0, 0)>
#map1 = affine_map<(d0, d1) -> (0, 0, 0, 0)>
#map2 = affine_map<(d0, d1) -> (0, 0)>
module attributes {stable_mosaic.version = 14 : i64} {
  func.func @_agg_body(%arg0: i32, %arg1: i32, %arg2: memref<4x10000x128xf32, #tpu.memory_space<hbm>>, %arg3: memref<2x16x37x128xi32, #tpu.memory_space<hbm>>, %arg4: memref<2x16x37x128xi32, #tpu.memory_space<hbm>>, %arg5: memref<64x128xf32, #tpu.memory_space<hbm>>, %arg6: memref<4x10240x128xf32, #tpu.memory_space<hbm>>, %arg7: memref<4x10240x128xf32, #tpu.memory_space<hbm>>, %arg8: memref<37x128xi32, #tpu.memory_space<vmem>>, %arg9: memref<37x128xi32, #tpu.memory_space<vmem>>, %arg10: memref<128x128xf32, #tpu.memory_space<vmem>>, %arg11: memref<64x128xf32, #tpu.memory_space<vmem>>, %arg12: memref<10240x128xf32, #tpu.memory_space<vmem_shared>>) attributes {dimension_semantics = [#tpu.dimension_semantics<core_parallel>, #tpu.dimension_semantics<subcore_parallel>], iteration_bounds = array<i64: 2, 16>, scalar_prefetch = 0 : i64, scratch_operands = 5 : i64, tpu.core_type = #tpu.core_type<sc_vector_subcore>, window_params = [{transform_indices = #map}, {transform_indices = #map1}, {transform_indices = #map1}, {transform_indices = #map2}, {transform_indices = #map}, {transform_indices = #map}]} {
    "tpu.region"() ({
      %run_scoped3A = tpu.sem_alloc : memref<!tpu.dma_semaphore, #tpu.memory_space<semaphore_mem>>
      tpu.enqueue_dma source(%arg5 : memref<64x128xf32, #tpu.memory_space<hbm>>) target(%arg11 : memref<64x128xf32, #tpu.memory_space<vmem>>) target_semaphore(%run_scoped3A : memref<!tpu.dma_semaphore, #tpu.memory_space<semaphore_mem>>)
      tpu.wait_dma2 semaphore(%run_scoped3A : memref<!tpu.dma_semaphore, #tpu.memory_space<semaphore_mem>>) src(%arg5 : memref<64x128xf32, #tpu.memory_space<hbm>>) dst(%arg11 : memref<64x128xf32, #tpu.memory_space<vmem>>)
      tpu.yield
    }) : () -> ()
    %eq3A = arith.constant 0 : i32
    %eq3A_0 = arith.cmpi eq, %arg0, %eq3A : i32
    %convert_element_type3A = arith.extui %eq3A_0 : i1 to i32
    %cond3A = arith.constant 0 : i32
    %cond3A_1 = arith.cmpi ne, %convert_element_type3A, %cond3A : i32
    scf.if %cond3A_1 {
      %run_scoped3A = arith.constant 0 : i32
      "tpu.region"() ({
        %run_scoped3A_73 = tpu.sem_alloc : memref<!tpu.dma_semaphore, #tpu.memory_space<semaphore_mem>>
        %dma_start3A = arith.constant 0 : i32
        %dma_start3A_74 = arith.constant 0 : i32
        %dma_start3A_75 = tpu.memref_slice %arg3[%run_scoped3A, %arg1, %dma_start3A, %dma_start3A_74] : memref<2x16x37x128xi32, #tpu.memory_space<hbm>> -> memref<1x1x37x128xi32, #tpu.memory_space<hbm>>
        %dma_start3A_76 = tpu.memref_squeeze %dma_start3A_75 : memref<1x1x37x128xi32, #tpu.memory_space<hbm>> -> memref<37x128xi32, #tpu.memory_space<hbm>>
        %dma_start3A_77 = arith.constant 0 : i32
        %dma_start3A_78 = arith.constant 0 : i32
        %dma_start3A_79 = tpu.memref_slice %arg3[%run_scoped3A, %arg1, %dma_start3A_77, %dma_start3A_78] : memref<2x16x37x128xi32, #tpu.memory_space<hbm>> -> memref<1x1x37x128xi32, #tpu.memory_space<hbm>>
        %dma_start3A_80 = tpu.memref_squeeze %dma_start3A_79 : memref<1x1x37x128xi32, #tpu.memory_space<hbm>> -> memref<37x128xi32, #tpu.memory_space<hbm>>
        tpu.enqueue_dma source(%dma_start3A_80 : memref<37x128xi32, #tpu.memory_space<hbm>>) target(%arg8 : memref<37x128xi32, #tpu.memory_space<vmem>>) target_semaphore(%run_scoped3A_73 : memref<!tpu.dma_semaphore, #tpu.memory_space<semaphore_mem>>)
        %dma_wait3A = arith.constant 0 : i32
        %dma_wait3A_81 = arith.constant 0 : i32
        %dma_wait3A_82 = tpu.memref_slice %arg3[%run_scoped3A, %arg1, %dma_wait3A, %dma_wait3A_81] : memref<2x16x37x128xi32, #tpu.memory_space<hbm>> -> memref<1x1x37x128xi32, #tpu.memory_space<hbm>>
        %dma_wait3A_83 = tpu.memref_squeeze %dma_wait3A_82 : memref<1x1x37x128xi32, #tpu.memory_space<hbm>> -> memref<37x128xi32, #tpu.memory_space<hbm>>
        %dma_wait3A_84 = arith.constant 0 : i32
        %dma_wait3A_85 = arith.constant 0 : i32
        %dma_wait3A_86 = tpu.memref_slice %arg3[%run_scoped3A, %arg1, %dma_wait3A_84, %dma_wait3A_85] : memref<2x16x37x128xi32, #tpu.memory_space<hbm>> -> memref<1x1x37x128xi32, #tpu.memory_space<hbm>>
        %dma_wait3A_87 = tpu.memref_squeeze %dma_wait3A_86 : memref<1x1x37x128xi32, #tpu.memory_space<hbm>> -> memref<37x128xi32, #tpu.memory_space<hbm>>
        tpu.wait_dma2 semaphore(%run_scoped3A_73 : memref<!tpu.dma_semaphore, #tpu.memory_space<semaphore_mem>>) src(%dma_wait3A_87 : memref<37x128xi32, #tpu.memory_space<hbm>>) dst(%arg8 : memref<37x128xi32, #tpu.memory_space<vmem>>)
        tpu.yield
      }) : () -> ()
      %run_scoped3A_7 = arith.constant 0 : i32
      "tpu.region"() ({
        %run_scoped3A_73 = tpu.sem_alloc : memref<!tpu.dma_semaphore, #tpu.memory_space<semaphore_mem>>
        %dma_start3A = arith.constant 0 : i32
        %dma_start3A_74 = arith.constant 0 : i32
        %dma_start3A_75 = tpu.memref_slice %arg4[%run_scoped3A_7, %arg1, %dma_start3A, %dma_start3A_74] : memref<2x16x37x128xi32, #tpu.memory_space<hbm>> -> memref<1x1x37x128xi32, #tpu.memory_space<hbm>>
        %dma_start3A_76 = tpu.memref_squeeze %dma_start3A_75 : memref<1x1x37x128xi32, #tpu.memory_space<hbm>> -> memref<37x128xi32, #tpu.memory_space<hbm>>
        %dma_start3A_77 = arith.constant 0 : i32
        %dma_start3A_78 = arith.constant 0 : i32
        %dma_start3A_79 = tpu.memref_slice %arg4[%run_scoped3A_7, %arg1, %dma_start3A_77, %dma_start3A_78] : memref<2x16x37x128xi32, #tpu.memory_space<hbm>> -> memref<1x1x37x128xi32, #tpu.memory_space<hbm>>
        %dma_start3A_80 = tpu.memref_squeeze %dma_start3A_79 : memref<1x1x37x128xi32, #tpu.memory_space<hbm>> -> memref<37x128xi32, #tpu.memory_space<hbm>>
        tpu.enqueue_dma source(%dma_start3A_80 : memref<37x128xi32, #tpu.memory_space<hbm>>) target(%arg9 : memref<37x128xi32, #tpu.memory_space<vmem>>) target_semaphore(%run_scoped3A_73 : memref<!tpu.dma_semaphore, #tpu.memory_space<semaphore_mem>>)
        %dma_wait3A = arith.constant 0 : i32
        %dma_wait3A_81 = arith.constant 0 : i32
        %dma_wait3A_82 = tpu.memref_slice %arg4[%run_scoped3A_7, %arg1, %dma_wait3A, %dma_wait3A_81] : memref<2x16x37x128xi32, #tpu.memory_space<hbm>> -> memref<1x1x37x128xi32, #tpu.memory_space<hbm>>
        %dma_wait3A_83 = tpu.memref_squeeze %dma_wait3A_82 : memref<1x1x37x128xi32, #tpu.memory_space<hbm>> -> memref<37x128xi32, #tpu.memory_space<hbm>>
        %dma_wait3A_84 = arith.constant 0 : i32
        %dma_wait3A_85 = arith.constant 0 : i32
        %dma_wait3A_86 = tpu.memref_slice %arg4[%run_scoped3A_7, %arg1, %dma_wait3A_84, %dma_wait3A_85] : memref<2x16x37x128xi32, #tpu.memory_space<hbm>> -> memref<1x1x37x128xi32, #tpu.memory_space<hbm>>
        %dma_wait3A_87 = tpu.memref_squeeze %dma_wait3A_86 : memref<1x1x37x128xi32, #tpu.memory_space<hbm>> -> memref<37x128xi32, #tpu.memory_space<hbm>>
        tpu.wait_dma2 semaphore(%run_scoped3A_73 : memref<!tpu.dma_semaphore, #tpu.memory_space<semaphore_mem>>) src(%dma_wait3A_87 : memref<37x128xi32, #tpu.memory_space<hbm>>) dst(%arg9 : memref<37x128xi32, #tpu.memory_space<vmem>>)
        tpu.yield
      }) : () -> ()
      %scan3A = arith.constant 0 : i32
      %scan3A_8 = arith.constant 10 : i32
      %scan3A_9 = arith.addi %scan3A, %scan3A_8 : i32
      %scan3A_10 = arith.constant 1 : i32
      scf.for %scan3A_73 = %scan3A to %scan3A_9 step %scan3A_10  : i32 {
        %mul3A_74 = arith.constant 1 : i32
        %mul3A_75 = arith.muli %scan3A_73, %mul3A_74 : i32
        %add3A = arith.constant 0 : i32
        %add3A_76 = arith.addi %add3A, %mul3A_75 : i32
        %mul3A_77 = arith.constant 640 : i32
        %mul3A_78 = arith.muli %arg1, %mul3A_77 : i32
        %mul3A_79 = arith.constant 64 : i32
        %mul3A_80 = arith.muli %add3A_76, %mul3A_79 : i32
        %add3A_81 = arith.addi %mul3A_78, %mul3A_80 : i32
        "tpu.region"() ({
          %run_scoped3A_82 = tpu.sem_alloc : memref<!tpu.dma_semaphore, #tpu.memory_space<semaphore_mem>>
          %dma_start3A = arith.constant 0 : i32
          %dma_start3A_83 = tpu.memref_slice %arg12[%add3A_81, %dma_start3A] : memref<10240x128xf32, #tpu.memory_space<vmem_shared>> -> memref<64x128xf32, #tpu.memory_space<vmem_shared>>
          %dma_start3A_84 = arith.constant 0 : i32
          %dma_start3A_85 = tpu.memref_slice %arg12[%add3A_81, %dma_start3A_84] : memref<10240x128xf32, #tpu.memory_space<vmem_shared>> -> memref<64x128xf32, #tpu.memory_space<vmem_shared>>
          tpu.enqueue_dma source(%arg11 : memref<64x128xf32, #tpu.memory_space<vmem>>) target(%dma_start3A_85 : memref<64x128xf32, #tpu.memory_space<vmem_shared>>) target_semaphore(%run_scoped3A_82 : memref<!tpu.dma_semaphore, #tpu.memory_space<semaphore_mem>>)
          %dma_wait3A = arith.constant 0 : i32
          %dma_wait3A_86 = tpu.memref_slice %arg12[%add3A_81, %dma_wait3A] : memref<10240x128xf32, #tpu.memory_space<vmem_shared>> -> memref<64x128xf32, #tpu.memory_space<vmem_shared>>
          %dma_wait3A_87 = arith.constant 0 : i32
          %dma_wait3A_88 = tpu.memref_slice %arg12[%add3A_81, %dma_wait3A_87] : memref<10240x128xf32, #tpu.memory_space<vmem_shared>> -> memref<64x128xf32, #tpu.memory_space<vmem_shared>>
          tpu.wait_dma2 semaphore(%run_scoped3A_82 : memref<!tpu.dma_semaphore, #tpu.memory_space<semaphore_mem>>) src(%arg11 : memref<64x128xf32, #tpu.memory_space<vmem>>) dst(%dma_wait3A_88 : memref<64x128xf32, #tpu.memory_space<vmem_shared>>)
          tpu.yield
        }) : () -> ()
      }
      %scan3A_11 = arith.constant 10 : i32
      %barrier3A = arith.constant 0 : index
      tpu.barrier barrier_id(%barrier3A)
      %scan3A_12 = arith.constant 0 : i32
      %scan3A_13 = arith.constant 37 : i32
      %scan3A_14 = arith.addi %scan3A_12, %scan3A_13 : i32
      %scan3A_15 = arith.constant 1 : i32
      scf.for %scan3A_73 = %scan3A_12 to %scan3A_14 step %scan3A_15  : i32 {
        %mul3A_74 = arith.constant 1 : i32
        %mul3A_75 = arith.muli %scan3A_73, %mul3A_74 : i32
        %add3A = arith.constant 0 : i32
        %add3A_76 = arith.addi %add3A, %mul3A_75 : i32
        %run_scoped3A_77 = arith.constant 0 : i32
        "tpu.region"() ({
          %run_scoped3A_78 = tpu.sem_alloc : memref<!tpu.dma_semaphore, #tpu.memory_space<semaphore_mem>>
          %dma_start3A = arith.constant 0 : i32
          %dma_start3A_79 = tpu.memref_slice %arg8[%add3A_76, %dma_start3A] : memref<37x128xi32, #tpu.memory_space<vmem>> -> memref<1x128xi32, #tpu.memory_space<vmem>>
          %dma_start3A_80 = tpu.memref_squeeze %dma_start3A_79 : memref<1x128xi32, #tpu.memory_space<vmem>> -> memref<128xi32, #tpu.memory_space<vmem>>
          %dma_start3A_81 = arith.constant 0 : i32
          %dma_start3A_82 = arith.constant 0 : i32
          %dma_start3A_83 = tpu.memref_slice %arg2[%run_scoped3A_77, %dma_start3A_81, %dma_start3A_82] : memref<4x10000x128xf32, #tpu.memory_space<hbm>> -> memref<1x10000x128xf32, #tpu.memory_space<hbm>>
          %dma_start3A_84 = tpu.memref_squeeze %dma_start3A_83 : memref<1x10000x128xf32, #tpu.memory_space<hbm>> -> memref<10000x128xf32, #tpu.memory_space<hbm>>
          %dma_start3A_85 = arith.constant 0 : i32
          %dma_start3A_86 = arith.constant 0 : i32
          %dma_start3A_87 = tpu.memref_slice %dma_start3A_84[%dma_start3A_85, %dma_start3A_86] : memref<10000x128xf32, #tpu.memory_space<hbm>> -> memref<10000x128xf32, #tpu.memory_space<hbm>>
          tpu.enqueue_indirect_dma source(%dma_start3A_87 : memref<10000x128xf32, #tpu.memory_space<hbm>>) target(%arg10 : memref<128x128xf32, #tpu.memory_space<vmem>>) offsets(%dma_start3A_80 : memref<128xi32, #tpu.memory_space<vmem>>) semaphore(%run_scoped3A_78 : memref<!tpu.dma_semaphore, #tpu.memory_space<semaphore_mem>>)
          %dma_wait3A = arith.constant 0 : i32
          %dma_wait3A_88 = tpu.memref_slice %arg8[%add3A_76, %dma_wait3A] : memref<37x128xi32, #tpu.memory_space<vmem>> -> memref<1x128xi32, #tpu.memory_space<vmem>>
          %dma_wait3A_89 = tpu.memref_squeeze %dma_wait3A_88 : memref<1x128xi32, #tpu.memory_space<vmem>> -> memref<128xi32, #tpu.memory_space<vmem>>
          %dma_wait3A_90 = arith.constant 0 : i32
          %dma_wait3A_91 = arith.constant 0 : i32
          %dma_wait3A_92 = tpu.memref_slice %arg2[%run_scoped3A_77, %dma_wait3A_90, %dma_wait3A_91] : memref<4x10000x128xf32, #tpu.memory_space<hbm>> -> memref<1x10000x128xf32, #tpu.memory_space<hbm>>
          %dma_wait3A_93 = tpu.memref_squeeze %dma_wait3A_92 : memref<1x10000x128xf32, #tpu.memory_space<hbm>> -> memref<10000x128xf32, #tpu.memory_space<hbm>>
          %dma_wait3A_94 = arith.constant 0 : i32
          %dma_wait3A_95 = arith.constant 0 : i32
          %dma_wait3A_96 = tpu.memref_slice %dma_wait3A_93[%dma_wait3A_94, %dma_wait3A_95] : memref<10000x128xf32, #tpu.memory_space<hbm>> -> memref<10000x128xf32, #tpu.memory_space<hbm>>
          tpu.wait_indirect_dma semaphore(%run_scoped3A_78 : memref<!tpu.dma_semaphore, #tpu.memory_space<semaphore_mem>>) src(%dma_wait3A_96 : memref<10000x128xf32, #tpu.memory_space<hbm>>) dst(%arg10 : memref<128x128xf32, #tpu.memory_space<vmem>>)
          tpu.yield
        }) : () -> ()
        "tpu.region"() ({
          %run_scoped3A_78 = tpu.sem_alloc : memref<!tpu.dma_semaphore, #tpu.memory_space<semaphore_mem>>
          %dma_start3A = arith.constant 0 : i32
          %dma_start3A_79 = tpu.memref_slice %arg9[%add3A_76, %dma_start3A] : memref<37x128xi32, #tpu.memory_space<vmem>> -> memref<1x128xi32, #tpu.memory_space<vmem>>
          %dma_start3A_80 = tpu.memref_squeeze %dma_start3A_79 : memref<1x128xi32, #tpu.memory_space<vmem>> -> memref<128xi32, #tpu.memory_space<vmem>>
          %dma_start3A_81 = arith.constant 0 : i32
          %dma_start3A_82 = arith.constant 0 : i32
          %dma_start3A_83 = tpu.memref_slice %arg12[%dma_start3A_81, %dma_start3A_82] : memref<10240x128xf32, #tpu.memory_space<vmem_shared>> -> memref<10240x128xf32, #tpu.memory_space<vmem_shared>>
          tpu.enqueue_indirect_dma source(%arg10 : memref<128x128xf32, #tpu.memory_space<vmem>>) target(%dma_start3A_83 : memref<10240x128xf32, #tpu.memory_space<vmem_shared>>) offsets(%dma_start3A_80 : memref<128xi32, #tpu.memory_space<vmem>>) semaphore(%run_scoped3A_78 : memref<!tpu.dma_semaphore, #tpu.memory_space<semaphore_mem>>) {add = true}
          %dma_wait3A = arith.constant 0 : i32
          %dma_wait3A_84 = tpu.memref_slice %arg9[%add3A_76, %dma_wait3A] : memref<37x128xi32, #tpu.memory_space<vmem>> -> memref<1x128xi32, #tpu.memory_space<vmem>>
          %dma_wait3A_85 = tpu.memref_squeeze %dma_wait3A_84 : memref<1x128xi32, #tpu.memory_space<vmem>> -> memref<128xi32, #tpu.memory_space<vmem>>
          %dma_wait3A_86 = arith.constant 0 : i32
          %dma_wait3A_87 = arith.constant 0 : i32
          %dma_wait3A_88 = tpu.memref_slice %arg12[%dma_wait3A_86, %dma_wait3A_87] : memref<10240x128xf32, #tpu.memory_space<vmem_shared>> -> memref<10240x128xf32, #tpu.memory_space<vmem_shared>>
          tpu.wait_indirect_dma semaphore(%run_scoped3A_78 : memref<!tpu.dma_semaphore, #tpu.memory_space<semaphore_mem>>) src(%arg10 : memref<128x128xf32, #tpu.memory_space<vmem>>) dst(%dma_wait3A_88 : memref<10240x128xf32, #tpu.memory_space<vmem_shared>>)
          tpu.yield
        }) : () -> ()
      }
      %scan3A_16 = arith.constant 37 : i32
      %barrier3A_17 = arith.constant 0 : index
      tpu.barrier barrier_id(%barrier3A_17)
      %mul3A = arith.constant 640 : i32
      %mul3A_18 = arith.muli %arg1, %mul3A : i32
      %mul3A_19 = arith.constant 640 : i32
      %mul3A_20 = arith.muli %arg1, %mul3A_19 : i32
      %run_scoped3A_21 = arith.constant 0 : i32
      "tpu.region"() ({
        %run_scoped3A_73 = tpu.sem_alloc : memref<!tpu.dma_semaphore, #tpu.memory_space<semaphore_mem>>
        %dma_start3A = arith.constant 0 : i32
        %dma_start3A_74 = tpu.memref_slice %arg6[%run_scoped3A_21, %mul3A_20, %dma_start3A] : memref<4x10240x128xf32, #tpu.memory_space<hbm>> -> memref<1x640x128xf32, #tpu.memory_space<hbm>>
        %dma_start3A_75 = tpu.memref_squeeze %dma_start3A_74 : memref<1x640x128xf32, #tpu.memory_space<hbm>> -> memref<640x128xf32, #tpu.memory_space<hbm>>
        %dma_start3A_76 = arith.constant 0 : i32
        %dma_start3A_77 = tpu.memref_slice %arg12[%mul3A_18, %dma_start3A_76] : memref<10240x128xf32, #tpu.memory_space<vmem_shared>> -> memref<640x128xf32, #tpu.memory_space<vmem_shared>>
        tpu.enqueue_dma source(%dma_start3A_77 : memref<640x128xf32, #tpu.memory_space<vmem_shared>>) target(%dma_start3A_75 : memref<640x128xf32, #tpu.memory_space<hbm>>) target_semaphore(%run_scoped3A_73 : memref<!tpu.dma_semaphore, #tpu.memory_space<semaphore_mem>>)
        %dma_wait3A = arith.constant 0 : i32
        %dma_wait3A_78 = tpu.memref_slice %arg6[%run_scoped3A_21, %mul3A_20, %dma_wait3A] : memref<4x10240x128xf32, #tpu.memory_space<hbm>> -> memref<1x640x128xf32, #tpu.memory_space<hbm>>
        %dma_wait3A_79 = tpu.memref_squeeze %dma_wait3A_78 : memref<1x640x128xf32, #tpu.memory_space<hbm>> -> memref<640x128xf32, #tpu.memory_space<hbm>>
        %dma_wait3A_80 = arith.constant 0 : i32
        %dma_wait3A_81 = tpu.memref_slice %arg12[%mul3A_18, %dma_wait3A_80] : memref<10240x128xf32, #tpu.memory_space<vmem_shared>> -> memref<640x128xf32, #tpu.memory_space<vmem_shared>>
        tpu.wait_dma2 semaphore(%run_scoped3A_73 : memref<!tpu.dma_semaphore, #tpu.memory_space<semaphore_mem>>) src(%dma_wait3A_81 : memref<640x128xf32, #tpu.memory_space<vmem_shared>>) dst(%dma_wait3A_79 : memref<640x128xf32, #tpu.memory_space<hbm>>)
        tpu.yield
      }) : () -> ()
      %scan3A_22 = arith.constant 0 : i32
      %scan3A_23 = arith.constant 10 : i32
      %scan3A_24 = arith.addi %scan3A_22, %scan3A_23 : i32
      %scan3A_25 = arith.constant 1 : i32
      scf.for %scan3A_73 = %scan3A_22 to %scan3A_24 step %scan3A_25  : i32 {
        %mul3A_74 = arith.constant 1 : i32
        %mul3A_75 = arith.muli %scan3A_73, %mul3A_74 : i32
        %add3A = arith.constant 0 : i32
        %add3A_76 = arith.addi %add3A, %mul3A_75 : i32
        %mul3A_77 = arith.constant 640 : i32
        %mul3A_78 = arith.muli %arg1, %mul3A_77 : i32
        %mul3A_79 = arith.constant 64 : i32
        %mul3A_80 = arith.muli %add3A_76, %mul3A_79 : i32
        %add3A_81 = arith.addi %mul3A_78, %mul3A_80 : i32
        "tpu.region"() ({
          %run_scoped3A_82 = tpu.sem_alloc : memref<!tpu.dma_semaphore, #tpu.memory_space<semaphore_mem>>
          %dma_start3A = arith.constant 0 : i32
          %dma_start3A_83 = tpu.memref_slice %arg12[%add3A_81, %dma_start3A] : memref<10240x128xf32, #tpu.memory_space<vmem_shared>> -> memref<64x128xf32, #tpu.memory_space<vmem_shared>>
          %dma_start3A_84 = arith.constant 0 : i32
          %dma_start3A_85 = tpu.memref_slice %arg12[%add3A_81, %dma_start3A_84] : memref<10240x128xf32, #tpu.memory_space<vmem_shared>> -> memref<64x128xf32, #tpu.memory_space<vmem_shared>>
          tpu.enqueue_dma source(%arg11 : memref<64x128xf32, #tpu.memory_space<vmem>>) target(%dma_start3A_85 : memref<64x128xf32, #tpu.memory_space<vmem_shared>>) target_semaphore(%run_scoped3A_82 : memref<!tpu.dma_semaphore, #tpu.memory_space<semaphore_mem>>)
          %dma_wait3A = arith.constant 0 : i32
          %dma_wait3A_86 = tpu.memref_slice %arg12[%add3A_81, %dma_wait3A] : memref<10240x128xf32, #tpu.memory_space<vmem_shared>> -> memref<64x128xf32, #tpu.memory_space<vmem_shared>>
          %dma_wait3A_87 = arith.constant 0 : i32
          %dma_wait3A_88 = tpu.memref_slice %arg12[%add3A_81, %dma_wait3A_87] : memref<10240x128xf32, #tpu.memory_space<vmem_shared>> -> memref<64x128xf32, #tpu.memory_space<vmem_shared>>
          tpu.wait_dma2 semaphore(%run_scoped3A_82 : memref<!tpu.dma_semaphore, #tpu.memory_space<semaphore_mem>>) src(%arg11 : memref<64x128xf32, #tpu.memory_space<vmem>>) dst(%dma_wait3A_88 : memref<64x128xf32, #tpu.memory_space<vmem_shared>>)
          tpu.yield
        }) : () -> ()
      }
      %scan3A_26 = arith.constant 10 : i32
      %barrier3A_27 = arith.constant 0 : index
      tpu.barrier barrier_id(%barrier3A_27)
      %scan3A_28 = arith.constant 0 : i32
      %scan3A_29 = arith.constant 37 : i32
      %scan3A_30 = arith.addi %scan3A_28, %scan3A_29 : i32
      %scan3A_31 = arith.constant 1 : i32
      scf.for %scan3A_73 = %scan3A_28 to %scan3A_30 step %scan3A_31  : i32 {
        %mul3A_74 = arith.constant 1 : i32
        %mul3A_75 = arith.muli %scan3A_73, %mul3A_74 : i32
        %add3A = arith.constant 0 : i32
        %add3A_76 = arith.addi %add3A, %mul3A_75 : i32
        %run_scoped3A_77 = arith.constant 1 : i32
        "tpu.region"() ({
          %run_scoped3A_78 = tpu.sem_alloc : memref<!tpu.dma_semaphore, #tpu.memory_space<semaphore_mem>>
          %dma_start3A = arith.constant 0 : i32
          %dma_start3A_79 = tpu.memref_slice %arg8[%add3A_76, %dma_start3A] : memref<37x128xi32, #tpu.memory_space<vmem>> -> memref<1x128xi32, #tpu.memory_space<vmem>>
          %dma_start3A_80 = tpu.memref_squeeze %dma_start3A_79 : memref<1x128xi32, #tpu.memory_space<vmem>> -> memref<128xi32, #tpu.memory_space<vmem>>
          %dma_start3A_81 = arith.constant 0 : i32
          %dma_start3A_82 = arith.constant 0 : i32
          %dma_start3A_83 = tpu.memref_slice %arg2[%run_scoped3A_77, %dma_start3A_81, %dma_start3A_82] : memref<4x10000x128xf32, #tpu.memory_space<hbm>> -> memref<1x10000x128xf32, #tpu.memory_space<hbm>>
          %dma_start3A_84 = tpu.memref_squeeze %dma_start3A_83 : memref<1x10000x128xf32, #tpu.memory_space<hbm>> -> memref<10000x128xf32, #tpu.memory_space<hbm>>
          %dma_start3A_85 = arith.constant 0 : i32
          %dma_start3A_86 = arith.constant 0 : i32
          %dma_start3A_87 = tpu.memref_slice %dma_start3A_84[%dma_start3A_85, %dma_start3A_86] : memref<10000x128xf32, #tpu.memory_space<hbm>> -> memref<10000x128xf32, #tpu.memory_space<hbm>>
          tpu.enqueue_indirect_dma source(%dma_start3A_87 : memref<10000x128xf32, #tpu.memory_space<hbm>>) target(%arg10 : memref<128x128xf32, #tpu.memory_space<vmem>>) offsets(%dma_start3A_80 : memref<128xi32, #tpu.memory_space<vmem>>) semaphore(%run_scoped3A_78 : memref<!tpu.dma_semaphore, #tpu.memory_space<semaphore_mem>>)
          %dma_wait3A = arith.constant 0 : i32
          %dma_wait3A_88 = tpu.memref_slice %arg8[%add3A_76, %dma_wait3A] : memref<37x128xi32, #tpu.memory_space<vmem>> -> memref<1x128xi32, #tpu.memory_space<vmem>>
          %dma_wait3A_89 = tpu.memref_squeeze %dma_wait3A_88 : memref<1x128xi32, #tpu.memory_space<vmem>> -> memref<128xi32, #tpu.memory_space<vmem>>
          %dma_wait3A_90 = arith.constant 0 : i32
          %dma_wait3A_91 = arith.constant 0 : i32
          %dma_wait3A_92 = tpu.memref_slice %arg2[%run_scoped3A_77, %dma_wait3A_90, %dma_wait3A_91] : memref<4x10000x128xf32, #tpu.memory_space<hbm>> -> memref<1x10000x128xf32, #tpu.memory_space<hbm>>
          %dma_wait3A_93 = tpu.memref_squeeze %dma_wait3A_92 : memref<1x10000x128xf32, #tpu.memory_space<hbm>> -> memref<10000x128xf32, #tpu.memory_space<hbm>>
          %dma_wait3A_94 = arith.constant 0 : i32
          %dma_wait3A_95 = arith.constant 0 : i32
          %dma_wait3A_96 = tpu.memref_slice %dma_wait3A_93[%dma_wait3A_94, %dma_wait3A_95] : memref<10000x128xf32, #tpu.memory_space<hbm>> -> memref<10000x128xf32, #tpu.memory_space<hbm>>
          tpu.wait_indirect_dma semaphore(%run_scoped3A_78 : memref<!tpu.dma_semaphore, #tpu.memory_space<semaphore_mem>>) src(%dma_wait3A_96 : memref<10000x128xf32, #tpu.memory_space<hbm>>) dst(%arg10 : memref<128x128xf32, #tpu.memory_space<vmem>>)
          tpu.yield
        }) : () -> ()
        "tpu.region"() ({
          %run_scoped3A_78 = tpu.sem_alloc : memref<!tpu.dma_semaphore, #tpu.memory_space<semaphore_mem>>
          %dma_start3A = arith.constant 0 : i32
          %dma_start3A_79 = tpu.memref_slice %arg9[%add3A_76, %dma_start3A] : memref<37x128xi32, #tpu.memory_space<vmem>> -> memref<1x128xi32, #tpu.memory_space<vmem>>
          %dma_start3A_80 = tpu.memref_squeeze %dma_start3A_79 : memref<1x128xi32, #tpu.memory_space<vmem>> -> memref<128xi32, #tpu.memory_space<vmem>>
          %dma_start3A_81 = arith.constant 0 : i32
          %dma_start3A_82 = arith.constant 0 : i32
          %dma_start3A_83 = tpu.memref_slice %arg12[%dma_start3A_81, %dma_start3A_82] : memref<10240x128xf32, #tpu.memory_space<vmem_shared>> -> memref<10240x128xf32, #tpu.memory_space<vmem_shared>>
          tpu.enqueue_indirect_dma source(%arg10 : memref<128x128xf32, #tpu.memory_space<vmem>>) target(%dma_start3A_83 : memref<10240x128xf32, #tpu.memory_space<vmem_shared>>) offsets(%dma_start3A_80 : memref<128xi32, #tpu.memory_space<vmem>>) semaphore(%run_scoped3A_78 : memref<!tpu.dma_semaphore, #tpu.memory_space<semaphore_mem>>) {add = true}
          %dma_wait3A = arith.constant 0 : i32
          %dma_wait3A_84 = tpu.memref_slice %arg9[%add3A_76, %dma_wait3A] : memref<37x128xi32, #tpu.memory_space<vmem>> -> memref<1x128xi32, #tpu.memory_space<vmem>>
          %dma_wait3A_85 = tpu.memref_squeeze %dma_wait3A_84 : memref<1x128xi32, #tpu.memory_space<vmem>> -> memref<128xi32, #tpu.memory_space<vmem>>
          %dma_wait3A_86 = arith.constant 0 : i32
          %dma_wait3A_87 = arith.constant 0 : i32
          %dma_wait3A_88 = tpu.memref_slice %arg12[%dma_wait3A_86, %dma_wait3A_87] : memref<10240x128xf32, #tpu.memory_space<vmem_shared>> -> memref<10240x128xf32, #tpu.memory_space<vmem_shared>>
          tpu.wait_indirect_dma semaphore(%run_scoped3A_78 : memref<!tpu.dma_semaphore, #tpu.memory_space<semaphore_mem>>) src(%arg10 : memref<128x128xf32, #tpu.memory_space<vmem>>) dst(%dma_wait3A_88 : memref<10240x128xf32, #tpu.memory_space<vmem_shared>>)
          tpu.yield
        }) : () -> ()
      }
      %scan3A_32 = arith.constant 37 : i32
      %barrier3A_33 = arith.constant 0 : index
      tpu.barrier barrier_id(%barrier3A_33)
      %mul3A_34 = arith.constant 640 : i32
      %mul3A_35 = arith.muli %arg1, %mul3A_34 : i32
      %mul3A_36 = arith.constant 640 : i32
      %mul3A_37 = arith.muli %arg1, %mul3A_36 : i32
      %run_scoped3A_38 = arith.constant 1 : i32
      "tpu.region"() ({
        %run_scoped3A_73 = tpu.sem_alloc : memref<!tpu.dma_semaphore, #tpu.memory_space<semaphore_mem>>
        %dma_start3A = arith.constant 0 : i32
        %dma_start3A_74 = tpu.memref_slice %arg6[%run_scoped3A_38, %mul3A_37, %dma_start3A] : memref<4x10240x128xf32, #tpu.memory_space<hbm>> -> memref<1x640x128xf32, #tpu.memory_space<hbm>>
        %dma_start3A_75 = tpu.memref_squeeze %dma_start3A_74 : memref<1x640x128xf32, #tpu.memory_space<hbm>> -> memref<640x128xf32, #tpu.memory_space<hbm>>
        %dma_start3A_76 = arith.constant 0 : i32
        %dma_start3A_77 = tpu.memref_slice %arg12[%mul3A_35, %dma_start3A_76] : memref<10240x128xf32, #tpu.memory_space<vmem_shared>> -> memref<640x128xf32, #tpu.memory_space<vmem_shared>>
        tpu.enqueue_dma source(%dma_start3A_77 : memref<640x128xf32, #tpu.memory_space<vmem_shared>>) target(%dma_start3A_75 : memref<640x128xf32, #tpu.memory_space<hbm>>) target_semaphore(%run_scoped3A_73 : memref<!tpu.dma_semaphore, #tpu.memory_space<semaphore_mem>>)
        %dma_wait3A = arith.constant 0 : i32
        %dma_wait3A_78 = tpu.memref_slice %arg6[%run_scoped3A_38, %mul3A_37, %dma_wait3A] : memref<4x10240x128xf32, #tpu.memory_space<hbm>> -> memref<1x640x128xf32, #tpu.memory_space<hbm>>
        %dma_wait3A_79 = tpu.memref_squeeze %dma_wait3A_78 : memref<1x640x128xf32, #tpu.memory_space<hbm>> -> memref<640x128xf32, #tpu.memory_space<hbm>>
        %dma_wait3A_80 = arith.constant 0 : i32
        %dma_wait3A_81 = tpu.memref_slice %arg12[%mul3A_35, %dma_wait3A_80] : memref<10240x128xf32, #tpu.memory_space<vmem_shared>> -> memref<640x128xf32, #tpu.memory_space<vmem_shared>>
        tpu.wait_dma2 semaphore(%run_scoped3A_73 : memref<!tpu.dma_semaphore, #tpu.memory_space<semaphore_mem>>) src(%dma_wait3A_81 : memref<640x128xf32, #tpu.memory_space<vmem_shared>>) dst(%dma_wait3A_79 : memref<640x128xf32, #tpu.memory_space<hbm>>)
        tpu.yield
      }) : () -> ()
      %scan3A_39 = arith.constant 0 : i32
      %scan3A_40 = arith.constant 10 : i32
      %scan3A_41 = arith.addi %scan3A_39, %scan3A_40 : i32
      %scan3A_42 = arith.constant 1 : i32
      scf.for %scan3A_73 = %scan3A_39 to %scan3A_41 step %scan3A_42  : i32 {
        %mul3A_74 = arith.constant 1 : i32
        %mul3A_75 = arith.muli %scan3A_73, %mul3A_74 : i32
        %add3A = arith.constant 0 : i32
        %add3A_76 = arith.addi %add3A, %mul3A_75 : i32
        %mul3A_77 = arith.constant 640 : i32
        %mul3A_78 = arith.muli %arg1, %mul3A_77 : i32
        %mul3A_79 = arith.constant 64 : i32
        %mul3A_80 = arith.muli %add3A_76, %mul3A_79 : i32
        %add3A_81 = arith.addi %mul3A_78, %mul3A_80 : i32
        "tpu.region"() ({
          %run_scoped3A_82 = tpu.sem_alloc : memref<!tpu.dma_semaphore, #tpu.memory_space<semaphore_mem>>
          %dma_start3A = arith.constant 0 : i32
          %dma_start3A_83 = tpu.memref_slice %arg12[%add3A_81, %dma_start3A] : memref<10240x128xf32, #tpu.memory_space<vmem_shared>> -> memref<64x128xf32, #tpu.memory_space<vmem_shared>>
          %dma_start3A_84 = arith.constant 0 : i32
          %dma_start3A_85 = tpu.memref_slice %arg12[%add3A_81, %dma_start3A_84] : memref<10240x128xf32, #tpu.memory_space<vmem_shared>> -> memref<64x128xf32, #tpu.memory_space<vmem_shared>>
          tpu.enqueue_dma source(%arg11 : memref<64x128xf32, #tpu.memory_space<vmem>>) target(%dma_start3A_85 : memref<64x128xf32, #tpu.memory_space<vmem_shared>>) target_semaphore(%run_scoped3A_82 : memref<!tpu.dma_semaphore, #tpu.memory_space<semaphore_mem>>)
          %dma_wait3A = arith.constant 0 : i32
          %dma_wait3A_86 = tpu.memref_slice %arg12[%add3A_81, %dma_wait3A] : memref<10240x128xf32, #tpu.memory_space<vmem_shared>> -> memref<64x128xf32, #tpu.memory_space<vmem_shared>>
          %dma_wait3A_87 = arith.constant 0 : i32
          %dma_wait3A_88 = tpu.memref_slice %arg12[%add3A_81, %dma_wait3A_87] : memref<10240x128xf32, #tpu.memory_space<vmem_shared>> -> memref<64x128xf32, #tpu.memory_space<vmem_shared>>
          tpu.wait_dma2 semaphore(%run_scoped3A_82 : memref<!tpu.dma_semaphore, #tpu.memory_space<semaphore_mem>>) src(%arg11 : memref<64x128xf32, #tpu.memory_space<vmem>>) dst(%dma_wait3A_88 : memref<64x128xf32, #tpu.memory_space<vmem_shared>>)
          tpu.yield
        }) : () -> ()
      }
      %scan3A_43 = arith.constant 10 : i32
      %barrier3A_44 = arith.constant 0 : index
      tpu.barrier barrier_id(%barrier3A_44)
      %scan3A_45 = arith.constant 0 : i32
      %scan3A_46 = arith.constant 37 : i32
      %scan3A_47 = arith.addi %scan3A_45, %scan3A_46 : i32
      %scan3A_48 = arith.constant 1 : i32
      scf.for %scan3A_73 = %scan3A_45 to %scan3A_47 step %scan3A_48  : i32 {
        %mul3A_74 = arith.constant 1 : i32
        %mul3A_75 = arith.muli %scan3A_73, %mul3A_74 : i32
        %add3A = arith.constant 0 : i32
        %add3A_76 = arith.addi %add3A, %mul3A_75 : i32
        %run_scoped3A_77 = arith.constant 2 : i32
        "tpu.region"() ({
          %run_scoped3A_78 = tpu.sem_alloc : memref<!tpu.dma_semaphore, #tpu.memory_space<semaphore_mem>>
          %dma_start3A = arith.constant 0 : i32
          %dma_start3A_79 = tpu.memref_slice %arg8[%add3A_76, %dma_start3A] : memref<37x128xi32, #tpu.memory_space<vmem>> -> memref<1x128xi32, #tpu.memory_space<vmem>>
          %dma_start3A_80 = tpu.memref_squeeze %dma_start3A_79 : memref<1x128xi32, #tpu.memory_space<vmem>> -> memref<128xi32, #tpu.memory_space<vmem>>
          %dma_start3A_81 = arith.constant 0 : i32
          %dma_start3A_82 = arith.constant 0 : i32
          %dma_start3A_83 = tpu.memref_slice %arg2[%run_scoped3A_77, %dma_start3A_81, %dma_start3A_82] : memref<4x10000x128xf32, #tpu.memory_space<hbm>> -> memref<1x10000x128xf32, #tpu.memory_space<hbm>>
          %dma_start3A_84 = tpu.memref_squeeze %dma_start3A_83 : memref<1x10000x128xf32, #tpu.memory_space<hbm>> -> memref<10000x128xf32, #tpu.memory_space<hbm>>
          %dma_start3A_85 = arith.constant 0 : i32
          %dma_start3A_86 = arith.constant 0 : i32
          %dma_start3A_87 = tpu.memref_slice %dma_start3A_84[%dma_start3A_85, %dma_start3A_86] : memref<10000x128xf32, #tpu.memory_space<hbm>> -> memref<10000x128xf32, #tpu.memory_space<hbm>>
          tpu.enqueue_indirect_dma source(%dma_start3A_87 : memref<10000x128xf32, #tpu.memory_space<hbm>>) target(%arg10 : memref<128x128xf32, #tpu.memory_space<vmem>>) offsets(%dma_start3A_80 : memref<128xi32, #tpu.memory_space<vmem>>) semaphore(%run_scoped3A_78 : memref<!tpu.dma_semaphore, #tpu.memory_space<semaphore_mem>>)
          %dma_wait3A = arith.constant 0 : i32
          %dma_wait3A_88 = tpu.memref_slice %arg8[%add3A_76, %dma_wait3A] : memref<37x128xi32, #tpu.memory_space<vmem>> -> memref<1x128xi32, #tpu.memory_space<vmem>>
          %dma_wait3A_89 = tpu.memref_squeeze %dma_wait3A_88 : memref<1x128xi32, #tpu.memory_space<vmem>> -> memref<128xi32, #tpu.memory_space<vmem>>
          %dma_wait3A_90 = arith.constant 0 : i32
          %dma_wait3A_91 = arith.constant 0 : i32
          %dma_wait3A_92 = tpu.memref_slice %arg2[%run_scoped3A_77, %dma_wait3A_90, %dma_wait3A_91] : memref<4x10000x128xf32, #tpu.memory_space<hbm>> -> memref<1x10000x128xf32, #tpu.memory_space<hbm>>
          %dma_wait3A_93 = tpu.memref_squeeze %dma_wait3A_92 : memref<1x10000x128xf32, #tpu.memory_space<hbm>> -> memref<10000x128xf32, #tpu.memory_space<hbm>>
          %dma_wait3A_94 = arith.constant 0 : i32
          %dma_wait3A_95 = arith.constant 0 : i32
          %dma_wait3A_96 = tpu.memref_slice %dma_wait3A_93[%dma_wait3A_94, %dma_wait3A_95] : memref<10000x128xf32, #tpu.memory_space<hbm>> -> memref<10000x128xf32, #tpu.memory_space<hbm>>
          tpu.wait_indirect_dma semaphore(%run_scoped3A_78 : memref<!tpu.dma_semaphore, #tpu.memory_space<semaphore_mem>>) src(%dma_wait3A_96 : memref<10000x128xf32, #tpu.memory_space<hbm>>) dst(%arg10 : memref<128x128xf32, #tpu.memory_space<vmem>>)
          tpu.yield
        }) : () -> ()
        "tpu.region"() ({
          %run_scoped3A_78 = tpu.sem_alloc : memref<!tpu.dma_semaphore, #tpu.memory_space<semaphore_mem>>
          %dma_start3A = arith.constant 0 : i32
          %dma_start3A_79 = tpu.memref_slice %arg9[%add3A_76, %dma_start3A] : memref<37x128xi32, #tpu.memory_space<vmem>> -> memref<1x128xi32, #tpu.memory_space<vmem>>
          %dma_start3A_80 = tpu.memref_squeeze %dma_start3A_79 : memref<1x128xi32, #tpu.memory_space<vmem>> -> memref<128xi32, #tpu.memory_space<vmem>>
          %dma_start3A_81 = arith.constant 0 : i32
          %dma_start3A_82 = arith.constant 0 : i32
          %dma_start3A_83 = tpu.memref_slice %arg12[%dma_start3A_81, %dma_start3A_82] : memref<10240x128xf32, #tpu.memory_space<vmem_shared>> -> memref<10240x128xf32, #tpu.memory_space<vmem_shared>>
          tpu.enqueue_indirect_dma source(%arg10 : memref<128x128xf32, #tpu.memory_space<vmem>>) target(%dma_start3A_83 : memref<10240x128xf32, #tpu.memory_space<vmem_shared>>) offsets(%dma_start3A_80 : memref<128xi32, #tpu.memory_space<vmem>>) semaphore(%run_scoped3A_78 : memref<!tpu.dma_semaphore, #tpu.memory_space<semaphore_mem>>) {add = true}
          %dma_wait3A = arith.constant 0 : i32
          %dma_wait3A_84 = tpu.memref_slice %arg9[%add3A_76, %dma_wait3A] : memref<37x128xi32, #tpu.memory_space<vmem>> -> memref<1x128xi32, #tpu.memory_space<vmem>>
          %dma_wait3A_85 = tpu.memref_squeeze %dma_wait3A_84 : memref<1x128xi32, #tpu.memory_space<vmem>> -> memref<128xi32, #tpu.memory_space<vmem>>
          %dma_wait3A_86 = arith.constant 0 : i32
          %dma_wait3A_87 = arith.constant 0 : i32
          %dma_wait3A_88 = tpu.memref_slice %arg12[%dma_wait3A_86, %dma_wait3A_87] : memref<10240x128xf32, #tpu.memory_space<vmem_shared>> -> memref<10240x128xf32, #tpu.memory_space<vmem_shared>>
          tpu.wait_indirect_dma semaphore(%run_scoped3A_78 : memref<!tpu.dma_semaphore, #tpu.memory_space<semaphore_mem>>) src(%arg10 : memref<128x128xf32, #tpu.memory_space<vmem>>) dst(%dma_wait3A_88 : memref<10240x128xf32, #tpu.memory_space<vmem_shared>>)
          tpu.yield
        }) : () -> ()
      }
      %scan3A_49 = arith.constant 37 : i32
      %barrier3A_50 = arith.constant 0 : index
      tpu.barrier barrier_id(%barrier3A_50)
      %mul3A_51 = arith.constant 640 : i32
      %mul3A_52 = arith.muli %arg1, %mul3A_51 : i32
      %mul3A_53 = arith.constant 640 : i32
      %mul3A_54 = arith.muli %arg1, %mul3A_53 : i32
      %run_scoped3A_55 = arith.constant 2 : i32
      "tpu.region"() ({
        %run_scoped3A_73 = tpu.sem_alloc : memref<!tpu.dma_semaphore, #tpu.memory_space<semaphore_mem>>
        %dma_start3A = arith.constant 0 : i32
        %dma_start3A_74 = tpu.memref_slice %arg6[%run_scoped3A_55, %mul3A_54, %dma_start3A] : memref<4x10240x128xf32, #tpu.memory_space<hbm>> -> memref<1x640x128xf32, #tpu.memory_space<hbm>>
        %dma_start3A_75 = tpu.memref_squeeze %dma_start3A_74 : memref<1x640x128xf32, #tpu.memory_space<hbm>> -> memref<640x128xf32, #tpu.memory_space<hbm>>
        %dma_start3A_76 = arith.constant 0 : i32
        %dma_start3A_77 = tpu.memref_slice %arg12[%mul3A_52, %dma_start3A_76] : memref<10240x128xf32, #tpu.memory_space<vmem_shared>> -> memref<640x128xf32, #tpu.memory_space<vmem_shared>>
        tpu.enqueue_dma source(%dma_start3A_77 : memref<640x128xf32, #tpu.memory_space<vmem_shared>>) target(%dma_start3A_75 : memref<640x128xf32, #tpu.memory_space<hbm>>) target_semaphore(%run_scoped3A_73 : memref<!tpu.dma_semaphore, #tpu.memory_space<semaphore_mem>>)
        %dma_wait3A = arith.constant 0 : i32
        %dma_wait3A_78 = tpu.memref_slice %arg6[%run_scoped3A_55, %mul3A_54, %dma_wait3A] : memref<4x10240x128xf32, #tpu.memory_space<hbm>> -> memref<1x640x128xf32, #tpu.memory_space<hbm>>
        %dma_wait3A_79 = tpu.memref_squeeze %dma_wait3A_78 : memref<1x640x128xf32, #tpu.memory_space<hbm>> -> memref<640x128xf32, #tpu.memory_space<hbm>>
        %dma_wait3A_80 = arith.constant 0 : i32
        %dma_wait3A_81 = tpu.memref_slice %arg12[%mul3A_52, %dma_wait3A_80] : memref<10240x128xf32, #tpu.memory_space<vmem_shared>> -> memref<640x128xf32, #tpu.memory_space<vmem_shared>>
        tpu.wait_dma2 semaphore(%run_scoped3A_73 : memref<!tpu.dma_semaphore, #tpu.memory_space<semaphore_mem>>) src(%dma_wait3A_81 : memref<640x128xf32, #tpu.memory_space<vmem_shared>>) dst(%dma_wait3A_79 : memref<640x128xf32, #tpu.memory_space<hbm>>)
        tpu.yield
      }) : () -> ()
      %scan3A_56 = arith.constant 0 : i32
      %scan3A_57 = arith.constant 10 : i32
      %scan3A_58 = arith.addi %scan3A_56, %scan3A_57 : i32
      %scan3A_59 = arith.constant 1 : i32
      scf.for %scan3A_73 = %scan3A_56 to %scan3A_58 step %scan3A_59  : i32 {
        %mul3A_74 = arith.constant 1 : i32
        %mul3A_75 = arith.muli %scan3A_73, %mul3A_74 : i32
        %add3A = arith.constant 0 : i32
        %add3A_76 = arith.addi %add3A, %mul3A_75 : i32
        %mul3A_77 = arith.constant 640 : i32
        %mul3A_78 = arith.muli %arg1, %mul3A_77 : i32
        %mul3A_79 = arith.constant 64 : i32
        %mul3A_80 = arith.muli %add3A_76, %mul3A_79 : i32
        %add3A_81 = arith.addi %mul3A_78, %mul3A_80 : i32
        "tpu.region"() ({
          %run_scoped3A_82 = tpu.sem_alloc : memref<!tpu.dma_semaphore, #tpu.memory_space<semaphore_mem>>
          %dma_start3A = arith.constant 0 : i32
          %dma_start3A_83 = tpu.memref_slice %arg12[%add3A_81, %dma_start3A] : memref<10240x128xf32, #tpu.memory_space<vmem_shared>> -> memref<64x128xf32, #tpu.memory_space<vmem_shared>>
          %dma_start3A_84 = arith.constant 0 : i32
          %dma_start3A_85 = tpu.memref_slice %arg12[%add3A_81, %dma_start3A_84] : memref<10240x128xf32, #tpu.memory_space<vmem_shared>> -> memref<64x128xf32, #tpu.memory_space<vmem_shared>>
          tpu.enqueue_dma source(%arg11 : memref<64x128xf32, #tpu.memory_space<vmem>>) target(%dma_start3A_85 : memref<64x128xf32, #tpu.memory_space<vmem_shared>>) target_semaphore(%run_scoped3A_82 : memref<!tpu.dma_semaphore, #tpu.memory_space<semaphore_mem>>)
          %dma_wait3A = arith.constant 0 : i32
          %dma_wait3A_86 = tpu.memref_slice %arg12[%add3A_81, %dma_wait3A] : memref<10240x128xf32, #tpu.memory_space<vmem_shared>> -> memref<64x128xf32, #tpu.memory_space<vmem_shared>>
          %dma_wait3A_87 = arith.constant 0 : i32
          %dma_wait3A_88 = tpu.memref_slice %arg12[%add3A_81, %dma_wait3A_87] : memref<10240x128xf32, #tpu.memory_space<vmem_shared>> -> memref<64x128xf32, #tpu.memory_space<vmem_shared>>
          tpu.wait_dma2 semaphore(%run_scoped3A_82 : memref<!tpu.dma_semaphore, #tpu.memory_space<semaphore_mem>>) src(%arg11 : memref<64x128xf32, #tpu.memory_space<vmem>>) dst(%dma_wait3A_88 : memref<64x128xf32, #tpu.memory_space<vmem_shared>>)
          tpu.yield
        }) : () -> ()
      }
      %scan3A_60 = arith.constant 10 : i32
      %barrier3A_61 = arith.constant 0 : index
      tpu.barrier barrier_id(%barrier3A_61)
      %scan3A_62 = arith.constant 0 : i32
      %scan3A_63 = arith.constant 37 : i32
      %scan3A_64 = arith.addi %scan3A_62, %scan3A_63 : i32
      %scan3A_65 = arith.constant 1 : i32
      scf.for %scan3A_73 = %scan3A_62 to %scan3A_64 step %scan3A_65  : i32 {
        %mul3A_74 = arith.constant 1 : i32
        %mul3A_75 = arith.muli %scan3A_73, %mul3A_74 : i32
        %add3A = arith.constant 0 : i32
        %add3A_76 = arith.addi %add3A, %mul3A_75 : i32
        %run_scoped3A_77 = arith.constant 3 : i32
        "tpu.region"() ({
          %run_scoped3A_78 = tpu.sem_alloc : memref<!tpu.dma_semaphore, #tpu.memory_space<semaphore_mem>>
          %dma_start3A = arith.constant 0 : i32
          %dma_start3A_79 = tpu.memref_slice %arg8[%add3A_76, %dma_start3A] : memref<37x128xi32, #tpu.memory_space<vmem>> -> memref<1x128xi32, #tpu.memory_space<vmem>>
          %dma_start3A_80 = tpu.memref_squeeze %dma_start3A_79 : memref<1x128xi32, #tpu.memory_space<vmem>> -> memref<128xi32, #tpu.memory_space<vmem>>
          %dma_start3A_81 = arith.constant 0 : i32
          %dma_start3A_82 = arith.constant 0 : i32
          %dma_start3A_83 = tpu.memref_slice %arg2[%run_scoped3A_77, %dma_start3A_81, %dma_start3A_82] : memref<4x10000x128xf32, #tpu.memory_space<hbm>> -> memref<1x10000x128xf32, #tpu.memory_space<hbm>>
          %dma_start3A_84 = tpu.memref_squeeze %dma_start3A_83 : memref<1x10000x128xf32, #tpu.memory_space<hbm>> -> memref<10000x128xf32, #tpu.memory_space<hbm>>
          %dma_start3A_85 = arith.constant 0 : i32
          %dma_start3A_86 = arith.constant 0 : i32
          %dma_start3A_87 = tpu.memref_slice %dma_start3A_84[%dma_start3A_85, %dma_start3A_86] : memref<10000x128xf32, #tpu.memory_space<hbm>> -> memref<10000x128xf32, #tpu.memory_space<hbm>>
          tpu.enqueue_indirect_dma source(%dma_start3A_87 : memref<10000x128xf32, #tpu.memory_space<hbm>>) target(%arg10 : memref<128x128xf32, #tpu.memory_space<vmem>>) offsets(%dma_start3A_80 : memref<128xi32, #tpu.memory_space<vmem>>) semaphore(%run_scoped3A_78 : memref<!tpu.dma_semaphore, #tpu.memory_space<semaphore_mem>>)
          %dma_wait3A = arith.constant 0 : i32
          %dma_wait3A_88 = tpu.memref_slice %arg8[%add3A_76, %dma_wait3A] : memref<37x128xi32, #tpu.memory_space<vmem>> -> memref<1x128xi32, #tpu.memory_space<vmem>>
          %dma_wait3A_89 = tpu.memref_squeeze %dma_wait3A_88 : memref<1x128xi32, #tpu.memory_space<vmem>> -> memref<128xi32, #tpu.memory_space<vmem>>
          %dma_wait3A_90 = arith.constant 0 : i32
          %dma_wait3A_91 = arith.constant 0 : i32
          %dma_wait3A_92 = tpu.memref_slice %arg2[%run_scoped3A_77, %dma_wait3A_90, %dma_wait3A_91] : memref<4x10000x128xf32, #tpu.memory_space<hbm>> -> memref<1x10000x128xf32, #tpu.memory_space<hbm>>
          %dma_wait3A_93 = tpu.memref_squeeze %dma_wait3A_92 : memref<1x10000x128xf32, #tpu.memory_space<hbm>> -> memref<10000x128xf32, #tpu.memory_space<hbm>>
          %dma_wait3A_94 = arith.constant 0 : i32
          %dma_wait3A_95 = arith.constant 0 : i32
          %dma_wait3A_96 = tpu.memref_slice %dma_wait3A_93[%dma_wait3A_94, %dma_wait3A_95] : memref<10000x128xf32, #tpu.memory_space<hbm>> -> memref<10000x128xf32, #tpu.memory_space<hbm>>
          tpu.wait_indirect_dma semaphore(%run_scoped3A_78 : memref<!tpu.dma_semaphore, #tpu.memory_space<semaphore_mem>>) src(%dma_wait3A_96 : memref<10000x128xf32, #tpu.memory_space<hbm>>) dst(%arg10 : memref<128x128xf32, #tpu.memory_space<vmem>>)
          tpu.yield
        }) : () -> ()
        "tpu.region"() ({
          %run_scoped3A_78 = tpu.sem_alloc : memref<!tpu.dma_semaphore, #tpu.memory_space<semaphore_mem>>
          %dma_start3A = arith.constant 0 : i32
          %dma_start3A_79 = tpu.memref_slice %arg9[%add3A_76, %dma_start3A] : memref<37x128xi32, #tpu.memory_space<vmem>> -> memref<1x128xi32, #tpu.memory_space<vmem>>
          %dma_start3A_80 = tpu.memref_squeeze %dma_start3A_79 : memref<1x128xi32, #tpu.memory_space<vmem>> -> memref<128xi32, #tpu.memory_space<vmem>>
          %dma_start3A_81 = arith.constant 0 : i32
          %dma_start3A_82 = arith.constant 0 : i32
          %dma_start3A_83 = tpu.memref_slice %arg12[%dma_start3A_81, %dma_start3A_82] : memref<10240x128xf32, #tpu.memory_space<vmem_shared>> -> memref<10240x128xf32, #tpu.memory_space<vmem_shared>>
          tpu.enqueue_indirect_dma source(%arg10 : memref<128x128xf32, #tpu.memory_space<vmem>>) target(%dma_start3A_83 : memref<10240x128xf32, #tpu.memory_space<vmem_shared>>) offsets(%dma_start3A_80 : memref<128xi32, #tpu.memory_space<vmem>>) semaphore(%run_scoped3A_78 : memref<!tpu.dma_semaphore, #tpu.memory_space<semaphore_mem>>) {add = true}
          %dma_wait3A = arith.constant 0 : i32
          %dma_wait3A_84 = tpu.memref_slice %arg9[%add3A_76, %dma_wait3A] : memref<37x128xi32, #tpu.memory_space<vmem>> -> memref<1x128xi32, #tpu.memory_space<vmem>>
          %dma_wait3A_85 = tpu.memref_squeeze %dma_wait3A_84 : memref<1x128xi32, #tpu.memory_space<vmem>> -> memref<128xi32, #tpu.memory_space<vmem>>
          %dma_wait3A_86 = arith.constant 0 : i32
          %dma_wait3A_87 = arith.constant 0 : i32
          %dma_wait3A_88 = tpu.memref_slice %arg12[%dma_wait3A_86, %dma_wait3A_87] : memref<10240x128xf32, #tpu.memory_space<vmem_shared>> -> memref<10240x128xf32, #tpu.memory_space<vmem_shared>>
          tpu.wait_indirect_dma semaphore(%run_scoped3A_78 : memref<!tpu.dma_semaphore, #tpu.memory_space<semaphore_mem>>) src(%arg10 : memref<128x128xf32, #tpu.memory_space<vmem>>) dst(%dma_wait3A_88 : memref<10240x128xf32, #tpu.memory_space<vmem_shared>>)
          tpu.yield
        }) : () -> ()
      }
      %scan3A_66 = arith.constant 37 : i32
      %barrier3A_67 = arith.constant 0 : index
      tpu.barrier barrier_id(%barrier3A_67)
      %mul3A_68 = arith.constant 640 : i32
      %mul3A_69 = arith.muli %arg1, %mul3A_68 : i32
      %mul3A_70 = arith.constant 640 : i32
      %mul3A_71 = arith.muli %arg1, %mul3A_70 : i32
      %run_scoped3A_72 = arith.constant 3 : i32
      "tpu.region"() ({
        %run_scoped3A_73 = tpu.sem_alloc : memref<!tpu.dma_semaphore, #tpu.memory_space<semaphore_mem>>
        %dma_start3A = arith.constant 0 : i32
        %dma_start3A_74 = tpu.memref_slice %arg6[%run_scoped3A_72, %mul3A_71, %dma_start3A] : memref<4x10240x128xf32, #tpu.memory_space<hbm>> -> memref<1x640x128xf32, #tpu.memory_space<hbm>>
        %dma_start3A_75 = tpu.memref_squeeze %dma_start3A_74 : memref<1x640x128xf32, #tpu.memory_space<hbm>> -> memref<640x128xf32, #tpu.memory_space<hbm>>
        %dma_start3A_76 = arith.constant 0 : i32
        %dma_start3A_77 = tpu.memref_slice %arg12[%mul3A_69, %dma_start3A_76] : memref<10240x128xf32, #tpu.memory_space<vmem_shared>> -> memref<640x128xf32, #tpu.memory_space<vmem_shared>>
        tpu.enqueue_dma source(%dma_start3A_77 : memref<640x128xf32, #tpu.memory_space<vmem_shared>>) target(%dma_start3A_75 : memref<640x128xf32, #tpu.memory_space<hbm>>) target_semaphore(%run_scoped3A_73 : memref<!tpu.dma_semaphore, #tpu.memory_space<semaphore_mem>>)
        %dma_wait3A = arith.constant 0 : i32
        %dma_wait3A_78 = tpu.memref_slice %arg6[%run_scoped3A_72, %mul3A_71, %dma_wait3A] : memref<4x10240x128xf32, #tpu.memory_space<hbm>> -> memref<1x640x128xf32, #tpu.memory_space<hbm>>
        %dma_wait3A_79 = tpu.memref_squeeze %dma_wait3A_78 : memref<1x640x128xf32, #tpu.memory_space<hbm>> -> memref<640x128xf32, #tpu.memory_space<hbm>>
        %dma_wait3A_80 = arith.constant 0 : i32
        %dma_wait3A_81 = tpu.memref_slice %arg12[%mul3A_69, %dma_wait3A_80] : memref<10240x128xf32, #tpu.memory_space<vmem_shared>> -> memref<640x128xf32, #tpu.memory_space<vmem_shared>>
        tpu.wait_dma2 semaphore(%run_scoped3A_73 : memref<!tpu.dma_semaphore, #tpu.memory_space<semaphore_mem>>) src(%dma_wait3A_81 : memref<640x128xf32, #tpu.memory_space<vmem_shared>>) dst(%dma_wait3A_79 : memref<640x128xf32, #tpu.memory_space<hbm>>)
        tpu.yield
      }) : () -> ()
    } else {
    }
    %eq3A_2 = arith.constant 1 : i32
    %eq3A_3 = arith.cmpi eq, %arg0, %eq3A_2 : i32
    %convert_element_type3A_4 = arith.extui %eq3A_3 : i1 to i32
    %cond3A_5 = arith.constant 0 : i32
    %cond3A_6 = arith.cmpi ne, %convert_element_type3A_4, %cond3A_5 : i32
    scf.if %cond3A_6 {
      %run_scoped3A = arith.constant 1 : i32
      "tpu.region"() ({
        %run_scoped3A_73 = tpu.sem_alloc : memref<!tpu.dma_semaphore, #tpu.memory_space<semaphore_mem>>
        %dma_start3A = arith.constant 0 : i32
        %dma_start3A_74 = arith.constant 0 : i32
        %dma_start3A_75 = tpu.memref_slice %arg3[%run_scoped3A, %arg1, %dma_start3A, %dma_start3A_74] : memref<2x16x37x128xi32, #tpu.memory_space<hbm>> -> memref<1x1x37x128xi32, #tpu.memory_space<hbm>>
        %dma_start3A_76 = tpu.memref_squeeze %dma_start3A_75 : memref<1x1x37x128xi32, #tpu.memory_space<hbm>> -> memref<37x128xi32, #tpu.memory_space<hbm>>
        %dma_start3A_77 = arith.constant 0 : i32
        %dma_start3A_78 = arith.constant 0 : i32
        %dma_start3A_79 = tpu.memref_slice %arg3[%run_scoped3A, %arg1, %dma_start3A_77, %dma_start3A_78] : memref<2x16x37x128xi32, #tpu.memory_space<hbm>> -> memref<1x1x37x128xi32, #tpu.memory_space<hbm>>
        %dma_start3A_80 = tpu.memref_squeeze %dma_start3A_79 : memref<1x1x37x128xi32, #tpu.memory_space<hbm>> -> memref<37x128xi32, #tpu.memory_space<hbm>>
        tpu.enqueue_dma source(%dma_start3A_80 : memref<37x128xi32, #tpu.memory_space<hbm>>) target(%arg8 : memref<37x128xi32, #tpu.memory_space<vmem>>) target_semaphore(%run_scoped3A_73 : memref<!tpu.dma_semaphore, #tpu.memory_space<semaphore_mem>>)
        %dma_wait3A = arith.constant 0 : i32
        %dma_wait3A_81 = arith.constant 0 : i32
        %dma_wait3A_82 = tpu.memref_slice %arg3[%run_scoped3A, %arg1, %dma_wait3A, %dma_wait3A_81] : memref<2x16x37x128xi32, #tpu.memory_space<hbm>> -> memref<1x1x37x128xi32, #tpu.memory_space<hbm>>
        %dma_wait3A_83 = tpu.memref_squeeze %dma_wait3A_82 : memref<1x1x37x128xi32, #tpu.memory_space<hbm>> -> memref<37x128xi32, #tpu.memory_space<hbm>>
        %dma_wait3A_84 = arith.constant 0 : i32
        %dma_wait3A_85 = arith.constant 0 : i32
        %dma_wait3A_86 = tpu.memref_slice %arg3[%run_scoped3A, %arg1, %dma_wait3A_84, %dma_wait3A_85] : memref<2x16x37x128xi32, #tpu.memory_space<hbm>> -> memref<1x1x37x128xi32, #tpu.memory_space<hbm>>
        %dma_wait3A_87 = tpu.memref_squeeze %dma_wait3A_86 : memref<1x1x37x128xi32, #tpu.memory_space<hbm>> -> memref<37x128xi32, #tpu.memory_space<hbm>>
        tpu.wait_dma2 semaphore(%run_scoped3A_73 : memref<!tpu.dma_semaphore, #tpu.memory_space<semaphore_mem>>) src(%dma_wait3A_87 : memref<37x128xi32, #tpu.memory_space<hbm>>) dst(%arg8 : memref<37x128xi32, #tpu.memory_space<vmem>>)
        tpu.yield
      }) : () -> ()
      %run_scoped3A_7 = arith.constant 1 : i32
      "tpu.region"() ({
        %run_scoped3A_73 = tpu.sem_alloc : memref<!tpu.dma_semaphore, #tpu.memory_space<semaphore_mem>>
        %dma_start3A = arith.constant 0 : i32
        %dma_start3A_74 = arith.constant 0 : i32
        %dma_start3A_75 = tpu.memref_slice %arg4[%run_scoped3A_7, %arg1, %dma_start3A, %dma_start3A_74] : memref<2x16x37x128xi32, #tpu.memory_space<hbm>> -> memref<1x1x37x128xi32, #tpu.memory_space<hbm>>
        %dma_start3A_76 = tpu.memref_squeeze %dma_start3A_75 : memref<1x1x37x128xi32, #tpu.memory_space<hbm>> -> memref<37x128xi32, #tpu.memory_space<hbm>>
        %dma_start3A_77 = arith.constant 0 : i32
        %dma_start3A_78 = arith.constant 0 : i32
        %dma_start3A_79 = tpu.memref_slice %arg4[%run_scoped3A_7, %arg1, %dma_start3A_77, %dma_start3A_78] : memref<2x16x37x128xi32, #tpu.memory_space<hbm>> -> memref<1x1x37x128xi32, #tpu.memory_space<hbm>>
        %dma_start3A_80 = tpu.memref_squeeze %dma_start3A_79 : memref<1x1x37x128xi32, #tpu.memory_space<hbm>> -> memref<37x128xi32, #tpu.memory_space<hbm>>
        tpu.enqueue_dma source(%dma_start3A_80 : memref<37x128xi32, #tpu.memory_space<hbm>>) target(%arg9 : memref<37x128xi32, #tpu.memory_space<vmem>>) target_semaphore(%run_scoped3A_73 : memref<!tpu.dma_semaphore, #tpu.memory_space<semaphore_mem>>)
        %dma_wait3A = arith.constant 0 : i32
        %dma_wait3A_81 = arith.constant 0 : i32
        %dma_wait3A_82 = tpu.memref_slice %arg4[%run_scoped3A_7, %arg1, %dma_wait3A, %dma_wait3A_81] : memref<2x16x37x128xi32, #tpu.memory_space<hbm>> -> memref<1x1x37x128xi32, #tpu.memory_space<hbm>>
        %dma_wait3A_83 = tpu.memref_squeeze %dma_wait3A_82 : memref<1x1x37x128xi32, #tpu.memory_space<hbm>> -> memref<37x128xi32, #tpu.memory_space<hbm>>
        %dma_wait3A_84 = arith.constant 0 : i32
        %dma_wait3A_85 = arith.constant 0 : i32
        %dma_wait3A_86 = tpu.memref_slice %arg4[%run_scoped3A_7, %arg1, %dma_wait3A_84, %dma_wait3A_85] : memref<2x16x37x128xi32, #tpu.memory_space<hbm>> -> memref<1x1x37x128xi32, #tpu.memory_space<hbm>>
        %dma_wait3A_87 = tpu.memref_squeeze %dma_wait3A_86 : memref<1x1x37x128xi32, #tpu.memory_space<hbm>> -> memref<37x128xi32, #tpu.memory_space<hbm>>
        tpu.wait_dma2 semaphore(%run_scoped3A_73 : memref<!tpu.dma_semaphore, #tpu.memory_space<semaphore_mem>>) src(%dma_wait3A_87 : memref<37x128xi32, #tpu.memory_space<hbm>>) dst(%arg9 : memref<37x128xi32, #tpu.memory_space<vmem>>)
        tpu.yield
      }) : () -> ()
      %scan3A = arith.constant 0 : i32
      %scan3A_8 = arith.constant 10 : i32
      %scan3A_9 = arith.addi %scan3A, %scan3A_8 : i32
      %scan3A_10 = arith.constant 1 : i32
      scf.for %scan3A_73 = %scan3A to %scan3A_9 step %scan3A_10  : i32 {
        %mul3A_74 = arith.constant 1 : i32
        %mul3A_75 = arith.muli %scan3A_73, %mul3A_74 : i32
        %add3A = arith.constant 0 : i32
        %add3A_76 = arith.addi %add3A, %mul3A_75 : i32
        %mul3A_77 = arith.constant 640 : i32
        %mul3A_78 = arith.muli %arg1, %mul3A_77 : i32
        %mul3A_79 = arith.constant 64 : i32
        %mul3A_80 = arith.muli %add3A_76, %mul3A_79 : i32
        %add3A_81 = arith.addi %mul3A_78, %mul3A_80 : i32
        "tpu.region"() ({
          %run_scoped3A_82 = tpu.sem_alloc : memref<!tpu.dma_semaphore, #tpu.memory_space<semaphore_mem>>
          %dma_start3A = arith.constant 0 : i32
          %dma_start3A_83 = tpu.memref_slice %arg12[%add3A_81, %dma_start3A] : memref<10240x128xf32, #tpu.memory_space<vmem_shared>> -> memref<64x128xf32, #tpu.memory_space<vmem_shared>>
          %dma_start3A_84 = arith.constant 0 : i32
          %dma_start3A_85 = tpu.memref_slice %arg12[%add3A_81, %dma_start3A_84] : memref<10240x128xf32, #tpu.memory_space<vmem_shared>> -> memref<64x128xf32, #tpu.memory_space<vmem_shared>>
          tpu.enqueue_dma source(%arg11 : memref<64x128xf32, #tpu.memory_space<vmem>>) target(%dma_start3A_85 : memref<64x128xf32, #tpu.memory_space<vmem_shared>>) target_semaphore(%run_scoped3A_82 : memref<!tpu.dma_semaphore, #tpu.memory_space<semaphore_mem>>)
          %dma_wait3A = arith.constant 0 : i32
          %dma_wait3A_86 = tpu.memref_slice %arg12[%add3A_81, %dma_wait3A] : memref<10240x128xf32, #tpu.memory_space<vmem_shared>> -> memref<64x128xf32, #tpu.memory_space<vmem_shared>>
          %dma_wait3A_87 = arith.constant 0 : i32
          %dma_wait3A_88 = tpu.memref_slice %arg12[%add3A_81, %dma_wait3A_87] : memref<10240x128xf32, #tpu.memory_space<vmem_shared>> -> memref<64x128xf32, #tpu.memory_space<vmem_shared>>
          tpu.wait_dma2 semaphore(%run_scoped3A_82 : memref<!tpu.dma_semaphore, #tpu.memory_space<semaphore_mem>>) src(%arg11 : memref<64x128xf32, #tpu.memory_space<vmem>>) dst(%dma_wait3A_88 : memref<64x128xf32, #tpu.memory_space<vmem_shared>>)
          tpu.yield
        }) : () -> ()
      }
      %scan3A_11 = arith.constant 10 : i32
      %barrier3A = arith.constant 0 : index
      tpu.barrier barrier_id(%barrier3A)
      %scan3A_12 = arith.constant 0 : i32
      %scan3A_13 = arith.constant 37 : i32
      %scan3A_14 = arith.addi %scan3A_12, %scan3A_13 : i32
      %scan3A_15 = arith.constant 1 : i32
      scf.for %scan3A_73 = %scan3A_12 to %scan3A_14 step %scan3A_15  : i32 {
        %mul3A_74 = arith.constant 1 : i32
        %mul3A_75 = arith.muli %scan3A_73, %mul3A_74 : i32
        %add3A = arith.constant 0 : i32
        %add3A_76 = arith.addi %add3A, %mul3A_75 : i32
        %run_scoped3A_77 = arith.constant 0 : i32
        "tpu.region"() ({
          %run_scoped3A_78 = tpu.sem_alloc : memref<!tpu.dma_semaphore, #tpu.memory_space<semaphore_mem>>
          %dma_start3A = arith.constant 0 : i32
          %dma_start3A_79 = tpu.memref_slice %arg8[%add3A_76, %dma_start3A] : memref<37x128xi32, #tpu.memory_space<vmem>> -> memref<1x128xi32, #tpu.memory_space<vmem>>
          %dma_start3A_80 = tpu.memref_squeeze %dma_start3A_79 : memref<1x128xi32, #tpu.memory_space<vmem>> -> memref<128xi32, #tpu.memory_space<vmem>>
          %dma_start3A_81 = arith.constant 0 : i32
          %dma_start3A_82 = arith.constant 0 : i32
          %dma_start3A_83 = tpu.memref_slice %arg2[%run_scoped3A_77, %dma_start3A_81, %dma_start3A_82] : memref<4x10000x128xf32, #tpu.memory_space<hbm>> -> memref<1x10000x128xf32, #tpu.memory_space<hbm>>
          %dma_start3A_84 = tpu.memref_squeeze %dma_start3A_83 : memref<1x10000x128xf32, #tpu.memory_space<hbm>> -> memref<10000x128xf32, #tpu.memory_space<hbm>>
          %dma_start3A_85 = arith.constant 0 : i32
          %dma_start3A_86 = arith.constant 0 : i32
          %dma_start3A_87 = tpu.memref_slice %dma_start3A_84[%dma_start3A_85, %dma_start3A_86] : memref<10000x128xf32, #tpu.memory_space<hbm>> -> memref<10000x128xf32, #tpu.memory_space<hbm>>
          tpu.enqueue_indirect_dma source(%dma_start3A_87 : memref<10000x128xf32, #tpu.memory_space<hbm>>) target(%arg10 : memref<128x128xf32, #tpu.memory_space<vmem>>) offsets(%dma_start3A_80 : memref<128xi32, #tpu.memory_space<vmem>>) semaphore(%run_scoped3A_78 : memref<!tpu.dma_semaphore, #tpu.memory_space<semaphore_mem>>)
          %dma_wait3A = arith.constant 0 : i32
          %dma_wait3A_88 = tpu.memref_slice %arg8[%add3A_76, %dma_wait3A] : memref<37x128xi32, #tpu.memory_space<vmem>> -> memref<1x128xi32, #tpu.memory_space<vmem>>
          %dma_wait3A_89 = tpu.memref_squeeze %dma_wait3A_88 : memref<1x128xi32, #tpu.memory_space<vmem>> -> memref<128xi32, #tpu.memory_space<vmem>>
          %dma_wait3A_90 = arith.constant 0 : i32
          %dma_wait3A_91 = arith.constant 0 : i32
          %dma_wait3A_92 = tpu.memref_slice %arg2[%run_scoped3A_77, %dma_wait3A_90, %dma_wait3A_91] : memref<4x10000x128xf32, #tpu.memory_space<hbm>> -> memref<1x10000x128xf32, #tpu.memory_space<hbm>>
          %dma_wait3A_93 = tpu.memref_squeeze %dma_wait3A_92 : memref<1x10000x128xf32, #tpu.memory_space<hbm>> -> memref<10000x128xf32, #tpu.memory_space<hbm>>
          %dma_wait3A_94 = arith.constant 0 : i32
          %dma_wait3A_95 = arith.constant 0 : i32
          %dma_wait3A_96 = tpu.memref_slice %dma_wait3A_93[%dma_wait3A_94, %dma_wait3A_95] : memref<10000x128xf32, #tpu.memory_space<hbm>> -> memref<10000x128xf32, #tpu.memory_space<hbm>>
          tpu.wait_indirect_dma semaphore(%run_scoped3A_78 : memref<!tpu.dma_semaphore, #tpu.memory_space<semaphore_mem>>) src(%dma_wait3A_96 : memref<10000x128xf32, #tpu.memory_space<hbm>>) dst(%arg10 : memref<128x128xf32, #tpu.memory_space<vmem>>)
          tpu.yield
        }) : () -> ()
        "tpu.region"() ({
          %run_scoped3A_78 = tpu.sem_alloc : memref<!tpu.dma_semaphore, #tpu.memory_space<semaphore_mem>>
          %dma_start3A = arith.constant 0 : i32
          %dma_start3A_79 = tpu.memref_slice %arg9[%add3A_76, %dma_start3A] : memref<37x128xi32, #tpu.memory_space<vmem>> -> memref<1x128xi32, #tpu.memory_space<vmem>>
          %dma_start3A_80 = tpu.memref_squeeze %dma_start3A_79 : memref<1x128xi32, #tpu.memory_space<vmem>> -> memref<128xi32, #tpu.memory_space<vmem>>
          %dma_start3A_81 = arith.constant 0 : i32
          %dma_start3A_82 = arith.constant 0 : i32
          %dma_start3A_83 = tpu.memref_slice %arg12[%dma_start3A_81, %dma_start3A_82] : memref<10240x128xf32, #tpu.memory_space<vmem_shared>> -> memref<10240x128xf32, #tpu.memory_space<vmem_shared>>
          tpu.enqueue_indirect_dma source(%arg10 : memref<128x128xf32, #tpu.memory_space<vmem>>) target(%dma_start3A_83 : memref<10240x128xf32, #tpu.memory_space<vmem_shared>>) offsets(%dma_start3A_80 : memref<128xi32, #tpu.memory_space<vmem>>) semaphore(%run_scoped3A_78 : memref<!tpu.dma_semaphore, #tpu.memory_space<semaphore_mem>>) {add = true}
          %dma_wait3A = arith.constant 0 : i32
          %dma_wait3A_84 = tpu.memref_slice %arg9[%add3A_76, %dma_wait3A] : memref<37x128xi32, #tpu.memory_space<vmem>> -> memref<1x128xi32, #tpu.memory_space<vmem>>
          %dma_wait3A_85 = tpu.memref_squeeze %dma_wait3A_84 : memref<1x128xi32, #tpu.memory_space<vmem>> -> memref<128xi32, #tpu.memory_space<vmem>>
          %dma_wait3A_86 = arith.constant 0 : i32
          %dma_wait3A_87 = arith.constant 0 : i32
          %dma_wait3A_88 = tpu.memref_slice %arg12[%dma_wait3A_86, %dma_wait3A_87] : memref<10240x128xf32, #tpu.memory_space<vmem_shared>> -> memref<10240x128xf32, #tpu.memory_space<vmem_shared>>
          tpu.wait_indirect_dma semaphore(%run_scoped3A_78 : memref<!tpu.dma_semaphore, #tpu.memory_space<semaphore_mem>>) src(%arg10 : memref<128x128xf32, #tpu.memory_space<vmem>>) dst(%dma_wait3A_88 : memref<10240x128xf32, #tpu.memory_space<vmem_shared>>)
          tpu.yield
        }) : () -> ()
      }
      %scan3A_16 = arith.constant 37 : i32
      %barrier3A_17 = arith.constant 0 : index
      tpu.barrier barrier_id(%barrier3A_17)
      %mul3A = arith.constant 640 : i32
      %mul3A_18 = arith.muli %arg1, %mul3A : i32
      %mul3A_19 = arith.constant 640 : i32
      %mul3A_20 = arith.muli %arg1, %mul3A_19 : i32
      %run_scoped3A_21 = arith.constant 0 : i32
      "tpu.region"() ({
        %run_scoped3A_73 = tpu.sem_alloc : memref<!tpu.dma_semaphore, #tpu.memory_space<semaphore_mem>>
        %dma_start3A = arith.constant 0 : i32
        %dma_start3A_74 = tpu.memref_slice %arg7[%run_scoped3A_21, %mul3A_20, %dma_start3A] : memref<4x10240x128xf32, #tpu.memory_space<hbm>> -> memref<1x640x128xf32, #tpu.memory_space<hbm>>
        %dma_start3A_75 = tpu.memref_squeeze %dma_start3A_74 : memref<1x640x128xf32, #tpu.memory_space<hbm>> -> memref<640x128xf32, #tpu.memory_space<hbm>>
        %dma_start3A_76 = arith.constant 0 : i32
        %dma_start3A_77 = tpu.memref_slice %arg12[%mul3A_18, %dma_start3A_76] : memref<10240x128xf32, #tpu.memory_space<vmem_shared>> -> memref<640x128xf32, #tpu.memory_space<vmem_shared>>
        tpu.enqueue_dma source(%dma_start3A_77 : memref<640x128xf32, #tpu.memory_space<vmem_shared>>) target(%dma_start3A_75 : memref<640x128xf32, #tpu.memory_space<hbm>>) target_semaphore(%run_scoped3A_73 : memref<!tpu.dma_semaphore, #tpu.memory_space<semaphore_mem>>)
        %dma_wait3A = arith.constant 0 : i32
        %dma_wait3A_78 = tpu.memref_slice %arg7[%run_scoped3A_21, %mul3A_20, %dma_wait3A] : memref<4x10240x128xf32, #tpu.memory_space<hbm>> -> memref<1x640x128xf32, #tpu.memory_space<hbm>>
        %dma_wait3A_79 = tpu.memref_squeeze %dma_wait3A_78 : memref<1x640x128xf32, #tpu.memory_space<hbm>> -> memref<640x128xf32, #tpu.memory_space<hbm>>
        %dma_wait3A_80 = arith.constant 0 : i32
        %dma_wait3A_81 = tpu.memref_slice %arg12[%mul3A_18, %dma_wait3A_80] : memref<10240x128xf32, #tpu.memory_space<vmem_shared>> -> memref<640x128xf32, #tpu.memory_space<vmem_shared>>
        tpu.wait_dma2 semaphore(%run_scoped3A_73 : memref<!tpu.dma_semaphore, #tpu.memory_space<semaphore_mem>>) src(%dma_wait3A_81 : memref<640x128xf32, #tpu.memory_space<vmem_shared>>) dst(%dma_wait3A_79 : memref<640x128xf32, #tpu.memory_space<hbm>>)
        tpu.yield
      }) : () -> ()
      %scan3A_22 = arith.constant 0 : i32
      %scan3A_23 = arith.constant 10 : i32
      %scan3A_24 = arith.addi %scan3A_22, %scan3A_23 : i32
      %scan3A_25 = arith.constant 1 : i32
      scf.for %scan3A_73 = %scan3A_22 to %scan3A_24 step %scan3A_25  : i32 {
        %mul3A_74 = arith.constant 1 : i32
        %mul3A_75 = arith.muli %scan3A_73, %mul3A_74 : i32
        %add3A = arith.constant 0 : i32
        %add3A_76 = arith.addi %add3A, %mul3A_75 : i32
        %mul3A_77 = arith.constant 640 : i32
        %mul3A_78 = arith.muli %arg1, %mul3A_77 : i32
        %mul3A_79 = arith.constant 64 : i32
        %mul3A_80 = arith.muli %add3A_76, %mul3A_79 : i32
        %add3A_81 = arith.addi %mul3A_78, %mul3A_80 : i32
        "tpu.region"() ({
          %run_scoped3A_82 = tpu.sem_alloc : memref<!tpu.dma_semaphore, #tpu.memory_space<semaphore_mem>>
          %dma_start3A = arith.constant 0 : i32
          %dma_start3A_83 = tpu.memref_slice %arg12[%add3A_81, %dma_start3A] : memref<10240x128xf32, #tpu.memory_space<vmem_shared>> -> memref<64x128xf32, #tpu.memory_space<vmem_shared>>
          %dma_start3A_84 = arith.constant 0 : i32
          %dma_start3A_85 = tpu.memref_slice %arg12[%add3A_81, %dma_start3A_84] : memref<10240x128xf32, #tpu.memory_space<vmem_shared>> -> memref<64x128xf32, #tpu.memory_space<vmem_shared>>
          tpu.enqueue_dma source(%arg11 : memref<64x128xf32, #tpu.memory_space<vmem>>) target(%dma_start3A_85 : memref<64x128xf32, #tpu.memory_space<vmem_shared>>) target_semaphore(%run_scoped3A_82 : memref<!tpu.dma_semaphore, #tpu.memory_space<semaphore_mem>>)
          %dma_wait3A = arith.constant 0 : i32
          %dma_wait3A_86 = tpu.memref_slice %arg12[%add3A_81, %dma_wait3A] : memref<10240x128xf32, #tpu.memory_space<vmem_shared>> -> memref<64x128xf32, #tpu.memory_space<vmem_shared>>
          %dma_wait3A_87 = arith.constant 0 : i32
          %dma_wait3A_88 = tpu.memref_slice %arg12[%add3A_81, %dma_wait3A_87] : memref<10240x128xf32, #tpu.memory_space<vmem_shared>> -> memref<64x128xf32, #tpu.memory_space<vmem_shared>>
          tpu.wait_dma2 semaphore(%run_scoped3A_82 : memref<!tpu.dma_semaphore, #tpu.memory_space<semaphore_mem>>) src(%arg11 : memref<64x128xf32, #tpu.memory_space<vmem>>) dst(%dma_wait3A_88 : memref<64x128xf32, #tpu.memory_space<vmem_shared>>)
          tpu.yield
        }) : () -> ()
      }
      %scan3A_26 = arith.constant 10 : i32
      %barrier3A_27 = arith.constant 0 : index
      tpu.barrier barrier_id(%barrier3A_27)
      %scan3A_28 = arith.constant 0 : i32
      %scan3A_29 = arith.constant 37 : i32
      %scan3A_30 = arith.addi %scan3A_28, %scan3A_29 : i32
      %scan3A_31 = arith.constant 1 : i32
      scf.for %scan3A_73 = %scan3A_28 to %scan3A_30 step %scan3A_31  : i32 {
        %mul3A_74 = arith.constant 1 : i32
        %mul3A_75 = arith.muli %scan3A_73, %mul3A_74 : i32
        %add3A = arith.constant 0 : i32
        %add3A_76 = arith.addi %add3A, %mul3A_75 : i32
        %run_scoped3A_77 = arith.constant 1 : i32
        "tpu.region"() ({
          %run_scoped3A_78 = tpu.sem_alloc : memref<!tpu.dma_semaphore, #tpu.memory_space<semaphore_mem>>
          %dma_start3A = arith.constant 0 : i32
          %dma_start3A_79 = tpu.memref_slice %arg8[%add3A_76, %dma_start3A] : memref<37x128xi32, #tpu.memory_space<vmem>> -> memref<1x128xi32, #tpu.memory_space<vmem>>
          %dma_start3A_80 = tpu.memref_squeeze %dma_start3A_79 : memref<1x128xi32, #tpu.memory_space<vmem>> -> memref<128xi32, #tpu.memory_space<vmem>>
          %dma_start3A_81 = arith.constant 0 : i32
          %dma_start3A_82 = arith.constant 0 : i32
          %dma_start3A_83 = tpu.memref_slice %arg2[%run_scoped3A_77, %dma_start3A_81, %dma_start3A_82] : memref<4x10000x128xf32, #tpu.memory_space<hbm>> -> memref<1x10000x128xf32, #tpu.memory_space<hbm>>
          %dma_start3A_84 = tpu.memref_squeeze %dma_start3A_83 : memref<1x10000x128xf32, #tpu.memory_space<hbm>> -> memref<10000x128xf32, #tpu.memory_space<hbm>>
          %dma_start3A_85 = arith.constant 0 : i32
          %dma_start3A_86 = arith.constant 0 : i32
          %dma_start3A_87 = tpu.memref_slice %dma_start3A_84[%dma_start3A_85, %dma_start3A_86] : memref<10000x128xf32, #tpu.memory_space<hbm>> -> memref<10000x128xf32, #tpu.memory_space<hbm>>
          tpu.enqueue_indirect_dma source(%dma_start3A_87 : memref<10000x128xf32, #tpu.memory_space<hbm>>) target(%arg10 : memref<128x128xf32, #tpu.memory_space<vmem>>) offsets(%dma_start3A_80 : memref<128xi32, #tpu.memory_space<vmem>>) semaphore(%run_scoped3A_78 : memref<!tpu.dma_semaphore, #tpu.memory_space<semaphore_mem>>)
          %dma_wait3A = arith.constant 0 : i32
          %dma_wait3A_88 = tpu.memref_slice %arg8[%add3A_76, %dma_wait3A] : memref<37x128xi32, #tpu.memory_space<vmem>> -> memref<1x128xi32, #tpu.memory_space<vmem>>
          %dma_wait3A_89 = tpu.memref_squeeze %dma_wait3A_88 : memref<1x128xi32, #tpu.memory_space<vmem>> -> memref<128xi32, #tpu.memory_space<vmem>>
          %dma_wait3A_90 = arith.constant 0 : i32
          %dma_wait3A_91 = arith.constant 0 : i32
          %dma_wait3A_92 = tpu.memref_slice %arg2[%run_scoped3A_77, %dma_wait3A_90, %dma_wait3A_91] : memref<4x10000x128xf32, #tpu.memory_space<hbm>> -> memref<1x10000x128xf32, #tpu.memory_space<hbm>>
          %dma_wait3A_93 = tpu.memref_squeeze %dma_wait3A_92 : memref<1x10000x128xf32, #tpu.memory_space<hbm>> -> memref<10000x128xf32, #tpu.memory_space<hbm>>
          %dma_wait3A_94 = arith.constant 0 : i32
          %dma_wait3A_95 = arith.constant 0 : i32
          %dma_wait3A_96 = tpu.memref_slice %dma_wait3A_93[%dma_wait3A_94, %dma_wait3A_95] : memref<10000x128xf32, #tpu.memory_space<hbm>> -> memref<10000x128xf32, #tpu.memory_space<hbm>>
          tpu.wait_indirect_dma semaphore(%run_scoped3A_78 : memref<!tpu.dma_semaphore, #tpu.memory_space<semaphore_mem>>) src(%dma_wait3A_96 : memref<10000x128xf32, #tpu.memory_space<hbm>>) dst(%arg10 : memref<128x128xf32, #tpu.memory_space<vmem>>)
          tpu.yield
        }) : () -> ()
        "tpu.region"() ({
          %run_scoped3A_78 = tpu.sem_alloc : memref<!tpu.dma_semaphore, #tpu.memory_space<semaphore_mem>>
          %dma_start3A = arith.constant 0 : i32
          %dma_start3A_79 = tpu.memref_slice %arg9[%add3A_76, %dma_start3A] : memref<37x128xi32, #tpu.memory_space<vmem>> -> memref<1x128xi32, #tpu.memory_space<vmem>>
          %dma_start3A_80 = tpu.memref_squeeze %dma_start3A_79 : memref<1x128xi32, #tpu.memory_space<vmem>> -> memref<128xi32, #tpu.memory_space<vmem>>
          %dma_start3A_81 = arith.constant 0 : i32
          %dma_start3A_82 = arith.constant 0 : i32
          %dma_start3A_83 = tpu.memref_slice %arg12[%dma_start3A_81, %dma_start3A_82] : memref<10240x128xf32, #tpu.memory_space<vmem_shared>> -> memref<10240x128xf32, #tpu.memory_space<vmem_shared>>
          tpu.enqueue_indirect_dma source(%arg10 : memref<128x128xf32, #tpu.memory_space<vmem>>) target(%dma_start3A_83 : memref<10240x128xf32, #tpu.memory_space<vmem_shared>>) offsets(%dma_start3A_80 : memref<128xi32, #tpu.memory_space<vmem>>) semaphore(%run_scoped3A_78 : memref<!tpu.dma_semaphore, #tpu.memory_space<semaphore_mem>>) {add = true}
          %dma_wait3A = arith.constant 0 : i32
          %dma_wait3A_84 = tpu.memref_slice %arg9[%add3A_76, %dma_wait3A] : memref<37x128xi32, #tpu.memory_space<vmem>> -> memref<1x128xi32, #tpu.memory_space<vmem>>
          %dma_wait3A_85 = tpu.memref_squeeze %dma_wait3A_84 : memref<1x128xi32, #tpu.memory_space<vmem>> -> memref<128xi32, #tpu.memory_space<vmem>>
          %dma_wait3A_86 = arith.constant 0 : i32
          %dma_wait3A_87 = arith.constant 0 : i32
          %dma_wait3A_88 = tpu.memref_slice %arg12[%dma_wait3A_86, %dma_wait3A_87] : memref<10240x128xf32, #tpu.memory_space<vmem_shared>> -> memref<10240x128xf32, #tpu.memory_space<vmem_shared>>
          tpu.wait_indirect_dma semaphore(%run_scoped3A_78 : memref<!tpu.dma_semaphore, #tpu.memory_space<semaphore_mem>>) src(%arg10 : memref<128x128xf32, #tpu.memory_space<vmem>>) dst(%dma_wait3A_88 : memref<10240x128xf32, #tpu.memory_space<vmem_shared>>)
          tpu.yield
        }) : () -> ()
      }
      %scan3A_32 = arith.constant 37 : i32
      %barrier3A_33 = arith.constant 0 : index
      tpu.barrier barrier_id(%barrier3A_33)
      %mul3A_34 = arith.constant 640 : i32
      %mul3A_35 = arith.muli %arg1, %mul3A_34 : i32
      %mul3A_36 = arith.constant 640 : i32
      %mul3A_37 = arith.muli %arg1, %mul3A_36 : i32
      %run_scoped3A_38 = arith.constant 1 : i32
      "tpu.region"() ({
        %run_scoped3A_73 = tpu.sem_alloc : memref<!tpu.dma_semaphore, #tpu.memory_space<semaphore_mem>>
        %dma_start3A = arith.constant 0 : i32
        %dma_start3A_74 = tpu.memref_slice %arg7[%run_scoped3A_38, %mul3A_37, %dma_start3A] : memref<4x10240x128xf32, #tpu.memory_space<hbm>> -> memref<1x640x128xf32, #tpu.memory_space<hbm>>
        %dma_start3A_75 = tpu.memref_squeeze %dma_start3A_74 : memref<1x640x128xf32, #tpu.memory_space<hbm>> -> memref<640x128xf32, #tpu.memory_space<hbm>>
        %dma_start3A_76 = arith.constant 0 : i32
        %dma_start3A_77 = tpu.memref_slice %arg12[%mul3A_35, %dma_start3A_76] : memref<10240x128xf32, #tpu.memory_space<vmem_shared>> -> memref<640x128xf32, #tpu.memory_space<vmem_shared>>
        tpu.enqueue_dma source(%dma_start3A_77 : memref<640x128xf32, #tpu.memory_space<vmem_shared>>) target(%dma_start3A_75 : memref<640x128xf32, #tpu.memory_space<hbm>>) target_semaphore(%run_scoped3A_73 : memref<!tpu.dma_semaphore, #tpu.memory_space<semaphore_mem>>)
        %dma_wait3A = arith.constant 0 : i32
        %dma_wait3A_78 = tpu.memref_slice %arg7[%run_scoped3A_38, %mul3A_37, %dma_wait3A] : memref<4x10240x128xf32, #tpu.memory_space<hbm>> -> memref<1x640x128xf32, #tpu.memory_space<hbm>>
        %dma_wait3A_79 = tpu.memref_squeeze %dma_wait3A_78 : memref<1x640x128xf32, #tpu.memory_space<hbm>> -> memref<640x128xf32, #tpu.memory_space<hbm>>
        %dma_wait3A_80 = arith.constant 0 : i32
        %dma_wait3A_81 = tpu.memref_slice %arg12[%mul3A_35, %dma_wait3A_80] : memref<10240x128xf32, #tpu.memory_space<vmem_shared>> -> memref<640x128xf32, #tpu.memory_space<vmem_shared>>
        tpu.wait_dma2 semaphore(%run_scoped3A_73 : memref<!tpu.dma_semaphore, #tpu.memory_space<semaphore_mem>>) src(%dma_wait3A_81 : memref<640x128xf32, #tpu.memory_space<vmem_shared>>) dst(%dma_wait3A_79 : memref<640x128xf32, #tpu.memory_space<hbm>>)
        tpu.yield
      }) : () -> ()
      %scan3A_39 = arith.constant 0 : i32
      %scan3A_40 = arith.constant 10 : i32
      %scan3A_41 = arith.addi %scan3A_39, %scan3A_40 : i32
      %scan3A_42 = arith.constant 1 : i32
      scf.for %scan3A_73 = %scan3A_39 to %scan3A_41 step %scan3A_42  : i32 {
        %mul3A_74 = arith.constant 1 : i32
        %mul3A_75 = arith.muli %scan3A_73, %mul3A_74 : i32
        %add3A = arith.constant 0 : i32
        %add3A_76 = arith.addi %add3A, %mul3A_75 : i32
        %mul3A_77 = arith.constant 640 : i32
        %mul3A_78 = arith.muli %arg1, %mul3A_77 : i32
        %mul3A_79 = arith.constant 64 : i32
        %mul3A_80 = arith.muli %add3A_76, %mul3A_79 : i32
        %add3A_81 = arith.addi %mul3A_78, %mul3A_80 : i32
        "tpu.region"() ({
          %run_scoped3A_82 = tpu.sem_alloc : memref<!tpu.dma_semaphore, #tpu.memory_space<semaphore_mem>>
          %dma_start3A = arith.constant 0 : i32
          %dma_start3A_83 = tpu.memref_slice %arg12[%add3A_81, %dma_start3A] : memref<10240x128xf32, #tpu.memory_space<vmem_shared>> -> memref<64x128xf32, #tpu.memory_space<vmem_shared>>
          %dma_start3A_84 = arith.constant 0 : i32
          %dma_start3A_85 = tpu.memref_slice %arg12[%add3A_81, %dma_start3A_84] : memref<10240x128xf32, #tpu.memory_space<vmem_shared>> -> memref<64x128xf32, #tpu.memory_space<vmem_shared>>
          tpu.enqueue_dma source(%arg11 : memref<64x128xf32, #tpu.memory_space<vmem>>) target(%dma_start3A_85 : memref<64x128xf32, #tpu.memory_space<vmem_shared>>) target_semaphore(%run_scoped3A_82 : memref<!tpu.dma_semaphore, #tpu.memory_space<semaphore_mem>>)
          %dma_wait3A = arith.constant 0 : i32
          %dma_wait3A_86 = tpu.memref_slice %arg12[%add3A_81, %dma_wait3A] : memref<10240x128xf32, #tpu.memory_space<vmem_shared>> -> memref<64x128xf32, #tpu.memory_space<vmem_shared>>
          %dma_wait3A_87 = arith.constant 0 : i32
          %dma_wait3A_88 = tpu.memref_slice %arg12[%add3A_81, %dma_wait3A_87] : memref<10240x128xf32, #tpu.memory_space<vmem_shared>> -> memref<64x128xf32, #tpu.memory_space<vmem_shared>>
          tpu.wait_dma2 semaphore(%run_scoped3A_82 : memref<!tpu.dma_semaphore, #tpu.memory_space<semaphore_mem>>) src(%arg11 : memref<64x128xf32, #tpu.memory_space<vmem>>) dst(%dma_wait3A_88 : memref<64x128xf32, #tpu.memory_space<vmem_shared>>)
          tpu.yield
        }) : () -> ()
      }
      %scan3A_43 = arith.constant 10 : i32
      %barrier3A_44 = arith.constant 0 : index
      tpu.barrier barrier_id(%barrier3A_44)
      %scan3A_45 = arith.constant 0 : i32
      %scan3A_46 = arith.constant 37 : i32
      %scan3A_47 = arith.addi %scan3A_45, %scan3A_46 : i32
      %scan3A_48 = arith.constant 1 : i32
      scf.for %scan3A_73 = %scan3A_45 to %scan3A_47 step %scan3A_48  : i32 {
        %mul3A_74 = arith.constant 1 : i32
        %mul3A_75 = arith.muli %scan3A_73, %mul3A_74 : i32
        %add3A = arith.constant 0 : i32
        %add3A_76 = arith.addi %add3A, %mul3A_75 : i32
        %run_scoped3A_77 = arith.constant 2 : i32
        "tpu.region"() ({
          %run_scoped3A_78 = tpu.sem_alloc : memref<!tpu.dma_semaphore, #tpu.memory_space<semaphore_mem>>
          %dma_start3A = arith.constant 0 : i32
          %dma_start3A_79 = tpu.memref_slice %arg8[%add3A_76, %dma_start3A] : memref<37x128xi32, #tpu.memory_space<vmem>> -> memref<1x128xi32, #tpu.memory_space<vmem>>
          %dma_start3A_80 = tpu.memref_squeeze %dma_start3A_79 : memref<1x128xi32, #tpu.memory_space<vmem>> -> memref<128xi32, #tpu.memory_space<vmem>>
          %dma_start3A_81 = arith.constant 0 : i32
          %dma_start3A_82 = arith.constant 0 : i32
          %dma_start3A_83 = tpu.memref_slice %arg2[%run_scoped3A_77, %dma_start3A_81, %dma_start3A_82] : memref<4x10000x128xf32, #tpu.memory_space<hbm>> -> memref<1x10000x128xf32, #tpu.memory_space<hbm>>
          %dma_start3A_84 = tpu.memref_squeeze %dma_start3A_83 : memref<1x10000x128xf32, #tpu.memory_space<hbm>> -> memref<10000x128xf32, #tpu.memory_space<hbm>>
          %dma_start3A_85 = arith.constant 0 : i32
          %dma_start3A_86 = arith.constant 0 : i32
          %dma_start3A_87 = tpu.memref_slice %dma_start3A_84[%dma_start3A_85, %dma_start3A_86] : memref<10000x128xf32, #tpu.memory_space<hbm>> -> memref<10000x128xf32, #tpu.memory_space<hbm>>
          tpu.enqueue_indirect_dma source(%dma_start3A_87 : memref<10000x128xf32, #tpu.memory_space<hbm>>) target(%arg10 : memref<128x128xf32, #tpu.memory_space<vmem>>) offsets(%dma_start3A_80 : memref<128xi32, #tpu.memory_space<vmem>>) semaphore(%run_scoped3A_78 : memref<!tpu.dma_semaphore, #tpu.memory_space<semaphore_mem>>)
          %dma_wait3A = arith.constant 0 : i32
          %dma_wait3A_88 = tpu.memref_slice %arg8[%add3A_76, %dma_wait3A] : memref<37x128xi32, #tpu.memory_space<vmem>> -> memref<1x128xi32, #tpu.memory_space<vmem>>
          %dma_wait3A_89 = tpu.memref_squeeze %dma_wait3A_88 : memref<1x128xi32, #tpu.memory_space<vmem>> -> memref<128xi32, #tpu.memory_space<vmem>>
          %dma_wait3A_90 = arith.constant 0 : i32
          %dma_wait3A_91 = arith.constant 0 : i32
          %dma_wait3A_92 = tpu.memref_slice %arg2[%run_scoped3A_77, %dma_wait3A_90, %dma_wait3A_91] : memref<4x10000x128xf32, #tpu.memory_space<hbm>> -> memref<1x10000x128xf32, #tpu.memory_space<hbm>>
          %dma_wait3A_93 = tpu.memref_squeeze %dma_wait3A_92 : memref<1x10000x128xf32, #tpu.memory_space<hbm>> -> memref<10000x128xf32, #tpu.memory_space<hbm>>
          %dma_wait3A_94 = arith.constant 0 : i32
          %dma_wait3A_95 = arith.constant 0 : i32
          %dma_wait3A_96 = tpu.memref_slice %dma_wait3A_93[%dma_wait3A_94, %dma_wait3A_95] : memref<10000x128xf32, #tpu.memory_space<hbm>> -> memref<10000x128xf32, #tpu.memory_space<hbm>>
          tpu.wait_indirect_dma semaphore(%run_scoped3A_78 : memref<!tpu.dma_semaphore, #tpu.memory_space<semaphore_mem>>) src(%dma_wait3A_96 : memref<10000x128xf32, #tpu.memory_space<hbm>>) dst(%arg10 : memref<128x128xf32, #tpu.memory_space<vmem>>)
          tpu.yield
        }) : () -> ()
        "tpu.region"() ({
          %run_scoped3A_78 = tpu.sem_alloc : memref<!tpu.dma_semaphore, #tpu.memory_space<semaphore_mem>>
          %dma_start3A = arith.constant 0 : i32
          %dma_start3A_79 = tpu.memref_slice %arg9[%add3A_76, %dma_start3A] : memref<37x128xi32, #tpu.memory_space<vmem>> -> memref<1x128xi32, #tpu.memory_space<vmem>>
          %dma_start3A_80 = tpu.memref_squeeze %dma_start3A_79 : memref<1x128xi32, #tpu.memory_space<vmem>> -> memref<128xi32, #tpu.memory_space<vmem>>
          %dma_start3A_81 = arith.constant 0 : i32
          %dma_start3A_82 = arith.constant 0 : i32
          %dma_start3A_83 = tpu.memref_slice %arg12[%dma_start3A_81, %dma_start3A_82] : memref<10240x128xf32, #tpu.memory_space<vmem_shared>> -> memref<10240x128xf32, #tpu.memory_space<vmem_shared>>
          tpu.enqueue_indirect_dma source(%arg10 : memref<128x128xf32, #tpu.memory_space<vmem>>) target(%dma_start3A_83 : memref<10240x128xf32, #tpu.memory_space<vmem_shared>>) offsets(%dma_start3A_80 : memref<128xi32, #tpu.memory_space<vmem>>) semaphore(%run_scoped3A_78 : memref<!tpu.dma_semaphore, #tpu.memory_space<semaphore_mem>>) {add = true}
          %dma_wait3A = arith.constant 0 : i32
          %dma_wait3A_84 = tpu.memref_slice %arg9[%add3A_76, %dma_wait3A] : memref<37x128xi32, #tpu.memory_space<vmem>> -> memref<1x128xi32, #tpu.memory_space<vmem>>
          %dma_wait3A_85 = tpu.memref_squeeze %dma_wait3A_84 : memref<1x128xi32, #tpu.memory_space<vmem>> -> memref<128xi32, #tpu.memory_space<vmem>>
          %dma_wait3A_86 = arith.constant 0 : i32
          %dma_wait3A_87 = arith.constant 0 : i32
          %dma_wait3A_88 = tpu.memref_slice %arg12[%dma_wait3A_86, %dma_wait3A_87] : memref<10240x128xf32, #tpu.memory_space<vmem_shared>> -> memref<10240x128xf32, #tpu.memory_space<vmem_shared>>
          tpu.wait_indirect_dma semaphore(%run_scoped3A_78 : memref<!tpu.dma_semaphore, #tpu.memory_space<semaphore_mem>>) src(%arg10 : memref<128x128xf32, #tpu.memory_space<vmem>>) dst(%dma_wait3A_88 : memref<10240x128xf32, #tpu.memory_space<vmem_shared>>)
          tpu.yield
        }) : () -> ()
      }
      %scan3A_49 = arith.constant 37 : i32
      %barrier3A_50 = arith.constant 0 : index
      tpu.barrier barrier_id(%barrier3A_50)
      %mul3A_51 = arith.constant 640 : i32
      %mul3A_52 = arith.muli %arg1, %mul3A_51 : i32
      %mul3A_53 = arith.constant 640 : i32
      %mul3A_54 = arith.muli %arg1, %mul3A_53 : i32
      %run_scoped3A_55 = arith.constant 2 : i32
      "tpu.region"() ({
        %run_scoped3A_73 = tpu.sem_alloc : memref<!tpu.dma_semaphore, #tpu.memory_space<semaphore_mem>>
        %dma_start3A = arith.constant 0 : i32
        %dma_start3A_74 = tpu.memref_slice %arg7[%run_scoped3A_55, %mul3A_54, %dma_start3A] : memref<4x10240x128xf32, #tpu.memory_space<hbm>> -> memref<1x640x128xf32, #tpu.memory_space<hbm>>
        %dma_start3A_75 = tpu.memref_squeeze %dma_start3A_74 : memref<1x640x128xf32, #tpu.memory_space<hbm>> -> memref<640x128xf32, #tpu.memory_space<hbm>>
        %dma_start3A_76 = arith.constant 0 : i32
        %dma_start3A_77 = tpu.memref_slice %arg12[%mul3A_52, %dma_start3A_76] : memref<10240x128xf32, #tpu.memory_space<vmem_shared>> -> memref<640x128xf32, #tpu.memory_space<vmem_shared>>
        tpu.enqueue_dma source(%dma_start3A_77 : memref<640x128xf32, #tpu.memory_space<vmem_shared>>) target(%dma_start3A_75 : memref<640x128xf32, #tpu.memory_space<hbm>>) target_semaphore(%run_scoped3A_73 : memref<!tpu.dma_semaphore, #tpu.memory_space<semaphore_mem>>)
        %dma_wait3A = arith.constant 0 : i32
        %dma_wait3A_78 = tpu.memref_slice %arg7[%run_scoped3A_55, %mul3A_54, %dma_wait3A] : memref<4x10240x128xf32, #tpu.memory_space<hbm>> -> memref<1x640x128xf32, #tpu.memory_space<hbm>>
        %dma_wait3A_79 = tpu.memref_squeeze %dma_wait3A_78 : memref<1x640x128xf32, #tpu.memory_space<hbm>> -> memref<640x128xf32, #tpu.memory_space<hbm>>
        %dma_wait3A_80 = arith.constant 0 : i32
        %dma_wait3A_81 = tpu.memref_slice %arg12[%mul3A_52, %dma_wait3A_80] : memref<10240x128xf32, #tpu.memory_space<vmem_shared>> -> memref<640x128xf32, #tpu.memory_space<vmem_shared>>
        tpu.wait_dma2 semaphore(%run_scoped3A_73 : memref<!tpu.dma_semaphore, #tpu.memory_space<semaphore_mem>>) src(%dma_wait3A_81 : memref<640x128xf32, #tpu.memory_space<vmem_shared>>) dst(%dma_wait3A_79 : memref<640x128xf32, #tpu.memory_space<hbm>>)
        tpu.yield
      }) : () -> ()
      %scan3A_56 = arith.constant 0 : i32
      %scan3A_57 = arith.constant 10 : i32
      %scan3A_58 = arith.addi %scan3A_56, %scan3A_57 : i32
      %scan3A_59 = arith.constant 1 : i32
      scf.for %scan3A_73 = %scan3A_56 to %scan3A_58 step %scan3A_59  : i32 {
        %mul3A_74 = arith.constant 1 : i32
        %mul3A_75 = arith.muli %scan3A_73, %mul3A_74 : i32
        %add3A = arith.constant 0 : i32
        %add3A_76 = arith.addi %add3A, %mul3A_75 : i32
        %mul3A_77 = arith.constant 640 : i32
        %mul3A_78 = arith.muli %arg1, %mul3A_77 : i32
        %mul3A_79 = arith.constant 64 : i32
        %mul3A_80 = arith.muli %add3A_76, %mul3A_79 : i32
        %add3A_81 = arith.addi %mul3A_78, %mul3A_80 : i32
        "tpu.region"() ({
          %run_scoped3A_82 = tpu.sem_alloc : memref<!tpu.dma_semaphore, #tpu.memory_space<semaphore_mem>>
          %dma_start3A = arith.constant 0 : i32
          %dma_start3A_83 = tpu.memref_slice %arg12[%add3A_81, %dma_start3A] : memref<10240x128xf32, #tpu.memory_space<vmem_shared>> -> memref<64x128xf32, #tpu.memory_space<vmem_shared>>
          %dma_start3A_84 = arith.constant 0 : i32
          %dma_start3A_85 = tpu.memref_slice %arg12[%add3A_81, %dma_start3A_84] : memref<10240x128xf32, #tpu.memory_space<vmem_shared>> -> memref<64x128xf32, #tpu.memory_space<vmem_shared>>
          tpu.enqueue_dma source(%arg11 : memref<64x128xf32, #tpu.memory_space<vmem>>) target(%dma_start3A_85 : memref<64x128xf32, #tpu.memory_space<vmem_shared>>) target_semaphore(%run_scoped3A_82 : memref<!tpu.dma_semaphore, #tpu.memory_space<semaphore_mem>>)
          %dma_wait3A = arith.constant 0 : i32
          %dma_wait3A_86 = tpu.memref_slice %arg12[%add3A_81, %dma_wait3A] : memref<10240x128xf32, #tpu.memory_space<vmem_shared>> -> memref<64x128xf32, #tpu.memory_space<vmem_shared>>
          %dma_wait3A_87 = arith.constant 0 : i32
          %dma_wait3A_88 = tpu.memref_slice %arg12[%add3A_81, %dma_wait3A_87] : memref<10240x128xf32, #tpu.memory_space<vmem_shared>> -> memref<64x128xf32, #tpu.memory_space<vmem_shared>>
          tpu.wait_dma2 semaphore(%run_scoped3A_82 : memref<!tpu.dma_semaphore, #tpu.memory_space<semaphore_mem>>) src(%arg11 : memref<64x128xf32, #tpu.memory_space<vmem>>) dst(%dma_wait3A_88 : memref<64x128xf32, #tpu.memory_space<vmem_shared>>)
          tpu.yield
        }) : () -> ()
      }
      %scan3A_60 = arith.constant 10 : i32
      %barrier3A_61 = arith.constant 0 : index
      tpu.barrier barrier_id(%barrier3A_61)
      %scan3A_62 = arith.constant 0 : i32
      %scan3A_63 = arith.constant 37 : i32
      %scan3A_64 = arith.addi %scan3A_62, %scan3A_63 : i32
      %scan3A_65 = arith.constant 1 : i32
      scf.for %scan3A_73 = %scan3A_62 to %scan3A_64 step %scan3A_65  : i32 {
        %mul3A_74 = arith.constant 1 : i32
        %mul3A_75 = arith.muli %scan3A_73, %mul3A_74 : i32
        %add3A = arith.constant 0 : i32
        %add3A_76 = arith.addi %add3A, %mul3A_75 : i32
        %run_scoped3A_77 = arith.constant 3 : i32
        "tpu.region"() ({
          %run_scoped3A_78 = tpu.sem_alloc : memref<!tpu.dma_semaphore, #tpu.memory_space<semaphore_mem>>
          %dma_start3A = arith.constant 0 : i32
          %dma_start3A_79 = tpu.memref_slice %arg8[%add3A_76, %dma_start3A] : memref<37x128xi32, #tpu.memory_space<vmem>> -> memref<1x128xi32, #tpu.memory_space<vmem>>
          %dma_start3A_80 = tpu.memref_squeeze %dma_start3A_79 : memref<1x128xi32, #tpu.memory_space<vmem>> -> memref<128xi32, #tpu.memory_space<vmem>>
          %dma_start3A_81 = arith.constant 0 : i32
          %dma_start3A_82 = arith.constant 0 : i32
          %dma_start3A_83 = tpu.memref_slice %arg2[%run_scoped3A_77, %dma_start3A_81, %dma_start3A_82] : memref<4x10000x128xf32, #tpu.memory_space<hbm>> -> memref<1x10000x128xf32, #tpu.memory_space<hbm>>
          %dma_start3A_84 = tpu.memref_squeeze %dma_start3A_83 : memref<1x10000x128xf32, #tpu.memory_space<hbm>> -> memref<10000x128xf32, #tpu.memory_space<hbm>>
          %dma_start3A_85 = arith.constant 0 : i32
          %dma_start3A_86 = arith.constant 0 : i32
          %dma_start3A_87 = tpu.memref_slice %dma_start3A_84[%dma_start3A_85, %dma_start3A_86] : memref<10000x128xf32, #tpu.memory_space<hbm>> -> memref<10000x128xf32, #tpu.memory_space<hbm>>
          tpu.enqueue_indirect_dma source(%dma_start3A_87 : memref<10000x128xf32, #tpu.memory_space<hbm>>) target(%arg10 : memref<128x128xf32, #tpu.memory_space<vmem>>) offsets(%dma_start3A_80 : memref<128xi32, #tpu.memory_space<vmem>>) semaphore(%run_scoped3A_78 : memref<!tpu.dma_semaphore, #tpu.memory_space<semaphore_mem>>)
          %dma_wait3A = arith.constant 0 : i32
          %dma_wait3A_88 = tpu.memref_slice %arg8[%add3A_76, %dma_wait3A] : memref<37x128xi32, #tpu.memory_space<vmem>> -> memref<1x128xi32, #tpu.memory_space<vmem>>
          %dma_wait3A_89 = tpu.memref_squeeze %dma_wait3A_88 : memref<1x128xi32, #tpu.memory_space<vmem>> -> memref<128xi32, #tpu.memory_space<vmem>>
          %dma_wait3A_90 = arith.constant 0 : i32
          %dma_wait3A_91 = arith.constant 0 : i32
          %dma_wait3A_92 = tpu.memref_slice %arg2[%run_scoped3A_77, %dma_wait3A_90, %dma_wait3A_91] : memref<4x10000x128xf32, #tpu.memory_space<hbm>> -> memref<1x10000x128xf32, #tpu.memory_space<hbm>>
          %dma_wait3A_93 = tpu.memref_squeeze %dma_wait3A_92 : memref<1x10000x128xf32, #tpu.memory_space<hbm>> -> memref<10000x128xf32, #tpu.memory_space<hbm>>
          %dma_wait3A_94 = arith.constant 0 : i32
          %dma_wait3A_95 = arith.constant 0 : i32
          %dma_wait3A_96 = tpu.memref_slice %dma_wait3A_93[%dma_wait3A_94, %dma_wait3A_95] : memref<10000x128xf32, #tpu.memory_space<hbm>> -> memref<10000x128xf32, #tpu.memory_space<hbm>>
          tpu.wait_indirect_dma semaphore(%run_scoped3A_78 : memref<!tpu.dma_semaphore, #tpu.memory_space<semaphore_mem>>) src(%dma_wait3A_96 : memref<10000x128xf32, #tpu.memory_space<hbm>>) dst(%arg10 : memref<128x128xf32, #tpu.memory_space<vmem>>)
          tpu.yield
        }) : () -> ()
        "tpu.region"() ({
          %run_scoped3A_78 = tpu.sem_alloc : memref<!tpu.dma_semaphore, #tpu.memory_space<semaphore_mem>>
          %dma_start3A = arith.constant 0 : i32
          %dma_start3A_79 = tpu.memref_slice %arg9[%add3A_76, %dma_start3A] : memref<37x128xi32, #tpu.memory_space<vmem>> -> memref<1x128xi32, #tpu.memory_space<vmem>>
          %dma_start3A_80 = tpu.memref_squeeze %dma_start3A_79 : memref<1x128xi32, #tpu.memory_space<vmem>> -> memref<128xi32, #tpu.memory_space<vmem>>
          %dma_start3A_81 = arith.constant 0 : i32
          %dma_start3A_82 = arith.constant 0 : i32
          %dma_start3A_83 = tpu.memref_slice %arg12[%dma_start3A_81, %dma_start3A_82] : memref<10240x128xf32, #tpu.memory_space<vmem_shared>> -> memref<10240x128xf32, #tpu.memory_space<vmem_shared>>
          tpu.enqueue_indirect_dma source(%arg10 : memref<128x128xf32, #tpu.memory_space<vmem>>) target(%dma_start3A_83 : memref<10240x128xf32, #tpu.memory_space<vmem_shared>>) offsets(%dma_start3A_80 : memref<128xi32, #tpu.memory_space<vmem>>) semaphore(%run_scoped3A_78 : memref<!tpu.dma_semaphore, #tpu.memory_space<semaphore_mem>>) {add = true}
          %dma_wait3A = arith.constant 0 : i32
          %dma_wait3A_84 = tpu.memref_slice %arg9[%add3A_76, %dma_wait3A] : memref<37x128xi32, #tpu.memory_space<vmem>> -> memref<1x128xi32, #tpu.memory_space<vmem>>
          %dma_wait3A_85 = tpu.memref_squeeze %dma_wait3A_84 : memref<1x128xi32, #tpu.memory_space<vmem>> -> memref<128xi32, #tpu.memory_space<vmem>>
          %dma_wait3A_86 = arith.constant 0 : i32
          %dma_wait3A_87 = arith.constant 0 : i32
          %dma_wait3A_88 = tpu.memref_slice %arg12[%dma_wait3A_86, %dma_wait3A_87] : memref<10240x128xf32, #tpu.memory_space<vmem_shared>> -> memref<10240x128xf32, #tpu.memory_space<vmem_shared>>
          tpu.wait_indirect_dma semaphore(%run_scoped3A_78 : memref<!tpu.dma_semaphore, #tpu.memory_space<semaphore_mem>>) src(%arg10 : memref<128x128xf32, #tpu.memory_space<vmem>>) dst(%dma_wait3A_88 : memref<10240x128xf32, #tpu.memory_space<vmem_shared>>)
          tpu.yield
        }) : () -> ()
      }
      %scan3A_66 = arith.constant 37 : i32
      %barrier3A_67 = arith.constant 0 : index
      tpu.barrier barrier_id(%barrier3A_67)
      %mul3A_68 = arith.constant 640 : i32
      %mul3A_69 = arith.muli %arg1, %mul3A_68 : i32
      %mul3A_70 = arith.constant 640 : i32
      %mul3A_71 = arith.muli %arg1, %mul3A_70 : i32
      %run_scoped3A_72 = arith.constant 3 : i32
      "tpu.region"() ({
        %run_scoped3A_73 = tpu.sem_alloc : memref<!tpu.dma_semaphore, #tpu.memory_space<semaphore_mem>>
        %dma_start3A = arith.constant 0 : i32
        %dma_start3A_74 = tpu.memref_slice %arg7[%run_scoped3A_72, %mul3A_71, %dma_start3A] : memref<4x10240x128xf32, #tpu.memory_space<hbm>> -> memref<1x640x128xf32, #tpu.memory_space<hbm>>
        %dma_start3A_75 = tpu.memref_squeeze %dma_start3A_74 : memref<1x640x128xf32, #tpu.memory_space<hbm>> -> memref<640x128xf32, #tpu.memory_space<hbm>>
        %dma_start3A_76 = arith.constant 0 : i32
        %dma_start3A_77 = tpu.memref_slice %arg12[%mul3A_69, %dma_start3A_76] : memref<10240x128xf32, #tpu.memory_space<vmem_shared>> -> memref<640x128xf32, #tpu.memory_space<vmem_shared>>
        tpu.enqueue_dma source(%dma_start3A_77 : memref<640x128xf32, #tpu.memory_space<vmem_shared>>) target(%dma_start3A_75 : memref<640x128xf32, #tpu.memory_space<hbm>>) target_semaphore(%run_scoped3A_73 : memref<!tpu.dma_semaphore, #tpu.memory_space<semaphore_mem>>)
        %dma_wait3A = arith.constant 0 : i32
        %dma_wait3A_78 = tpu.memref_slice %arg7[%run_scoped3A_72, %mul3A_71, %dma_wait3A] : memref<4x10240x128xf32, #tpu.memory_space<hbm>> -> memref<1x640x128xf32, #tpu.memory_space<hbm>>
        %dma_wait3A_79 = tpu.memref_squeeze %dma_wait3A_78 : memref<1x640x128xf32, #tpu.memory_space<hbm>> -> memref<640x128xf32, #tpu.memory_space<hbm>>
        %dma_wait3A_80 = arith.constant 0 : i32
        %dma_wait3A_81 = tpu.memref_slice %arg12[%mul3A_69, %dma_wait3A_80] : memref<10240x128xf32, #tpu.memory_space<vmem_shared>> -> memref<640x128xf32, #tpu.memory_space<vmem_shared>>
        tpu.wait_dma2 semaphore(%run_scoped3A_73 : memref<!tpu.dma_semaphore, #tpu.memory_space<semaphore_mem>>) src(%dma_wait3A_81 : memref<640x128xf32, #tpu.memory_space<vmem_shared>>) dst(%dma_wait3A_79 : memref<640x128xf32, #tpu.memory_space<hbm>>)
        tpu.yield
      }) : () -> ()
    } else {
    }
    return
  }
}

#map = affine_map<(d0, d1) -> (0, 0, 0, 0)>
#map1 = affine_map<(d0, d1) -> (0, 0)>
#map2 = affine_map<(d0, d1) -> (0, 0, 0)>
module attributes {stable_mosaic.version = 14 : i64} {
  func.func @_deg_body(%arg0: i32, %arg1: i32, %arg2: memref<2x16x37x128xi32, #tpu.memory_space<hbm>>, %arg3: memref<128x128xf32, #tpu.memory_space<hbm>>, %arg4: memref<64x128xf32, #tpu.memory_space<hbm>>, %arg5: memref<2x10240x128xf32, #tpu.memory_space<hbm>>, %arg6: memref<37x128xi32, #tpu.memory_space<vmem>>, %arg7: memref<128x128xf32, #tpu.memory_space<vmem>>, %arg8: memref<64x128xf32, #tpu.memory_space<vmem>>, %arg9: memref<10240x128xf32, #tpu.memory_space<vmem_shared>>) attributes {dimension_semantics = [#tpu.dimension_semantics<core_parallel>, #tpu.dimension_semantics<subcore_parallel>], iteration_bounds = array<i64: 2, 16>, scalar_prefetch = 0 : i64, scratch_operands = 4 : i64, tpu.core_type = #tpu.core_type<sc_vector_subcore>, window_params = [{transform_indices = #map}, {transform_indices = #map1}, {transform_indices = #map1}, {transform_indices = #map2}]} {
    "tpu.region"() ({
      %run_scoped3A = tpu.sem_alloc : memref<!tpu.dma_semaphore, #tpu.memory_space<semaphore_mem>>
      tpu.enqueue_dma source(%arg3 : memref<128x128xf32, #tpu.memory_space<hbm>>) target(%arg7 : memref<128x128xf32, #tpu.memory_space<vmem>>) target_semaphore(%run_scoped3A : memref<!tpu.dma_semaphore, #tpu.memory_space<semaphore_mem>>)
      tpu.wait_dma2 semaphore(%run_scoped3A : memref<!tpu.dma_semaphore, #tpu.memory_space<semaphore_mem>>) src(%arg3 : memref<128x128xf32, #tpu.memory_space<hbm>>) dst(%arg7 : memref<128x128xf32, #tpu.memory_space<vmem>>)
      tpu.yield
    }) : () -> ()
    "tpu.region"() ({
      %run_scoped3A = tpu.sem_alloc : memref<!tpu.dma_semaphore, #tpu.memory_space<semaphore_mem>>
      tpu.enqueue_dma source(%arg4 : memref<64x128xf32, #tpu.memory_space<hbm>>) target(%arg8 : memref<64x128xf32, #tpu.memory_space<vmem>>) target_semaphore(%run_scoped3A : memref<!tpu.dma_semaphore, #tpu.memory_space<semaphore_mem>>)
      tpu.wait_dma2 semaphore(%run_scoped3A : memref<!tpu.dma_semaphore, #tpu.memory_space<semaphore_mem>>) src(%arg4 : memref<64x128xf32, #tpu.memory_space<hbm>>) dst(%arg8 : memref<64x128xf32, #tpu.memory_space<vmem>>)
      tpu.yield
    }) : () -> ()
    %eq3A = arith.constant 0 : i32
    %eq3A_0 = arith.cmpi eq, %arg0, %eq3A : i32
    %convert_element_type3A = arith.extui %eq3A_0 : i1 to i32
    %cond3A = arith.constant 0 : i32
    %cond3A_1 = arith.cmpi ne, %convert_element_type3A, %cond3A : i32
    scf.if %cond3A_1 {
      %run_scoped3A = arith.constant 0 : i32
      "tpu.region"() ({
        %run_scoped3A_21 = tpu.sem_alloc : memref<!tpu.dma_semaphore, #tpu.memory_space<semaphore_mem>>
        %dma_start3A = arith.constant 0 : i32
        %dma_start3A_22 = arith.constant 0 : i32
        %dma_start3A_23 = tpu.memref_slice %arg2[%run_scoped3A, %arg1, %dma_start3A, %dma_start3A_22] : memref<2x16x37x128xi32, #tpu.memory_space<hbm>> -> memref<1x1x37x128xi32, #tpu.memory_space<hbm>>
        %dma_start3A_24 = tpu.memref_squeeze %dma_start3A_23 : memref<1x1x37x128xi32, #tpu.memory_space<hbm>> -> memref<37x128xi32, #tpu.memory_space<hbm>>
        %dma_start3A_25 = arith.constant 0 : i32
        %dma_start3A_26 = arith.constant 0 : i32
        %dma_start3A_27 = tpu.memref_slice %arg2[%run_scoped3A, %arg1, %dma_start3A_25, %dma_start3A_26] : memref<2x16x37x128xi32, #tpu.memory_space<hbm>> -> memref<1x1x37x128xi32, #tpu.memory_space<hbm>>
        %dma_start3A_28 = tpu.memref_squeeze %dma_start3A_27 : memref<1x1x37x128xi32, #tpu.memory_space<hbm>> -> memref<37x128xi32, #tpu.memory_space<hbm>>
        tpu.enqueue_dma source(%dma_start3A_28 : memref<37x128xi32, #tpu.memory_space<hbm>>) target(%arg6 : memref<37x128xi32, #tpu.memory_space<vmem>>) target_semaphore(%run_scoped3A_21 : memref<!tpu.dma_semaphore, #tpu.memory_space<semaphore_mem>>)
        %dma_wait3A = arith.constant 0 : i32
        %dma_wait3A_29 = arith.constant 0 : i32
        %dma_wait3A_30 = tpu.memref_slice %arg2[%run_scoped3A, %arg1, %dma_wait3A, %dma_wait3A_29] : memref<2x16x37x128xi32, #tpu.memory_space<hbm>> -> memref<1x1x37x128xi32, #tpu.memory_space<hbm>>
        %dma_wait3A_31 = tpu.memref_squeeze %dma_wait3A_30 : memref<1x1x37x128xi32, #tpu.memory_space<hbm>> -> memref<37x128xi32, #tpu.memory_space<hbm>>
        %dma_wait3A_32 = arith.constant 0 : i32
        %dma_wait3A_33 = arith.constant 0 : i32
        %dma_wait3A_34 = tpu.memref_slice %arg2[%run_scoped3A, %arg1, %dma_wait3A_32, %dma_wait3A_33] : memref<2x16x37x128xi32, #tpu.memory_space<hbm>> -> memref<1x1x37x128xi32, #tpu.memory_space<hbm>>
        %dma_wait3A_35 = tpu.memref_squeeze %dma_wait3A_34 : memref<1x1x37x128xi32, #tpu.memory_space<hbm>> -> memref<37x128xi32, #tpu.memory_space<hbm>>
        tpu.wait_dma2 semaphore(%run_scoped3A_21 : memref<!tpu.dma_semaphore, #tpu.memory_space<semaphore_mem>>) src(%dma_wait3A_35 : memref<37x128xi32, #tpu.memory_space<hbm>>) dst(%arg6 : memref<37x128xi32, #tpu.memory_space<vmem>>)
        tpu.yield
      }) : () -> ()
      %scan3A = arith.constant 0 : i32
      %scan3A_7 = arith.constant 10 : i32
      %scan3A_8 = arith.addi %scan3A, %scan3A_7 : i32
      %scan3A_9 = arith.constant 1 : i32
      scf.for %scan3A_21 = %scan3A to %scan3A_8 step %scan3A_9  : i32 {
        %mul3A_22 = arith.constant 1 : i32
        %mul3A_23 = arith.muli %scan3A_21, %mul3A_22 : i32
        %add3A = arith.constant 0 : i32
        %add3A_24 = arith.addi %add3A, %mul3A_23 : i32
        %mul3A_25 = arith.constant 640 : i32
        %mul3A_26 = arith.muli %arg1, %mul3A_25 : i32
        %mul3A_27 = arith.constant 64 : i32
        %mul3A_28 = arith.muli %add3A_24, %mul3A_27 : i32
        %add3A_29 = arith.addi %mul3A_26, %mul3A_28 : i32
        "tpu.region"() ({
          %run_scoped3A_30 = tpu.sem_alloc : memref<!tpu.dma_semaphore, #tpu.memory_space<semaphore_mem>>
          %dma_start3A = arith.constant 0 : i32
          %dma_start3A_31 = tpu.memref_slice %arg9[%add3A_29, %dma_start3A] : memref<10240x128xf32, #tpu.memory_space<vmem_shared>> -> memref<64x128xf32, #tpu.memory_space<vmem_shared>>
          %dma_start3A_32 = arith.constant 0 : i32
          %dma_start3A_33 = tpu.memref_slice %arg9[%add3A_29, %dma_start3A_32] : memref<10240x128xf32, #tpu.memory_space<vmem_shared>> -> memref<64x128xf32, #tpu.memory_space<vmem_shared>>
          tpu.enqueue_dma source(%arg8 : memref<64x128xf32, #tpu.memory_space<vmem>>) target(%dma_start3A_33 : memref<64x128xf32, #tpu.memory_space<vmem_shared>>) target_semaphore(%run_scoped3A_30 : memref<!tpu.dma_semaphore, #tpu.memory_space<semaphore_mem>>)
          %dma_wait3A = arith.constant 0 : i32
          %dma_wait3A_34 = tpu.memref_slice %arg9[%add3A_29, %dma_wait3A] : memref<10240x128xf32, #tpu.memory_space<vmem_shared>> -> memref<64x128xf32, #tpu.memory_space<vmem_shared>>
          %dma_wait3A_35 = arith.constant 0 : i32
          %dma_wait3A_36 = tpu.memref_slice %arg9[%add3A_29, %dma_wait3A_35] : memref<10240x128xf32, #tpu.memory_space<vmem_shared>> -> memref<64x128xf32, #tpu.memory_space<vmem_shared>>
          tpu.wait_dma2 semaphore(%run_scoped3A_30 : memref<!tpu.dma_semaphore, #tpu.memory_space<semaphore_mem>>) src(%arg8 : memref<64x128xf32, #tpu.memory_space<vmem>>) dst(%dma_wait3A_36 : memref<64x128xf32, #tpu.memory_space<vmem_shared>>)
          tpu.yield
        }) : () -> ()
      }
      %scan3A_10 = arith.constant 10 : i32
      %barrier3A = arith.constant 0 : index
      tpu.barrier barrier_id(%barrier3A)
      %scan3A_11 = arith.constant 0 : i32
      %scan3A_12 = arith.constant 37 : i32
      %scan3A_13 = arith.addi %scan3A_11, %scan3A_12 : i32
      %scan3A_14 = arith.constant 1 : i32
      scf.for %scan3A_21 = %scan3A_11 to %scan3A_13 step %scan3A_14  : i32 {
        %mul3A_22 = arith.constant 1 : i32
        %mul3A_23 = arith.muli %scan3A_21, %mul3A_22 : i32
        %add3A = arith.constant 0 : i32
        %add3A_24 = arith.addi %add3A, %mul3A_23 : i32
        "tpu.region"() ({
          %run_scoped3A_25 = tpu.sem_alloc : memref<!tpu.dma_semaphore, #tpu.memory_space<semaphore_mem>>
          %dma_start3A = arith.constant 0 : i32
          %dma_start3A_26 = tpu.memref_slice %arg6[%add3A_24, %dma_start3A] : memref<37x128xi32, #tpu.memory_space<vmem>> -> memref<1x128xi32, #tpu.memory_space<vmem>>
          %dma_start3A_27 = tpu.memref_squeeze %dma_start3A_26 : memref<1x128xi32, #tpu.memory_space<vmem>> -> memref<128xi32, #tpu.memory_space<vmem>>
          %dma_start3A_28 = arith.constant 0 : i32
          %dma_start3A_29 = arith.constant 0 : i32
          %dma_start3A_30 = tpu.memref_slice %arg9[%dma_start3A_28, %dma_start3A_29] : memref<10240x128xf32, #tpu.memory_space<vmem_shared>> -> memref<10240x128xf32, #tpu.memory_space<vmem_shared>>
          tpu.enqueue_indirect_dma source(%arg7 : memref<128x128xf32, #tpu.memory_space<vmem>>) target(%dma_start3A_30 : memref<10240x128xf32, #tpu.memory_space<vmem_shared>>) offsets(%dma_start3A_27 : memref<128xi32, #tpu.memory_space<vmem>>) semaphore(%run_scoped3A_25 : memref<!tpu.dma_semaphore, #tpu.memory_space<semaphore_mem>>) {add = true}
          %dma_wait3A = arith.constant 0 : i32
          %dma_wait3A_31 = tpu.memref_slice %arg6[%add3A_24, %dma_wait3A] : memref<37x128xi32, #tpu.memory_space<vmem>> -> memref<1x128xi32, #tpu.memory_space<vmem>>
          %dma_wait3A_32 = tpu.memref_squeeze %dma_wait3A_31 : memref<1x128xi32, #tpu.memory_space<vmem>> -> memref<128xi32, #tpu.memory_space<vmem>>
          %dma_wait3A_33 = arith.constant 0 : i32
          %dma_wait3A_34 = arith.constant 0 : i32
          %dma_wait3A_35 = tpu.memref_slice %arg9[%dma_wait3A_33, %dma_wait3A_34] : memref<10240x128xf32, #tpu.memory_space<vmem_shared>> -> memref<10240x128xf32, #tpu.memory_space<vmem_shared>>
          tpu.wait_indirect_dma semaphore(%run_scoped3A_25 : memref<!tpu.dma_semaphore, #tpu.memory_space<semaphore_mem>>) src(%arg7 : memref<128x128xf32, #tpu.memory_space<vmem>>) dst(%dma_wait3A_35 : memref<10240x128xf32, #tpu.memory_space<vmem_shared>>)
          tpu.yield
        }) : () -> ()
      }
      %scan3A_15 = arith.constant 37 : i32
      %barrier3A_16 = arith.constant 0 : index
      tpu.barrier barrier_id(%barrier3A_16)
      %mul3A = arith.constant 640 : i32
      %mul3A_17 = arith.muli %arg1, %mul3A : i32
      %mul3A_18 = arith.constant 640 : i32
      %mul3A_19 = arith.muli %arg1, %mul3A_18 : i32
      %run_scoped3A_20 = arith.constant 0 : i32
      "tpu.region"() ({
        %run_scoped3A_21 = tpu.sem_alloc : memref<!tpu.dma_semaphore, #tpu.memory_space<semaphore_mem>>
        %dma_start3A = arith.constant 0 : i32
        %dma_start3A_22 = tpu.memref_slice %arg5[%run_scoped3A_20, %mul3A_19, %dma_start3A] : memref<2x10240x128xf32, #tpu.memory_space<hbm>> -> memref<1x640x128xf32, #tpu.memory_space<hbm>>
        %dma_start3A_23 = tpu.memref_squeeze %dma_start3A_22 : memref<1x640x128xf32, #tpu.memory_space<hbm>> -> memref<640x128xf32, #tpu.memory_space<hbm>>
        %dma_start3A_24 = arith.constant 0 : i32
        %dma_start3A_25 = tpu.memref_slice %arg9[%mul3A_17, %dma_start3A_24] : memref<10240x128xf32, #tpu.memory_space<vmem_shared>> -> memref<640x128xf32, #tpu.memory_space<vmem_shared>>
        tpu.enqueue_dma source(%dma_start3A_25 : memref<640x128xf32, #tpu.memory_space<vmem_shared>>) target(%dma_start3A_23 : memref<640x128xf32, #tpu.memory_space<hbm>>) target_semaphore(%run_scoped3A_21 : memref<!tpu.dma_semaphore, #tpu.memory_space<semaphore_mem>>)
        %dma_wait3A = arith.constant 0 : i32
        %dma_wait3A_26 = tpu.memref_slice %arg5[%run_scoped3A_20, %mul3A_19, %dma_wait3A] : memref<2x10240x128xf32, #tpu.memory_space<hbm>> -> memref<1x640x128xf32, #tpu.memory_space<hbm>>
        %dma_wait3A_27 = tpu.memref_squeeze %dma_wait3A_26 : memref<1x640x128xf32, #tpu.memory_space<hbm>> -> memref<640x128xf32, #tpu.memory_space<hbm>>
        %dma_wait3A_28 = arith.constant 0 : i32
        %dma_wait3A_29 = tpu.memref_slice %arg9[%mul3A_17, %dma_wait3A_28] : memref<10240x128xf32, #tpu.memory_space<vmem_shared>> -> memref<640x128xf32, #tpu.memory_space<vmem_shared>>
        tpu.wait_dma2 semaphore(%run_scoped3A_21 : memref<!tpu.dma_semaphore, #tpu.memory_space<semaphore_mem>>) src(%dma_wait3A_29 : memref<640x128xf32, #tpu.memory_space<vmem_shared>>) dst(%dma_wait3A_27 : memref<640x128xf32, #tpu.memory_space<hbm>>)
        tpu.yield
      }) : () -> ()
    } else {
    }
    %eq3A_2 = arith.constant 1 : i32
    %eq3A_3 = arith.cmpi eq, %arg0, %eq3A_2 : i32
    %convert_element_type3A_4 = arith.extui %eq3A_3 : i1 to i32
    %cond3A_5 = arith.constant 0 : i32
    %cond3A_6 = arith.cmpi ne, %convert_element_type3A_4, %cond3A_5 : i32
    scf.if %cond3A_6 {
      %run_scoped3A = arith.constant 1 : i32
      "tpu.region"() ({
        %run_scoped3A_21 = tpu.sem_alloc : memref<!tpu.dma_semaphore, #tpu.memory_space<semaphore_mem>>
        %dma_start3A = arith.constant 0 : i32
        %dma_start3A_22 = arith.constant 0 : i32
        %dma_start3A_23 = tpu.memref_slice %arg2[%run_scoped3A, %arg1, %dma_start3A, %dma_start3A_22] : memref<2x16x37x128xi32, #tpu.memory_space<hbm>> -> memref<1x1x37x128xi32, #tpu.memory_space<hbm>>
        %dma_start3A_24 = tpu.memref_squeeze %dma_start3A_23 : memref<1x1x37x128xi32, #tpu.memory_space<hbm>> -> memref<37x128xi32, #tpu.memory_space<hbm>>
        %dma_start3A_25 = arith.constant 0 : i32
        %dma_start3A_26 = arith.constant 0 : i32
        %dma_start3A_27 = tpu.memref_slice %arg2[%run_scoped3A, %arg1, %dma_start3A_25, %dma_start3A_26] : memref<2x16x37x128xi32, #tpu.memory_space<hbm>> -> memref<1x1x37x128xi32, #tpu.memory_space<hbm>>
        %dma_start3A_28 = tpu.memref_squeeze %dma_start3A_27 : memref<1x1x37x128xi32, #tpu.memory_space<hbm>> -> memref<37x128xi32, #tpu.memory_space<hbm>>
        tpu.enqueue_dma source(%dma_start3A_28 : memref<37x128xi32, #tpu.memory_space<hbm>>) target(%arg6 : memref<37x128xi32, #tpu.memory_space<vmem>>) target_semaphore(%run_scoped3A_21 : memref<!tpu.dma_semaphore, #tpu.memory_space<semaphore_mem>>)
        %dma_wait3A = arith.constant 0 : i32
        %dma_wait3A_29 = arith.constant 0 : i32
        %dma_wait3A_30 = tpu.memref_slice %arg2[%run_scoped3A, %arg1, %dma_wait3A, %dma_wait3A_29] : memref<2x16x37x128xi32, #tpu.memory_space<hbm>> -> memref<1x1x37x128xi32, #tpu.memory_space<hbm>>
        %dma_wait3A_31 = tpu.memref_squeeze %dma_wait3A_30 : memref<1x1x37x128xi32, #tpu.memory_space<hbm>> -> memref<37x128xi32, #tpu.memory_space<hbm>>
        %dma_wait3A_32 = arith.constant 0 : i32
        %dma_wait3A_33 = arith.constant 0 : i32
        %dma_wait3A_34 = tpu.memref_slice %arg2[%run_scoped3A, %arg1, %dma_wait3A_32, %dma_wait3A_33] : memref<2x16x37x128xi32, #tpu.memory_space<hbm>> -> memref<1x1x37x128xi32, #tpu.memory_space<hbm>>
        %dma_wait3A_35 = tpu.memref_squeeze %dma_wait3A_34 : memref<1x1x37x128xi32, #tpu.memory_space<hbm>> -> memref<37x128xi32, #tpu.memory_space<hbm>>
        tpu.wait_dma2 semaphore(%run_scoped3A_21 : memref<!tpu.dma_semaphore, #tpu.memory_space<semaphore_mem>>) src(%dma_wait3A_35 : memref<37x128xi32, #tpu.memory_space<hbm>>) dst(%arg6 : memref<37x128xi32, #tpu.memory_space<vmem>>)
        tpu.yield
      }) : () -> ()
      %scan3A = arith.constant 0 : i32
      %scan3A_7 = arith.constant 10 : i32
      %scan3A_8 = arith.addi %scan3A, %scan3A_7 : i32
      %scan3A_9 = arith.constant 1 : i32
      scf.for %scan3A_21 = %scan3A to %scan3A_8 step %scan3A_9  : i32 {
        %mul3A_22 = arith.constant 1 : i32
        %mul3A_23 = arith.muli %scan3A_21, %mul3A_22 : i32
        %add3A = arith.constant 0 : i32
        %add3A_24 = arith.addi %add3A, %mul3A_23 : i32
        %mul3A_25 = arith.constant 640 : i32
        %mul3A_26 = arith.muli %arg1, %mul3A_25 : i32
        %mul3A_27 = arith.constant 64 : i32
        %mul3A_28 = arith.muli %add3A_24, %mul3A_27 : i32
        %add3A_29 = arith.addi %mul3A_26, %mul3A_28 : i32
        "tpu.region"() ({
          %run_scoped3A_30 = tpu.sem_alloc : memref<!tpu.dma_semaphore, #tpu.memory_space<semaphore_mem>>
          %dma_start3A = arith.constant 0 : i32
          %dma_start3A_31 = tpu.memref_slice %arg9[%add3A_29, %dma_start3A] : memref<10240x128xf32, #tpu.memory_space<vmem_shared>> -> memref<64x128xf32, #tpu.memory_space<vmem_shared>>
          %dma_start3A_32 = arith.constant 0 : i32
          %dma_start3A_33 = tpu.memref_slice %arg9[%add3A_29, %dma_start3A_32] : memref<10240x128xf32, #tpu.memory_space<vmem_shared>> -> memref<64x128xf32, #tpu.memory_space<vmem_shared>>
          tpu.enqueue_dma source(%arg8 : memref<64x128xf32, #tpu.memory_space<vmem>>) target(%dma_start3A_33 : memref<64x128xf32, #tpu.memory_space<vmem_shared>>) target_semaphore(%run_scoped3A_30 : memref<!tpu.dma_semaphore, #tpu.memory_space<semaphore_mem>>)
          %dma_wait3A = arith.constant 0 : i32
          %dma_wait3A_34 = tpu.memref_slice %arg9[%add3A_29, %dma_wait3A] : memref<10240x128xf32, #tpu.memory_space<vmem_shared>> -> memref<64x128xf32, #tpu.memory_space<vmem_shared>>
          %dma_wait3A_35 = arith.constant 0 : i32
          %dma_wait3A_36 = tpu.memref_slice %arg9[%add3A_29, %dma_wait3A_35] : memref<10240x128xf32, #tpu.memory_space<vmem_shared>> -> memref<64x128xf32, #tpu.memory_space<vmem_shared>>
          tpu.wait_dma2 semaphore(%run_scoped3A_30 : memref<!tpu.dma_semaphore, #tpu.memory_space<semaphore_mem>>) src(%arg8 : memref<64x128xf32, #tpu.memory_space<vmem>>) dst(%dma_wait3A_36 : memref<64x128xf32, #tpu.memory_space<vmem_shared>>)
          tpu.yield
        }) : () -> ()
      }
      %scan3A_10 = arith.constant 10 : i32
      %barrier3A = arith.constant 0 : index
      tpu.barrier barrier_id(%barrier3A)
      %scan3A_11 = arith.constant 0 : i32
      %scan3A_12 = arith.constant 37 : i32
      %scan3A_13 = arith.addi %scan3A_11, %scan3A_12 : i32
      %scan3A_14 = arith.constant 1 : i32
      scf.for %scan3A_21 = %scan3A_11 to %scan3A_13 step %scan3A_14  : i32 {
        %mul3A_22 = arith.constant 1 : i32
        %mul3A_23 = arith.muli %scan3A_21, %mul3A_22 : i32
        %add3A = arith.constant 0 : i32
        %add3A_24 = arith.addi %add3A, %mul3A_23 : i32
        "tpu.region"() ({
          %run_scoped3A_25 = tpu.sem_alloc : memref<!tpu.dma_semaphore, #tpu.memory_space<semaphore_mem>>
          %dma_start3A = arith.constant 0 : i32
          %dma_start3A_26 = tpu.memref_slice %arg6[%add3A_24, %dma_start3A] : memref<37x128xi32, #tpu.memory_space<vmem>> -> memref<1x128xi32, #tpu.memory_space<vmem>>
          %dma_start3A_27 = tpu.memref_squeeze %dma_start3A_26 : memref<1x128xi32, #tpu.memory_space<vmem>> -> memref<128xi32, #tpu.memory_space<vmem>>
          %dma_start3A_28 = arith.constant 0 : i32
          %dma_start3A_29 = arith.constant 0 : i32
          %dma_start3A_30 = tpu.memref_slice %arg9[%dma_start3A_28, %dma_start3A_29] : memref<10240x128xf32, #tpu.memory_space<vmem_shared>> -> memref<10240x128xf32, #tpu.memory_space<vmem_shared>>
          tpu.enqueue_indirect_dma source(%arg7 : memref<128x128xf32, #tpu.memory_space<vmem>>) target(%dma_start3A_30 : memref<10240x128xf32, #tpu.memory_space<vmem_shared>>) offsets(%dma_start3A_27 : memref<128xi32, #tpu.memory_space<vmem>>) semaphore(%run_scoped3A_25 : memref<!tpu.dma_semaphore, #tpu.memory_space<semaphore_mem>>) {add = true}
          %dma_wait3A = arith.constant 0 : i32
          %dma_wait3A_31 = tpu.memref_slice %arg6[%add3A_24, %dma_wait3A] : memref<37x128xi32, #tpu.memory_space<vmem>> -> memref<1x128xi32, #tpu.memory_space<vmem>>
          %dma_wait3A_32 = tpu.memref_squeeze %dma_wait3A_31 : memref<1x128xi32, #tpu.memory_space<vmem>> -> memref<128xi32, #tpu.memory_space<vmem>>
          %dma_wait3A_33 = arith.constant 0 : i32
          %dma_wait3A_34 = arith.constant 0 : i32
          %dma_wait3A_35 = tpu.memref_slice %arg9[%dma_wait3A_33, %dma_wait3A_34] : memref<10240x128xf32, #tpu.memory_space<vmem_shared>> -> memref<10240x128xf32, #tpu.memory_space<vmem_shared>>
          tpu.wait_indirect_dma semaphore(%run_scoped3A_25 : memref<!tpu.dma_semaphore, #tpu.memory_space<semaphore_mem>>) src(%arg7 : memref<128x128xf32, #tpu.memory_space<vmem>>) dst(%dma_wait3A_35 : memref<10240x128xf32, #tpu.memory_space<vmem_shared>>)
          tpu.yield
        }) : () -> ()
      }
      %scan3A_15 = arith.constant 37 : i32
      %barrier3A_16 = arith.constant 0 : index
      tpu.barrier barrier_id(%barrier3A_16)
      %mul3A = arith.constant 640 : i32
      %mul3A_17 = arith.muli %arg1, %mul3A : i32
      %mul3A_18 = arith.constant 640 : i32
      %mul3A_19 = arith.muli %arg1, %mul3A_18 : i32
      %run_scoped3A_20 = arith.constant 1 : i32
      "tpu.region"() ({
        %run_scoped3A_21 = tpu.sem_alloc : memref<!tpu.dma_semaphore, #tpu.memory_space<semaphore_mem>>
        %dma_start3A = arith.constant 0 : i32
        %dma_start3A_22 = tpu.memref_slice %arg5[%run_scoped3A_20, %mul3A_19, %dma_start3A] : memref<2x10240x128xf32, #tpu.memory_space<hbm>> -> memref<1x640x128xf32, #tpu.memory_space<hbm>>
        %dma_start3A_23 = tpu.memref_squeeze %dma_start3A_22 : memref<1x640x128xf32, #tpu.memory_space<hbm>> -> memref<640x128xf32, #tpu.memory_space<hbm>>
        %dma_start3A_24 = arith.constant 0 : i32
        %dma_start3A_25 = tpu.memref_slice %arg9[%mul3A_17, %dma_start3A_24] : memref<10240x128xf32, #tpu.memory_space<vmem_shared>> -> memref<640x128xf32, #tpu.memory_space<vmem_shared>>
        tpu.enqueue_dma source(%dma_start3A_25 : memref<640x128xf32, #tpu.memory_space<vmem_shared>>) target(%dma_start3A_23 : memref<640x128xf32, #tpu.memory_space<hbm>>) target_semaphore(%run_scoped3A_21 : memref<!tpu.dma_semaphore, #tpu.memory_space<semaphore_mem>>)
        %dma_wait3A = arith.constant 0 : i32
        %dma_wait3A_26 = tpu.memref_slice %arg5[%run_scoped3A_20, %mul3A_19, %dma_wait3A] : memref<2x10240x128xf32, #tpu.memory_space<hbm>> -> memref<1x640x128xf32, #tpu.memory_space<hbm>>
        %dma_wait3A_27 = tpu.memref_squeeze %dma_wait3A_26 : memref<1x640x128xf32, #tpu.memory_space<hbm>> -> memref<640x128xf32, #tpu.memory_space<hbm>>
        %dma_wait3A_28 = arith.constant 0 : i32
        %dma_wait3A_29 = tpu.memref_slice %arg9[%mul3A_17, %dma_wait3A_28] : memref<10240x128xf32, #tpu.memory_space<vmem_shared>> -> memref<640x128xf32, #tpu.memory_space<vmem_shared>>
        tpu.wait_dma2 semaphore(%run_scoped3A_21 : memref<!tpu.dma_semaphore, #tpu.memory_space<semaphore_mem>>) src(%dma_wait3A_29 : memref<640x128xf32, #tpu.memory_space<vmem_shared>>) dst(%dma_wait3A_27 : memref<640x128xf32, #tpu.memory_space<hbm>>)
        tpu.yield
      }) : () -> ()
    } else {
    }
    return
  }
}

#map = affine_map<(d0, d1) -> (0, 0, 0)>
#map1 = affine_map<(d0, d1) -> (0, 0, 0, 0)>
#map2 = affine_map<(d0, d1) -> (0, 0)>
module attributes {stable_mosaic.version = 14 : i64} {
  func.func @_agg_body(%arg0: i32, %arg1: i32, %arg2: memref<4x10240x128xf32, #tpu.memory_space<hbm>>, %arg3: memref<2x16x37x128xi32, #tpu.memory_space<hbm>>, %arg4: memref<2x16x37x128xi32, #tpu.memory_space<hbm>>, %arg5: memref<64x128xf32, #tpu.memory_space<hbm>>, %arg6: memref<4x10240x128xf32, #tpu.memory_space<hbm>>, %arg7: memref<4x10240x128xf32, #tpu.memory_space<hbm>>, %arg8: memref<37x128xi32, #tpu.memory_space<vmem>>, %arg9: memref<37x128xi32, #tpu.memory_space<vmem>>, %arg10: memref<128x128xf32, #tpu.memory_space<vmem>>, %arg11: memref<64x128xf32, #tpu.memory_space<vmem>>, %arg12: memref<10240x128xf32, #tpu.memory_space<vmem_shared>>) attributes {dimension_semantics = [#tpu.dimension_semantics<core_parallel>, #tpu.dimension_semantics<subcore_parallel>], iteration_bounds = array<i64: 2, 16>, scalar_prefetch = 0 : i64, scratch_operands = 5 : i64, tpu.core_type = #tpu.core_type<sc_vector_subcore>, window_params = [{transform_indices = #map}, {transform_indices = #map1}, {transform_indices = #map1}, {transform_indices = #map2}, {transform_indices = #map}, {transform_indices = #map}]} {
    "tpu.region"() ({
      %run_scoped3A = tpu.sem_alloc : memref<!tpu.dma_semaphore, #tpu.memory_space<semaphore_mem>>
      tpu.enqueue_dma source(%arg5 : memref<64x128xf32, #tpu.memory_space<hbm>>) target(%arg11 : memref<64x128xf32, #tpu.memory_space<vmem>>) target_semaphore(%run_scoped3A : memref<!tpu.dma_semaphore, #tpu.memory_space<semaphore_mem>>)
      tpu.wait_dma2 semaphore(%run_scoped3A : memref<!tpu.dma_semaphore, #tpu.memory_space<semaphore_mem>>) src(%arg5 : memref<64x128xf32, #tpu.memory_space<hbm>>) dst(%arg11 : memref<64x128xf32, #tpu.memory_space<vmem>>)
      tpu.yield
    }) : () -> ()
    %eq3A = arith.constant 0 : i32
    %eq3A_0 = arith.cmpi eq, %arg0, %eq3A : i32
    %convert_element_type3A = arith.extui %eq3A_0 : i1 to i32
    %cond3A = arith.constant 0 : i32
    %cond3A_1 = arith.cmpi ne, %convert_element_type3A, %cond3A : i32
    scf.if %cond3A_1 {
      %run_scoped3A = arith.constant 0 : i32
      "tpu.region"() ({
        %run_scoped3A_73 = tpu.sem_alloc : memref<!tpu.dma_semaphore, #tpu.memory_space<semaphore_mem>>
        %dma_start3A = arith.constant 0 : i32
        %dma_start3A_74 = arith.constant 0 : i32
        %dma_start3A_75 = tpu.memref_slice %arg3[%run_scoped3A, %arg1, %dma_start3A, %dma_start3A_74] : memref<2x16x37x128xi32, #tpu.memory_space<hbm>> -> memref<1x1x37x128xi32, #tpu.memory_space<hbm>>
        %dma_start3A_76 = tpu.memref_squeeze %dma_start3A_75 : memref<1x1x37x128xi32, #tpu.memory_space<hbm>> -> memref<37x128xi32, #tpu.memory_space<hbm>>
        %dma_start3A_77 = arith.constant 0 : i32
        %dma_start3A_78 = arith.constant 0 : i32
        %dma_start3A_79 = tpu.memref_slice %arg3[%run_scoped3A, %arg1, %dma_start3A_77, %dma_start3A_78] : memref<2x16x37x128xi32, #tpu.memory_space<hbm>> -> memref<1x1x37x128xi32, #tpu.memory_space<hbm>>
        %dma_start3A_80 = tpu.memref_squeeze %dma_start3A_79 : memref<1x1x37x128xi32, #tpu.memory_space<hbm>> -> memref<37x128xi32, #tpu.memory_space<hbm>>
        tpu.enqueue_dma source(%dma_start3A_80 : memref<37x128xi32, #tpu.memory_space<hbm>>) target(%arg8 : memref<37x128xi32, #tpu.memory_space<vmem>>) target_semaphore(%run_scoped3A_73 : memref<!tpu.dma_semaphore, #tpu.memory_space<semaphore_mem>>)
        %dma_wait3A = arith.constant 0 : i32
        %dma_wait3A_81 = arith.constant 0 : i32
        %dma_wait3A_82 = tpu.memref_slice %arg3[%run_scoped3A, %arg1, %dma_wait3A, %dma_wait3A_81] : memref<2x16x37x128xi32, #tpu.memory_space<hbm>> -> memref<1x1x37x128xi32, #tpu.memory_space<hbm>>
        %dma_wait3A_83 = tpu.memref_squeeze %dma_wait3A_82 : memref<1x1x37x128xi32, #tpu.memory_space<hbm>> -> memref<37x128xi32, #tpu.memory_space<hbm>>
        %dma_wait3A_84 = arith.constant 0 : i32
        %dma_wait3A_85 = arith.constant 0 : i32
        %dma_wait3A_86 = tpu.memref_slice %arg3[%run_scoped3A, %arg1, %dma_wait3A_84, %dma_wait3A_85] : memref<2x16x37x128xi32, #tpu.memory_space<hbm>> -> memref<1x1x37x128xi32, #tpu.memory_space<hbm>>
        %dma_wait3A_87 = tpu.memref_squeeze %dma_wait3A_86 : memref<1x1x37x128xi32, #tpu.memory_space<hbm>> -> memref<37x128xi32, #tpu.memory_space<hbm>>
        tpu.wait_dma2 semaphore(%run_scoped3A_73 : memref<!tpu.dma_semaphore, #tpu.memory_space<semaphore_mem>>) src(%dma_wait3A_87 : memref<37x128xi32, #tpu.memory_space<hbm>>) dst(%arg8 : memref<37x128xi32, #tpu.memory_space<vmem>>)
        tpu.yield
      }) : () -> ()
      %run_scoped3A_7 = arith.constant 0 : i32
      "tpu.region"() ({
        %run_scoped3A_73 = tpu.sem_alloc : memref<!tpu.dma_semaphore, #tpu.memory_space<semaphore_mem>>
        %dma_start3A = arith.constant 0 : i32
        %dma_start3A_74 = arith.constant 0 : i32
        %dma_start3A_75 = tpu.memref_slice %arg4[%run_scoped3A_7, %arg1, %dma_start3A, %dma_start3A_74] : memref<2x16x37x128xi32, #tpu.memory_space<hbm>> -> memref<1x1x37x128xi32, #tpu.memory_space<hbm>>
        %dma_start3A_76 = tpu.memref_squeeze %dma_start3A_75 : memref<1x1x37x128xi32, #tpu.memory_space<hbm>> -> memref<37x128xi32, #tpu.memory_space<hbm>>
        %dma_start3A_77 = arith.constant 0 : i32
        %dma_start3A_78 = arith.constant 0 : i32
        %dma_start3A_79 = tpu.memref_slice %arg4[%run_scoped3A_7, %arg1, %dma_start3A_77, %dma_start3A_78] : memref<2x16x37x128xi32, #tpu.memory_space<hbm>> -> memref<1x1x37x128xi32, #tpu.memory_space<hbm>>
        %dma_start3A_80 = tpu.memref_squeeze %dma_start3A_79 : memref<1x1x37x128xi32, #tpu.memory_space<hbm>> -> memref<37x128xi32, #tpu.memory_space<hbm>>
        tpu.enqueue_dma source(%dma_start3A_80 : memref<37x128xi32, #tpu.memory_space<hbm>>) target(%arg9 : memref<37x128xi32, #tpu.memory_space<vmem>>) target_semaphore(%run_scoped3A_73 : memref<!tpu.dma_semaphore, #tpu.memory_space<semaphore_mem>>)
        %dma_wait3A = arith.constant 0 : i32
        %dma_wait3A_81 = arith.constant 0 : i32
        %dma_wait3A_82 = tpu.memref_slice %arg4[%run_scoped3A_7, %arg1, %dma_wait3A, %dma_wait3A_81] : memref<2x16x37x128xi32, #tpu.memory_space<hbm>> -> memref<1x1x37x128xi32, #tpu.memory_space<hbm>>
        %dma_wait3A_83 = tpu.memref_squeeze %dma_wait3A_82 : memref<1x1x37x128xi32, #tpu.memory_space<hbm>> -> memref<37x128xi32, #tpu.memory_space<hbm>>
        %dma_wait3A_84 = arith.constant 0 : i32
        %dma_wait3A_85 = arith.constant 0 : i32
        %dma_wait3A_86 = tpu.memref_slice %arg4[%run_scoped3A_7, %arg1, %dma_wait3A_84, %dma_wait3A_85] : memref<2x16x37x128xi32, #tpu.memory_space<hbm>> -> memref<1x1x37x128xi32, #tpu.memory_space<hbm>>
        %dma_wait3A_87 = tpu.memref_squeeze %dma_wait3A_86 : memref<1x1x37x128xi32, #tpu.memory_space<hbm>> -> memref<37x128xi32, #tpu.memory_space<hbm>>
        tpu.wait_dma2 semaphore(%run_scoped3A_73 : memref<!tpu.dma_semaphore, #tpu.memory_space<semaphore_mem>>) src(%dma_wait3A_87 : memref<37x128xi32, #tpu.memory_space<hbm>>) dst(%arg9 : memref<37x128xi32, #tpu.memory_space<vmem>>)
        tpu.yield
      }) : () -> ()
      %scan3A = arith.constant 0 : i32
      %scan3A_8 = arith.constant 10 : i32
      %scan3A_9 = arith.addi %scan3A, %scan3A_8 : i32
      %scan3A_10 = arith.constant 1 : i32
      scf.for %scan3A_73 = %scan3A to %scan3A_9 step %scan3A_10  : i32 {
        %mul3A_74 = arith.constant 1 : i32
        %mul3A_75 = arith.muli %scan3A_73, %mul3A_74 : i32
        %add3A = arith.constant 0 : i32
        %add3A_76 = arith.addi %add3A, %mul3A_75 : i32
        %mul3A_77 = arith.constant 640 : i32
        %mul3A_78 = arith.muli %arg1, %mul3A_77 : i32
        %mul3A_79 = arith.constant 64 : i32
        %mul3A_80 = arith.muli %add3A_76, %mul3A_79 : i32
        %add3A_81 = arith.addi %mul3A_78, %mul3A_80 : i32
        "tpu.region"() ({
          %run_scoped3A_82 = tpu.sem_alloc : memref<!tpu.dma_semaphore, #tpu.memory_space<semaphore_mem>>
          %dma_start3A = arith.constant 0 : i32
          %dma_start3A_83 = tpu.memref_slice %arg12[%add3A_81, %dma_start3A] : memref<10240x128xf32, #tpu.memory_space<vmem_shared>> -> memref<64x128xf32, #tpu.memory_space<vmem_shared>>
          %dma_start3A_84 = arith.constant 0 : i32
          %dma_start3A_85 = tpu.memref_slice %arg12[%add3A_81, %dma_start3A_84] : memref<10240x128xf32, #tpu.memory_space<vmem_shared>> -> memref<64x128xf32, #tpu.memory_space<vmem_shared>>
          tpu.enqueue_dma source(%arg11 : memref<64x128xf32, #tpu.memory_space<vmem>>) target(%dma_start3A_85 : memref<64x128xf32, #tpu.memory_space<vmem_shared>>) target_semaphore(%run_scoped3A_82 : memref<!tpu.dma_semaphore, #tpu.memory_space<semaphore_mem>>)
          %dma_wait3A = arith.constant 0 : i32
          %dma_wait3A_86 = tpu.memref_slice %arg12[%add3A_81, %dma_wait3A] : memref<10240x128xf32, #tpu.memory_space<vmem_shared>> -> memref<64x128xf32, #tpu.memory_space<vmem_shared>>
          %dma_wait3A_87 = arith.constant 0 : i32
          %dma_wait3A_88 = tpu.memref_slice %arg12[%add3A_81, %dma_wait3A_87] : memref<10240x128xf32, #tpu.memory_space<vmem_shared>> -> memref<64x128xf32, #tpu.memory_space<vmem_shared>>
          tpu.wait_dma2 semaphore(%run_scoped3A_82 : memref<!tpu.dma_semaphore, #tpu.memory_space<semaphore_mem>>) src(%arg11 : memref<64x128xf32, #tpu.memory_space<vmem>>) dst(%dma_wait3A_88 : memref<64x128xf32, #tpu.memory_space<vmem_shared>>)
          tpu.yield
        }) : () -> ()
      }
      %scan3A_11 = arith.constant 10 : i32
      %barrier3A = arith.constant 0 : index
      tpu.barrier barrier_id(%barrier3A)
      %scan3A_12 = arith.constant 0 : i32
      %scan3A_13 = arith.constant 37 : i32
      %scan3A_14 = arith.addi %scan3A_12, %scan3A_13 : i32
      %scan3A_15 = arith.constant 1 : i32
      scf.for %scan3A_73 = %scan3A_12 to %scan3A_14 step %scan3A_15  : i32 {
        %mul3A_74 = arith.constant 1 : i32
        %mul3A_75 = arith.muli %scan3A_73, %mul3A_74 : i32
        %add3A = arith.constant 0 : i32
        %add3A_76 = arith.addi %add3A, %mul3A_75 : i32
        %run_scoped3A_77 = arith.constant 0 : i32
        "tpu.region"() ({
          %run_scoped3A_78 = tpu.sem_alloc : memref<!tpu.dma_semaphore, #tpu.memory_space<semaphore_mem>>
          %dma_start3A = arith.constant 0 : i32
          %dma_start3A_79 = tpu.memref_slice %arg8[%add3A_76, %dma_start3A] : memref<37x128xi32, #tpu.memory_space<vmem>> -> memref<1x128xi32, #tpu.memory_space<vmem>>
          %dma_start3A_80 = tpu.memref_squeeze %dma_start3A_79 : memref<1x128xi32, #tpu.memory_space<vmem>> -> memref<128xi32, #tpu.memory_space<vmem>>
          %dma_start3A_81 = arith.constant 0 : i32
          %dma_start3A_82 = arith.constant 0 : i32
          %dma_start3A_83 = tpu.memref_slice %arg2[%run_scoped3A_77, %dma_start3A_81, %dma_start3A_82] : memref<4x10240x128xf32, #tpu.memory_space<hbm>> -> memref<1x10240x128xf32, #tpu.memory_space<hbm>>
          %dma_start3A_84 = tpu.memref_squeeze %dma_start3A_83 : memref<1x10240x128xf32, #tpu.memory_space<hbm>> -> memref<10240x128xf32, #tpu.memory_space<hbm>>
          %dma_start3A_85 = arith.constant 0 : i32
          %dma_start3A_86 = arith.constant 0 : i32
          %dma_start3A_87 = tpu.memref_slice %dma_start3A_84[%dma_start3A_85, %dma_start3A_86] : memref<10240x128xf32, #tpu.memory_space<hbm>> -> memref<10240x128xf32, #tpu.memory_space<hbm>>
          tpu.enqueue_indirect_dma source(%dma_start3A_87 : memref<10240x128xf32, #tpu.memory_space<hbm>>) target(%arg10 : memref<128x128xf32, #tpu.memory_space<vmem>>) offsets(%dma_start3A_80 : memref<128xi32, #tpu.memory_space<vmem>>) semaphore(%run_scoped3A_78 : memref<!tpu.dma_semaphore, #tpu.memory_space<semaphore_mem>>)
          %dma_wait3A = arith.constant 0 : i32
          %dma_wait3A_88 = tpu.memref_slice %arg8[%add3A_76, %dma_wait3A] : memref<37x128xi32, #tpu.memory_space<vmem>> -> memref<1x128xi32, #tpu.memory_space<vmem>>
          %dma_wait3A_89 = tpu.memref_squeeze %dma_wait3A_88 : memref<1x128xi32, #tpu.memory_space<vmem>> -> memref<128xi32, #tpu.memory_space<vmem>>
          %dma_wait3A_90 = arith.constant 0 : i32
          %dma_wait3A_91 = arith.constant 0 : i32
          %dma_wait3A_92 = tpu.memref_slice %arg2[%run_scoped3A_77, %dma_wait3A_90, %dma_wait3A_91] : memref<4x10240x128xf32, #tpu.memory_space<hbm>> -> memref<1x10240x128xf32, #tpu.memory_space<hbm>>
          %dma_wait3A_93 = tpu.memref_squeeze %dma_wait3A_92 : memref<1x10240x128xf32, #tpu.memory_space<hbm>> -> memref<10240x128xf32, #tpu.memory_space<hbm>>
          %dma_wait3A_94 = arith.constant 0 : i32
          %dma_wait3A_95 = arith.constant 0 : i32
          %dma_wait3A_96 = tpu.memref_slice %dma_wait3A_93[%dma_wait3A_94, %dma_wait3A_95] : memref<10240x128xf32, #tpu.memory_space<hbm>> -> memref<10240x128xf32, #tpu.memory_space<hbm>>
          tpu.wait_indirect_dma semaphore(%run_scoped3A_78 : memref<!tpu.dma_semaphore, #tpu.memory_space<semaphore_mem>>) src(%dma_wait3A_96 : memref<10240x128xf32, #tpu.memory_space<hbm>>) dst(%arg10 : memref<128x128xf32, #tpu.memory_space<vmem>>)
          tpu.yield
        }) : () -> ()
        "tpu.region"() ({
          %run_scoped3A_78 = tpu.sem_alloc : memref<!tpu.dma_semaphore, #tpu.memory_space<semaphore_mem>>
          %dma_start3A = arith.constant 0 : i32
          %dma_start3A_79 = tpu.memref_slice %arg9[%add3A_76, %dma_start3A] : memref<37x128xi32, #tpu.memory_space<vmem>> -> memref<1x128xi32, #tpu.memory_space<vmem>>
          %dma_start3A_80 = tpu.memref_squeeze %dma_start3A_79 : memref<1x128xi32, #tpu.memory_space<vmem>> -> memref<128xi32, #tpu.memory_space<vmem>>
          %dma_start3A_81 = arith.constant 0 : i32
          %dma_start3A_82 = arith.constant 0 : i32
          %dma_start3A_83 = tpu.memref_slice %arg12[%dma_start3A_81, %dma_start3A_82] : memref<10240x128xf32, #tpu.memory_space<vmem_shared>> -> memref<10240x128xf32, #tpu.memory_space<vmem_shared>>
          tpu.enqueue_indirect_dma source(%arg10 : memref<128x128xf32, #tpu.memory_space<vmem>>) target(%dma_start3A_83 : memref<10240x128xf32, #tpu.memory_space<vmem_shared>>) offsets(%dma_start3A_80 : memref<128xi32, #tpu.memory_space<vmem>>) semaphore(%run_scoped3A_78 : memref<!tpu.dma_semaphore, #tpu.memory_space<semaphore_mem>>) {add = true}
          %dma_wait3A = arith.constant 0 : i32
          %dma_wait3A_84 = tpu.memref_slice %arg9[%add3A_76, %dma_wait3A] : memref<37x128xi32, #tpu.memory_space<vmem>> -> memref<1x128xi32, #tpu.memory_space<vmem>>
          %dma_wait3A_85 = tpu.memref_squeeze %dma_wait3A_84 : memref<1x128xi32, #tpu.memory_space<vmem>> -> memref<128xi32, #tpu.memory_space<vmem>>
          %dma_wait3A_86 = arith.constant 0 : i32
          %dma_wait3A_87 = arith.constant 0 : i32
          %dma_wait3A_88 = tpu.memref_slice %arg12[%dma_wait3A_86, %dma_wait3A_87] : memref<10240x128xf32, #tpu.memory_space<vmem_shared>> -> memref<10240x128xf32, #tpu.memory_space<vmem_shared>>
          tpu.wait_indirect_dma semaphore(%run_scoped3A_78 : memref<!tpu.dma_semaphore, #tpu.memory_space<semaphore_mem>>) src(%arg10 : memref<128x128xf32, #tpu.memory_space<vmem>>) dst(%dma_wait3A_88 : memref<10240x128xf32, #tpu.memory_space<vmem_shared>>)
          tpu.yield
        }) : () -> ()
      }
      %scan3A_16 = arith.constant 37 : i32
      %barrier3A_17 = arith.constant 0 : index
      tpu.barrier barrier_id(%barrier3A_17)
      %mul3A = arith.constant 640 : i32
      %mul3A_18 = arith.muli %arg1, %mul3A : i32
      %mul3A_19 = arith.constant 640 : i32
      %mul3A_20 = arith.muli %arg1, %mul3A_19 : i32
      %run_scoped3A_21 = arith.constant 0 : i32
      "tpu.region"() ({
        %run_scoped3A_73 = tpu.sem_alloc : memref<!tpu.dma_semaphore, #tpu.memory_space<semaphore_mem>>
        %dma_start3A = arith.constant 0 : i32
        %dma_start3A_74 = tpu.memref_slice %arg6[%run_scoped3A_21, %mul3A_20, %dma_start3A] : memref<4x10240x128xf32, #tpu.memory_space<hbm>> -> memref<1x640x128xf32, #tpu.memory_space<hbm>>
        %dma_start3A_75 = tpu.memref_squeeze %dma_start3A_74 : memref<1x640x128xf32, #tpu.memory_space<hbm>> -> memref<640x128xf32, #tpu.memory_space<hbm>>
        %dma_start3A_76 = arith.constant 0 : i32
        %dma_start3A_77 = tpu.memref_slice %arg12[%mul3A_18, %dma_start3A_76] : memref<10240x128xf32, #tpu.memory_space<vmem_shared>> -> memref<640x128xf32, #tpu.memory_space<vmem_shared>>
        tpu.enqueue_dma source(%dma_start3A_77 : memref<640x128xf32, #tpu.memory_space<vmem_shared>>) target(%dma_start3A_75 : memref<640x128xf32, #tpu.memory_space<hbm>>) target_semaphore(%run_scoped3A_73 : memref<!tpu.dma_semaphore, #tpu.memory_space<semaphore_mem>>)
        %dma_wait3A = arith.constant 0 : i32
        %dma_wait3A_78 = tpu.memref_slice %arg6[%run_scoped3A_21, %mul3A_20, %dma_wait3A] : memref<4x10240x128xf32, #tpu.memory_space<hbm>> -> memref<1x640x128xf32, #tpu.memory_space<hbm>>
        %dma_wait3A_79 = tpu.memref_squeeze %dma_wait3A_78 : memref<1x640x128xf32, #tpu.memory_space<hbm>> -> memref<640x128xf32, #tpu.memory_space<hbm>>
        %dma_wait3A_80 = arith.constant 0 : i32
        %dma_wait3A_81 = tpu.memref_slice %arg12[%mul3A_18, %dma_wait3A_80] : memref<10240x128xf32, #tpu.memory_space<vmem_shared>> -> memref<640x128xf32, #tpu.memory_space<vmem_shared>>
        tpu.wait_dma2 semaphore(%run_scoped3A_73 : memref<!tpu.dma_semaphore, #tpu.memory_space<semaphore_mem>>) src(%dma_wait3A_81 : memref<640x128xf32, #tpu.memory_space<vmem_shared>>) dst(%dma_wait3A_79 : memref<640x128xf32, #tpu.memory_space<hbm>>)
        tpu.yield
      }) : () -> ()
      %scan3A_22 = arith.constant 0 : i32
      %scan3A_23 = arith.constant 10 : i32
      %scan3A_24 = arith.addi %scan3A_22, %scan3A_23 : i32
      %scan3A_25 = arith.constant 1 : i32
      scf.for %scan3A_73 = %scan3A_22 to %scan3A_24 step %scan3A_25  : i32 {
        %mul3A_74 = arith.constant 1 : i32
        %mul3A_75 = arith.muli %scan3A_73, %mul3A_74 : i32
        %add3A = arith.constant 0 : i32
        %add3A_76 = arith.addi %add3A, %mul3A_75 : i32
        %mul3A_77 = arith.constant 640 : i32
        %mul3A_78 = arith.muli %arg1, %mul3A_77 : i32
        %mul3A_79 = arith.constant 64 : i32
        %mul3A_80 = arith.muli %add3A_76, %mul3A_79 : i32
        %add3A_81 = arith.addi %mul3A_78, %mul3A_80 : i32
        "tpu.region"() ({
          %run_scoped3A_82 = tpu.sem_alloc : memref<!tpu.dma_semaphore, #tpu.memory_space<semaphore_mem>>
          %dma_start3A = arith.constant 0 : i32
          %dma_start3A_83 = tpu.memref_slice %arg12[%add3A_81, %dma_start3A] : memref<10240x128xf32, #tpu.memory_space<vmem_shared>> -> memref<64x128xf32, #tpu.memory_space<vmem_shared>>
          %dma_start3A_84 = arith.constant 0 : i32
          %dma_start3A_85 = tpu.memref_slice %arg12[%add3A_81, %dma_start3A_84] : memref<10240x128xf32, #tpu.memory_space<vmem_shared>> -> memref<64x128xf32, #tpu.memory_space<vmem_shared>>
          tpu.enqueue_dma source(%arg11 : memref<64x128xf32, #tpu.memory_space<vmem>>) target(%dma_start3A_85 : memref<64x128xf32, #tpu.memory_space<vmem_shared>>) target_semaphore(%run_scoped3A_82 : memref<!tpu.dma_semaphore, #tpu.memory_space<semaphore_mem>>)
          %dma_wait3A = arith.constant 0 : i32
          %dma_wait3A_86 = tpu.memref_slice %arg12[%add3A_81, %dma_wait3A] : memref<10240x128xf32, #tpu.memory_space<vmem_shared>> -> memref<64x128xf32, #tpu.memory_space<vmem_shared>>
          %dma_wait3A_87 = arith.constant 0 : i32
          %dma_wait3A_88 = tpu.memref_slice %arg12[%add3A_81, %dma_wait3A_87] : memref<10240x128xf32, #tpu.memory_space<vmem_shared>> -> memref<64x128xf32, #tpu.memory_space<vmem_shared>>
          tpu.wait_dma2 semaphore(%run_scoped3A_82 : memref<!tpu.dma_semaphore, #tpu.memory_space<semaphore_mem>>) src(%arg11 : memref<64x128xf32, #tpu.memory_space<vmem>>) dst(%dma_wait3A_88 : memref<64x128xf32, #tpu.memory_space<vmem_shared>>)
          tpu.yield
        }) : () -> ()
      }
      %scan3A_26 = arith.constant 10 : i32
      %barrier3A_27 = arith.constant 0 : index
      tpu.barrier barrier_id(%barrier3A_27)
      %scan3A_28 = arith.constant 0 : i32
      %scan3A_29 = arith.constant 37 : i32
      %scan3A_30 = arith.addi %scan3A_28, %scan3A_29 : i32
      %scan3A_31 = arith.constant 1 : i32
      scf.for %scan3A_73 = %scan3A_28 to %scan3A_30 step %scan3A_31  : i32 {
        %mul3A_74 = arith.constant 1 : i32
        %mul3A_75 = arith.muli %scan3A_73, %mul3A_74 : i32
        %add3A = arith.constant 0 : i32
        %add3A_76 = arith.addi %add3A, %mul3A_75 : i32
        %run_scoped3A_77 = arith.constant 1 : i32
        "tpu.region"() ({
          %run_scoped3A_78 = tpu.sem_alloc : memref<!tpu.dma_semaphore, #tpu.memory_space<semaphore_mem>>
          %dma_start3A = arith.constant 0 : i32
          %dma_start3A_79 = tpu.memref_slice %arg8[%add3A_76, %dma_start3A] : memref<37x128xi32, #tpu.memory_space<vmem>> -> memref<1x128xi32, #tpu.memory_space<vmem>>
          %dma_start3A_80 = tpu.memref_squeeze %dma_start3A_79 : memref<1x128xi32, #tpu.memory_space<vmem>> -> memref<128xi32, #tpu.memory_space<vmem>>
          %dma_start3A_81 = arith.constant 0 : i32
          %dma_start3A_82 = arith.constant 0 : i32
          %dma_start3A_83 = tpu.memref_slice %arg2[%run_scoped3A_77, %dma_start3A_81, %dma_start3A_82] : memref<4x10240x128xf32, #tpu.memory_space<hbm>> -> memref<1x10240x128xf32, #tpu.memory_space<hbm>>
          %dma_start3A_84 = tpu.memref_squeeze %dma_start3A_83 : memref<1x10240x128xf32, #tpu.memory_space<hbm>> -> memref<10240x128xf32, #tpu.memory_space<hbm>>
          %dma_start3A_85 = arith.constant 0 : i32
          %dma_start3A_86 = arith.constant 0 : i32
          %dma_start3A_87 = tpu.memref_slice %dma_start3A_84[%dma_start3A_85, %dma_start3A_86] : memref<10240x128xf32, #tpu.memory_space<hbm>> -> memref<10240x128xf32, #tpu.memory_space<hbm>>
          tpu.enqueue_indirect_dma source(%dma_start3A_87 : memref<10240x128xf32, #tpu.memory_space<hbm>>) target(%arg10 : memref<128x128xf32, #tpu.memory_space<vmem>>) offsets(%dma_start3A_80 : memref<128xi32, #tpu.memory_space<vmem>>) semaphore(%run_scoped3A_78 : memref<!tpu.dma_semaphore, #tpu.memory_space<semaphore_mem>>)
          %dma_wait3A = arith.constant 0 : i32
          %dma_wait3A_88 = tpu.memref_slice %arg8[%add3A_76, %dma_wait3A] : memref<37x128xi32, #tpu.memory_space<vmem>> -> memref<1x128xi32, #tpu.memory_space<vmem>>
          %dma_wait3A_89 = tpu.memref_squeeze %dma_wait3A_88 : memref<1x128xi32, #tpu.memory_space<vmem>> -> memref<128xi32, #tpu.memory_space<vmem>>
          %dma_wait3A_90 = arith.constant 0 : i32
          %dma_wait3A_91 = arith.constant 0 : i32
          %dma_wait3A_92 = tpu.memref_slice %arg2[%run_scoped3A_77, %dma_wait3A_90, %dma_wait3A_91] : memref<4x10240x128xf32, #tpu.memory_space<hbm>> -> memref<1x10240x128xf32, #tpu.memory_space<hbm>>
          %dma_wait3A_93 = tpu.memref_squeeze %dma_wait3A_92 : memref<1x10240x128xf32, #tpu.memory_space<hbm>> -> memref<10240x128xf32, #tpu.memory_space<hbm>>
          %dma_wait3A_94 = arith.constant 0 : i32
          %dma_wait3A_95 = arith.constant 0 : i32
          %dma_wait3A_96 = tpu.memref_slice %dma_wait3A_93[%dma_wait3A_94, %dma_wait3A_95] : memref<10240x128xf32, #tpu.memory_space<hbm>> -> memref<10240x128xf32, #tpu.memory_space<hbm>>
          tpu.wait_indirect_dma semaphore(%run_scoped3A_78 : memref<!tpu.dma_semaphore, #tpu.memory_space<semaphore_mem>>) src(%dma_wait3A_96 : memref<10240x128xf32, #tpu.memory_space<hbm>>) dst(%arg10 : memref<128x128xf32, #tpu.memory_space<vmem>>)
          tpu.yield
        }) : () -> ()
        "tpu.region"() ({
          %run_scoped3A_78 = tpu.sem_alloc : memref<!tpu.dma_semaphore, #tpu.memory_space<semaphore_mem>>
          %dma_start3A = arith.constant 0 : i32
          %dma_start3A_79 = tpu.memref_slice %arg9[%add3A_76, %dma_start3A] : memref<37x128xi32, #tpu.memory_space<vmem>> -> memref<1x128xi32, #tpu.memory_space<vmem>>
          %dma_start3A_80 = tpu.memref_squeeze %dma_start3A_79 : memref<1x128xi32, #tpu.memory_space<vmem>> -> memref<128xi32, #tpu.memory_space<vmem>>
          %dma_start3A_81 = arith.constant 0 : i32
          %dma_start3A_82 = arith.constant 0 : i32
          %dma_start3A_83 = tpu.memref_slice %arg12[%dma_start3A_81, %dma_start3A_82] : memref<10240x128xf32, #tpu.memory_space<vmem_shared>> -> memref<10240x128xf32, #tpu.memory_space<vmem_shared>>
          tpu.enqueue_indirect_dma source(%arg10 : memref<128x128xf32, #tpu.memory_space<vmem>>) target(%dma_start3A_83 : memref<10240x128xf32, #tpu.memory_space<vmem_shared>>) offsets(%dma_start3A_80 : memref<128xi32, #tpu.memory_space<vmem>>) semaphore(%run_scoped3A_78 : memref<!tpu.dma_semaphore, #tpu.memory_space<semaphore_mem>>) {add = true}
          %dma_wait3A = arith.constant 0 : i32
          %dma_wait3A_84 = tpu.memref_slice %arg9[%add3A_76, %dma_wait3A] : memref<37x128xi32, #tpu.memory_space<vmem>> -> memref<1x128xi32, #tpu.memory_space<vmem>>
          %dma_wait3A_85 = tpu.memref_squeeze %dma_wait3A_84 : memref<1x128xi32, #tpu.memory_space<vmem>> -> memref<128xi32, #tpu.memory_space<vmem>>
          %dma_wait3A_86 = arith.constant 0 : i32
          %dma_wait3A_87 = arith.constant 0 : i32
          %dma_wait3A_88 = tpu.memref_slice %arg12[%dma_wait3A_86, %dma_wait3A_87] : memref<10240x128xf32, #tpu.memory_space<vmem_shared>> -> memref<10240x128xf32, #tpu.memory_space<vmem_shared>>
          tpu.wait_indirect_dma semaphore(%run_scoped3A_78 : memref<!tpu.dma_semaphore, #tpu.memory_space<semaphore_mem>>) src(%arg10 : memref<128x128xf32, #tpu.memory_space<vmem>>) dst(%dma_wait3A_88 : memref<10240x128xf32, #tpu.memory_space<vmem_shared>>)
          tpu.yield
        }) : () -> ()
      }
      %scan3A_32 = arith.constant 37 : i32
      %barrier3A_33 = arith.constant 0 : index
      tpu.barrier barrier_id(%barrier3A_33)
      %mul3A_34 = arith.constant 640 : i32
      %mul3A_35 = arith.muli %arg1, %mul3A_34 : i32
      %mul3A_36 = arith.constant 640 : i32
      %mul3A_37 = arith.muli %arg1, %mul3A_36 : i32
      %run_scoped3A_38 = arith.constant 1 : i32
      "tpu.region"() ({
        %run_scoped3A_73 = tpu.sem_alloc : memref<!tpu.dma_semaphore, #tpu.memory_space<semaphore_mem>>
        %dma_start3A = arith.constant 0 : i32
        %dma_start3A_74 = tpu.memref_slice %arg6[%run_scoped3A_38, %mul3A_37, %dma_start3A] : memref<4x10240x128xf32, #tpu.memory_space<hbm>> -> memref<1x640x128xf32, #tpu.memory_space<hbm>>
        %dma_start3A_75 = tpu.memref_squeeze %dma_start3A_74 : memref<1x640x128xf32, #tpu.memory_space<hbm>> -> memref<640x128xf32, #tpu.memory_space<hbm>>
        %dma_start3A_76 = arith.constant 0 : i32
        %dma_start3A_77 = tpu.memref_slice %arg12[%mul3A_35, %dma_start3A_76] : memref<10240x128xf32, #tpu.memory_space<vmem_shared>> -> memref<640x128xf32, #tpu.memory_space<vmem_shared>>
        tpu.enqueue_dma source(%dma_start3A_77 : memref<640x128xf32, #tpu.memory_space<vmem_shared>>) target(%dma_start3A_75 : memref<640x128xf32, #tpu.memory_space<hbm>>) target_semaphore(%run_scoped3A_73 : memref<!tpu.dma_semaphore, #tpu.memory_space<semaphore_mem>>)
        %dma_wait3A = arith.constant 0 : i32
        %dma_wait3A_78 = tpu.memref_slice %arg6[%run_scoped3A_38, %mul3A_37, %dma_wait3A] : memref<4x10240x128xf32, #tpu.memory_space<hbm>> -> memref<1x640x128xf32, #tpu.memory_space<hbm>>
        %dma_wait3A_79 = tpu.memref_squeeze %dma_wait3A_78 : memref<1x640x128xf32, #tpu.memory_space<hbm>> -> memref<640x128xf32, #tpu.memory_space<hbm>>
        %dma_wait3A_80 = arith.constant 0 : i32
        %dma_wait3A_81 = tpu.memref_slice %arg12[%mul3A_35, %dma_wait3A_80] : memref<10240x128xf32, #tpu.memory_space<vmem_shared>> -> memref<640x128xf32, #tpu.memory_space<vmem_shared>>
        tpu.wait_dma2 semaphore(%run_scoped3A_73 : memref<!tpu.dma_semaphore, #tpu.memory_space<semaphore_mem>>) src(%dma_wait3A_81 : memref<640x128xf32, #tpu.memory_space<vmem_shared>>) dst(%dma_wait3A_79 : memref<640x128xf32, #tpu.memory_space<hbm>>)
        tpu.yield
      }) : () -> ()
      %scan3A_39 = arith.constant 0 : i32
      %scan3A_40 = arith.constant 10 : i32
      %scan3A_41 = arith.addi %scan3A_39, %scan3A_40 : i32
      %scan3A_42 = arith.constant 1 : i32
      scf.for %scan3A_73 = %scan3A_39 to %scan3A_41 step %scan3A_42  : i32 {
        %mul3A_74 = arith.constant 1 : i32
        %mul3A_75 = arith.muli %scan3A_73, %mul3A_74 : i32
        %add3A = arith.constant 0 : i32
        %add3A_76 = arith.addi %add3A, %mul3A_75 : i32
        %mul3A_77 = arith.constant 640 : i32
        %mul3A_78 = arith.muli %arg1, %mul3A_77 : i32
        %mul3A_79 = arith.constant 64 : i32
        %mul3A_80 = arith.muli %add3A_76, %mul3A_79 : i32
        %add3A_81 = arith.addi %mul3A_78, %mul3A_80 : i32
        "tpu.region"() ({
          %run_scoped3A_82 = tpu.sem_alloc : memref<!tpu.dma_semaphore, #tpu.memory_space<semaphore_mem>>
          %dma_start3A = arith.constant 0 : i32
          %dma_start3A_83 = tpu.memref_slice %arg12[%add3A_81, %dma_start3A] : memref<10240x128xf32, #tpu.memory_space<vmem_shared>> -> memref<64x128xf32, #tpu.memory_space<vmem_shared>>
          %dma_start3A_84 = arith.constant 0 : i32
          %dma_start3A_85 = tpu.memref_slice %arg12[%add3A_81, %dma_start3A_84] : memref<10240x128xf32, #tpu.memory_space<vmem_shared>> -> memref<64x128xf32, #tpu.memory_space<vmem_shared>>
          tpu.enqueue_dma source(%arg11 : memref<64x128xf32, #tpu.memory_space<vmem>>) target(%dma_start3A_85 : memref<64x128xf32, #tpu.memory_space<vmem_shared>>) target_semaphore(%run_scoped3A_82 : memref<!tpu.dma_semaphore, #tpu.memory_space<semaphore_mem>>)
          %dma_wait3A = arith.constant 0 : i32
          %dma_wait3A_86 = tpu.memref_slice %arg12[%add3A_81, %dma_wait3A] : memref<10240x128xf32, #tpu.memory_space<vmem_shared>> -> memref<64x128xf32, #tpu.memory_space<vmem_shared>>
          %dma_wait3A_87 = arith.constant 0 : i32
          %dma_wait3A_88 = tpu.memref_slice %arg12[%add3A_81, %dma_wait3A_87] : memref<10240x128xf32, #tpu.memory_space<vmem_shared>> -> memref<64x128xf32, #tpu.memory_space<vmem_shared>>
          tpu.wait_dma2 semaphore(%run_scoped3A_82 : memref<!tpu.dma_semaphore, #tpu.memory_space<semaphore_mem>>) src(%arg11 : memref<64x128xf32, #tpu.memory_space<vmem>>) dst(%dma_wait3A_88 : memref<64x128xf32, #tpu.memory_space<vmem_shared>>)
          tpu.yield
        }) : () -> ()
      }
      %scan3A_43 = arith.constant 10 : i32
      %barrier3A_44 = arith.constant 0 : index
      tpu.barrier barrier_id(%barrier3A_44)
      %scan3A_45 = arith.constant 0 : i32
      %scan3A_46 = arith.constant 37 : i32
      %scan3A_47 = arith.addi %scan3A_45, %scan3A_46 : i32
      %scan3A_48 = arith.constant 1 : i32
      scf.for %scan3A_73 = %scan3A_45 to %scan3A_47 step %scan3A_48  : i32 {
        %mul3A_74 = arith.constant 1 : i32
        %mul3A_75 = arith.muli %scan3A_73, %mul3A_74 : i32
        %add3A = arith.constant 0 : i32
        %add3A_76 = arith.addi %add3A, %mul3A_75 : i32
        %run_scoped3A_77 = arith.constant 2 : i32
        "tpu.region"() ({
          %run_scoped3A_78 = tpu.sem_alloc : memref<!tpu.dma_semaphore, #tpu.memory_space<semaphore_mem>>
          %dma_start3A = arith.constant 0 : i32
          %dma_start3A_79 = tpu.memref_slice %arg8[%add3A_76, %dma_start3A] : memref<37x128xi32, #tpu.memory_space<vmem>> -> memref<1x128xi32, #tpu.memory_space<vmem>>
          %dma_start3A_80 = tpu.memref_squeeze %dma_start3A_79 : memref<1x128xi32, #tpu.memory_space<vmem>> -> memref<128xi32, #tpu.memory_space<vmem>>
          %dma_start3A_81 = arith.constant 0 : i32
          %dma_start3A_82 = arith.constant 0 : i32
          %dma_start3A_83 = tpu.memref_slice %arg2[%run_scoped3A_77, %dma_start3A_81, %dma_start3A_82] : memref<4x10240x128xf32, #tpu.memory_space<hbm>> -> memref<1x10240x128xf32, #tpu.memory_space<hbm>>
          %dma_start3A_84 = tpu.memref_squeeze %dma_start3A_83 : memref<1x10240x128xf32, #tpu.memory_space<hbm>> -> memref<10240x128xf32, #tpu.memory_space<hbm>>
          %dma_start3A_85 = arith.constant 0 : i32
          %dma_start3A_86 = arith.constant 0 : i32
          %dma_start3A_87 = tpu.memref_slice %dma_start3A_84[%dma_start3A_85, %dma_start3A_86] : memref<10240x128xf32, #tpu.memory_space<hbm>> -> memref<10240x128xf32, #tpu.memory_space<hbm>>
          tpu.enqueue_indirect_dma source(%dma_start3A_87 : memref<10240x128xf32, #tpu.memory_space<hbm>>) target(%arg10 : memref<128x128xf32, #tpu.memory_space<vmem>>) offsets(%dma_start3A_80 : memref<128xi32, #tpu.memory_space<vmem>>) semaphore(%run_scoped3A_78 : memref<!tpu.dma_semaphore, #tpu.memory_space<semaphore_mem>>)
          %dma_wait3A = arith.constant 0 : i32
          %dma_wait3A_88 = tpu.memref_slice %arg8[%add3A_76, %dma_wait3A] : memref<37x128xi32, #tpu.memory_space<vmem>> -> memref<1x128xi32, #tpu.memory_space<vmem>>
          %dma_wait3A_89 = tpu.memref_squeeze %dma_wait3A_88 : memref<1x128xi32, #tpu.memory_space<vmem>> -> memref<128xi32, #tpu.memory_space<vmem>>
          %dma_wait3A_90 = arith.constant 0 : i32
          %dma_wait3A_91 = arith.constant 0 : i32
          %dma_wait3A_92 = tpu.memref_slice %arg2[%run_scoped3A_77, %dma_wait3A_90, %dma_wait3A_91] : memref<4x10240x128xf32, #tpu.memory_space<hbm>> -> memref<1x10240x128xf32, #tpu.memory_space<hbm>>
          %dma_wait3A_93 = tpu.memref_squeeze %dma_wait3A_92 : memref<1x10240x128xf32, #tpu.memory_space<hbm>> -> memref<10240x128xf32, #tpu.memory_space<hbm>>
          %dma_wait3A_94 = arith.constant 0 : i32
          %dma_wait3A_95 = arith.constant 0 : i32
          %dma_wait3A_96 = tpu.memref_slice %dma_wait3A_93[%dma_wait3A_94, %dma_wait3A_95] : memref<10240x128xf32, #tpu.memory_space<hbm>> -> memref<10240x128xf32, #tpu.memory_space<hbm>>
          tpu.wait_indirect_dma semaphore(%run_scoped3A_78 : memref<!tpu.dma_semaphore, #tpu.memory_space<semaphore_mem>>) src(%dma_wait3A_96 : memref<10240x128xf32, #tpu.memory_space<hbm>>) dst(%arg10 : memref<128x128xf32, #tpu.memory_space<vmem>>)
          tpu.yield
        }) : () -> ()
        "tpu.region"() ({
          %run_scoped3A_78 = tpu.sem_alloc : memref<!tpu.dma_semaphore, #tpu.memory_space<semaphore_mem>>
          %dma_start3A = arith.constant 0 : i32
          %dma_start3A_79 = tpu.memref_slice %arg9[%add3A_76, %dma_start3A] : memref<37x128xi32, #tpu.memory_space<vmem>> -> memref<1x128xi32, #tpu.memory_space<vmem>>
          %dma_start3A_80 = tpu.memref_squeeze %dma_start3A_79 : memref<1x128xi32, #tpu.memory_space<vmem>> -> memref<128xi32, #tpu.memory_space<vmem>>
          %dma_start3A_81 = arith.constant 0 : i32
          %dma_start3A_82 = arith.constant 0 : i32
          %dma_start3A_83 = tpu.memref_slice %arg12[%dma_start3A_81, %dma_start3A_82] : memref<10240x128xf32, #tpu.memory_space<vmem_shared>> -> memref<10240x128xf32, #tpu.memory_space<vmem_shared>>
          tpu.enqueue_indirect_dma source(%arg10 : memref<128x128xf32, #tpu.memory_space<vmem>>) target(%dma_start3A_83 : memref<10240x128xf32, #tpu.memory_space<vmem_shared>>) offsets(%dma_start3A_80 : memref<128xi32, #tpu.memory_space<vmem>>) semaphore(%run_scoped3A_78 : memref<!tpu.dma_semaphore, #tpu.memory_space<semaphore_mem>>) {add = true}
          %dma_wait3A = arith.constant 0 : i32
          %dma_wait3A_84 = tpu.memref_slice %arg9[%add3A_76, %dma_wait3A] : memref<37x128xi32, #tpu.memory_space<vmem>> -> memref<1x128xi32, #tpu.memory_space<vmem>>
          %dma_wait3A_85 = tpu.memref_squeeze %dma_wait3A_84 : memref<1x128xi32, #tpu.memory_space<vmem>> -> memref<128xi32, #tpu.memory_space<vmem>>
          %dma_wait3A_86 = arith.constant 0 : i32
          %dma_wait3A_87 = arith.constant 0 : i32
          %dma_wait3A_88 = tpu.memref_slice %arg12[%dma_wait3A_86, %dma_wait3A_87] : memref<10240x128xf32, #tpu.memory_space<vmem_shared>> -> memref<10240x128xf32, #tpu.memory_space<vmem_shared>>
          tpu.wait_indirect_dma semaphore(%run_scoped3A_78 : memref<!tpu.dma_semaphore, #tpu.memory_space<semaphore_mem>>) src(%arg10 : memref<128x128xf32, #tpu.memory_space<vmem>>) dst(%dma_wait3A_88 : memref<10240x128xf32, #tpu.memory_space<vmem_shared>>)
          tpu.yield
        }) : () -> ()
      }
      %scan3A_49 = arith.constant 37 : i32
      %barrier3A_50 = arith.constant 0 : index
      tpu.barrier barrier_id(%barrier3A_50)
      %mul3A_51 = arith.constant 640 : i32
      %mul3A_52 = arith.muli %arg1, %mul3A_51 : i32
      %mul3A_53 = arith.constant 640 : i32
      %mul3A_54 = arith.muli %arg1, %mul3A_53 : i32
      %run_scoped3A_55 = arith.constant 2 : i32
      "tpu.region"() ({
        %run_scoped3A_73 = tpu.sem_alloc : memref<!tpu.dma_semaphore, #tpu.memory_space<semaphore_mem>>
        %dma_start3A = arith.constant 0 : i32
        %dma_start3A_74 = tpu.memref_slice %arg6[%run_scoped3A_55, %mul3A_54, %dma_start3A] : memref<4x10240x128xf32, #tpu.memory_space<hbm>> -> memref<1x640x128xf32, #tpu.memory_space<hbm>>
        %dma_start3A_75 = tpu.memref_squeeze %dma_start3A_74 : memref<1x640x128xf32, #tpu.memory_space<hbm>> -> memref<640x128xf32, #tpu.memory_space<hbm>>
        %dma_start3A_76 = arith.constant 0 : i32
        %dma_start3A_77 = tpu.memref_slice %arg12[%mul3A_52, %dma_start3A_76] : memref<10240x128xf32, #tpu.memory_space<vmem_shared>> -> memref<640x128xf32, #tpu.memory_space<vmem_shared>>
        tpu.enqueue_dma source(%dma_start3A_77 : memref<640x128xf32, #tpu.memory_space<vmem_shared>>) target(%dma_start3A_75 : memref<640x128xf32, #tpu.memory_space<hbm>>) target_semaphore(%run_scoped3A_73 : memref<!tpu.dma_semaphore, #tpu.memory_space<semaphore_mem>>)
        %dma_wait3A = arith.constant 0 : i32
        %dma_wait3A_78 = tpu.memref_slice %arg6[%run_scoped3A_55, %mul3A_54, %dma_wait3A] : memref<4x10240x128xf32, #tpu.memory_space<hbm>> -> memref<1x640x128xf32, #tpu.memory_space<hbm>>
        %dma_wait3A_79 = tpu.memref_squeeze %dma_wait3A_78 : memref<1x640x128xf32, #tpu.memory_space<hbm>> -> memref<640x128xf32, #tpu.memory_space<hbm>>
        %dma_wait3A_80 = arith.constant 0 : i32
        %dma_wait3A_81 = tpu.memref_slice %arg12[%mul3A_52, %dma_wait3A_80] : memref<10240x128xf32, #tpu.memory_space<vmem_shared>> -> memref<640x128xf32, #tpu.memory_space<vmem_shared>>
        tpu.wait_dma2 semaphore(%run_scoped3A_73 : memref<!tpu.dma_semaphore, #tpu.memory_space<semaphore_mem>>) src(%dma_wait3A_81 : memref<640x128xf32, #tpu.memory_space<vmem_shared>>) dst(%dma_wait3A_79 : memref<640x128xf32, #tpu.memory_space<hbm>>)
        tpu.yield
      }) : () -> ()
      %scan3A_56 = arith.constant 0 : i32
      %scan3A_57 = arith.constant 10 : i32
      %scan3A_58 = arith.addi %scan3A_56, %scan3A_57 : i32
      %scan3A_59 = arith.constant 1 : i32
      scf.for %scan3A_73 = %scan3A_56 to %scan3A_58 step %scan3A_59  : i32 {
        %mul3A_74 = arith.constant 1 : i32
        %mul3A_75 = arith.muli %scan3A_73, %mul3A_74 : i32
        %add3A = arith.constant 0 : i32
        %add3A_76 = arith.addi %add3A, %mul3A_75 : i32
        %mul3A_77 = arith.constant 640 : i32
        %mul3A_78 = arith.muli %arg1, %mul3A_77 : i32
        %mul3A_79 = arith.constant 64 : i32
        %mul3A_80 = arith.muli %add3A_76, %mul3A_79 : i32
        %add3A_81 = arith.addi %mul3A_78, %mul3A_80 : i32
        "tpu.region"() ({
          %run_scoped3A_82 = tpu.sem_alloc : memref<!tpu.dma_semaphore, #tpu.memory_space<semaphore_mem>>
          %dma_start3A = arith.constant 0 : i32
          %dma_start3A_83 = tpu.memref_slice %arg12[%add3A_81, %dma_start3A] : memref<10240x128xf32, #tpu.memory_space<vmem_shared>> -> memref<64x128xf32, #tpu.memory_space<vmem_shared>>
          %dma_start3A_84 = arith.constant 0 : i32
          %dma_start3A_85 = tpu.memref_slice %arg12[%add3A_81, %dma_start3A_84] : memref<10240x128xf32, #tpu.memory_space<vmem_shared>> -> memref<64x128xf32, #tpu.memory_space<vmem_shared>>
          tpu.enqueue_dma source(%arg11 : memref<64x128xf32, #tpu.memory_space<vmem>>) target(%dma_start3A_85 : memref<64x128xf32, #tpu.memory_space<vmem_shared>>) target_semaphore(%run_scoped3A_82 : memref<!tpu.dma_semaphore, #tpu.memory_space<semaphore_mem>>)
          %dma_wait3A = arith.constant 0 : i32
          %dma_wait3A_86 = tpu.memref_slice %arg12[%add3A_81, %dma_wait3A] : memref<10240x128xf32, #tpu.memory_space<vmem_shared>> -> memref<64x128xf32, #tpu.memory_space<vmem_shared>>
          %dma_wait3A_87 = arith.constant 0 : i32
          %dma_wait3A_88 = tpu.memref_slice %arg12[%add3A_81, %dma_wait3A_87] : memref<10240x128xf32, #tpu.memory_space<vmem_shared>> -> memref<64x128xf32, #tpu.memory_space<vmem_shared>>
          tpu.wait_dma2 semaphore(%run_scoped3A_82 : memref<!tpu.dma_semaphore, #tpu.memory_space<semaphore_mem>>) src(%arg11 : memref<64x128xf32, #tpu.memory_space<vmem>>) dst(%dma_wait3A_88 : memref<64x128xf32, #tpu.memory_space<vmem_shared>>)
          tpu.yield
        }) : () -> ()
      }
      %scan3A_60 = arith.constant 10 : i32
      %barrier3A_61 = arith.constant 0 : index
      tpu.barrier barrier_id(%barrier3A_61)
      %scan3A_62 = arith.constant 0 : i32
      %scan3A_63 = arith.constant 37 : i32
      %scan3A_64 = arith.addi %scan3A_62, %scan3A_63 : i32
      %scan3A_65 = arith.constant 1 : i32
      scf.for %scan3A_73 = %scan3A_62 to %scan3A_64 step %scan3A_65  : i32 {
        %mul3A_74 = arith.constant 1 : i32
        %mul3A_75 = arith.muli %scan3A_73, %mul3A_74 : i32
        %add3A = arith.constant 0 : i32
        %add3A_76 = arith.addi %add3A, %mul3A_75 : i32
        %run_scoped3A_77 = arith.constant 3 : i32
        "tpu.region"() ({
          %run_scoped3A_78 = tpu.sem_alloc : memref<!tpu.dma_semaphore, #tpu.memory_space<semaphore_mem>>
          %dma_start3A = arith.constant 0 : i32
          %dma_start3A_79 = tpu.memref_slice %arg8[%add3A_76, %dma_start3A] : memref<37x128xi32, #tpu.memory_space<vmem>> -> memref<1x128xi32, #tpu.memory_space<vmem>>
          %dma_start3A_80 = tpu.memref_squeeze %dma_start3A_79 : memref<1x128xi32, #tpu.memory_space<vmem>> -> memref<128xi32, #tpu.memory_space<vmem>>
          %dma_start3A_81 = arith.constant 0 : i32
          %dma_start3A_82 = arith.constant 0 : i32
          %dma_start3A_83 = tpu.memref_slice %arg2[%run_scoped3A_77, %dma_start3A_81, %dma_start3A_82] : memref<4x10240x128xf32, #tpu.memory_space<hbm>> -> memref<1x10240x128xf32, #tpu.memory_space<hbm>>
          %dma_start3A_84 = tpu.memref_squeeze %dma_start3A_83 : memref<1x10240x128xf32, #tpu.memory_space<hbm>> -> memref<10240x128xf32, #tpu.memory_space<hbm>>
          %dma_start3A_85 = arith.constant 0 : i32
          %dma_start3A_86 = arith.constant 0 : i32
          %dma_start3A_87 = tpu.memref_slice %dma_start3A_84[%dma_start3A_85, %dma_start3A_86] : memref<10240x128xf32, #tpu.memory_space<hbm>> -> memref<10240x128xf32, #tpu.memory_space<hbm>>
          tpu.enqueue_indirect_dma source(%dma_start3A_87 : memref<10240x128xf32, #tpu.memory_space<hbm>>) target(%arg10 : memref<128x128xf32, #tpu.memory_space<vmem>>) offsets(%dma_start3A_80 : memref<128xi32, #tpu.memory_space<vmem>>) semaphore(%run_scoped3A_78 : memref<!tpu.dma_semaphore, #tpu.memory_space<semaphore_mem>>)
          %dma_wait3A = arith.constant 0 : i32
          %dma_wait3A_88 = tpu.memref_slice %arg8[%add3A_76, %dma_wait3A] : memref<37x128xi32, #tpu.memory_space<vmem>> -> memref<1x128xi32, #tpu.memory_space<vmem>>
          %dma_wait3A_89 = tpu.memref_squeeze %dma_wait3A_88 : memref<1x128xi32, #tpu.memory_space<vmem>> -> memref<128xi32, #tpu.memory_space<vmem>>
          %dma_wait3A_90 = arith.constant 0 : i32
          %dma_wait3A_91 = arith.constant 0 : i32
          %dma_wait3A_92 = tpu.memref_slice %arg2[%run_scoped3A_77, %dma_wait3A_90, %dma_wait3A_91] : memref<4x10240x128xf32, #tpu.memory_space<hbm>> -> memref<1x10240x128xf32, #tpu.memory_space<hbm>>
          %dma_wait3A_93 = tpu.memref_squeeze %dma_wait3A_92 : memref<1x10240x128xf32, #tpu.memory_space<hbm>> -> memref<10240x128xf32, #tpu.memory_space<hbm>>
          %dma_wait3A_94 = arith.constant 0 : i32
          %dma_wait3A_95 = arith.constant 0 : i32
          %dma_wait3A_96 = tpu.memref_slice %dma_wait3A_93[%dma_wait3A_94, %dma_wait3A_95] : memref<10240x128xf32, #tpu.memory_space<hbm>> -> memref<10240x128xf32, #tpu.memory_space<hbm>>
          tpu.wait_indirect_dma semaphore(%run_scoped3A_78 : memref<!tpu.dma_semaphore, #tpu.memory_space<semaphore_mem>>) src(%dma_wait3A_96 : memref<10240x128xf32, #tpu.memory_space<hbm>>) dst(%arg10 : memref<128x128xf32, #tpu.memory_space<vmem>>)
          tpu.yield
        }) : () -> ()
        "tpu.region"() ({
          %run_scoped3A_78 = tpu.sem_alloc : memref<!tpu.dma_semaphore, #tpu.memory_space<semaphore_mem>>
          %dma_start3A = arith.constant 0 : i32
          %dma_start3A_79 = tpu.memref_slice %arg9[%add3A_76, %dma_start3A] : memref<37x128xi32, #tpu.memory_space<vmem>> -> memref<1x128xi32, #tpu.memory_space<vmem>>
          %dma_start3A_80 = tpu.memref_squeeze %dma_start3A_79 : memref<1x128xi32, #tpu.memory_space<vmem>> -> memref<128xi32, #tpu.memory_space<vmem>>
          %dma_start3A_81 = arith.constant 0 : i32
          %dma_start3A_82 = arith.constant 0 : i32
          %dma_start3A_83 = tpu.memref_slice %arg12[%dma_start3A_81, %dma_start3A_82] : memref<10240x128xf32, #tpu.memory_space<vmem_shared>> -> memref<10240x128xf32, #tpu.memory_space<vmem_shared>>
          tpu.enqueue_indirect_dma source(%arg10 : memref<128x128xf32, #tpu.memory_space<vmem>>) target(%dma_start3A_83 : memref<10240x128xf32, #tpu.memory_space<vmem_shared>>) offsets(%dma_start3A_80 : memref<128xi32, #tpu.memory_space<vmem>>) semaphore(%run_scoped3A_78 : memref<!tpu.dma_semaphore, #tpu.memory_space<semaphore_mem>>) {add = true}
          %dma_wait3A = arith.constant 0 : i32
          %dma_wait3A_84 = tpu.memref_slice %arg9[%add3A_76, %dma_wait3A] : memref<37x128xi32, #tpu.memory_space<vmem>> -> memref<1x128xi32, #tpu.memory_space<vmem>>
          %dma_wait3A_85 = tpu.memref_squeeze %dma_wait3A_84 : memref<1x128xi32, #tpu.memory_space<vmem>> -> memref<128xi32, #tpu.memory_space<vmem>>
          %dma_wait3A_86 = arith.constant 0 : i32
          %dma_wait3A_87 = arith.constant 0 : i32
          %dma_wait3A_88 = tpu.memref_slice %arg12[%dma_wait3A_86, %dma_wait3A_87] : memref<10240x128xf32, #tpu.memory_space<vmem_shared>> -> memref<10240x128xf32, #tpu.memory_space<vmem_shared>>
          tpu.wait_indirect_dma semaphore(%run_scoped3A_78 : memref<!tpu.dma_semaphore, #tpu.memory_space<semaphore_mem>>) src(%arg10 : memref<128x128xf32, #tpu.memory_space<vmem>>) dst(%dma_wait3A_88 : memref<10240x128xf32, #tpu.memory_space<vmem_shared>>)
          tpu.yield
        }) : () -> ()
      }
      %scan3A_66 = arith.constant 37 : i32
      %barrier3A_67 = arith.constant 0 : index
      tpu.barrier barrier_id(%barrier3A_67)
      %mul3A_68 = arith.constant 640 : i32
      %mul3A_69 = arith.muli %arg1, %mul3A_68 : i32
      %mul3A_70 = arith.constant 640 : i32
      %mul3A_71 = arith.muli %arg1, %mul3A_70 : i32
      %run_scoped3A_72 = arith.constant 3 : i32
      "tpu.region"() ({
        %run_scoped3A_73 = tpu.sem_alloc : memref<!tpu.dma_semaphore, #tpu.memory_space<semaphore_mem>>
        %dma_start3A = arith.constant 0 : i32
        %dma_start3A_74 = tpu.memref_slice %arg6[%run_scoped3A_72, %mul3A_71, %dma_start3A] : memref<4x10240x128xf32, #tpu.memory_space<hbm>> -> memref<1x640x128xf32, #tpu.memory_space<hbm>>
        %dma_start3A_75 = tpu.memref_squeeze %dma_start3A_74 : memref<1x640x128xf32, #tpu.memory_space<hbm>> -> memref<640x128xf32, #tpu.memory_space<hbm>>
        %dma_start3A_76 = arith.constant 0 : i32
        %dma_start3A_77 = tpu.memref_slice %arg12[%mul3A_69, %dma_start3A_76] : memref<10240x128xf32, #tpu.memory_space<vmem_shared>> -> memref<640x128xf32, #tpu.memory_space<vmem_shared>>
        tpu.enqueue_dma source(%dma_start3A_77 : memref<640x128xf32, #tpu.memory_space<vmem_shared>>) target(%dma_start3A_75 : memref<640x128xf32, #tpu.memory_space<hbm>>) target_semaphore(%run_scoped3A_73 : memref<!tpu.dma_semaphore, #tpu.memory_space<semaphore_mem>>)
        %dma_wait3A = arith.constant 0 : i32
        %dma_wait3A_78 = tpu.memref_slice %arg6[%run_scoped3A_72, %mul3A_71, %dma_wait3A] : memref<4x10240x128xf32, #tpu.memory_space<hbm>> -> memref<1x640x128xf32, #tpu.memory_space<hbm>>
        %dma_wait3A_79 = tpu.memref_squeeze %dma_wait3A_78 : memref<1x640x128xf32, #tpu.memory_space<hbm>> -> memref<640x128xf32, #tpu.memory_space<hbm>>
        %dma_wait3A_80 = arith.constant 0 : i32
        %dma_wait3A_81 = tpu.memref_slice %arg12[%mul3A_69, %dma_wait3A_80] : memref<10240x128xf32, #tpu.memory_space<vmem_shared>> -> memref<640x128xf32, #tpu.memory_space<vmem_shared>>
        tpu.wait_dma2 semaphore(%run_scoped3A_73 : memref<!tpu.dma_semaphore, #tpu.memory_space<semaphore_mem>>) src(%dma_wait3A_81 : memref<640x128xf32, #tpu.memory_space<vmem_shared>>) dst(%dma_wait3A_79 : memref<640x128xf32, #tpu.memory_space<hbm>>)
        tpu.yield
      }) : () -> ()
    } else {
    }
    %eq3A_2 = arith.constant 1 : i32
    %eq3A_3 = arith.cmpi eq, %arg0, %eq3A_2 : i32
    %convert_element_type3A_4 = arith.extui %eq3A_3 : i1 to i32
    %cond3A_5 = arith.constant 0 : i32
    %cond3A_6 = arith.cmpi ne, %convert_element_type3A_4, %cond3A_5 : i32
    scf.if %cond3A_6 {
      %run_scoped3A = arith.constant 1 : i32
      "tpu.region"() ({
        %run_scoped3A_73 = tpu.sem_alloc : memref<!tpu.dma_semaphore, #tpu.memory_space<semaphore_mem>>
        %dma_start3A = arith.constant 0 : i32
        %dma_start3A_74 = arith.constant 0 : i32
        %dma_start3A_75 = tpu.memref_slice %arg3[%run_scoped3A, %arg1, %dma_start3A, %dma_start3A_74] : memref<2x16x37x128xi32, #tpu.memory_space<hbm>> -> memref<1x1x37x128xi32, #tpu.memory_space<hbm>>
        %dma_start3A_76 = tpu.memref_squeeze %dma_start3A_75 : memref<1x1x37x128xi32, #tpu.memory_space<hbm>> -> memref<37x128xi32, #tpu.memory_space<hbm>>
        %dma_start3A_77 = arith.constant 0 : i32
        %dma_start3A_78 = arith.constant 0 : i32
        %dma_start3A_79 = tpu.memref_slice %arg3[%run_scoped3A, %arg1, %dma_start3A_77, %dma_start3A_78] : memref<2x16x37x128xi32, #tpu.memory_space<hbm>> -> memref<1x1x37x128xi32, #tpu.memory_space<hbm>>
        %dma_start3A_80 = tpu.memref_squeeze %dma_start3A_79 : memref<1x1x37x128xi32, #tpu.memory_space<hbm>> -> memref<37x128xi32, #tpu.memory_space<hbm>>
        tpu.enqueue_dma source(%dma_start3A_80 : memref<37x128xi32, #tpu.memory_space<hbm>>) target(%arg8 : memref<37x128xi32, #tpu.memory_space<vmem>>) target_semaphore(%run_scoped3A_73 : memref<!tpu.dma_semaphore, #tpu.memory_space<semaphore_mem>>)
        %dma_wait3A = arith.constant 0 : i32
        %dma_wait3A_81 = arith.constant 0 : i32
        %dma_wait3A_82 = tpu.memref_slice %arg3[%run_scoped3A, %arg1, %dma_wait3A, %dma_wait3A_81] : memref<2x16x37x128xi32, #tpu.memory_space<hbm>> -> memref<1x1x37x128xi32, #tpu.memory_space<hbm>>
        %dma_wait3A_83 = tpu.memref_squeeze %dma_wait3A_82 : memref<1x1x37x128xi32, #tpu.memory_space<hbm>> -> memref<37x128xi32, #tpu.memory_space<hbm>>
        %dma_wait3A_84 = arith.constant 0 : i32
        %dma_wait3A_85 = arith.constant 0 : i32
        %dma_wait3A_86 = tpu.memref_slice %arg3[%run_scoped3A, %arg1, %dma_wait3A_84, %dma_wait3A_85] : memref<2x16x37x128xi32, #tpu.memory_space<hbm>> -> memref<1x1x37x128xi32, #tpu.memory_space<hbm>>
        %dma_wait3A_87 = tpu.memref_squeeze %dma_wait3A_86 : memref<1x1x37x128xi32, #tpu.memory_space<hbm>> -> memref<37x128xi32, #tpu.memory_space<hbm>>
        tpu.wait_dma2 semaphore(%run_scoped3A_73 : memref<!tpu.dma_semaphore, #tpu.memory_space<semaphore_mem>>) src(%dma_wait3A_87 : memref<37x128xi32, #tpu.memory_space<hbm>>) dst(%arg8 : memref<37x128xi32, #tpu.memory_space<vmem>>)
        tpu.yield
      }) : () -> ()
      %run_scoped3A_7 = arith.constant 1 : i32
      "tpu.region"() ({
        %run_scoped3A_73 = tpu.sem_alloc : memref<!tpu.dma_semaphore, #tpu.memory_space<semaphore_mem>>
        %dma_start3A = arith.constant 0 : i32
        %dma_start3A_74 = arith.constant 0 : i32
        %dma_start3A_75 = tpu.memref_slice %arg4[%run_scoped3A_7, %arg1, %dma_start3A, %dma_start3A_74] : memref<2x16x37x128xi32, #tpu.memory_space<hbm>> -> memref<1x1x37x128xi32, #tpu.memory_space<hbm>>
        %dma_start3A_76 = tpu.memref_squeeze %dma_start3A_75 : memref<1x1x37x128xi32, #tpu.memory_space<hbm>> -> memref<37x128xi32, #tpu.memory_space<hbm>>
        %dma_start3A_77 = arith.constant 0 : i32
        %dma_start3A_78 = arith.constant 0 : i32
        %dma_start3A_79 = tpu.memref_slice %arg4[%run_scoped3A_7, %arg1, %dma_start3A_77, %dma_start3A_78] : memref<2x16x37x128xi32, #tpu.memory_space<hbm>> -> memref<1x1x37x128xi32, #tpu.memory_space<hbm>>
        %dma_start3A_80 = tpu.memref_squeeze %dma_start3A_79 : memref<1x1x37x128xi32, #tpu.memory_space<hbm>> -> memref<37x128xi32, #tpu.memory_space<hbm>>
        tpu.enqueue_dma source(%dma_start3A_80 : memref<37x128xi32, #tpu.memory_space<hbm>>) target(%arg9 : memref<37x128xi32, #tpu.memory_space<vmem>>) target_semaphore(%run_scoped3A_73 : memref<!tpu.dma_semaphore, #tpu.memory_space<semaphore_mem>>)
        %dma_wait3A = arith.constant 0 : i32
        %dma_wait3A_81 = arith.constant 0 : i32
        %dma_wait3A_82 = tpu.memref_slice %arg4[%run_scoped3A_7, %arg1, %dma_wait3A, %dma_wait3A_81] : memref<2x16x37x128xi32, #tpu.memory_space<hbm>> -> memref<1x1x37x128xi32, #tpu.memory_space<hbm>>
        %dma_wait3A_83 = tpu.memref_squeeze %dma_wait3A_82 : memref<1x1x37x128xi32, #tpu.memory_space<hbm>> -> memref<37x128xi32, #tpu.memory_space<hbm>>
        %dma_wait3A_84 = arith.constant 0 : i32
        %dma_wait3A_85 = arith.constant 0 : i32
        %dma_wait3A_86 = tpu.memref_slice %arg4[%run_scoped3A_7, %arg1, %dma_wait3A_84, %dma_wait3A_85] : memref<2x16x37x128xi32, #tpu.memory_space<hbm>> -> memref<1x1x37x128xi32, #tpu.memory_space<hbm>>
        %dma_wait3A_87 = tpu.memref_squeeze %dma_wait3A_86 : memref<1x1x37x128xi32, #tpu.memory_space<hbm>> -> memref<37x128xi32, #tpu.memory_space<hbm>>
        tpu.wait_dma2 semaphore(%run_scoped3A_73 : memref<!tpu.dma_semaphore, #tpu.memory_space<semaphore_mem>>) src(%dma_wait3A_87 : memref<37x128xi32, #tpu.memory_space<hbm>>) dst(%arg9 : memref<37x128xi32, #tpu.memory_space<vmem>>)
        tpu.yield
      }) : () -> ()
      %scan3A = arith.constant 0 : i32
      %scan3A_8 = arith.constant 10 : i32
      %scan3A_9 = arith.addi %scan3A, %scan3A_8 : i32
      %scan3A_10 = arith.constant 1 : i32
      scf.for %scan3A_73 = %scan3A to %scan3A_9 step %scan3A_10  : i32 {
        %mul3A_74 = arith.constant 1 : i32
        %mul3A_75 = arith.muli %scan3A_73, %mul3A_74 : i32
        %add3A = arith.constant 0 : i32
        %add3A_76 = arith.addi %add3A, %mul3A_75 : i32
        %mul3A_77 = arith.constant 640 : i32
        %mul3A_78 = arith.muli %arg1, %mul3A_77 : i32
        %mul3A_79 = arith.constant 64 : i32
        %mul3A_80 = arith.muli %add3A_76, %mul3A_79 : i32
        %add3A_81 = arith.addi %mul3A_78, %mul3A_80 : i32
        "tpu.region"() ({
          %run_scoped3A_82 = tpu.sem_alloc : memref<!tpu.dma_semaphore, #tpu.memory_space<semaphore_mem>>
          %dma_start3A = arith.constant 0 : i32
          %dma_start3A_83 = tpu.memref_slice %arg12[%add3A_81, %dma_start3A] : memref<10240x128xf32, #tpu.memory_space<vmem_shared>> -> memref<64x128xf32, #tpu.memory_space<vmem_shared>>
          %dma_start3A_84 = arith.constant 0 : i32
          %dma_start3A_85 = tpu.memref_slice %arg12[%add3A_81, %dma_start3A_84] : memref<10240x128xf32, #tpu.memory_space<vmem_shared>> -> memref<64x128xf32, #tpu.memory_space<vmem_shared>>
          tpu.enqueue_dma source(%arg11 : memref<64x128xf32, #tpu.memory_space<vmem>>) target(%dma_start3A_85 : memref<64x128xf32, #tpu.memory_space<vmem_shared>>) target_semaphore(%run_scoped3A_82 : memref<!tpu.dma_semaphore, #tpu.memory_space<semaphore_mem>>)
          %dma_wait3A = arith.constant 0 : i32
          %dma_wait3A_86 = tpu.memref_slice %arg12[%add3A_81, %dma_wait3A] : memref<10240x128xf32, #tpu.memory_space<vmem_shared>> -> memref<64x128xf32, #tpu.memory_space<vmem_shared>>
          %dma_wait3A_87 = arith.constant 0 : i32
          %dma_wait3A_88 = tpu.memref_slice %arg12[%add3A_81, %dma_wait3A_87] : memref<10240x128xf32, #tpu.memory_space<vmem_shared>> -> memref<64x128xf32, #tpu.memory_space<vmem_shared>>
          tpu.wait_dma2 semaphore(%run_scoped3A_82 : memref<!tpu.dma_semaphore, #tpu.memory_space<semaphore_mem>>) src(%arg11 : memref<64x128xf32, #tpu.memory_space<vmem>>) dst(%dma_wait3A_88 : memref<64x128xf32, #tpu.memory_space<vmem_shared>>)
          tpu.yield
        }) : () -> ()
      }
      %scan3A_11 = arith.constant 10 : i32
      %barrier3A = arith.constant 0 : index
      tpu.barrier barrier_id(%barrier3A)
      %scan3A_12 = arith.constant 0 : i32
      %scan3A_13 = arith.constant 37 : i32
      %scan3A_14 = arith.addi %scan3A_12, %scan3A_13 : i32
      %scan3A_15 = arith.constant 1 : i32
      scf.for %scan3A_73 = %scan3A_12 to %scan3A_14 step %scan3A_15  : i32 {
        %mul3A_74 = arith.constant 1 : i32
        %mul3A_75 = arith.muli %scan3A_73, %mul3A_74 : i32
        %add3A = arith.constant 0 : i32
        %add3A_76 = arith.addi %add3A, %mul3A_75 : i32
        %run_scoped3A_77 = arith.constant 0 : i32
        "tpu.region"() ({
          %run_scoped3A_78 = tpu.sem_alloc : memref<!tpu.dma_semaphore, #tpu.memory_space<semaphore_mem>>
          %dma_start3A = arith.constant 0 : i32
          %dma_start3A_79 = tpu.memref_slice %arg8[%add3A_76, %dma_start3A] : memref<37x128xi32, #tpu.memory_space<vmem>> -> memref<1x128xi32, #tpu.memory_space<vmem>>
          %dma_start3A_80 = tpu.memref_squeeze %dma_start3A_79 : memref<1x128xi32, #tpu.memory_space<vmem>> -> memref<128xi32, #tpu.memory_space<vmem>>
          %dma_start3A_81 = arith.constant 0 : i32
          %dma_start3A_82 = arith.constant 0 : i32
          %dma_start3A_83 = tpu.memref_slice %arg2[%run_scoped3A_77, %dma_start3A_81, %dma_start3A_82] : memref<4x10240x128xf32, #tpu.memory_space<hbm>> -> memref<1x10240x128xf32, #tpu.memory_space<hbm>>
          %dma_start3A_84 = tpu.memref_squeeze %dma_start3A_83 : memref<1x10240x128xf32, #tpu.memory_space<hbm>> -> memref<10240x128xf32, #tpu.memory_space<hbm>>
          %dma_start3A_85 = arith.constant 0 : i32
          %dma_start3A_86 = arith.constant 0 : i32
          %dma_start3A_87 = tpu.memref_slice %dma_start3A_84[%dma_start3A_85, %dma_start3A_86] : memref<10240x128xf32, #tpu.memory_space<hbm>> -> memref<10240x128xf32, #tpu.memory_space<hbm>>
          tpu.enqueue_indirect_dma source(%dma_start3A_87 : memref<10240x128xf32, #tpu.memory_space<hbm>>) target(%arg10 : memref<128x128xf32, #tpu.memory_space<vmem>>) offsets(%dma_start3A_80 : memref<128xi32, #tpu.memory_space<vmem>>) semaphore(%run_scoped3A_78 : memref<!tpu.dma_semaphore, #tpu.memory_space<semaphore_mem>>)
          %dma_wait3A = arith.constant 0 : i32
          %dma_wait3A_88 = tpu.memref_slice %arg8[%add3A_76, %dma_wait3A] : memref<37x128xi32, #tpu.memory_space<vmem>> -> memref<1x128xi32, #tpu.memory_space<vmem>>
          %dma_wait3A_89 = tpu.memref_squeeze %dma_wait3A_88 : memref<1x128xi32, #tpu.memory_space<vmem>> -> memref<128xi32, #tpu.memory_space<vmem>>
          %dma_wait3A_90 = arith.constant 0 : i32
          %dma_wait3A_91 = arith.constant 0 : i32
          %dma_wait3A_92 = tpu.memref_slice %arg2[%run_scoped3A_77, %dma_wait3A_90, %dma_wait3A_91] : memref<4x10240x128xf32, #tpu.memory_space<hbm>> -> memref<1x10240x128xf32, #tpu.memory_space<hbm>>
          %dma_wait3A_93 = tpu.memref_squeeze %dma_wait3A_92 : memref<1x10240x128xf32, #tpu.memory_space<hbm>> -> memref<10240x128xf32, #tpu.memory_space<hbm>>
          %dma_wait3A_94 = arith.constant 0 : i32
          %dma_wait3A_95 = arith.constant 0 : i32
          %dma_wait3A_96 = tpu.memref_slice %dma_wait3A_93[%dma_wait3A_94, %dma_wait3A_95] : memref<10240x128xf32, #tpu.memory_space<hbm>> -> memref<10240x128xf32, #tpu.memory_space<hbm>>
          tpu.wait_indirect_dma semaphore(%run_scoped3A_78 : memref<!tpu.dma_semaphore, #tpu.memory_space<semaphore_mem>>) src(%dma_wait3A_96 : memref<10240x128xf32, #tpu.memory_space<hbm>>) dst(%arg10 : memref<128x128xf32, #tpu.memory_space<vmem>>)
          tpu.yield
        }) : () -> ()
        "tpu.region"() ({
          %run_scoped3A_78 = tpu.sem_alloc : memref<!tpu.dma_semaphore, #tpu.memory_space<semaphore_mem>>
          %dma_start3A = arith.constant 0 : i32
          %dma_start3A_79 = tpu.memref_slice %arg9[%add3A_76, %dma_start3A] : memref<37x128xi32, #tpu.memory_space<vmem>> -> memref<1x128xi32, #tpu.memory_space<vmem>>
          %dma_start3A_80 = tpu.memref_squeeze %dma_start3A_79 : memref<1x128xi32, #tpu.memory_space<vmem>> -> memref<128xi32, #tpu.memory_space<vmem>>
          %dma_start3A_81 = arith.constant 0 : i32
          %dma_start3A_82 = arith.constant 0 : i32
          %dma_start3A_83 = tpu.memref_slice %arg12[%dma_start3A_81, %dma_start3A_82] : memref<10240x128xf32, #tpu.memory_space<vmem_shared>> -> memref<10240x128xf32, #tpu.memory_space<vmem_shared>>
          tpu.enqueue_indirect_dma source(%arg10 : memref<128x128xf32, #tpu.memory_space<vmem>>) target(%dma_start3A_83 : memref<10240x128xf32, #tpu.memory_space<vmem_shared>>) offsets(%dma_start3A_80 : memref<128xi32, #tpu.memory_space<vmem>>) semaphore(%run_scoped3A_78 : memref<!tpu.dma_semaphore, #tpu.memory_space<semaphore_mem>>) {add = true}
          %dma_wait3A = arith.constant 0 : i32
          %dma_wait3A_84 = tpu.memref_slice %arg9[%add3A_76, %dma_wait3A] : memref<37x128xi32, #tpu.memory_space<vmem>> -> memref<1x128xi32, #tpu.memory_space<vmem>>
          %dma_wait3A_85 = tpu.memref_squeeze %dma_wait3A_84 : memref<1x128xi32, #tpu.memory_space<vmem>> -> memref<128xi32, #tpu.memory_space<vmem>>
          %dma_wait3A_86 = arith.constant 0 : i32
          %dma_wait3A_87 = arith.constant 0 : i32
          %dma_wait3A_88 = tpu.memref_slice %arg12[%dma_wait3A_86, %dma_wait3A_87] : memref<10240x128xf32, #tpu.memory_space<vmem_shared>> -> memref<10240x128xf32, #tpu.memory_space<vmem_shared>>
          tpu.wait_indirect_dma semaphore(%run_scoped3A_78 : memref<!tpu.dma_semaphore, #tpu.memory_space<semaphore_mem>>) src(%arg10 : memref<128x128xf32, #tpu.memory_space<vmem>>) dst(%dma_wait3A_88 : memref<10240x128xf32, #tpu.memory_space<vmem_shared>>)
          tpu.yield
        }) : () -> ()
      }
      %scan3A_16 = arith.constant 37 : i32
      %barrier3A_17 = arith.constant 0 : index
      tpu.barrier barrier_id(%barrier3A_17)
      %mul3A = arith.constant 640 : i32
      %mul3A_18 = arith.muli %arg1, %mul3A : i32
      %mul3A_19 = arith.constant 640 : i32
      %mul3A_20 = arith.muli %arg1, %mul3A_19 : i32
      %run_scoped3A_21 = arith.constant 0 : i32
      "tpu.region"() ({
        %run_scoped3A_73 = tpu.sem_alloc : memref<!tpu.dma_semaphore, #tpu.memory_space<semaphore_mem>>
        %dma_start3A = arith.constant 0 : i32
        %dma_start3A_74 = tpu.memref_slice %arg7[%run_scoped3A_21, %mul3A_20, %dma_start3A] : memref<4x10240x128xf32, #tpu.memory_space<hbm>> -> memref<1x640x128xf32, #tpu.memory_space<hbm>>
        %dma_start3A_75 = tpu.memref_squeeze %dma_start3A_74 : memref<1x640x128xf32, #tpu.memory_space<hbm>> -> memref<640x128xf32, #tpu.memory_space<hbm>>
        %dma_start3A_76 = arith.constant 0 : i32
        %dma_start3A_77 = tpu.memref_slice %arg12[%mul3A_18, %dma_start3A_76] : memref<10240x128xf32, #tpu.memory_space<vmem_shared>> -> memref<640x128xf32, #tpu.memory_space<vmem_shared>>
        tpu.enqueue_dma source(%dma_start3A_77 : memref<640x128xf32, #tpu.memory_space<vmem_shared>>) target(%dma_start3A_75 : memref<640x128xf32, #tpu.memory_space<hbm>>) target_semaphore(%run_scoped3A_73 : memref<!tpu.dma_semaphore, #tpu.memory_space<semaphore_mem>>)
        %dma_wait3A = arith.constant 0 : i32
        %dma_wait3A_78 = tpu.memref_slice %arg7[%run_scoped3A_21, %mul3A_20, %dma_wait3A] : memref<4x10240x128xf32, #tpu.memory_space<hbm>> -> memref<1x640x128xf32, #tpu.memory_space<hbm>>
        %dma_wait3A_79 = tpu.memref_squeeze %dma_wait3A_78 : memref<1x640x128xf32, #tpu.memory_space<hbm>> -> memref<640x128xf32, #tpu.memory_space<hbm>>
        %dma_wait3A_80 = arith.constant 0 : i32
        %dma_wait3A_81 = tpu.memref_slice %arg12[%mul3A_18, %dma_wait3A_80] : memref<10240x128xf32, #tpu.memory_space<vmem_shared>> -> memref<640x128xf32, #tpu.memory_space<vmem_shared>>
        tpu.wait_dma2 semaphore(%run_scoped3A_73 : memref<!tpu.dma_semaphore, #tpu.memory_space<semaphore_mem>>) src(%dma_wait3A_81 : memref<640x128xf32, #tpu.memory_space<vmem_shared>>) dst(%dma_wait3A_79 : memref<640x128xf32, #tpu.memory_space<hbm>>)
        tpu.yield
      }) : () -> ()
      %scan3A_22 = arith.constant 0 : i32
      %scan3A_23 = arith.constant 10 : i32
      %scan3A_24 = arith.addi %scan3A_22, %scan3A_23 : i32
      %scan3A_25 = arith.constant 1 : i32
      scf.for %scan3A_73 = %scan3A_22 to %scan3A_24 step %scan3A_25  : i32 {
        %mul3A_74 = arith.constant 1 : i32
        %mul3A_75 = arith.muli %scan3A_73, %mul3A_74 : i32
        %add3A = arith.constant 0 : i32
        %add3A_76 = arith.addi %add3A, %mul3A_75 : i32
        %mul3A_77 = arith.constant 640 : i32
        %mul3A_78 = arith.muli %arg1, %mul3A_77 : i32
        %mul3A_79 = arith.constant 64 : i32
        %mul3A_80 = arith.muli %add3A_76, %mul3A_79 : i32
        %add3A_81 = arith.addi %mul3A_78, %mul3A_80 : i32
        "tpu.region"() ({
          %run_scoped3A_82 = tpu.sem_alloc : memref<!tpu.dma_semaphore, #tpu.memory_space<semaphore_mem>>
          %dma_start3A = arith.constant 0 : i32
          %dma_start3A_83 = tpu.memref_slice %arg12[%add3A_81, %dma_start3A] : memref<10240x128xf32, #tpu.memory_space<vmem_shared>> -> memref<64x128xf32, #tpu.memory_space<vmem_shared>>
          %dma_start3A_84 = arith.constant 0 : i32
          %dma_start3A_85 = tpu.memref_slice %arg12[%add3A_81, %dma_start3A_84] : memref<10240x128xf32, #tpu.memory_space<vmem_shared>> -> memref<64x128xf32, #tpu.memory_space<vmem_shared>>
          tpu.enqueue_dma source(%arg11 : memref<64x128xf32, #tpu.memory_space<vmem>>) target(%dma_start3A_85 : memref<64x128xf32, #tpu.memory_space<vmem_shared>>) target_semaphore(%run_scoped3A_82 : memref<!tpu.dma_semaphore, #tpu.memory_space<semaphore_mem>>)
          %dma_wait3A = arith.constant 0 : i32
          %dma_wait3A_86 = tpu.memref_slice %arg12[%add3A_81, %dma_wait3A] : memref<10240x128xf32, #tpu.memory_space<vmem_shared>> -> memref<64x128xf32, #tpu.memory_space<vmem_shared>>
          %dma_wait3A_87 = arith.constant 0 : i32
          %dma_wait3A_88 = tpu.memref_slice %arg12[%add3A_81, %dma_wait3A_87] : memref<10240x128xf32, #tpu.memory_space<vmem_shared>> -> memref<64x128xf32, #tpu.memory_space<vmem_shared>>
          tpu.wait_dma2 semaphore(%run_scoped3A_82 : memref<!tpu.dma_semaphore, #tpu.memory_space<semaphore_mem>>) src(%arg11 : memref<64x128xf32, #tpu.memory_space<vmem>>) dst(%dma_wait3A_88 : memref<64x128xf32, #tpu.memory_space<vmem_shared>>)
          tpu.yield
        }) : () -> ()
      }
      %scan3A_26 = arith.constant 10 : i32
      %barrier3A_27 = arith.constant 0 : index
      tpu.barrier barrier_id(%barrier3A_27)
      %scan3A_28 = arith.constant 0 : i32
      %scan3A_29 = arith.constant 37 : i32
      %scan3A_30 = arith.addi %scan3A_28, %scan3A_29 : i32
      %scan3A_31 = arith.constant 1 : i32
      scf.for %scan3A_73 = %scan3A_28 to %scan3A_30 step %scan3A_31  : i32 {
        %mul3A_74 = arith.constant 1 : i32
        %mul3A_75 = arith.muli %scan3A_73, %mul3A_74 : i32
        %add3A = arith.constant 0 : i32
        %add3A_76 = arith.addi %add3A, %mul3A_75 : i32
        %run_scoped3A_77 = arith.constant 1 : i32
        "tpu.region"() ({
          %run_scoped3A_78 = tpu.sem_alloc : memref<!tpu.dma_semaphore, #tpu.memory_space<semaphore_mem>>
          %dma_start3A = arith.constant 0 : i32
          %dma_start3A_79 = tpu.memref_slice %arg8[%add3A_76, %dma_start3A] : memref<37x128xi32, #tpu.memory_space<vmem>> -> memref<1x128xi32, #tpu.memory_space<vmem>>
          %dma_start3A_80 = tpu.memref_squeeze %dma_start3A_79 : memref<1x128xi32, #tpu.memory_space<vmem>> -> memref<128xi32, #tpu.memory_space<vmem>>
          %dma_start3A_81 = arith.constant 0 : i32
          %dma_start3A_82 = arith.constant 0 : i32
          %dma_start3A_83 = tpu.memref_slice %arg2[%run_scoped3A_77, %dma_start3A_81, %dma_start3A_82] : memref<4x10240x128xf32, #tpu.memory_space<hbm>> -> memref<1x10240x128xf32, #tpu.memory_space<hbm>>
          %dma_start3A_84 = tpu.memref_squeeze %dma_start3A_83 : memref<1x10240x128xf32, #tpu.memory_space<hbm>> -> memref<10240x128xf32, #tpu.memory_space<hbm>>
          %dma_start3A_85 = arith.constant 0 : i32
          %dma_start3A_86 = arith.constant 0 : i32
          %dma_start3A_87 = tpu.memref_slice %dma_start3A_84[%dma_start3A_85, %dma_start3A_86] : memref<10240x128xf32, #tpu.memory_space<hbm>> -> memref<10240x128xf32, #tpu.memory_space<hbm>>
          tpu.enqueue_indirect_dma source(%dma_start3A_87 : memref<10240x128xf32, #tpu.memory_space<hbm>>) target(%arg10 : memref<128x128xf32, #tpu.memory_space<vmem>>) offsets(%dma_start3A_80 : memref<128xi32, #tpu.memory_space<vmem>>) semaphore(%run_scoped3A_78 : memref<!tpu.dma_semaphore, #tpu.memory_space<semaphore_mem>>)
          %dma_wait3A = arith.constant 0 : i32
          %dma_wait3A_88 = tpu.memref_slice %arg8[%add3A_76, %dma_wait3A] : memref<37x128xi32, #tpu.memory_space<vmem>> -> memref<1x128xi32, #tpu.memory_space<vmem>>
          %dma_wait3A_89 = tpu.memref_squeeze %dma_wait3A_88 : memref<1x128xi32, #tpu.memory_space<vmem>> -> memref<128xi32, #tpu.memory_space<vmem>>
          %dma_wait3A_90 = arith.constant 0 : i32
          %dma_wait3A_91 = arith.constant 0 : i32
          %dma_wait3A_92 = tpu.memref_slice %arg2[%run_scoped3A_77, %dma_wait3A_90, %dma_wait3A_91] : memref<4x10240x128xf32, #tpu.memory_space<hbm>> -> memref<1x10240x128xf32, #tpu.memory_space<hbm>>
          %dma_wait3A_93 = tpu.memref_squeeze %dma_wait3A_92 : memref<1x10240x128xf32, #tpu.memory_space<hbm>> -> memref<10240x128xf32, #tpu.memory_space<hbm>>
          %dma_wait3A_94 = arith.constant 0 : i32
          %dma_wait3A_95 = arith.constant 0 : i32
          %dma_wait3A_96 = tpu.memref_slice %dma_wait3A_93[%dma_wait3A_94, %dma_wait3A_95] : memref<10240x128xf32, #tpu.memory_space<hbm>> -> memref<10240x128xf32, #tpu.memory_space<hbm>>
          tpu.wait_indirect_dma semaphore(%run_scoped3A_78 : memref<!tpu.dma_semaphore, #tpu.memory_space<semaphore_mem>>) src(%dma_wait3A_96 : memref<10240x128xf32, #tpu.memory_space<hbm>>) dst(%arg10 : memref<128x128xf32, #tpu.memory_space<vmem>>)
          tpu.yield
        }) : () -> ()
        "tpu.region"() ({
          %run_scoped3A_78 = tpu.sem_alloc : memref<!tpu.dma_semaphore, #tpu.memory_space<semaphore_mem>>
          %dma_start3A = arith.constant 0 : i32
          %dma_start3A_79 = tpu.memref_slice %arg9[%add3A_76, %dma_start3A] : memref<37x128xi32, #tpu.memory_space<vmem>> -> memref<1x128xi32, #tpu.memory_space<vmem>>
          %dma_start3A_80 = tpu.memref_squeeze %dma_start3A_79 : memref<1x128xi32, #tpu.memory_space<vmem>> -> memref<128xi32, #tpu.memory_space<vmem>>
          %dma_start3A_81 = arith.constant 0 : i32
          %dma_start3A_82 = arith.constant 0 : i32
          %dma_start3A_83 = tpu.memref_slice %arg12[%dma_start3A_81, %dma_start3A_82] : memref<10240x128xf32, #tpu.memory_space<vmem_shared>> -> memref<10240x128xf32, #tpu.memory_space<vmem_shared>>
          tpu.enqueue_indirect_dma source(%arg10 : memref<128x128xf32, #tpu.memory_space<vmem>>) target(%dma_start3A_83 : memref<10240x128xf32, #tpu.memory_space<vmem_shared>>) offsets(%dma_start3A_80 : memref<128xi32, #tpu.memory_space<vmem>>) semaphore(%run_scoped3A_78 : memref<!tpu.dma_semaphore, #tpu.memory_space<semaphore_mem>>) {add = true}
          %dma_wait3A = arith.constant 0 : i32
          %dma_wait3A_84 = tpu.memref_slice %arg9[%add3A_76, %dma_wait3A] : memref<37x128xi32, #tpu.memory_space<vmem>> -> memref<1x128xi32, #tpu.memory_space<vmem>>
          %dma_wait3A_85 = tpu.memref_squeeze %dma_wait3A_84 : memref<1x128xi32, #tpu.memory_space<vmem>> -> memref<128xi32, #tpu.memory_space<vmem>>
          %dma_wait3A_86 = arith.constant 0 : i32
          %dma_wait3A_87 = arith.constant 0 : i32
          %dma_wait3A_88 = tpu.memref_slice %arg12[%dma_wait3A_86, %dma_wait3A_87] : memref<10240x128xf32, #tpu.memory_space<vmem_shared>> -> memref<10240x128xf32, #tpu.memory_space<vmem_shared>>
          tpu.wait_indirect_dma semaphore(%run_scoped3A_78 : memref<!tpu.dma_semaphore, #tpu.memory_space<semaphore_mem>>) src(%arg10 : memref<128x128xf32, #tpu.memory_space<vmem>>) dst(%dma_wait3A_88 : memref<10240x128xf32, #tpu.memory_space<vmem_shared>>)
          tpu.yield
        }) : () -> ()
      }
      %scan3A_32 = arith.constant 37 : i32
      %barrier3A_33 = arith.constant 0 : index
      tpu.barrier barrier_id(%barrier3A_33)
      %mul3A_34 = arith.constant 640 : i32
      %mul3A_35 = arith.muli %arg1, %mul3A_34 : i32
      %mul3A_36 = arith.constant 640 : i32
      %mul3A_37 = arith.muli %arg1, %mul3A_36 : i32
      %run_scoped3A_38 = arith.constant 1 : i32
      "tpu.region"() ({
        %run_scoped3A_73 = tpu.sem_alloc : memref<!tpu.dma_semaphore, #tpu.memory_space<semaphore_mem>>
        %dma_start3A = arith.constant 0 : i32
        %dma_start3A_74 = tpu.memref_slice %arg7[%run_scoped3A_38, %mul3A_37, %dma_start3A] : memref<4x10240x128xf32, #tpu.memory_space<hbm>> -> memref<1x640x128xf32, #tpu.memory_space<hbm>>
        %dma_start3A_75 = tpu.memref_squeeze %dma_start3A_74 : memref<1x640x128xf32, #tpu.memory_space<hbm>> -> memref<640x128xf32, #tpu.memory_space<hbm>>
        %dma_start3A_76 = arith.constant 0 : i32
        %dma_start3A_77 = tpu.memref_slice %arg12[%mul3A_35, %dma_start3A_76] : memref<10240x128xf32, #tpu.memory_space<vmem_shared>> -> memref<640x128xf32, #tpu.memory_space<vmem_shared>>
        tpu.enqueue_dma source(%dma_start3A_77 : memref<640x128xf32, #tpu.memory_space<vmem_shared>>) target(%dma_start3A_75 : memref<640x128xf32, #tpu.memory_space<hbm>>) target_semaphore(%run_scoped3A_73 : memref<!tpu.dma_semaphore, #tpu.memory_space<semaphore_mem>>)
        %dma_wait3A = arith.constant 0 : i32
        %dma_wait3A_78 = tpu.memref_slice %arg7[%run_scoped3A_38, %mul3A_37, %dma_wait3A] : memref<4x10240x128xf32, #tpu.memory_space<hbm>> -> memref<1x640x128xf32, #tpu.memory_space<hbm>>
        %dma_wait3A_79 = tpu.memref_squeeze %dma_wait3A_78 : memref<1x640x128xf32, #tpu.memory_space<hbm>> -> memref<640x128xf32, #tpu.memory_space<hbm>>
        %dma_wait3A_80 = arith.constant 0 : i32
        %dma_wait3A_81 = tpu.memref_slice %arg12[%mul3A_35, %dma_wait3A_80] : memref<10240x128xf32, #tpu.memory_space<vmem_shared>> -> memref<640x128xf32, #tpu.memory_space<vmem_shared>>
        tpu.wait_dma2 semaphore(%run_scoped3A_73 : memref<!tpu.dma_semaphore, #tpu.memory_space<semaphore_mem>>) src(%dma_wait3A_81 : memref<640x128xf32, #tpu.memory_space<vmem_shared>>) dst(%dma_wait3A_79 : memref<640x128xf32, #tpu.memory_space<hbm>>)
        tpu.yield
      }) : () -> ()
      %scan3A_39 = arith.constant 0 : i32
      %scan3A_40 = arith.constant 10 : i32
      %scan3A_41 = arith.addi %scan3A_39, %scan3A_40 : i32
      %scan3A_42 = arith.constant 1 : i32
      scf.for %scan3A_73 = %scan3A_39 to %scan3A_41 step %scan3A_42  : i32 {
        %mul3A_74 = arith.constant 1 : i32
        %mul3A_75 = arith.muli %scan3A_73, %mul3A_74 : i32
        %add3A = arith.constant 0 : i32
        %add3A_76 = arith.addi %add3A, %mul3A_75 : i32
        %mul3A_77 = arith.constant 640 : i32
        %mul3A_78 = arith.muli %arg1, %mul3A_77 : i32
        %mul3A_79 = arith.constant 64 : i32
        %mul3A_80 = arith.muli %add3A_76, %mul3A_79 : i32
        %add3A_81 = arith.addi %mul3A_78, %mul3A_80 : i32
        "tpu.region"() ({
          %run_scoped3A_82 = tpu.sem_alloc : memref<!tpu.dma_semaphore, #tpu.memory_space<semaphore_mem>>
          %dma_start3A = arith.constant 0 : i32
          %dma_start3A_83 = tpu.memref_slice %arg12[%add3A_81, %dma_start3A] : memref<10240x128xf32, #tpu.memory_space<vmem_shared>> -> memref<64x128xf32, #tpu.memory_space<vmem_shared>>
          %dma_start3A_84 = arith.constant 0 : i32
          %dma_start3A_85 = tpu.memref_slice %arg12[%add3A_81, %dma_start3A_84] : memref<10240x128xf32, #tpu.memory_space<vmem_shared>> -> memref<64x128xf32, #tpu.memory_space<vmem_shared>>
          tpu.enqueue_dma source(%arg11 : memref<64x128xf32, #tpu.memory_space<vmem>>) target(%dma_start3A_85 : memref<64x128xf32, #tpu.memory_space<vmem_shared>>) target_semaphore(%run_scoped3A_82 : memref<!tpu.dma_semaphore, #tpu.memory_space<semaphore_mem>>)
          %dma_wait3A = arith.constant 0 : i32
          %dma_wait3A_86 = tpu.memref_slice %arg12[%add3A_81, %dma_wait3A] : memref<10240x128xf32, #tpu.memory_space<vmem_shared>> -> memref<64x128xf32, #tpu.memory_space<vmem_shared>>
          %dma_wait3A_87 = arith.constant 0 : i32
          %dma_wait3A_88 = tpu.memref_slice %arg12[%add3A_81, %dma_wait3A_87] : memref<10240x128xf32, #tpu.memory_space<vmem_shared>> -> memref<64x128xf32, #tpu.memory_space<vmem_shared>>
          tpu.wait_dma2 semaphore(%run_scoped3A_82 : memref<!tpu.dma_semaphore, #tpu.memory_space<semaphore_mem>>) src(%arg11 : memref<64x128xf32, #tpu.memory_space<vmem>>) dst(%dma_wait3A_88 : memref<64x128xf32, #tpu.memory_space<vmem_shared>>)
          tpu.yield
        }) : () -> ()
      }
      %scan3A_43 = arith.constant 10 : i32
      %barrier3A_44 = arith.constant 0 : index
      tpu.barrier barrier_id(%barrier3A_44)
      %scan3A_45 = arith.constant 0 : i32
      %scan3A_46 = arith.constant 37 : i32
      %scan3A_47 = arith.addi %scan3A_45, %scan3A_46 : i32
      %scan3A_48 = arith.constant 1 : i32
      scf.for %scan3A_73 = %scan3A_45 to %scan3A_47 step %scan3A_48  : i32 {
        %mul3A_74 = arith.constant 1 : i32
        %mul3A_75 = arith.muli %scan3A_73, %mul3A_74 : i32
        %add3A = arith.constant 0 : i32
        %add3A_76 = arith.addi %add3A, %mul3A_75 : i32
        %run_scoped3A_77 = arith.constant 2 : i32
        "tpu.region"() ({
          %run_scoped3A_78 = tpu.sem_alloc : memref<!tpu.dma_semaphore, #tpu.memory_space<semaphore_mem>>
          %dma_start3A = arith.constant 0 : i32
          %dma_start3A_79 = tpu.memref_slice %arg8[%add3A_76, %dma_start3A] : memref<37x128xi32, #tpu.memory_space<vmem>> -> memref<1x128xi32, #tpu.memory_space<vmem>>
          %dma_start3A_80 = tpu.memref_squeeze %dma_start3A_79 : memref<1x128xi32, #tpu.memory_space<vmem>> -> memref<128xi32, #tpu.memory_space<vmem>>
          %dma_start3A_81 = arith.constant 0 : i32
          %dma_start3A_82 = arith.constant 0 : i32
          %dma_start3A_83 = tpu.memref_slice %arg2[%run_scoped3A_77, %dma_start3A_81, %dma_start3A_82] : memref<4x10240x128xf32, #tpu.memory_space<hbm>> -> memref<1x10240x128xf32, #tpu.memory_space<hbm>>
          %dma_start3A_84 = tpu.memref_squeeze %dma_start3A_83 : memref<1x10240x128xf32, #tpu.memory_space<hbm>> -> memref<10240x128xf32, #tpu.memory_space<hbm>>
          %dma_start3A_85 = arith.constant 0 : i32
          %dma_start3A_86 = arith.constant 0 : i32
          %dma_start3A_87 = tpu.memref_slice %dma_start3A_84[%dma_start3A_85, %dma_start3A_86] : memref<10240x128xf32, #tpu.memory_space<hbm>> -> memref<10240x128xf32, #tpu.memory_space<hbm>>
          tpu.enqueue_indirect_dma source(%dma_start3A_87 : memref<10240x128xf32, #tpu.memory_space<hbm>>) target(%arg10 : memref<128x128xf32, #tpu.memory_space<vmem>>) offsets(%dma_start3A_80 : memref<128xi32, #tpu.memory_space<vmem>>) semaphore(%run_scoped3A_78 : memref<!tpu.dma_semaphore, #tpu.memory_space<semaphore_mem>>)
          %dma_wait3A = arith.constant 0 : i32
          %dma_wait3A_88 = tpu.memref_slice %arg8[%add3A_76, %dma_wait3A] : memref<37x128xi32, #tpu.memory_space<vmem>> -> memref<1x128xi32, #tpu.memory_space<vmem>>
          %dma_wait3A_89 = tpu.memref_squeeze %dma_wait3A_88 : memref<1x128xi32, #tpu.memory_space<vmem>> -> memref<128xi32, #tpu.memory_space<vmem>>
          %dma_wait3A_90 = arith.constant 0 : i32
          %dma_wait3A_91 = arith.constant 0 : i32
          %dma_wait3A_92 = tpu.memref_slice %arg2[%run_scoped3A_77, %dma_wait3A_90, %dma_wait3A_91] : memref<4x10240x128xf32, #tpu.memory_space<hbm>> -> memref<1x10240x128xf32, #tpu.memory_space<hbm>>
          %dma_wait3A_93 = tpu.memref_squeeze %dma_wait3A_92 : memref<1x10240x128xf32, #tpu.memory_space<hbm>> -> memref<10240x128xf32, #tpu.memory_space<hbm>>
          %dma_wait3A_94 = arith.constant 0 : i32
          %dma_wait3A_95 = arith.constant 0 : i32
          %dma_wait3A_96 = tpu.memref_slice %dma_wait3A_93[%dma_wait3A_94, %dma_wait3A_95] : memref<10240x128xf32, #tpu.memory_space<hbm>> -> memref<10240x128xf32, #tpu.memory_space<hbm>>
          tpu.wait_indirect_dma semaphore(%run_scoped3A_78 : memref<!tpu.dma_semaphore, #tpu.memory_space<semaphore_mem>>) src(%dma_wait3A_96 : memref<10240x128xf32, #tpu.memory_space<hbm>>) dst(%arg10 : memref<128x128xf32, #tpu.memory_space<vmem>>)
          tpu.yield
        }) : () -> ()
        "tpu.region"() ({
          %run_scoped3A_78 = tpu.sem_alloc : memref<!tpu.dma_semaphore, #tpu.memory_space<semaphore_mem>>
          %dma_start3A = arith.constant 0 : i32
          %dma_start3A_79 = tpu.memref_slice %arg9[%add3A_76, %dma_start3A] : memref<37x128xi32, #tpu.memory_space<vmem>> -> memref<1x128xi32, #tpu.memory_space<vmem>>
          %dma_start3A_80 = tpu.memref_squeeze %dma_start3A_79 : memref<1x128xi32, #tpu.memory_space<vmem>> -> memref<128xi32, #tpu.memory_space<vmem>>
          %dma_start3A_81 = arith.constant 0 : i32
          %dma_start3A_82 = arith.constant 0 : i32
          %dma_start3A_83 = tpu.memref_slice %arg12[%dma_start3A_81, %dma_start3A_82] : memref<10240x128xf32, #tpu.memory_space<vmem_shared>> -> memref<10240x128xf32, #tpu.memory_space<vmem_shared>>
          tpu.enqueue_indirect_dma source(%arg10 : memref<128x128xf32, #tpu.memory_space<vmem>>) target(%dma_start3A_83 : memref<10240x128xf32, #tpu.memory_space<vmem_shared>>) offsets(%dma_start3A_80 : memref<128xi32, #tpu.memory_space<vmem>>) semaphore(%run_scoped3A_78 : memref<!tpu.dma_semaphore, #tpu.memory_space<semaphore_mem>>) {add = true}
          %dma_wait3A = arith.constant 0 : i32
          %dma_wait3A_84 = tpu.memref_slice %arg9[%add3A_76, %dma_wait3A] : memref<37x128xi32, #tpu.memory_space<vmem>> -> memref<1x128xi32, #tpu.memory_space<vmem>>
          %dma_wait3A_85 = tpu.memref_squeeze %dma_wait3A_84 : memref<1x128xi32, #tpu.memory_space<vmem>> -> memref<128xi32, #tpu.memory_space<vmem>>
          %dma_wait3A_86 = arith.constant 0 : i32
          %dma_wait3A_87 = arith.constant 0 : i32
          %dma_wait3A_88 = tpu.memref_slice %arg12[%dma_wait3A_86, %dma_wait3A_87] : memref<10240x128xf32, #tpu.memory_space<vmem_shared>> -> memref<10240x128xf32, #tpu.memory_space<vmem_shared>>
          tpu.wait_indirect_dma semaphore(%run_scoped3A_78 : memref<!tpu.dma_semaphore, #tpu.memory_space<semaphore_mem>>) src(%arg10 : memref<128x128xf32, #tpu.memory_space<vmem>>) dst(%dma_wait3A_88 : memref<10240x128xf32, #tpu.memory_space<vmem_shared>>)
          tpu.yield
        }) : () -> ()
      }
      %scan3A_49 = arith.constant 37 : i32
      %barrier3A_50 = arith.constant 0 : index
      tpu.barrier barrier_id(%barrier3A_50)
      %mul3A_51 = arith.constant 640 : i32
      %mul3A_52 = arith.muli %arg1, %mul3A_51 : i32
      %mul3A_53 = arith.constant 640 : i32
      %mul3A_54 = arith.muli %arg1, %mul3A_53 : i32
      %run_scoped3A_55 = arith.constant 2 : i32
      "tpu.region"() ({
        %run_scoped3A_73 = tpu.sem_alloc : memref<!tpu.dma_semaphore, #tpu.memory_space<semaphore_mem>>
        %dma_start3A = arith.constant 0 : i32
        %dma_start3A_74 = tpu.memref_slice %arg7[%run_scoped3A_55, %mul3A_54, %dma_start3A] : memref<4x10240x128xf32, #tpu.memory_space<hbm>> -> memref<1x640x128xf32, #tpu.memory_space<hbm>>
        %dma_start3A_75 = tpu.memref_squeeze %dma_start3A_74 : memref<1x640x128xf32, #tpu.memory_space<hbm>> -> memref<640x128xf32, #tpu.memory_space<hbm>>
        %dma_start3A_76 = arith.constant 0 : i32
        %dma_start3A_77 = tpu.memref_slice %arg12[%mul3A_52, %dma_start3A_76] : memref<10240x128xf32, #tpu.memory_space<vmem_shared>> -> memref<640x128xf32, #tpu.memory_space<vmem_shared>>
        tpu.enqueue_dma source(%dma_start3A_77 : memref<640x128xf32, #tpu.memory_space<vmem_shared>>) target(%dma_start3A_75 : memref<640x128xf32, #tpu.memory_space<hbm>>) target_semaphore(%run_scoped3A_73 : memref<!tpu.dma_semaphore, #tpu.memory_space<semaphore_mem>>)
        %dma_wait3A = arith.constant 0 : i32
        %dma_wait3A_78 = tpu.memref_slice %arg7[%run_scoped3A_55, %mul3A_54, %dma_wait3A] : memref<4x10240x128xf32, #tpu.memory_space<hbm>> -> memref<1x640x128xf32, #tpu.memory_space<hbm>>
        %dma_wait3A_79 = tpu.memref_squeeze %dma_wait3A_78 : memref<1x640x128xf32, #tpu.memory_space<hbm>> -> memref<640x128xf32, #tpu.memory_space<hbm>>
        %dma_wait3A_80 = arith.constant 0 : i32
        %dma_wait3A_81 = tpu.memref_slice %arg12[%mul3A_52, %dma_wait3A_80] : memref<10240x128xf32, #tpu.memory_space<vmem_shared>> -> memref<640x128xf32, #tpu.memory_space<vmem_shared>>
        tpu.wait_dma2 semaphore(%run_scoped3A_73 : memref<!tpu.dma_semaphore, #tpu.memory_space<semaphore_mem>>) src(%dma_wait3A_81 : memref<640x128xf32, #tpu.memory_space<vmem_shared>>) dst(%dma_wait3A_79 : memref<640x128xf32, #tpu.memory_space<hbm>>)
        tpu.yield
      }) : () -> ()
      %scan3A_56 = arith.constant 0 : i32
      %scan3A_57 = arith.constant 10 : i32
      %scan3A_58 = arith.addi %scan3A_56, %scan3A_57 : i32
      %scan3A_59 = arith.constant 1 : i32
      scf.for %scan3A_73 = %scan3A_56 to %scan3A_58 step %scan3A_59  : i32 {
        %mul3A_74 = arith.constant 1 : i32
        %mul3A_75 = arith.muli %scan3A_73, %mul3A_74 : i32
        %add3A = arith.constant 0 : i32
        %add3A_76 = arith.addi %add3A, %mul3A_75 : i32
        %mul3A_77 = arith.constant 640 : i32
        %mul3A_78 = arith.muli %arg1, %mul3A_77 : i32
        %mul3A_79 = arith.constant 64 : i32
        %mul3A_80 = arith.muli %add3A_76, %mul3A_79 : i32
        %add3A_81 = arith.addi %mul3A_78, %mul3A_80 : i32
        "tpu.region"() ({
          %run_scoped3A_82 = tpu.sem_alloc : memref<!tpu.dma_semaphore, #tpu.memory_space<semaphore_mem>>
          %dma_start3A = arith.constant 0 : i32
          %dma_start3A_83 = tpu.memref_slice %arg12[%add3A_81, %dma_start3A] : memref<10240x128xf32, #tpu.memory_space<vmem_shared>> -> memref<64x128xf32, #tpu.memory_space<vmem_shared>>
          %dma_start3A_84 = arith.constant 0 : i32
          %dma_start3A_85 = tpu.memref_slice %arg12[%add3A_81, %dma_start3A_84] : memref<10240x128xf32, #tpu.memory_space<vmem_shared>> -> memref<64x128xf32, #tpu.memory_space<vmem_shared>>
          tpu.enqueue_dma source(%arg11 : memref<64x128xf32, #tpu.memory_space<vmem>>) target(%dma_start3A_85 : memref<64x128xf32, #tpu.memory_space<vmem_shared>>) target_semaphore(%run_scoped3A_82 : memref<!tpu.dma_semaphore, #tpu.memory_space<semaphore_mem>>)
          %dma_wait3A = arith.constant 0 : i32
          %dma_wait3A_86 = tpu.memref_slice %arg12[%add3A_81, %dma_wait3A] : memref<10240x128xf32, #tpu.memory_space<vmem_shared>> -> memref<64x128xf32, #tpu.memory_space<vmem_shared>>
          %dma_wait3A_87 = arith.constant 0 : i32
          %dma_wait3A_88 = tpu.memref_slice %arg12[%add3A_81, %dma_wait3A_87] : memref<10240x128xf32, #tpu.memory_space<vmem_shared>> -> memref<64x128xf32, #tpu.memory_space<vmem_shared>>
          tpu.wait_dma2 semaphore(%run_scoped3A_82 : memref<!tpu.dma_semaphore, #tpu.memory_space<semaphore_mem>>) src(%arg11 : memref<64x128xf32, #tpu.memory_space<vmem>>) dst(%dma_wait3A_88 : memref<64x128xf32, #tpu.memory_space<vmem_shared>>)
          tpu.yield
        }) : () -> ()
      }
      %scan3A_60 = arith.constant 10 : i32
      %barrier3A_61 = arith.constant 0 : index
      tpu.barrier barrier_id(%barrier3A_61)
      %scan3A_62 = arith.constant 0 : i32
      %scan3A_63 = arith.constant 37 : i32
      %scan3A_64 = arith.addi %scan3A_62, %scan3A_63 : i32
      %scan3A_65 = arith.constant 1 : i32
      scf.for %scan3A_73 = %scan3A_62 to %scan3A_64 step %scan3A_65  : i32 {
        %mul3A_74 = arith.constant 1 : i32
        %mul3A_75 = arith.muli %scan3A_73, %mul3A_74 : i32
        %add3A = arith.constant 0 : i32
        %add3A_76 = arith.addi %add3A, %mul3A_75 : i32
        %run_scoped3A_77 = arith.constant 3 : i32
        "tpu.region"() ({
          %run_scoped3A_78 = tpu.sem_alloc : memref<!tpu.dma_semaphore, #tpu.memory_space<semaphore_mem>>
          %dma_start3A = arith.constant 0 : i32
          %dma_start3A_79 = tpu.memref_slice %arg8[%add3A_76, %dma_start3A] : memref<37x128xi32, #tpu.memory_space<vmem>> -> memref<1x128xi32, #tpu.memory_space<vmem>>
          %dma_start3A_80 = tpu.memref_squeeze %dma_start3A_79 : memref<1x128xi32, #tpu.memory_space<vmem>> -> memref<128xi32, #tpu.memory_space<vmem>>
          %dma_start3A_81 = arith.constant 0 : i32
          %dma_start3A_82 = arith.constant 0 : i32
          %dma_start3A_83 = tpu.memref_slice %arg2[%run_scoped3A_77, %dma_start3A_81, %dma_start3A_82] : memref<4x10240x128xf32, #tpu.memory_space<hbm>> -> memref<1x10240x128xf32, #tpu.memory_space<hbm>>
          %dma_start3A_84 = tpu.memref_squeeze %dma_start3A_83 : memref<1x10240x128xf32, #tpu.memory_space<hbm>> -> memref<10240x128xf32, #tpu.memory_space<hbm>>
          %dma_start3A_85 = arith.constant 0 : i32
          %dma_start3A_86 = arith.constant 0 : i32
          %dma_start3A_87 = tpu.memref_slice %dma_start3A_84[%dma_start3A_85, %dma_start3A_86] : memref<10240x128xf32, #tpu.memory_space<hbm>> -> memref<10240x128xf32, #tpu.memory_space<hbm>>
          tpu.enqueue_indirect_dma source(%dma_start3A_87 : memref<10240x128xf32, #tpu.memory_space<hbm>>) target(%arg10 : memref<128x128xf32, #tpu.memory_space<vmem>>) offsets(%dma_start3A_80 : memref<128xi32, #tpu.memory_space<vmem>>) semaphore(%run_scoped3A_78 : memref<!tpu.dma_semaphore, #tpu.memory_space<semaphore_mem>>)
          %dma_wait3A = arith.constant 0 : i32
          %dma_wait3A_88 = tpu.memref_slice %arg8[%add3A_76, %dma_wait3A] : memref<37x128xi32, #tpu.memory_space<vmem>> -> memref<1x128xi32, #tpu.memory_space<vmem>>
          %dma_wait3A_89 = tpu.memref_squeeze %dma_wait3A_88 : memref<1x128xi32, #tpu.memory_space<vmem>> -> memref<128xi32, #tpu.memory_space<vmem>>
          %dma_wait3A_90 = arith.constant 0 : i32
          %dma_wait3A_91 = arith.constant 0 : i32
          %dma_wait3A_92 = tpu.memref_slice %arg2[%run_scoped3A_77, %dma_wait3A_90, %dma_wait3A_91] : memref<4x10240x128xf32, #tpu.memory_space<hbm>> -> memref<1x10240x128xf32, #tpu.memory_space<hbm>>
          %dma_wait3A_93 = tpu.memref_squeeze %dma_wait3A_92 : memref<1x10240x128xf32, #tpu.memory_space<hbm>> -> memref<10240x128xf32, #tpu.memory_space<hbm>>
          %dma_wait3A_94 = arith.constant 0 : i32
          %dma_wait3A_95 = arith.constant 0 : i32
          %dma_wait3A_96 = tpu.memref_slice %dma_wait3A_93[%dma_wait3A_94, %dma_wait3A_95] : memref<10240x128xf32, #tpu.memory_space<hbm>> -> memref<10240x128xf32, #tpu.memory_space<hbm>>
          tpu.wait_indirect_dma semaphore(%run_scoped3A_78 : memref<!tpu.dma_semaphore, #tpu.memory_space<semaphore_mem>>) src(%dma_wait3A_96 : memref<10240x128xf32, #tpu.memory_space<hbm>>) dst(%arg10 : memref<128x128xf32, #tpu.memory_space<vmem>>)
          tpu.yield
        }) : () -> ()
        "tpu.region"() ({
          %run_scoped3A_78 = tpu.sem_alloc : memref<!tpu.dma_semaphore, #tpu.memory_space<semaphore_mem>>
          %dma_start3A = arith.constant 0 : i32
          %dma_start3A_79 = tpu.memref_slice %arg9[%add3A_76, %dma_start3A] : memref<37x128xi32, #tpu.memory_space<vmem>> -> memref<1x128xi32, #tpu.memory_space<vmem>>
          %dma_start3A_80 = tpu.memref_squeeze %dma_start3A_79 : memref<1x128xi32, #tpu.memory_space<vmem>> -> memref<128xi32, #tpu.memory_space<vmem>>
          %dma_start3A_81 = arith.constant 0 : i32
          %dma_start3A_82 = arith.constant 0 : i32
          %dma_start3A_83 = tpu.memref_slice %arg12[%dma_start3A_81, %dma_start3A_82] : memref<10240x128xf32, #tpu.memory_space<vmem_shared>> -> memref<10240x128xf32, #tpu.memory_space<vmem_shared>>
          tpu.enqueue_indirect_dma source(%arg10 : memref<128x128xf32, #tpu.memory_space<vmem>>) target(%dma_start3A_83 : memref<10240x128xf32, #tpu.memory_space<vmem_shared>>) offsets(%dma_start3A_80 : memref<128xi32, #tpu.memory_space<vmem>>) semaphore(%run_scoped3A_78 : memref<!tpu.dma_semaphore, #tpu.memory_space<semaphore_mem>>) {add = true}
          %dma_wait3A = arith.constant 0 : i32
          %dma_wait3A_84 = tpu.memref_slice %arg9[%add3A_76, %dma_wait3A] : memref<37x128xi32, #tpu.memory_space<vmem>> -> memref<1x128xi32, #tpu.memory_space<vmem>>
          %dma_wait3A_85 = tpu.memref_squeeze %dma_wait3A_84 : memref<1x128xi32, #tpu.memory_space<vmem>> -> memref<128xi32, #tpu.memory_space<vmem>>
          %dma_wait3A_86 = arith.constant 0 : i32
          %dma_wait3A_87 = arith.constant 0 : i32
          %dma_wait3A_88 = tpu.memref_slice %arg12[%dma_wait3A_86, %dma_wait3A_87] : memref<10240x128xf32, #tpu.memory_space<vmem_shared>> -> memref<10240x128xf32, #tpu.memory_space<vmem_shared>>
          tpu.wait_indirect_dma semaphore(%run_scoped3A_78 : memref<!tpu.dma_semaphore, #tpu.memory_space<semaphore_mem>>) src(%arg10 : memref<128x128xf32, #tpu.memory_space<vmem>>) dst(%dma_wait3A_88 : memref<10240x128xf32, #tpu.memory_space<vmem_shared>>)
          tpu.yield
        }) : () -> ()
      }
      %scan3A_66 = arith.constant 37 : i32
      %barrier3A_67 = arith.constant 0 : index
      tpu.barrier barrier_id(%barrier3A_67)
      %mul3A_68 = arith.constant 640 : i32
      %mul3A_69 = arith.muli %arg1, %mul3A_68 : i32
      %mul3A_70 = arith.constant 640 : i32
      %mul3A_71 = arith.muli %arg1, %mul3A_70 : i32
      %run_scoped3A_72 = arith.constant 3 : i32
      "tpu.region"() ({
        %run_scoped3A_73 = tpu.sem_alloc : memref<!tpu.dma_semaphore, #tpu.memory_space<semaphore_mem>>
        %dma_start3A = arith.constant 0 : i32
        %dma_start3A_74 = tpu.memref_slice %arg7[%run_scoped3A_72, %mul3A_71, %dma_start3A] : memref<4x10240x128xf32, #tpu.memory_space<hbm>> -> memref<1x640x128xf32, #tpu.memory_space<hbm>>
        %dma_start3A_75 = tpu.memref_squeeze %dma_start3A_74 : memref<1x640x128xf32, #tpu.memory_space<hbm>> -> memref<640x128xf32, #tpu.memory_space<hbm>>
        %dma_start3A_76 = arith.constant 0 : i32
        %dma_start3A_77 = tpu.memref_slice %arg12[%mul3A_69, %dma_start3A_76] : memref<10240x128xf32, #tpu.memory_space<vmem_shared>> -> memref<640x128xf32, #tpu.memory_space<vmem_shared>>
        tpu.enqueue_dma source(%dma_start3A_77 : memref<640x128xf32, #tpu.memory_space<vmem_shared>>) target(%dma_start3A_75 : memref<640x128xf32, #tpu.memory_space<hbm>>) target_semaphore(%run_scoped3A_73 : memref<!tpu.dma_semaphore, #tpu.memory_space<semaphore_mem>>)
        %dma_wait3A = arith.constant 0 : i32
        %dma_wait3A_78 = tpu.memref_slice %arg7[%run_scoped3A_72, %mul3A_71, %dma_wait3A] : memref<4x10240x128xf32, #tpu.memory_space<hbm>> -> memref<1x640x128xf32, #tpu.memory_space<hbm>>
        %dma_wait3A_79 = tpu.memref_squeeze %dma_wait3A_78 : memref<1x640x128xf32, #tpu.memory_space<hbm>> -> memref<640x128xf32, #tpu.memory_space<hbm>>
        %dma_wait3A_80 = arith.constant 0 : i32
        %dma_wait3A_81 = tpu.memref_slice %arg12[%mul3A_69, %dma_wait3A_80] : memref<10240x128xf32, #tpu.memory_space<vmem_shared>> -> memref<640x128xf32, #tpu.memory_space<vmem_shared>>
        tpu.wait_dma2 semaphore(%run_scoped3A_73 : memref<!tpu.dma_semaphore, #tpu.memory_space<semaphore_mem>>) src(%dma_wait3A_81 : memref<640x128xf32, #tpu.memory_space<vmem_shared>>) dst(%dma_wait3A_79 : memref<640x128xf32, #tpu.memory_space<hbm>>)
        tpu.yield
      }) : () -> ()
    } else {
    }
    return
  }
}

#map = affine_map<(d0, d1) -> (0, 0)>
#map1 = affine_map<(d0, d1) -> (0, 0, 0)>
module attributes {stable_mosaic.version = 14 : i64} {
  func.func @_scatter_body(%arg0: i32, %arg1: i32, %arg2: memref<10240x512xf32, #tpu.memory_space<hbm>>, %arg3: memref<2048x512xf32, #tpu.memory_space<hbm>>, %arg4: memref<16x1x128xi32, #tpu.memory_space<hbm>>, %arg5: memref<10240x512xf32, #tpu.memory_space<hbm>>, %arg6: memref<1x128xi32, #tpu.memory_space<vmem>>, %arg7: memref<64x512xf32, #tpu.memory_space<vmem>>, %arg8: memref<128x512xf32, #tpu.memory_space<vmem>>) attributes {dimension_semantics = [#tpu.dimension_semantics<core_parallel>, #tpu.dimension_semantics<subcore_parallel>], iteration_bounds = array<i64: 2, 16>, scalar_prefetch = 0 : i64, scratch_operands = 3 : i64, tpu.core_type = #tpu.core_type<sc_vector_subcore>, window_params = [{transform_indices = #map}, {transform_indices = #map}, {transform_indices = #map1}, {transform_indices = #map}]} {
    %eq3A = arith.constant 0 : i32
    %eq3A_0 = arith.cmpi eq, %arg0, %eq3A : i32
    %convert_element_type3A = arith.extui %eq3A_0 : i1 to i32
    %cond3A = arith.constant 0 : i32
    %cond3A_1 = arith.cmpi ne, %convert_element_type3A, %cond3A : i32
    scf.if %cond3A_1 {
      %scan3A = arith.constant 0 : i32
      %scan3A_2 = arith.constant 10 : i32
      %scan3A_3 = arith.addi %scan3A, %scan3A_2 : i32
      %scan3A_4 = arith.constant 1 : i32
      scf.for %scan3A_7 = %scan3A to %scan3A_3 step %scan3A_4  : i32 {
        %mul3A_8 = arith.constant 1 : i32
        %mul3A_9 = arith.muli %scan3A_7, %mul3A_8 : i32
        %add3A = arith.constant 0 : i32
        %add3A_10 = arith.addi %add3A, %mul3A_9 : i32
        %mul3A_11 = arith.constant 640 : i32
        %mul3A_12 = arith.muli %arg1, %mul3A_11 : i32
        %mul3A_13 = arith.constant 64 : i32
        %mul3A_14 = arith.muli %add3A_10, %mul3A_13 : i32
        %add3A_15 = arith.addi %mul3A_12, %mul3A_14 : i32
        "tpu.region"() ({
          %run_scoped3A_16 = tpu.sem_alloc : memref<!tpu.dma_semaphore, #tpu.memory_space<semaphore_mem>>
          %dma_start3A = arith.constant 0 : i32
          %dma_start3A_17 = tpu.memref_slice %arg2[%add3A_15, %dma_start3A] : memref<10240x512xf32, #tpu.memory_space<hbm>> -> memref<64x512xf32, #tpu.memory_space<hbm>>
          %dma_start3A_18 = arith.constant 0 : i32
          %dma_start3A_19 = tpu.memref_slice %arg2[%add3A_15, %dma_start3A_18] : memref<10240x512xf32, #tpu.memory_space<hbm>> -> memref<64x512xf32, #tpu.memory_space<hbm>>
          tpu.enqueue_dma source(%dma_start3A_19 : memref<64x512xf32, #tpu.memory_space<hbm>>) target(%arg7 : memref<64x512xf32, #tpu.memory_space<vmem>>) target_semaphore(%run_scoped3A_16 : memref<!tpu.dma_semaphore, #tpu.memory_space<semaphore_mem>>)
          %dma_wait3A = arith.constant 0 : i32
          %dma_wait3A_20 = tpu.memref_slice %arg2[%add3A_15, %dma_wait3A] : memref<10240x512xf32, #tpu.memory_space<hbm>> -> memref<64x512xf32, #tpu.memory_space<hbm>>
          %dma_wait3A_21 = arith.constant 0 : i32
          %dma_wait3A_22 = tpu.memref_slice %arg2[%add3A_15, %dma_wait3A_21] : memref<10240x512xf32, #tpu.memory_space<hbm>> -> memref<64x512xf32, #tpu.memory_space<hbm>>
          tpu.wait_dma2 semaphore(%run_scoped3A_16 : memref<!tpu.dma_semaphore, #tpu.memory_space<semaphore_mem>>) src(%dma_wait3A_22 : memref<64x512xf32, #tpu.memory_space<hbm>>) dst(%arg7 : memref<64x512xf32, #tpu.memory_space<vmem>>)
          tpu.yield
        }) : () -> ()
        "tpu.region"() ({
          %run_scoped3A_16 = tpu.sem_alloc : memref<!tpu.dma_semaphore, #tpu.memory_space<semaphore_mem>>
          %dma_start3A = arith.constant 0 : i32
          %dma_start3A_17 = tpu.memref_slice %arg5[%add3A_15, %dma_start3A] : memref<10240x512xf32, #tpu.memory_space<hbm>> -> memref<64x512xf32, #tpu.memory_space<hbm>>
          %dma_start3A_18 = arith.constant 0 : i32
          %dma_start3A_19 = tpu.memref_slice %arg5[%add3A_15, %dma_start3A_18] : memref<10240x512xf32, #tpu.memory_space<hbm>> -> memref<64x512xf32, #tpu.memory_space<hbm>>
          tpu.enqueue_dma source(%arg7 : memref<64x512xf32, #tpu.memory_space<vmem>>) target(%dma_start3A_19 : memref<64x512xf32, #tpu.memory_space<hbm>>) target_semaphore(%run_scoped3A_16 : memref<!tpu.dma_semaphore, #tpu.memory_space<semaphore_mem>>)
          %dma_wait3A = arith.constant 0 : i32
          %dma_wait3A_20 = tpu.memref_slice %arg5[%add3A_15, %dma_wait3A] : memref<10240x512xf32, #tpu.memory_space<hbm>> -> memref<64x512xf32, #tpu.memory_space<hbm>>
          %dma_wait3A_21 = arith.constant 0 : i32
          %dma_wait3A_22 = tpu.memref_slice %arg5[%add3A_15, %dma_wait3A_21] : memref<10240x512xf32, #tpu.memory_space<hbm>> -> memref<64x512xf32, #tpu.memory_space<hbm>>
          tpu.wait_dma2 semaphore(%run_scoped3A_16 : memref<!tpu.dma_semaphore, #tpu.memory_space<semaphore_mem>>) src(%arg7 : memref<64x512xf32, #tpu.memory_space<vmem>>) dst(%dma_wait3A_22 : memref<64x512xf32, #tpu.memory_space<hbm>>)
          tpu.yield
        }) : () -> ()
      }
      %scan3A_5 = arith.constant 10 : i32
      %barrier3A = arith.constant 0 : index
      tpu.barrier barrier_id(%barrier3A)
      "tpu.region"() ({
        %run_scoped3A_7 = tpu.sem_alloc : memref<!tpu.dma_semaphore, #tpu.memory_space<semaphore_mem>>
        %dma_start3A = arith.constant 0 : i32
        %dma_start3A_8 = arith.constant 0 : i32
        %dma_start3A_9 = tpu.memref_slice %arg4[%arg1, %dma_start3A, %dma_start3A_8] : memref<16x1x128xi32, #tpu.memory_space<hbm>> -> memref<1x1x128xi32, #tpu.memory_space<hbm>>
        %dma_start3A_10 = tpu.memref_squeeze %dma_start3A_9 : memref<1x1x128xi32, #tpu.memory_space<hbm>> -> memref<1x128xi32, #tpu.memory_space<hbm>>
        %dma_start3A_11 = arith.constant 0 : i32
        %dma_start3A_12 = arith.constant 0 : i32
        %dma_start3A_13 = tpu.memref_slice %arg4[%arg1, %dma_start3A_11, %dma_start3A_12] : memref<16x1x128xi32, #tpu.memory_space<hbm>> -> memref<1x1x128xi32, #tpu.memory_space<hbm>>
        %dma_start3A_14 = tpu.memref_squeeze %dma_start3A_13 : memref<1x1x128xi32, #tpu.memory_space<hbm>> -> memref<1x128xi32, #tpu.memory_space<hbm>>
        tpu.enqueue_dma source(%dma_start3A_14 : memref<1x128xi32, #tpu.memory_space<hbm>>) target(%arg6 : memref<1x128xi32, #tpu.memory_space<vmem>>) target_semaphore(%run_scoped3A_7 : memref<!tpu.dma_semaphore, #tpu.memory_space<semaphore_mem>>)
        %dma_wait3A = arith.constant 0 : i32
        %dma_wait3A_15 = arith.constant 0 : i32
        %dma_wait3A_16 = tpu.memref_slice %arg4[%arg1, %dma_wait3A, %dma_wait3A_15] : memref<16x1x128xi32, #tpu.memory_space<hbm>> -> memref<1x1x128xi32, #tpu.memory_space<hbm>>
        %dma_wait3A_17 = tpu.memref_squeeze %dma_wait3A_16 : memref<1x1x128xi32, #tpu.memory_space<hbm>> -> memref<1x128xi32, #tpu.memory_space<hbm>>
        %dma_wait3A_18 = arith.constant 0 : i32
        %dma_wait3A_19 = arith.constant 0 : i32
        %dma_wait3A_20 = tpu.memref_slice %arg4[%arg1, %dma_wait3A_18, %dma_wait3A_19] : memref<16x1x128xi32, #tpu.memory_space<hbm>> -> memref<1x1x128xi32, #tpu.memory_space<hbm>>
        %dma_wait3A_21 = tpu.memref_squeeze %dma_wait3A_20 : memref<1x1x128xi32, #tpu.memory_space<hbm>> -> memref<1x128xi32, #tpu.memory_space<hbm>>
        tpu.wait_dma2 semaphore(%run_scoped3A_7 : memref<!tpu.dma_semaphore, #tpu.memory_space<semaphore_mem>>) src(%dma_wait3A_21 : memref<1x128xi32, #tpu.memory_space<hbm>>) dst(%arg6 : memref<1x128xi32, #tpu.memory_space<vmem>>)
        tpu.yield
      }) : () -> ()
      %mul3A = arith.constant 128 : i32
      %mul3A_6 = arith.muli %arg1, %mul3A : i32
      "tpu.region"() ({
        %run_scoped3A_7 = tpu.sem_alloc : memref<!tpu.dma_semaphore, #tpu.memory_space<semaphore_mem>>
        %dma_start3A = arith.constant 0 : i32
        %dma_start3A_8 = tpu.memref_slice %arg3[%mul3A_6, %dma_start3A] : memref<2048x512xf32, #tpu.memory_space<hbm>> -> memref<128x512xf32, #tpu.memory_space<hbm>>
        %dma_start3A_9 = arith.constant 0 : i32
        %dma_start3A_10 = tpu.memref_slice %arg3[%mul3A_6, %dma_start3A_9] : memref<2048x512xf32, #tpu.memory_space<hbm>> -> memref<128x512xf32, #tpu.memory_space<hbm>>
        tpu.enqueue_dma source(%dma_start3A_10 : memref<128x512xf32, #tpu.memory_space<hbm>>) target(%arg8 : memref<128x512xf32, #tpu.memory_space<vmem>>) target_semaphore(%run_scoped3A_7 : memref<!tpu.dma_semaphore, #tpu.memory_space<semaphore_mem>>)
        %dma_wait3A = arith.constant 0 : i32
        %dma_wait3A_11 = tpu.memref_slice %arg3[%mul3A_6, %dma_wait3A] : memref<2048x512xf32, #tpu.memory_space<hbm>> -> memref<128x512xf32, #tpu.memory_space<hbm>>
        %dma_wait3A_12 = arith.constant 0 : i32
        %dma_wait3A_13 = tpu.memref_slice %arg3[%mul3A_6, %dma_wait3A_12] : memref<2048x512xf32, #tpu.memory_space<hbm>> -> memref<128x512xf32, #tpu.memory_space<hbm>>
        tpu.wait_dma2 semaphore(%run_scoped3A_7 : memref<!tpu.dma_semaphore, #tpu.memory_space<semaphore_mem>>) src(%dma_wait3A_13 : memref<128x512xf32, #tpu.memory_space<hbm>>) dst(%arg8 : memref<128x512xf32, #tpu.memory_space<vmem>>)
        tpu.yield
      }) : () -> ()
      %run_scoped3A = arith.constant 0 : i32
      "tpu.region"() ({
        %run_scoped3A_7 = tpu.sem_alloc : memref<!tpu.dma_semaphore, #tpu.memory_space<semaphore_mem>>
        %dma_start3A = arith.constant 0 : i32
        %dma_start3A_8 = tpu.memref_slice %arg6[%run_scoped3A, %dma_start3A] : memref<1x128xi32, #tpu.memory_space<vmem>> -> memref<1x128xi32, #tpu.memory_space<vmem>>
        %dma_start3A_9 = tpu.memref_squeeze %dma_start3A_8 : memref<1x128xi32, #tpu.memory_space<vmem>> -> memref<128xi32, #tpu.memory_space<vmem>>
        %dma_start3A_10 = arith.constant 0 : i32
        %dma_start3A_11 = arith.constant 0 : i32
        %dma_start3A_12 = tpu.memref_slice %arg5[%dma_start3A_10, %dma_start3A_11] : memref<10240x512xf32, #tpu.memory_space<hbm>> -> memref<10240x512xf32, #tpu.memory_space<hbm>>
        tpu.enqueue_indirect_dma source(%arg8 : memref<128x512xf32, #tpu.memory_space<vmem>>) target(%dma_start3A_12 : memref<10240x512xf32, #tpu.memory_space<hbm>>) offsets(%dma_start3A_9 : memref<128xi32, #tpu.memory_space<vmem>>) semaphore(%run_scoped3A_7 : memref<!tpu.dma_semaphore, #tpu.memory_space<semaphore_mem>>)
        %dma_wait3A = arith.constant 0 : i32
        %dma_wait3A_13 = tpu.memref_slice %arg6[%run_scoped3A, %dma_wait3A] : memref<1x128xi32, #tpu.memory_space<vmem>> -> memref<1x128xi32, #tpu.memory_space<vmem>>
        %dma_wait3A_14 = tpu.memref_squeeze %dma_wait3A_13 : memref<1x128xi32, #tpu.memory_space<vmem>> -> memref<128xi32, #tpu.memory_space<vmem>>
        %dma_wait3A_15 = arith.constant 0 : i32
        %dma_wait3A_16 = arith.constant 0 : i32
        %dma_wait3A_17 = tpu.memref_slice %arg5[%dma_wait3A_15, %dma_wait3A_16] : memref<10240x512xf32, #tpu.memory_space<hbm>> -> memref<10240x512xf32, #tpu.memory_space<hbm>>
        tpu.wait_indirect_dma semaphore(%run_scoped3A_7 : memref<!tpu.dma_semaphore, #tpu.memory_space<semaphore_mem>>) src(%arg8 : memref<128x512xf32, #tpu.memory_space<vmem>>) dst(%dma_wait3A_17 : memref<10240x512xf32, #tpu.memory_space<hbm>>)
        tpu.yield
      }) : () -> ()
    } else {
    }
    return
  }
}

module attributes {stable_mosaic.version = 14 : i64} {
  func.func @_mm_body(%arg0: i32, %arg1: memref<4x512x128xf32, #tpu.memory_space<vmem>>, %arg2: memref<4x512x128xf32, #tpu.memory_space<vmem>>, %arg3: memref<512x16xf32, #tpu.memory_space<vmem>>, %arg4: memref<512x16xf32, #tpu.memory_space<vmem>>, %arg5: memref<4x128x512xbf16, #tpu.memory_space<vmem>>, %arg6: memref<4x128x512xbf16, #tpu.memory_space<vmem>>, %arg7: memref<1x512xf32, #tpu.memory_space<vmem>>, %arg8: memref<1x512xf32, #tpu.memory_space<vmem>>, %arg9: memref<4x512x128xf32, #tpu.memory_space<vmem>>) attributes {dimension_semantics = [#tpu.dimension_semantics<arbitrary>], iteration_bounds = array<i64: 20>, scalar_prefetch = 0 : i64, scratch_operands = 0 : i64, tpu.core_type = #tpu.core_type<tc>, window_params = [{transform_indices = @transform_0, window_bounds = array<i64: 4, 512, 128>}, {transform_indices = @transform_1, window_bounds = array<i64: 4, 512, 128>}, {transform_indices = @transform_2, window_bounds = array<i64: 512, 16>}, {transform_indices = @transform_3, window_bounds = array<i64: 512, 16>}, {pipeline_mode = #tpu.pipeline_mode<synchronous>, transform_indices = @transform_4, window_bounds = array<i64: 4, 128, 512>}, {pipeline_mode = #tpu.pipeline_mode<synchronous>, transform_indices = @transform_5, window_bounds = array<i64: 4, 128, 512>}, {pipeline_mode = #tpu.pipeline_mode<synchronous>, transform_indices = @transform_6, window_bounds = array<i64: 1, 512>}, {pipeline_mode = #tpu.pipeline_mode<synchronous>, transform_indices = @transform_7, window_bounds = array<i64: 1, 512>}, {transform_indices = @transform_8, window_bounds = array<i64: 4, 512, 128>}]} {
    %get3A = arith.constant 0 : index
    %get3A_0 = arith.constant 0 : index
    %get3A_1 = vector.load %arg3[%get3A, %get3A_0] : memref<512x16xf32, #tpu.memory_space<vmem>>, vector<512x16xf32>
    %slice3A = vector.extract_strided_slice %get3A_1 {offsets = [0, 0], sizes = [512, 1], strides = [1, 1]} : vector<512x16xf32> to vector<512x1xf32>
    %get3A_2 = arith.constant 0 : index
    %get3A_3 = arith.constant 0 : index
    %get3A_4 = vector.load %arg4[%get3A_2, %get3A_3] : memref<512x16xf32, #tpu.memory_space<vmem>>, vector<512x16xf32>
    %slice3A_5 = vector.extract_strided_slice %get3A_4 {offsets = [0, 0], sizes = [512, 1], strides = [1, 1]} : vector<512x16xf32> to vector<512x1xf32>
    %gt3A = arith.constant 0.000000e+00 : f32
    %gt3A_6 = vector.broadcast %gt3A : f32 to vector<512x1xf32>
    %gt3A_7 = arith.cmpf ogt, %slice3A, %gt3A_6 : vector<512x1xf32>
    %max3A = arith.constant 1.000000e+00 : f32
    %max3A_8 = vector.broadcast %max3A : f32 to vector<512x1xf32>
    %max3A_9 = arith.maximumf %slice3A, %max3A_8 : vector<512x1xf32>
    %div3A = arith.constant 5.000000e-01 : f32
    %div3A_10 = vector.broadcast %div3A : f32 to vector<512x1xf32>
    %div3A_11 = arith.divf %div3A_10, %max3A_9 : vector<512x1xf32>
    %jit3A = arith.constant 0.000000e+00 : f32
    %broadcast_in_dim3A = vector.broadcast %jit3A : f32 to vector<512x1xf32>
    %select_n3A = arith.select %gt3A_7, %div3A_11, %broadcast_in_dim3A : vector<512x1xi1>, vector<512x1xf32>
    %gt3A_12 = arith.constant 0.000000e+00 : f32
    %gt3A_13 = vector.broadcast %gt3A_12 : f32 to vector<512x1xf32>
    %gt3A_14 = arith.cmpf ogt, %slice3A_5, %gt3A_13 : vector<512x1xf32>
    %max3A_15 = arith.constant 1.000000e+00 : f32
    %max3A_16 = vector.broadcast %max3A_15 : f32 to vector<512x1xf32>
    %max3A_17 = arith.maximumf %slice3A_5, %max3A_16 : vector<512x1xf32>
    %div3A_18 = arith.constant 5.000000e-01 : f32
    %div3A_19 = vector.broadcast %div3A_18 : f32 to vector<512x1xf32>
    %div3A_20 = arith.divf %div3A_19, %max3A_17 : vector<512x1xf32>
    %jit3A_21 = arith.constant 0.000000e+00 : f32
    %broadcast_in_dim3A_22 = vector.broadcast %jit3A_21 : f32 to vector<512x1xf32>
    %select_n3A_23 = arith.select %gt3A_14, %div3A_20, %broadcast_in_dim3A_22 : vector<512x1xi1>, vector<512x1xf32>
    %broadcast_in_dim3A_24 = arith.constant 0.000000e+00 : f32
    %broadcast_in_dim3A_25 = vector.broadcast %broadcast_in_dim3A_24 : f32 to vector<512x512xf32>
    %get3A_26 = arith.constant 0 : index
    %get3A_27 = arith.constant 0 : index
    %get3A_28 = arith.constant 0 : index
    %get3A_29 = vector.load %arg1[%get3A_26, %get3A_27, %get3A_28] : memref<4x512x128xf32, #tpu.memory_space<vmem>>, vector<1x512x128xf32>
    %get3A_30 = vector.shape_cast %get3A_29 : vector<1x512x128xf32> to vector<512x128xf32>
    %mul3A = vector.broadcast %select_n3A : vector<512x1xf32> to vector<512x128xf32>
    %mul3A_31 = arith.mulf %get3A_30, %mul3A : vector<512x128xf32>
    %convert_element_type3A = arith.truncf %mul3A_31 : vector<512x128xf32> to vector<512x128xbf16>
    %get3A_32 = arith.constant 0 : index
    %get3A_33 = arith.constant 0 : index
    %get3A_34 = arith.constant 0 : index
    %get3A_35 = vector.load %arg5[%get3A_32, %get3A_33, %get3A_34] : memref<4x128x512xbf16, #tpu.memory_space<vmem>>, vector<1x128x512xbf16>
    %get3A_36 = vector.shape_cast %get3A_35 : vector<1x128x512xbf16> to vector<128x512xbf16>
    %dot_general3A = arith.constant dense<0.000000e+00> : vector<512x512xf32>
    %dot_general3A_37 = tpu.matmul %convert_element_type3A, %get3A_36, %dot_general3A {dimension_numbers = #tpu.dot_dimension_numbers<[1], [0], [0], [1], [0, 0, 1, 1], [], []>, transpose_lhs_hint = false} : vector<512x128xbf16>, vector<128x512xbf16>, vector<512x512xf32> -> vector<512x512xf32>
    %add3A = arith.addf %broadcast_in_dim3A_25, %dot_general3A_37 : vector<512x512xf32>
    %get3A_38 = arith.constant 0 : index
    %get3A_39 = arith.constant 0 : index
    %get3A_40 = arith.constant 0 : index
    %get3A_41 = vector.load %arg2[%get3A_38, %get3A_39, %get3A_40] : memref<4x512x128xf32, #tpu.memory_space<vmem>>, vector<1x512x128xf32>
    %get3A_42 = vector.shape_cast %get3A_41 : vector<1x512x128xf32> to vector<512x128xf32>
    %mul3A_43 = vector.broadcast %select_n3A_23 : vector<512x1xf32> to vector<512x128xf32>
    %mul3A_44 = arith.mulf %get3A_42, %mul3A_43 : vector<512x128xf32>
    %convert_element_type3A_45 = arith.truncf %mul3A_44 : vector<512x128xf32> to vector<512x128xbf16>
    %get3A_46 = arith.constant 0 : index
    %get3A_47 = arith.constant 0 : index
    %get3A_48 = arith.constant 0 : index
    %get3A_49 = vector.load %arg6[%get3A_46, %get3A_47, %get3A_48] : memref<4x128x512xbf16, #tpu.memory_space<vmem>>, vector<1x128x512xbf16>
    %get3A_50 = vector.shape_cast %get3A_49 : vector<1x128x512xbf16> to vector<128x512xbf16>
    %dot_general3A_51 = arith.constant dense<0.000000e+00> : vector<512x512xf32>
    %dot_general3A_52 = tpu.matmul %convert_element_type3A_45, %get3A_50, %dot_general3A_51 {dimension_numbers = #tpu.dot_dimension_numbers<[1], [0], [0], [1], [0, 0, 1, 1], [], []>, transpose_lhs_hint = false} : vector<512x128xbf16>, vector<128x512xbf16>, vector<512x512xf32> -> vector<512x512xf32>
    %add3A_53 = arith.addf %add3A, %dot_general3A_52 : vector<512x512xf32>
    %get3A_54 = arith.constant 1 : index
    %get3A_55 = arith.constant 0 : index
    %get3A_56 = arith.constant 0 : index
    %get3A_57 = vector.load %arg1[%get3A_54, %get3A_55, %get3A_56] : memref<4x512x128xf32, #tpu.memory_space<vmem>>, vector<1x512x128xf32>
    %get3A_58 = vector.shape_cast %get3A_57 : vector<1x512x128xf32> to vector<512x128xf32>
    %mul3A_59 = vector.broadcast %select_n3A : vector<512x1xf32> to vector<512x128xf32>
    %mul3A_60 = arith.mulf %get3A_58, %mul3A_59 : vector<512x128xf32>
    %convert_element_type3A_61 = arith.truncf %mul3A_60 : vector<512x128xf32> to vector<512x128xbf16>
    %get3A_62 = arith.constant 1 : index
    %get3A_63 = arith.constant 0 : index
    %get3A_64 = arith.constant 0 : index
    %get3A_65 = vector.load %arg5[%get3A_62, %get3A_63, %get3A_64] : memref<4x128x512xbf16, #tpu.memory_space<vmem>>, vector<1x128x512xbf16>
    %get3A_66 = vector.shape_cast %get3A_65 : vector<1x128x512xbf16> to vector<128x512xbf16>
    %dot_general3A_67 = arith.constant dense<0.000000e+00> : vector<512x512xf32>
    %dot_general3A_68 = tpu.matmul %convert_element_type3A_61, %get3A_66, %dot_general3A_67 {dimension_numbers = #tpu.dot_dimension_numbers<[1], [0], [0], [1], [0, 0, 1, 1], [], []>, transpose_lhs_hint = false} : vector<512x128xbf16>, vector<128x512xbf16>, vector<512x512xf32> -> vector<512x512xf32>
    %add3A_69 = arith.addf %add3A_53, %dot_general3A_68 : vector<512x512xf32>
    %get3A_70 = arith.constant 1 : index
    %get3A_71 = arith.constant 0 : index
    %get3A_72 = arith.constant 0 : index
    %get3A_73 = vector.load %arg2[%get3A_70, %get3A_71, %get3A_72] : memref<4x512x128xf32, #tpu.memory_space<vmem>>, vector<1x512x128xf32>
    %get3A_74 = vector.shape_cast %get3A_73 : vector<1x512x128xf32> to vector<512x128xf32>
    %mul3A_75 = vector.broadcast %select_n3A_23 : vector<512x1xf32> to vector<512x128xf32>
    %mul3A_76 = arith.mulf %get3A_74, %mul3A_75 : vector<512x128xf32>
    %convert_element_type3A_77 = arith.truncf %mul3A_76 : vector<512x128xf32> to vector<512x128xbf16>
    %get3A_78 = arith.constant 1 : index
    %get3A_79 = arith.constant 0 : index
    %get3A_80 = arith.constant 0 : index
    %get3A_81 = vector.load %arg6[%get3A_78, %get3A_79, %get3A_80] : memref<4x128x512xbf16, #tpu.memory_space<vmem>>, vector<1x128x512xbf16>
    %get3A_82 = vector.shape_cast %get3A_81 : vector<1x128x512xbf16> to vector<128x512xbf16>
    %dot_general3A_83 = arith.constant dense<0.000000e+00> : vector<512x512xf32>
    %dot_general3A_84 = tpu.matmul %convert_element_type3A_77, %get3A_82, %dot_general3A_83 {dimension_numbers = #tpu.dot_dimension_numbers<[1], [0], [0], [1], [0, 0, 1, 1], [], []>, transpose_lhs_hint = false} : vector<512x128xbf16>, vector<128x512xbf16>, vector<512x512xf32> -> vector<512x512xf32>
    %add3A_85 = arith.addf %add3A_69, %dot_general3A_84 : vector<512x512xf32>
    %get3A_86 = arith.constant 2 : index
    %get3A_87 = arith.constant 0 : index
    %get3A_88 = arith.constant 0 : index
    %get3A_89 = vector.load %arg1[%get3A_86, %get3A_87, %get3A_88] : memref<4x512x128xf32, #tpu.memory_space<vmem>>, vector<1x512x128xf32>
    %get3A_90 = vector.shape_cast %get3A_89 : vector<1x512x128xf32> to vector<512x128xf32>
    %mul3A_91 = vector.broadcast %select_n3A : vector<512x1xf32> to vector<512x128xf32>
    %mul3A_92 = arith.mulf %get3A_90, %mul3A_91 : vector<512x128xf32>
    %convert_element_type3A_93 = arith.truncf %mul3A_92 : vector<512x128xf32> to vector<512x128xbf16>
    %get3A_94 = arith.constant 2 : index
    %get3A_95 = arith.constant 0 : index
    %get3A_96 = arith.constant 0 : index
    %get3A_97 = vector.load %arg5[%get3A_94, %get3A_95, %get3A_96] : memref<4x128x512xbf16, #tpu.memory_space<vmem>>, vector<1x128x512xbf16>
    %get3A_98 = vector.shape_cast %get3A_97 : vector<1x128x512xbf16> to vector<128x512xbf16>
    %dot_general3A_99 = arith.constant dense<0.000000e+00> : vector<512x512xf32>
    %dot_general3A_100 = tpu.matmul %convert_element_type3A_93, %get3A_98, %dot_general3A_99 {dimension_numbers = #tpu.dot_dimension_numbers<[1], [0], [0], [1], [0, 0, 1, 1], [], []>, transpose_lhs_hint = false} : vector<512x128xbf16>, vector<128x512xbf16>, vector<512x512xf32> -> vector<512x512xf32>
    %add3A_101 = arith.addf %add3A_85, %dot_general3A_100 : vector<512x512xf32>
    %get3A_102 = arith.constant 2 : index
    %get3A_103 = arith.constant 0 : index
    %get3A_104 = arith.constant 0 : index
    %get3A_105 = vector.load %arg2[%get3A_102, %get3A_103, %get3A_104] : memref<4x512x128xf32, #tpu.memory_space<vmem>>, vector<1x512x128xf32>
    %get3A_106 = vector.shape_cast %get3A_105 : vector<1x512x128xf32> to vector<512x128xf32>
    %mul3A_107 = vector.broadcast %select_n3A_23 : vector<512x1xf32> to vector<512x128xf32>
    %mul3A_108 = arith.mulf %get3A_106, %mul3A_107 : vector<512x128xf32>
    %convert_element_type3A_109 = arith.truncf %mul3A_108 : vector<512x128xf32> to vector<512x128xbf16>
    %get3A_110 = arith.constant 2 : index
    %get3A_111 = arith.constant 0 : index
    %get3A_112 = arith.constant 0 : index
    %get3A_113 = vector.load %arg6[%get3A_110, %get3A_111, %get3A_112] : memref<4x128x512xbf16, #tpu.memory_space<vmem>>, vector<1x128x512xbf16>
    %get3A_114 = vector.shape_cast %get3A_113 : vector<1x128x512xbf16> to vector<128x512xbf16>
    %dot_general3A_115 = arith.constant dense<0.000000e+00> : vector<512x512xf32>
    %dot_general3A_116 = tpu.matmul %convert_element_type3A_109, %get3A_114, %dot_general3A_115 {dimension_numbers = #tpu.dot_dimension_numbers<[1], [0], [0], [1], [0, 0, 1, 1], [], []>, transpose_lhs_hint = false} : vector<512x128xbf16>, vector<128x512xbf16>, vector<512x512xf32> -> vector<512x512xf32>
    %add3A_117 = arith.addf %add3A_101, %dot_general3A_116 : vector<512x512xf32>
    %get3A_118 = arith.constant 3 : index
    %get3A_119 = arith.constant 0 : index
    %get3A_120 = arith.constant 0 : index
    %get3A_121 = vector.load %arg1[%get3A_118, %get3A_119, %get3A_120] : memref<4x512x128xf32, #tpu.memory_space<vmem>>, vector<1x512x128xf32>
    %get3A_122 = vector.shape_cast %get3A_121 : vector<1x512x128xf32> to vector<512x128xf32>
    %mul3A_123 = vector.broadcast %select_n3A : vector<512x1xf32> to vector<512x128xf32>
    %mul3A_124 = arith.mulf %get3A_122, %mul3A_123 : vector<512x128xf32>
    %convert_element_type3A_125 = arith.truncf %mul3A_124 : vector<512x128xf32> to vector<512x128xbf16>
    %get3A_126 = arith.constant 3 : index
    %get3A_127 = arith.constant 0 : index
    %get3A_128 = arith.constant 0 : index
    %get3A_129 = vector.load %arg5[%get3A_126, %get3A_127, %get3A_128] : memref<4x128x512xbf16, #tpu.memory_space<vmem>>, vector<1x128x512xbf16>
    %get3A_130 = vector.shape_cast %get3A_129 : vector<1x128x512xbf16> to vector<128x512xbf16>
    %dot_general3A_131 = arith.constant dense<0.000000e+00> : vector<512x512xf32>
    %dot_general3A_132 = tpu.matmul %convert_element_type3A_125, %get3A_130, %dot_general3A_131 {dimension_numbers = #tpu.dot_dimension_numbers<[1], [0], [0], [1], [0, 0, 1, 1], [], []>, transpose_lhs_hint = false} : vector<512x128xbf16>, vector<128x512xbf16>, vector<512x512xf32> -> vector<512x512xf32>
    %add3A_133 = arith.addf %add3A_117, %dot_general3A_132 : vector<512x512xf32>
    %get3A_134 = arith.constant 3 : index
    %get3A_135 = arith.constant 0 : index
    %get3A_136 = arith.constant 0 : index
    %get3A_137 = vector.load %arg2[%get3A_134, %get3A_135, %get3A_136] : memref<4x512x128xf32, #tpu.memory_space<vmem>>, vector<1x512x128xf32>
    %get3A_138 = vector.shape_cast %get3A_137 : vector<1x512x128xf32> to vector<512x128xf32>
    %mul3A_139 = vector.broadcast %select_n3A_23 : vector<512x1xf32> to vector<512x128xf32>
    %mul3A_140 = arith.mulf %get3A_138, %mul3A_139 : vector<512x128xf32>
    %convert_element_type3A_141 = arith.truncf %mul3A_140 : vector<512x128xf32> to vector<512x128xbf16>
    %get3A_142 = arith.constant 3 : index
    %get3A_143 = arith.constant 0 : index
    %get3A_144 = arith.constant 0 : index
    %get3A_145 = vector.load %arg6[%get3A_142, %get3A_143, %get3A_144] : memref<4x128x512xbf16, #tpu.memory_space<vmem>>, vector<1x128x512xbf16>
    %get3A_146 = vector.shape_cast %get3A_145 : vector<1x128x512xbf16> to vector<128x512xbf16>
    %dot_general3A_147 = arith.constant dense<0.000000e+00> : vector<512x512xf32>
    %dot_general3A_148 = tpu.matmul %convert_element_type3A_141, %get3A_146, %dot_general3A_147 {dimension_numbers = #tpu.dot_dimension_numbers<[1], [0], [0], [1], [0, 0, 1, 1], [], []>, transpose_lhs_hint = false} : vector<512x128xbf16>, vector<128x512xbf16>, vector<512x512xf32> -> vector<512x512xf32>
    %add3A_149 = arith.addf %add3A_133, %dot_general3A_148 : vector<512x512xf32>
    %get3A_150 = arith.constant 0 : index
    %get3A_151 = arith.constant 0 : index
    %get3A_152 = vector.load %arg7[%get3A_150, %get3A_151] : memref<1x512xf32, #tpu.memory_space<vmem>>, vector<1x512xf32>
    %get3A_153 = arith.constant 0 : index
    %get3A_154 = arith.constant 0 : index
    %get3A_155 = vector.load %arg8[%get3A_153, %get3A_154] : memref<1x512xf32, #tpu.memory_space<vmem>>, vector<1x512xf32>
    %add3A_156 = arith.addf %get3A_152, %get3A_155 : vector<1x512xf32>
    %mul3A_157 = arith.constant 5.000000e-01 : f32
    %mul3A_158 = vector.broadcast %mul3A_157 : f32 to vector<1x512xf32>
    %mul3A_159 = arith.mulf %mul3A_158, %add3A_156 : vector<1x512xf32>
    %add3A_160 = vector.broadcast %mul3A_159 : vector<1x512xf32> to vector<512x512xf32>
    %add3A_161 = arith.addf %add3A_149, %add3A_160 : vector<512x512xf32>
    %max3A_162 = arith.constant 0.000000e+00 : f32
    %max3A_163 = vector.broadcast %max3A_162 : f32 to vector<512x512xf32>
    %max3A_164 = arith.maximumf %add3A_161, %max3A_163 : vector<512x512xf32>
    %slice3A_165 = vector.extract_strided_slice %max3A_164 {offsets = [0, 0], sizes = [512, 128], strides = [1, 1]} : vector<512x512xf32> to vector<512x128xf32>
    %swap3A = arith.constant 0 : index
    %swap3A_166 = arith.constant 0 : index
    %swap3A_167 = arith.constant 0 : index
    %swap3A_168 = vector.load %arg9[%swap3A, %swap3A_166, %swap3A_167] : memref<4x512x128xf32, #tpu.memory_space<vmem>>, vector<1x512x128xf32>
    %swap3A_169 = vector.shape_cast %swap3A_168 : vector<1x512x128xf32> to vector<512x128xf32>
    %swap3A_170 = vector.shape_cast %slice3A_165 : vector<512x128xf32> to vector<1x512x128xf32>
    tpu.vector_store %arg9[%swap3A, %swap3A_166, %swap3A_167], %swap3A_170 {strides = array<i32>} : memref<4x512x128xf32, #tpu.memory_space<vmem>>, vector<1x512x128xf32>,
    %slice3A_171 = vector.extract_strided_slice %max3A_164 {offsets = [0, 128], sizes = [512, 128], strides = [1, 1]} : vector<512x512xf32> to vector<512x128xf32>
    %swap3A_172 = arith.constant 1 : index
    %swap3A_173 = arith.constant 0 : index
    %swap3A_174 = arith.constant 0 : index
    %swap3A_175 = vector.load %arg9[%swap3A_172, %swap3A_173, %swap3A_174] : memref<4x512x128xf32, #tpu.memory_space<vmem>>, vector<1x512x128xf32>
    %swap3A_176 = vector.shape_cast %swap3A_175 : vector<1x512x128xf32> to vector<512x128xf32>
    %swap3A_177 = vector.shape_cast %slice3A_171 : vector<512x128xf32> to vector<1x512x128xf32>
    tpu.vector_store %arg9[%swap3A_172, %swap3A_173, %swap3A_174], %swap3A_177 {strides = array<i32>} : memref<4x512x128xf32, #tpu.memory_space<vmem>>, vector<1x512x128xf32>,
    %slice3A_178 = vector.extract_strided_slice %max3A_164 {offsets = [0, 256], sizes = [512, 128], strides = [1, 1]} : vector<512x512xf32> to vector<512x128xf32>
    %swap3A_179 = arith.constant 2 : index
    %swap3A_180 = arith.constant 0 : index
    %swap3A_181 = arith.constant 0 : index
    %swap3A_182 = vector.load %arg9[%swap3A_179, %swap3A_180, %swap3A_181] : memref<4x512x128xf32, #tpu.memory_space<vmem>>, vector<1x512x128xf32>
    %swap3A_183 = vector.shape_cast %swap3A_182 : vector<1x512x128xf32> to vector<512x128xf32>
    %swap3A_184 = vector.shape_cast %slice3A_178 : vector<512x128xf32> to vector<1x512x128xf32>
    tpu.vector_store %arg9[%swap3A_179, %swap3A_180, %swap3A_181], %swap3A_184 {strides = array<i32>} : memref<4x512x128xf32, #tpu.memory_space<vmem>>, vector<1x512x128xf32>,
    %slice3A_185 = vector.extract_strided_slice %max3A_164 {offsets = [0, 384], sizes = [512, 128], strides = [1, 1]} : vector<512x512xf32> to vector<512x128xf32>
    %swap3A_186 = arith.constant 3 : index
    %swap3A_187 = arith.constant 0 : index
    %swap3A_188 = arith.constant 0 : index
    %swap3A_189 = vector.load %arg9[%swap3A_186, %swap3A_187, %swap3A_188] : memref<4x512x128xf32, #tpu.memory_space<vmem>>, vector<1x512x128xf32>
    %swap3A_190 = vector.shape_cast %swap3A_189 : vector<1x512x128xf32> to vector<512x128xf32>
    %swap3A_191 = vector.shape_cast %slice3A_185 : vector<512x128xf32> to vector<1x512x128xf32>
    tpu.vector_store %arg9[%swap3A_186, %swap3A_187, %swap3A_188], %swap3A_191 {strides = array<i32>} : memref<4x512x128xf32, #tpu.memory_space<vmem>>, vector<1x512x128xf32>,
    return
  }
  func.func @transform_0(%arg0: i32) -> (i32, i32, i32) {
    %c0_i32 = arith.constant 0 : i32
    %c0_i32_0 = arith.constant 0 : i32
    %c0_i32_1 = arith.constant 0 : i32
    return %c0_i32, %arg0, %c0_i32_0 : i32, i32, i32
  }
  func.func @transform_1(%arg0: i32) -> (i32, i32, i32) {
    %c0_i32 = arith.constant 0 : i32
    %c0_i32_0 = arith.constant 0 : i32
    %c0_i32_1 = arith.constant 0 : i32
    return %c0_i32, %arg0, %c0_i32_0 : i32, i32, i32
  }
  func.func @transform_2(%arg0: i32) -> (i32, i32) {
    %c0_i32 = arith.constant 0 : i32
    %c0_i32_0 = arith.constant 0 : i32
    return %arg0, %c0_i32 : i32, i32
  }
  func.func @transform_3(%arg0: i32) -> (i32, i32) {
    %c0_i32 = arith.constant 0 : i32
    %c0_i32_0 = arith.constant 0 : i32
    return %arg0, %c0_i32 : i32, i32
  }
  func.func @transform_4(%arg0: i32) -> (i32, i32, i32) {
    %c0_i32 = arith.constant 0 : i32
    %c0_i32_0 = arith.constant 0 : i32
    %c0_i32_1 = arith.constant 0 : i32
    %c0_i32_2 = arith.constant 0 : i32
    return %c0_i32, %c0_i32_0, %c0_i32_1 : i32, i32, i32
  }
  func.func @transform_5(%arg0: i32) -> (i32, i32, i32) {
    %c0_i32 = arith.constant 0 : i32
    %c0_i32_0 = arith.constant 0 : i32
    %c0_i32_1 = arith.constant 0 : i32
    %c0_i32_2 = arith.constant 0 : i32
    return %c0_i32, %c0_i32_0, %c0_i32_1 : i32, i32, i32
  }
  func.func @transform_6(%arg0: i32) -> (i32, i32) {
    %c0_i32 = arith.constant 0 : i32
    %c0_i32_0 = arith.constant 0 : i32
    %c0_i32_1 = arith.constant 0 : i32
    return %c0_i32, %c0_i32_0 : i32, i32
  }
  func.func @transform_7(%arg0: i32) -> (i32, i32) {
    %c0_i32 = arith.constant 0 : i32
    %c0_i32_0 = arith.constant 0 : i32
    %c0_i32_1 = arith.constant 0 : i32
    return %c0_i32, %c0_i32_0 : i32, i32
  }
  func.func @transform_8(%arg0: i32) -> (i32, i32, i32) {
    %c0_i32 = arith.constant 0 : i32
    %c0_i32_0 = arith.constant 0 : i32
    %c0_i32_1 = arith.constant 0 : i32
    return %c0_i32, %arg0, %c0_i32_0 : i32, i32, i32
  }
}

module attributes {stable_mosaic.version = 14 : i64} {
  func.func @_mm_body(%arg0: i32, %arg1: memref<4x512x128xf32, #tpu.memory_space<vmem>>, %arg2: memref<4x512x128xf32, #tpu.memory_space<vmem>>, %arg3: memref<512x16xf32, #tpu.memory_space<vmem>>, %arg4: memref<512x16xf32, #tpu.memory_space<vmem>>, %arg5: memref<4x128x512xbf16, #tpu.memory_space<vmem>>, %arg6: memref<4x128x512xbf16, #tpu.memory_space<vmem>>, %arg7: memref<1x512xf32, #tpu.memory_space<vmem>>, %arg8: memref<1x512xf32, #tpu.memory_space<vmem>>, %arg9: memref<512x512xf32, #tpu.memory_space<vmem>>) attributes {dimension_semantics = [#tpu.dimension_semantics<arbitrary>], iteration_bounds = array<i64: 20>, scalar_prefetch = 0 : i64, scratch_operands = 0 : i64, tpu.core_type = #tpu.core_type<tc>, window_params = [{transform_indices = @transform_0, window_bounds = array<i64: 4, 512, 128>}, {transform_indices = @transform_1, window_bounds = array<i64: 4, 512, 128>}, {transform_indices = @transform_2, window_bounds = array<i64: 512, 16>}, {transform_indices = @transform_3, window_bounds = array<i64: 512, 16>}, {pipeline_mode = #tpu.pipeline_mode<synchronous>, transform_indices = @transform_4, window_bounds = array<i64: 4, 128, 512>}, {pipeline_mode = #tpu.pipeline_mode<synchronous>, transform_indices = @transform_5, window_bounds = array<i64: 4, 128, 512>}, {pipeline_mode = #tpu.pipeline_mode<synchronous>, transform_indices = @transform_6, window_bounds = array<i64: 1, 512>}, {pipeline_mode = #tpu.pipeline_mode<synchronous>, transform_indices = @transform_7, window_bounds = array<i64: 1, 512>}, {transform_indices = @transform_8, window_bounds = array<i64: 512, 512>}]} {
    %get3A = arith.constant 0 : index
    %get3A_0 = arith.constant 0 : index
    %get3A_1 = vector.load %arg3[%get3A, %get3A_0] : memref<512x16xf32, #tpu.memory_space<vmem>>, vector<512x16xf32>
    %slice3A = vector.extract_strided_slice %get3A_1 {offsets = [0, 0], sizes = [512, 1], strides = [1, 1]} : vector<512x16xf32> to vector<512x1xf32>
    %get3A_2 = arith.constant 0 : index
    %get3A_3 = arith.constant 0 : index
    %get3A_4 = vector.load %arg4[%get3A_2, %get3A_3] : memref<512x16xf32, #tpu.memory_space<vmem>>, vector<512x16xf32>
    %slice3A_5 = vector.extract_strided_slice %get3A_4 {offsets = [0, 0], sizes = [512, 1], strides = [1, 1]} : vector<512x16xf32> to vector<512x1xf32>
    %gt3A = arith.constant 0.000000e+00 : f32
    %gt3A_6 = vector.broadcast %gt3A : f32 to vector<512x1xf32>
    %gt3A_7 = arith.cmpf ogt, %slice3A, %gt3A_6 : vector<512x1xf32>
    %max3A = arith.constant 1.000000e+00 : f32
    %max3A_8 = vector.broadcast %max3A : f32 to vector<512x1xf32>
    %max3A_9 = arith.maximumf %slice3A, %max3A_8 : vector<512x1xf32>
    %div3A = arith.constant 5.000000e-01 : f32
    %div3A_10 = vector.broadcast %div3A : f32 to vector<512x1xf32>
    %div3A_11 = arith.divf %div3A_10, %max3A_9 : vector<512x1xf32>
    %jit3A = arith.constant 0.000000e+00 : f32
    %broadcast_in_dim3A = vector.broadcast %jit3A : f32 to vector<512x1xf32>
    %select_n3A = arith.select %gt3A_7, %div3A_11, %broadcast_in_dim3A : vector<512x1xi1>, vector<512x1xf32>
    %gt3A_12 = arith.constant 0.000000e+00 : f32
    %gt3A_13 = vector.broadcast %gt3A_12 : f32 to vector<512x1xf32>
    %gt3A_14 = arith.cmpf ogt, %slice3A_5, %gt3A_13 : vector<512x1xf32>
    %max3A_15 = arith.constant 1.000000e+00 : f32
    %max3A_16 = vector.broadcast %max3A_15 : f32 to vector<512x1xf32>
    %max3A_17 = arith.maximumf %slice3A_5, %max3A_16 : vector<512x1xf32>
    %div3A_18 = arith.constant 5.000000e-01 : f32
    %div3A_19 = vector.broadcast %div3A_18 : f32 to vector<512x1xf32>
    %div3A_20 = arith.divf %div3A_19, %max3A_17 : vector<512x1xf32>
    %jit3A_21 = arith.constant 0.000000e+00 : f32
    %broadcast_in_dim3A_22 = vector.broadcast %jit3A_21 : f32 to vector<512x1xf32>
    %select_n3A_23 = arith.select %gt3A_14, %div3A_20, %broadcast_in_dim3A_22 : vector<512x1xi1>, vector<512x1xf32>
    %broadcast_in_dim3A_24 = arith.constant 0.000000e+00 : f32
    %broadcast_in_dim3A_25 = vector.broadcast %broadcast_in_dim3A_24 : f32 to vector<512x512xf32>
    %get3A_26 = arith.constant 0 : index
    %get3A_27 = arith.constant 0 : index
    %get3A_28 = arith.constant 0 : index
    %get3A_29 = vector.load %arg1[%get3A_26, %get3A_27, %get3A_28] : memref<4x512x128xf32, #tpu.memory_space<vmem>>, vector<1x512x128xf32>
    %get3A_30 = vector.shape_cast %get3A_29 : vector<1x512x128xf32> to vector<512x128xf32>
    %mul3A = vector.broadcast %select_n3A : vector<512x1xf32> to vector<512x128xf32>
    %mul3A_31 = arith.mulf %get3A_30, %mul3A : vector<512x128xf32>
    %convert_element_type3A = arith.truncf %mul3A_31 : vector<512x128xf32> to vector<512x128xbf16>
    %get3A_32 = arith.constant 0 : index
    %get3A_33 = arith.constant 0 : index
    %get3A_34 = arith.constant 0 : index
    %get3A_35 = vector.load %arg5[%get3A_32, %get3A_33, %get3A_34] : memref<4x128x512xbf16, #tpu.memory_space<vmem>>, vector<1x128x512xbf16>
    %get3A_36 = vector.shape_cast %get3A_35 : vector<1x128x512xbf16> to vector<128x512xbf16>
    %dot_general3A = arith.constant dense<0.000000e+00> : vector<512x512xf32>
    %dot_general3A_37 = tpu.matmul %convert_element_type3A, %get3A_36, %dot_general3A {dimension_numbers = #tpu.dot_dimension_numbers<[1], [0], [0], [1], [0, 0, 1, 1], [], []>, transpose_lhs_hint = false} : vector<512x128xbf16>, vector<128x512xbf16>, vector<512x512xf32> -> vector<512x512xf32>
    %add3A = arith.addf %broadcast_in_dim3A_25, %dot_general3A_37 : vector<512x512xf32>
    %get3A_38 = arith.constant 0 : index
    %get3A_39 = arith.constant 0 : index
    %get3A_40 = arith.constant 0 : index
    %get3A_41 = vector.load %arg2[%get3A_38, %get3A_39, %get3A_40] : memref<4x512x128xf32, #tpu.memory_space<vmem>>, vector<1x512x128xf32>
    %get3A_42 = vector.shape_cast %get3A_41 : vector<1x512x128xf32> to vector<512x128xf32>
    %mul3A_43 = vector.broadcast %select_n3A_23 : vector<512x1xf32> to vector<512x128xf32>
    %mul3A_44 = arith.mulf %get3A_42, %mul3A_43 : vector<512x128xf32>
    %convert_element_type3A_45 = arith.truncf %mul3A_44 : vector<512x128xf32> to vector<512x128xbf16>
    %get3A_46 = arith.constant 0 : index
    %get3A_47 = arith.constant 0 : index
    %get3A_48 = arith.constant 0 : index
    %get3A_49 = vector.load %arg6[%get3A_46, %get3A_47, %get3A_48] : memref<4x128x512xbf16, #tpu.memory_space<vmem>>, vector<1x128x512xbf16>
    %get3A_50 = vector.shape_cast %get3A_49 : vector<1x128x512xbf16> to vector<128x512xbf16>
    %dot_general3A_51 = arith.constant dense<0.000000e+00> : vector<512x512xf32>
    %dot_general3A_52 = tpu.matmul %convert_element_type3A_45, %get3A_50, %dot_general3A_51 {dimension_numbers = #tpu.dot_dimension_numbers<[1], [0], [0], [1], [0, 0, 1, 1], [], []>, transpose_lhs_hint = false} : vector<512x128xbf16>, vector<128x512xbf16>, vector<512x512xf32> -> vector<512x512xf32>
    %add3A_53 = arith.addf %add3A, %dot_general3A_52 : vector<512x512xf32>
    %get3A_54 = arith.constant 1 : index
    %get3A_55 = arith.constant 0 : index
    %get3A_56 = arith.constant 0 : index
    %get3A_57 = vector.load %arg1[%get3A_54, %get3A_55, %get3A_56] : memref<4x512x128xf32, #tpu.memory_space<vmem>>, vector<1x512x128xf32>
    %get3A_58 = vector.shape_cast %get3A_57 : vector<1x512x128xf32> to vector<512x128xf32>
    %mul3A_59 = vector.broadcast %select_n3A : vector<512x1xf32> to vector<512x128xf32>
    %mul3A_60 = arith.mulf %get3A_58, %mul3A_59 : vector<512x128xf32>
    %convert_element_type3A_61 = arith.truncf %mul3A_60 : vector<512x128xf32> to vector<512x128xbf16>
    %get3A_62 = arith.constant 1 : index
    %get3A_63 = arith.constant 0 : index
    %get3A_64 = arith.constant 0 : index
    %get3A_65 = vector.load %arg5[%get3A_62, %get3A_63, %get3A_64] : memref<4x128x512xbf16, #tpu.memory_space<vmem>>, vector<1x128x512xbf16>
    %get3A_66 = vector.shape_cast %get3A_65 : vector<1x128x512xbf16> to vector<128x512xbf16>
    %dot_general3A_67 = arith.constant dense<0.000000e+00> : vector<512x512xf32>
    %dot_general3A_68 = tpu.matmul %convert_element_type3A_61, %get3A_66, %dot_general3A_67 {dimension_numbers = #tpu.dot_dimension_numbers<[1], [0], [0], [1], [0, 0, 1, 1], [], []>, transpose_lhs_hint = false} : vector<512x128xbf16>, vector<128x512xbf16>, vector<512x512xf32> -> vector<512x512xf32>
    %add3A_69 = arith.addf %add3A_53, %dot_general3A_68 : vector<512x512xf32>
    %get3A_70 = arith.constant 1 : index
    %get3A_71 = arith.constant 0 : index
    %get3A_72 = arith.constant 0 : index
    %get3A_73 = vector.load %arg2[%get3A_70, %get3A_71, %get3A_72] : memref<4x512x128xf32, #tpu.memory_space<vmem>>, vector<1x512x128xf32>
    %get3A_74 = vector.shape_cast %get3A_73 : vector<1x512x128xf32> to vector<512x128xf32>
    %mul3A_75 = vector.broadcast %select_n3A_23 : vector<512x1xf32> to vector<512x128xf32>
    %mul3A_76 = arith.mulf %get3A_74, %mul3A_75 : vector<512x128xf32>
    %convert_element_type3A_77 = arith.truncf %mul3A_76 : vector<512x128xf32> to vector<512x128xbf16>
    %get3A_78 = arith.constant 1 : index
    %get3A_79 = arith.constant 0 : index
    %get3A_80 = arith.constant 0 : index
    %get3A_81 = vector.load %arg6[%get3A_78, %get3A_79, %get3A_80] : memref<4x128x512xbf16, #tpu.memory_space<vmem>>, vector<1x128x512xbf16>
    %get3A_82 = vector.shape_cast %get3A_81 : vector<1x128x512xbf16> to vector<128x512xbf16>
    %dot_general3A_83 = arith.constant dense<0.000000e+00> : vector<512x512xf32>
    %dot_general3A_84 = tpu.matmul %convert_element_type3A_77, %get3A_82, %dot_general3A_83 {dimension_numbers = #tpu.dot_dimension_numbers<[1], [0], [0], [1], [0, 0, 1, 1], [], []>, transpose_lhs_hint = false} : vector<512x128xbf16>, vector<128x512xbf16>, vector<512x512xf32> -> vector<512x512xf32>
    %add3A_85 = arith.addf %add3A_69, %dot_general3A_84 : vector<512x512xf32>
    %get3A_86 = arith.constant 2 : index
    %get3A_87 = arith.constant 0 : index
    %get3A_88 = arith.constant 0 : index
    %get3A_89 = vector.load %arg1[%get3A_86, %get3A_87, %get3A_88] : memref<4x512x128xf32, #tpu.memory_space<vmem>>, vector<1x512x128xf32>
    %get3A_90 = vector.shape_cast %get3A_89 : vector<1x512x128xf32> to vector<512x128xf32>
    %mul3A_91 = vector.broadcast %select_n3A : vector<512x1xf32> to vector<512x128xf32>
    %mul3A_92 = arith.mulf %get3A_90, %mul3A_91 : vector<512x128xf32>
    %convert_element_type3A_93 = arith.truncf %mul3A_92 : vector<512x128xf32> to vector<512x128xbf16>
    %get3A_94 = arith.constant 2 : index
    %get3A_95 = arith.constant 0 : index
    %get3A_96 = arith.constant 0 : index
    %get3A_97 = vector.load %arg5[%get3A_94, %get3A_95, %get3A_96] : memref<4x128x512xbf16, #tpu.memory_space<vmem>>, vector<1x128x512xbf16>
    %get3A_98 = vector.shape_cast %get3A_97 : vector<1x128x512xbf16> to vector<128x512xbf16>
    %dot_general3A_99 = arith.constant dense<0.000000e+00> : vector<512x512xf32>
    %dot_general3A_100 = tpu.matmul %convert_element_type3A_93, %get3A_98, %dot_general3A_99 {dimension_numbers = #tpu.dot_dimension_numbers<[1], [0], [0], [1], [0, 0, 1, 1], [], []>, transpose_lhs_hint = false} : vector<512x128xbf16>, vector<128x512xbf16>, vector<512x512xf32> -> vector<512x512xf32>
    %add3A_101 = arith.addf %add3A_85, %dot_general3A_100 : vector<512x512xf32>
    %get3A_102 = arith.constant 2 : index
    %get3A_103 = arith.constant 0 : index
    %get3A_104 = arith.constant 0 : index
    %get3A_105 = vector.load %arg2[%get3A_102, %get3A_103, %get3A_104] : memref<4x512x128xf32, #tpu.memory_space<vmem>>, vector<1x512x128xf32>
    %get3A_106 = vector.shape_cast %get3A_105 : vector<1x512x128xf32> to vector<512x128xf32>
    %mul3A_107 = vector.broadcast %select_n3A_23 : vector<512x1xf32> to vector<512x128xf32>
    %mul3A_108 = arith.mulf %get3A_106, %mul3A_107 : vector<512x128xf32>
    %convert_element_type3A_109 = arith.truncf %mul3A_108 : vector<512x128xf32> to vector<512x128xbf16>
    %get3A_110 = arith.constant 2 : index
    %get3A_111 = arith.constant 0 : index
    %get3A_112 = arith.constant 0 : index
    %get3A_113 = vector.load %arg6[%get3A_110, %get3A_111, %get3A_112] : memref<4x128x512xbf16, #tpu.memory_space<vmem>>, vector<1x128x512xbf16>
    %get3A_114 = vector.shape_cast %get3A_113 : vector<1x128x512xbf16> to vector<128x512xbf16>
    %dot_general3A_115 = arith.constant dense<0.000000e+00> : vector<512x512xf32>
    %dot_general3A_116 = tpu.matmul %convert_element_type3A_109, %get3A_114, %dot_general3A_115 {dimension_numbers = #tpu.dot_dimension_numbers<[1], [0], [0], [1], [0, 0, 1, 1], [], []>, transpose_lhs_hint = false} : vector<512x128xbf16>, vector<128x512xbf16>, vector<512x512xf32> -> vector<512x512xf32>
    %add3A_117 = arith.addf %add3A_101, %dot_general3A_116 : vector<512x512xf32>
    %get3A_118 = arith.constant 3 : index
    %get3A_119 = arith.constant 0 : index
    %get3A_120 = arith.constant 0 : index
    %get3A_121 = vector.load %arg1[%get3A_118, %get3A_119, %get3A_120] : memref<4x512x128xf32, #tpu.memory_space<vmem>>, vector<1x512x128xf32>
    %get3A_122 = vector.shape_cast %get3A_121 : vector<1x512x128xf32> to vector<512x128xf32>
    %mul3A_123 = vector.broadcast %select_n3A : vector<512x1xf32> to vector<512x128xf32>
    %mul3A_124 = arith.mulf %get3A_122, %mul3A_123 : vector<512x128xf32>
    %convert_element_type3A_125 = arith.truncf %mul3A_124 : vector<512x128xf32> to vector<512x128xbf16>
    %get3A_126 = arith.constant 3 : index
    %get3A_127 = arith.constant 0 : index
    %get3A_128 = arith.constant 0 : index
    %get3A_129 = vector.load %arg5[%get3A_126, %get3A_127, %get3A_128] : memref<4x128x512xbf16, #tpu.memory_space<vmem>>, vector<1x128x512xbf16>
    %get3A_130 = vector.shape_cast %get3A_129 : vector<1x128x512xbf16> to vector<128x512xbf16>
    %dot_general3A_131 = arith.constant dense<0.000000e+00> : vector<512x512xf32>
    %dot_general3A_132 = tpu.matmul %convert_element_type3A_125, %get3A_130, %dot_general3A_131 {dimension_numbers = #tpu.dot_dimension_numbers<[1], [0], [0], [1], [0, 0, 1, 1], [], []>, transpose_lhs_hint = false} : vector<512x128xbf16>, vector<128x512xbf16>, vector<512x512xf32> -> vector<512x512xf32>
    %add3A_133 = arith.addf %add3A_117, %dot_general3A_132 : vector<512x512xf32>
    %get3A_134 = arith.constant 3 : index
    %get3A_135 = arith.constant 0 : index
    %get3A_136 = arith.constant 0 : index
    %get3A_137 = vector.load %arg2[%get3A_134, %get3A_135, %get3A_136] : memref<4x512x128xf32, #tpu.memory_space<vmem>>, vector<1x512x128xf32>
    %get3A_138 = vector.shape_cast %get3A_137 : vector<1x512x128xf32> to vector<512x128xf32>
    %mul3A_139 = vector.broadcast %select_n3A_23 : vector<512x1xf32> to vector<512x128xf32>
    %mul3A_140 = arith.mulf %get3A_138, %mul3A_139 : vector<512x128xf32>
    %convert_element_type3A_141 = arith.truncf %mul3A_140 : vector<512x128xf32> to vector<512x128xbf16>
    %get3A_142 = arith.constant 3 : index
    %get3A_143 = arith.constant 0 : index
    %get3A_144 = arith.constant 0 : index
    %get3A_145 = vector.load %arg6[%get3A_142, %get3A_143, %get3A_144] : memref<4x128x512xbf16, #tpu.memory_space<vmem>>, vector<1x128x512xbf16>
    %get3A_146 = vector.shape_cast %get3A_145 : vector<1x128x512xbf16> to vector<128x512xbf16>
    %dot_general3A_147 = arith.constant dense<0.000000e+00> : vector<512x512xf32>
    %dot_general3A_148 = tpu.matmul %convert_element_type3A_141, %get3A_146, %dot_general3A_147 {dimension_numbers = #tpu.dot_dimension_numbers<[1], [0], [0], [1], [0, 0, 1, 1], [], []>, transpose_lhs_hint = false} : vector<512x128xbf16>, vector<128x512xbf16>, vector<512x512xf32> -> vector<512x512xf32>
    %add3A_149 = arith.addf %add3A_133, %dot_general3A_148 : vector<512x512xf32>
    %get3A_150 = arith.constant 0 : index
    %get3A_151 = arith.constant 0 : index
    %get3A_152 = vector.load %arg7[%get3A_150, %get3A_151] : memref<1x512xf32, #tpu.memory_space<vmem>>, vector<1x512xf32>
    %get3A_153 = arith.constant 0 : index
    %get3A_154 = arith.constant 0 : index
    %get3A_155 = vector.load %arg8[%get3A_153, %get3A_154] : memref<1x512xf32, #tpu.memory_space<vmem>>, vector<1x512xf32>
    %add3A_156 = arith.addf %get3A_152, %get3A_155 : vector<1x512xf32>
    %mul3A_157 = arith.constant 5.000000e-01 : f32
    %mul3A_158 = vector.broadcast %mul3A_157 : f32 to vector<1x512xf32>
    %mul3A_159 = arith.mulf %mul3A_158, %add3A_156 : vector<1x512xf32>
    %add3A_160 = vector.broadcast %mul3A_159 : vector<1x512xf32> to vector<512x512xf32>
    %add3A_161 = arith.addf %add3A_149, %add3A_160 : vector<512x512xf32>
    %swap3A = arith.constant 0 : index
    %swap3A_162 = arith.constant 0 : index
    %swap3A_163 = vector.load %arg9[%swap3A, %swap3A_162] : memref<512x512xf32, #tpu.memory_space<vmem>>, vector<512x512xf32>
    tpu.vector_store %arg9[%swap3A, %swap3A_162], %add3A_161 {strides = array<i32>} : memref<512x512xf32, #tpu.memory_space<vmem>>, vector<512x512xf32>,
    return
  }
  func.func @transform_0(%arg0: i32) -> (i32, i32, i32) {
    %c0_i32 = arith.constant 0 : i32
    %c0_i32_0 = arith.constant 0 : i32
    %c0_i32_1 = arith.constant 0 : i32
    return %c0_i32, %arg0, %c0_i32_0 : i32, i32, i32
  }
  func.func @transform_1(%arg0: i32) -> (i32, i32, i32) {
    %c0_i32 = arith.constant 0 : i32
    %c0_i32_0 = arith.constant 0 : i32
    %c0_i32_1 = arith.constant 0 : i32
    return %c0_i32, %arg0, %c0_i32_0 : i32, i32, i32
  }
  func.func @transform_2(%arg0: i32) -> (i32, i32) {
    %c0_i32 = arith.constant 0 : i32
    %c0_i32_0 = arith.constant 0 : i32
    return %arg0, %c0_i32 : i32, i32
  }
  func.func @transform_3(%arg0: i32) -> (i32, i32) {
    %c0_i32 = arith.constant 0 : i32
    %c0_i32_0 = arith.constant 0 : i32
    return %arg0, %c0_i32 : i32, i32
  }
  func.func @transform_4(%arg0: i32) -> (i32, i32, i32) {
    %c0_i32 = arith.constant 0 : i32
    %c0_i32_0 = arith.constant 0 : i32
    %c0_i32_1 = arith.constant 0 : i32
    %c0_i32_2 = arith.constant 0 : i32
    return %c0_i32, %c0_i32_0, %c0_i32_1 : i32, i32, i32
  }
  func.func @transform_5(%arg0: i32) -> (i32, i32, i32) {
    %c0_i32 = arith.constant 0 : i32
    %c0_i32_0 = arith.constant 0 : i32
    %c0_i32_1 = arith.constant 0 : i32
    %c0_i32_2 = arith.constant 0 : i32
    return %c0_i32, %c0_i32_0, %c0_i32_1 : i32, i32, i32
  }
  func.func @transform_6(%arg0: i32) -> (i32, i32) {
    %c0_i32 = arith.constant 0 : i32
    %c0_i32_0 = arith.constant 0 : i32
    %c0_i32_1 = arith.constant 0 : i32
    return %c0_i32, %c0_i32_0 : i32, i32
  }
  func.func @transform_7(%arg0: i32) -> (i32, i32) {
    %c0_i32 = arith.constant 0 : i32
    %c0_i32_0 = arith.constant 0 : i32
    %c0_i32_1 = arith.constant 0 : i32
    return %c0_i32, %c0_i32_0 : i32, i32
  }
  func.func @transform_8(%arg0: i32) -> (i32, i32) {
    %c0_i32 = arith.constant 0 : i32
    %c0_i32_0 = arith.constant 0 : i32
    return %arg0, %c0_i32 : i32, i32
  }
}

module attributes {stable_mosaic.version = 14 : i64} {
  func.func @_fc_mm_body(%arg0: i32, %arg1: memref<512x512xf32, #tpu.memory_space<vmem>>, %arg2: memref<512x512xf32, #tpu.memory_space<vmem>>, %arg3: memref<1x512xf32, #tpu.memory_space<vmem>>, %arg4: memref<512x512xf32, #tpu.memory_space<vmem>>) attributes {dimension_semantics = [#tpu.dimension_semantics<arbitrary>], iteration_bounds = array<i64: 4>, scalar_prefetch = 0 : i64, scratch_operands = 0 : i64, tpu.core_type = #tpu.core_type<tc>, window_params = [{transform_indices = @transform_0, window_bounds = array<i64: 512, 512>}, {pipeline_mode = #tpu.pipeline_mode<synchronous>, transform_indices = @transform_1, window_bounds = array<i64: 512, 512>}, {pipeline_mode = #tpu.pipeline_mode<synchronous>, transform_indices = @transform_2, window_bounds = array<i64: 1, 512>}, {transform_indices = @transform_3, window_bounds = array<i64: 512, 512>}]} {
    %get3A = arith.constant 0 : index
    %get3A_0 = arith.constant 0 : index
    %get3A_1 = vector.load %arg1[%get3A, %get3A_0] : memref<512x512xf32, #tpu.memory_space<vmem>>, vector<512x512xf32>
    %get3A_2 = arith.constant 0 : index
    %get3A_3 = arith.constant 0 : index
    %get3A_4 = vector.load %arg2[%get3A_2, %get3A_3] : memref<512x512xf32, #tpu.memory_space<vmem>>, vector<512x512xf32>
    %dot_general3A = arith.constant dense<0.000000e+00> : vector<512x512xf32>
    %dot_general3A_5 = tpu.matmul %get3A_1, %get3A_4, %dot_general3A {dimension_numbers = #tpu.dot_dimension_numbers<[1], [0], [0], [1], [0, 0, 1, 1], [], []>, transpose_lhs_hint = false} : vector<512x512xf32>, vector<512x512xf32>, vector<512x512xf32> -> vector<512x512xf32>
    %get3A_6 = arith.constant 0 : index
    %get3A_7 = arith.constant 0 : index
    %get3A_8 = vector.load %arg3[%get3A_6, %get3A_7] : memref<1x512xf32, #tpu.memory_space<vmem>>, vector<1x512xf32>
    %add3A = vector.broadcast %get3A_8 : vector<1x512xf32> to vector<512x512xf32>
    %add3A_9 = arith.addf %dot_general3A_5, %add3A : vector<512x512xf32>
    %swap3A = arith.constant 0 : index
    %swap3A_10 = arith.constant 0 : index
    %swap3A_11 = vector.load %arg4[%swap3A, %swap3A_10] : memref<512x512xf32, #tpu.memory_space<vmem>>, vector<512x512xf32>
    tpu.vector_store %arg4[%swap3A, %swap3A_10], %add3A_9 {strides = array<i32>} : memref<512x512xf32, #tpu.memory_space<vmem>>, vector<512x512xf32>,
    return
  }
  func.func @transform_0(%arg0: i32) -> (i32, i32) {
    %c0_i32 = arith.constant 0 : i32
    %c0_i32_0 = arith.constant 0 : i32
    return %arg0, %c0_i32 : i32, i32
  }
  func.func @transform_1(%arg0: i32) -> (i32, i32) {
    %c0_i32 = arith.constant 0 : i32
    %c0_i32_0 = arith.constant 0 : i32
    %c0_i32_1 = arith.constant 0 : i32
    return %c0_i32, %c0_i32_0 : i32, i32
  }
  func.func @transform_2(%arg0: i32) -> (i32, i32) {
    %c0_i32 = arith.constant 0 : i32
    %c0_i32_0 = arith.constant 0 : i32
    %c0_i32_1 = arith.constant 0 : i32
    return %c0_i32, %c0_i32_0 : i32, i32
  }
  func.func @transform_3(%arg0: i32) -> (i32, i32) {
    %c0_i32 = arith.constant 0 : i32
    %c0_i32_0 = arith.constant 0 : i32
    return %arg0, %c0_i32 : i32, i32
  }
}

</mosaic_0001>

<sc_bundles>
// kernel: kernel.10.cloned.1.call-start
scs
__scs_entry_jumppad:
0x0: {  	(pc) =	sbr.rel $0x88, $3  }
0x1: {  	(tag) =	ssettag $0x0;
	lr =	simm.s32 $0x1  }
0x2: {  	[smem:$0x3F93] =	sst lr;
	_ =	strace $0xD0000000  }
0x3: {  	_ = 	snop  }
0x4: {  	_ = 	snop  }
0x5: {  	_ = 	snop  }
0x6: {  	_ = 	snop  }
0x7: {  	_ = 	snop  }
__scs_overlays_trampoline_lowered:
0x8: {  	[smem:$0x3FA2] =	sst s0  }
0x9: {  	[smem:$0x3FA3] =	sst s1  }
0xa: {  	[smem:$0x3FA4] =	sst s2  }
0xb: {  	[smem:$0x3FA5] =	sst s3  }
0xc: {  	[smem:$0x3FA6] =	sst s4  }
0xd: {  	[smem:$0x3FA7] =	sst s5  }
0xe: {  	[smem:$0x3FA8] =	sst s6  }
0xf: {  	[smem:$0x3FA9] =	sst s7  }
0x10: {  	[smem:$0x3FAA] =	sst s8  }
0x11: {  	[smem:$0x3FAB] =	sst s9;
	s0 =	simm.s32 @!p0 $0x0  }
0x12: {  	s1 =	sld [smem:$0x3F91];
	s0 =	simm.s32 @p0 $0x1  }
0x13: {  	[smem:$0x3FAC] =	sst s0;
	s0 =	simm.s32 @!p1 $0x0  }
0x14: {  	s2 =	sld [smem:$0x3F90];
	s0 =	simm.s32 @p1 $0x1  }
0x15: {  	[smem:$0x3FAD] =	sst s0;
	s0 =	simm.s32 @!p2 $0x0  }
0x16: {  	s3 =	sld [smem:$0x3FDB];
	s0 =	simm.s32 @p2 $0x1  }
0x17: {  	s4 =	simm.s32 $0x1BF5;
	[smem:$0x3FAF] =	sst s0  }
0x18: {  	s0 =	sld [smem:$0x3F92];
	_ =	swait.ge [sflag:s4], $0x0  }
0x19: {  	s7 =	sld [smem:$0x3F93]  }
0x1a: {  	s8 =	sadd.s32 $0xFFFFE003, lr  }
0x1b: {  	s9 =	sadd.s32 $0xFFFFFEF7, lr;
	s5 =	simm.s32 $0xFFFFFFFF;
	p2 =	slt.u32 s8, $0xFFFFF086  }
0x1c: {  	p1 =	slt.u32 s9, $0xF7A;
	s5 =	simm.s32 @!p2 $0x0  }
0x1d: {  	s5 =	simm.s32 @p1 $0x1;
	p0 =	seq.s32 s7, s2  }
0x1e: {  	s7 =	smul.u32 @!p0 $0xF7A, s2;
	p2 =	seq.s32 @!p0 s5, $0x0  }
0x1f: {  	s9 =	smul.u32 $0xF7A, s1;
	s8 =	simm.s32 @!p0 $0x1BF5;
	p2 =	por !p2, p0  }
0x20: {  	[sflag:s8] =	ssyncset.s32 @!p0 $0xFFFFF086;
	s6 =	sadd.s32 @!p0 s3, s7;
	s7 =	simm.s32 @!p0 $0x108  }
0x21: {  	s3 =	sadd.s32 s3, s9;
	s6 =	sadd.s32 @!p0 $0x88, s6;
	s7 =	simm.s32 @p2 $0x1082  }
0x22: {  	[simem:s7], [sflag:s8] =	dma.local @!p0 [hbm:s6], $0xF7A  }
0x23: {  	s9 =	sor.u32 $0xD0000000, s2;
	s6 =	simm.s32 $0x108;
	_ =	swait.ge @!p0 [sflag:s8], $0x0  }
0x24: {  	s3 =	sadd.s32 $0x88, s3;
	s6 =	simm.s32 @!p1 $0x1082;
	[sflag:s4] =	ssyncset.s32 $0xFFFFF086  }
0x25: {  	[simem:s6], [sflag:s4] =	dma.local [hbm:s3], $0xF7A  }
0x26: {  	[smem:$0x3F93] =	sst s1;
	(tag) =	ssettag s2;
	_ =	strace s9  }
0x27: {  	s1 =	sld [smem:$0x3FA3]  }
0x28: {  	s2 =	sld [smem:$0x3FA4]  }
0x29: {  	s4 =	sld [smem:$0x3FA6]  }
0x2a: {  	p0 =	seq.s32 s5, $0x0;
	s5 =	sld [smem:$0x3FA7]  }
0x2b: {  	s6 =	sld [smem:$0x3FA8]  }
0x2c: {  	s7 =	sld [smem:$0x3FA9]  }
0x2d: {  	s3 =	simm.s32 $0x108;
	s8 =	sld [smem:$0x3FAA]  }
0x2e: {  	s3 =	simm.s32 @!p0 $0x1082;
	s9 =	sld [smem:$0x3FAB]  }
0x2f: {  	lr =	sadd.s32 s0, s3;
	s0 =	sld [smem:$0x3FA2]  }
0x30: {  	s3 =	sld [smem:$0x3FA5]  }
0x31: {  	[smem:$0x3FAE] =	sst s10  }
0x32: {  	s10 =	sld [smem:$0x3FAC];
	_ =	sdelay $0x3  }
0x33: {  	p0 =	seq.s32 s10, $0x1;
	s10 =	sld [smem:$0x3FAE];
	_ =	sdelay $0x3  }
0x34: {  	[smem:$0x3FAE] =	sst s10  }
0x35: {  	s10 =	sld [smem:$0x3FAD];
	_ =	sdelay $0x3  }
0x36: {  	p1 =	seq.s32 s10, $0x1;
	s10 =	sld [smem:$0x3FAE];
	_ =	sdelay $0x3  }
0x37: {  	[smem:$0x3FAE] =	sst s10  }
0x38: {  	s10 =	sld [smem:$0x3FAF]  }
0x39: {  	_ = 	snop;
	(pc) =	sbr.ind lr, $3  }
0x3a: {  	_ = 	snop  }
0x3b: {  	_ = 	snop  }
0x3c: {  	p2 =	seq.s32 s10, $0x1;
	s10 =	sld [smem:$0x3FAE]  }
0x3d: {  	_ =	shalt  }
0x3e: {  	_ =	shalt  }
0x3f: {  	_ =	shalt  }
0x40: {  	_ =	shalt  }
0x41: {  	_ =	shalt  }
0x42: {  	_ =	shalt  }
0x43: {  	_ =	shalt  }
0x44: {  	_ =	shalt  }
0x45: {  	_ =	shalt  }
0x46: {  	_ =	shalt  }
0x47: {  	_ =	shalt  }
0x48: {  	_ =	shalt  }
0x49: {  	_ =	shalt  }
0x4a: {  	_ =	shalt  }
0x4b: {  	_ =	shalt  }
0x4c: {  	_ =	shalt  }
0x4d: {  	_ =	shalt  }
0x4e: {  	_ =	shalt  }
0x4f: {  	_ =	shalt  }
0x50: {  	_ =	shalt  }
0x51: {  	_ =	shalt  }
0x52: {  	_ =	shalt  }
0x53: {  	_ =	shalt  }
0x54: {  	_ =	shalt  }
0x55: {  	_ =	shalt  }
0x56: {  	_ =	shalt  }
0x57: {  	_ =	shalt  }
0x58: {  	_ =	shalt  }
0x59: {  	_ =	shalt  }
0x5a: {  	_ =	shalt  }
0x5b: {  	_ =	shalt  }
0x5c: {  	_ =	shalt  }
0x5d: {  	_ =	shalt  }
0x5e: {  	_ =	shalt  }
0x5f: {  	_ =	shalt  }
0x60: {  	_ =	shalt  }
0x61: {  	_ =	shalt  }
0x62: {  	_ =	shalt  }
0x63: {  	_ =	shalt  }
0x64: {  	_ =	shalt  }
0x65: {  	_ =	shalt  }
0x66: {  	_ =	shalt  }
0x67: {  	_ =	shalt  }
0x68: {  	_ =	shalt  }
0x69: {  	_ =	shalt  }
0x6a: {  	_ =	shalt  }
0x6b: {  	_ =	shalt  }
0x6c: {  	_ =	shalt  }
0x6d: {  	_ =	shalt  }
0x6e: {  	_ =	shalt  }
0x6f: {  	_ =	shalt  }
0x70: {  	_ =	shalt  }
0x71: {  	_ =	shalt  }
0x72: {  	_ =	shalt  }
0x73: {  	_ =	shalt  }
0x74: {  	_ =	shalt  }
0x75: {  	_ =	shalt  }
0x76: {  	_ =	shalt  }
0x77: {  	_ =	shalt  }
0x78: {  	_ =	shalt  }
0x79: {  	_ =	shalt  }
0x7a: {  	_ =	shalt  }
0x7b: {  	_ =	shalt  }
0x7c: {  	_ =	shalt  }
0x7d: {  	_ =	shalt  }
0x7e: {  	_ =	shalt  }
0x7f: {  	_ =	shalt  }
0x80: {  	_ =	shalt  }
0x81: {  	_ =	shalt  }
0x82: {  	_ =	shalt  }
0x83: {  	_ =	shalt  }
0x84: {  	_ =	shalt  }
0x85: {  	_ =	shalt  }
0x86: {  	_ =	shalt  }
0x87: {  	_ =	shalt  }
.Lfunc_end0:
.L_simem_size_0:
called_computation_lowered:
.L_overlay_start_0:
0x88: {  	s2 =	sld [smem:$0x3FD9]  }
0x89: {  	s3 =	sld [smem:$0x3FFE];
	_ =	sdelay $0x1  }
0x8a: {  	s1 =	srdreg.scid  }
0x8b: {  	s0 =	sand.u32 $0x1, s1  }
0x8c: {  	s16 =	sshll.u32 s0, $0xA;
	s2 =	sadd.s32 s3, s2  }
0x8d: {  	s2 =	sadd.s32 s2, s16  }
0x8e: {  	[smem:$0x3FBA] =	sst s2  }
0x8f: {  	_ = 	snop  }
0x90: {  	(tm) =	ssettm $0x1  }
0x91: {  	s17 =	sld [smem:$0x3FFB];
	_ =	sdelay $0x3  }
0x92: {  	_ =	strace s17  }
0x93: {  	s2 =	sld [smem:$0x3FFC];
	_ =	sdelay $0x3  }
0x94: {  	_ =	strace s2  }
0x95: {  	s2 =	sld [smem:$0x3FFD];
	_ =	sdelay $0x3  }
0x96: {  	_ =	strace s2  }
0x97: {  	_ =	strace $0x8FFFFFFF  }
0x98: {  	s18 =	sld [smem:$0x3FDB];
	_ =	sdelay $0x1  }
0x99: {  	s19 =	simm.s32 $_scs_section_size  }
0x9a: {  	s4 =	simm.s32 $_size__tile_overlayer_lowered;
	s5 =	simm.s32 $_tile_overlayer_lowered  }
0x9b: {  	s22 =	simm.s32 $0x1BFF;
	s21 =	sshll.u32 s5, $0x1;
	s2 =	sadd.s32 s19, s18  }
0x9c: {  	s6 =	simm.s32 $0x0;
	s20 =	sshll.u32 s4, $0x1;
	s4 =	sadd.s32 s21, s2  }
0x9d: {  	[timem:s6], [sflag:s22] =	dma.local [hbm:s4], s20  }
0x9e: {  	_ =	swait.ge [sflag:s22], s20  }
0x9f: {  	s3 =	ssub.s32 $0x0, s20;
	[sflag:s22] =	ssyncset.done $0x0  }
0xa0: {  	[sflag:s22] =	ssyncadd.s32 s3;
	_ =	sdelay $0x1  }
0xa1: {  	s23 =	simm.s32 $0x1B8B  }
0xa2: {  	_ =	swait.ge [sflag:s23], $0x1  }
0xa3: {  	[sflag:s23] =	ssyncset.done $0x0  }
0xa4: {  	s25 =	simm.s32 $0x1B8E;
	s24 =	sld [smem:$0x3FFE];
	[sflag:s23] =	ssyncadd.s32 $0xFFFFFFFF  }
0xa5: {  	s26 =	simm.s32 $execute0_lowered;
	[smem:$0x3FD2] =	sst s25  }
0xa6: {  	s4 =	sshll.u32 s26, $0x1;
	_ =	strace $0x80000046;
	[dreg:$0x1] =	wrdreg $0xFFFFFFFF  }
0xa7: {  	s28 =	simm.s32 $_size_execute0_lowered;
	s2 =	sadd.s32 s2, s4;
	[dreg:$0x0] =	wrdreg $0x0  }
0xa8: {  	s4 =	sshll.u32 s28, $0x1;
	[dreg:$0x2] =	wrdreg s2  }
0xa9: {  	[dreg:$0x3] =	wrdreg s4  }
0xaa: {  	[dreg:$0x4] =	wrdreg $0xC0  }
0xab: {  	_ =	task [dreg:s6], $0x5FFFF  }
0xac: {  	[dreg:$0x1] =	wrdreg $0xFFFFFFFF  }
0xad: {  	[dreg:$0x0] =	wrdreg $0x60  }
0xae: {  	[dreg:$0x2] =	wrdreg s24  }
0xaf: {  	[dreg:$0x3] =	wrdreg $0x74000  }
0xb0: {  	[dreg:$0x4] =	wrdreg $0x9  }
0xb1: {  	_ =	task.clear_ibuf [dreg:s6], $0x5FFFF;
	_ =	strace $0x90000046  }
0xb2: {  	s29 =	simm.s32 $0x9;
	_ =	strace $0x80000048  }
0xb3: {  	_ =	swait.ge [sflag:s29], $0x1  }
0xb4: {  	[sflag:s29] =	ssyncadd.s32 $0xFFFFFFFF  }
0xb5: {  	_ =	strace $0x90000048  }
0xb6: {  	_ =	sfence  }
0xb7: {  	s30 =	sld [smem:$0x0];
	_ =	sdelay $0x2  }
0xb8: {  	s31 =	sshll.u32 s1, $0xD;
	s1 =	sshrl.u32 s1, $0x2  }
0xb9: {  	s3 =	sand.u32 $0x4000, s31;
	s1 =	sadd.s32 s1, s30  }
0xba: {  	s0 =	sor.u32 s3, s0;
	s1 =	sshll.u32 s1, $0x11  }
0xbb: {  	s0 =	sor.u32 s1, s0  }
0xbc: {  	s0 =	sadd.s32 $0x8F2B, s0  }
0xbd: {  	[sflag:s0] =	ssyncadd.remote.s32 $0x1  }
0xbe: {  	_ =	sfence.sel $0xFFFF  }
0xbf: {  	[dreg:$0x0] =	wrdreg $0xFFFFFFFF;
	(pc) =	sbr.abs _section_cstart, $3  }
0xc0: {  	[dreg:$0x1] =	wrdreg $0xFFFFFFFF  }
0xc1: {  	_ =	task.clear_ibuf [dreg:s6], $0x2FFFF;
	_ =	strace $0x9FFFFFFF  }
0xc2: {  	(tm) =	ssettm $0x7FFFFFFF  }
0xc3: {  	_ =	shalt  }
tec
execute0_lowered:
.L_overlay_start_1:
0x0: {  	(tag) =	ssettag $0x1  }
0x1: {  	s6 =	rddreg [dreg:$0x0]  }
0x2: {  	s1 =	rddreg [dreg:$0x1]  }
0x3: {  	s0 =	rddreg [dreg:$0x2]  }
0x4: {  	s2 =	simm.s32 $0x0;
	s5 =	srdreg.scid;
	s3 =	stileid.u32  }
0x5: {  	s22 =	simm.s32 $0x1400;
	s23 =	simm.s32 $0x1;
	s24 =	simm.s32 $0x5400  }
0x6: {  	s28 =	simm.s32 $0x0;
	[smem:$0x7FF] =	sst s2;
	s10 =	smul.u32 $0x50000, s3  }
0x7: {  	s9 =	sadd.s32 $0x2C00, s6;
	s4 =	sadd.s32 $0xD000, s6;
	s12 =	smul.u32 $0x1400, s3  }
0x8: {  	s7 =	sand.u32 $0x1, s5;
	s5 =	sadd.s32 $0xCC00, s6;
	s26 =	smul.u32 $0x280, s3  }
0x9: {  	s6 =	sadd.s32 $0xD800, s6;
	s31 =	smul.u32 $0x14000, s3;
	s25 =	sshll.u32 s3, $0x6  }
0xa: {  	_ =	strace $0x80000047;
	s8 =	ssub.s32 $0x2, s7;
	p0 =	seq.s32 s7, $0x1  }
0xb: {  	s25 =	sor.u32 $0x1C01, s25;
	s11 =	sshrl.u32 s8, $0x1;
	s29 =	sshrl.u32 s10, $0x2  }
0xc: {  	s30 =	sshrl.u32 s12, $0x3;
	s7 =	sadd.s32 s9, s26;
	s26 =	simm.s32 $0x80  }
0xd: {  	s13 =	ssub.s32 s8, s11;
	s10 =	sadd.s32 s9, s30;
	s9 =	smul.u32 $0x2800, s3  }
.Ltmp0:
0xe: {  	s8 =	sadd.s32 s29, s1;
	s11 =	sshrl.u32 s31, $0x3;
	(pc) =	sbr.rel .LBB2_1-.Ltmp0, $4  }
0xf: {  	s10 =	sadd.s32 $0x2800, s10;
	s11 =	sadd.s32 $0x28000, s11;
	s12 =	smax.u32 s13, $0x1  }
0x10: {  	s13 =	sadd.s32 $0x2000, s8;
	s14 =	sadd.s32 $0x4000, s8;
	s15 =	sadd.s32 $0x6000, s8  }
0x11: {  	s16 =	sadd.s32 $0x8000, s8;
	s17 =	sadd.s32 $0xA000, s8;
	s18 =	sadd.s32 $0xC000, s8  }
0x12: {  	s19 =	sadd.s32 $0xE000, s8;
	s20 =	sadd.s32 $0x10000, s8;
	s21 =	sadd.s32 $0x12000, s8  }
.LBB2_7:
0x13: {  	[sflag:s23] =	ssyncadd.s32 $0xFFFFC000;
	s29 =	smov.u32 s11  }
.LBB2_8:
0x14: {  	s28 =	sadd.s32 $0x1, s28  }
0x15: {  	s29 =	sadd.s32 s6, s29;
	p1 =	sne.s32 s28, s12  }
.Ltmp1:
0x16: {  	[bflag:$0x0] =	sbarrier.arrive $0xFFFF;
	s30 =	sshrl.u32 s8, $0x3;
	(pc) =	sbr.rel @!p1 .LBB2_9-.Ltmp1, $4  }
0x17: {  	[hbm:s29], [sflag:s25] =	dma.local [spmem:s30], $0x2800  }
0x18: {  	_ =	swait.ge [sflag:s23], $0x2800  }
0x19: {  	[sflag:s23] =	ssyncset.done $0x0  }
0x1a: {  	[sflag:s23] =	ssyncadd.s32 $0xFFFFD800  }
.LBB2_1:
0x1b: {  	[tilespmem:s22], [sflag:$0x1] =	stream.linear.gather [hbm4b:s4+s2], $0x4000, $0x38;
	[tilespmem:$0x1B400] =	vst v63  }
0x1c: {  	_ =	swait.ge [sflag:s23], $0x4000  }
0x1d: {  	[sflag:s23] =	ssyncset.done $0x0  }
.Ltmp2:
0x1e: {  	[sflag:s23] =	ssyncadd.s32 $0xFFFFC000;
	(pc) =	sbr.rel @!p0 .LBB2_2-.Ltmp2, $4  }
0x1f: {  	[tilespmem:s24], [sflag:$0x1] =	stream.linear.gather [hbm4b:s5+s2], $0x2000, $0x38;
	[tilespmem:$0x1B400] =	vst v63  }
0x20: {  	_ =	swait.ge [sflag:s23], $0x2000  }
0x21: {  	[sflag:s23] =	ssyncset.done $0x0  }
0x22: {  	s29 =	simm.s32 $0x0;
	[sflag:s23] =	ssyncadd.s32 $0xFFFFE000  }
0x23: {  	[tilespmem:s29], [sflag:$0x1] =	stream.linear.gather [hbm4b:s10+s29], $0x1280, $0x38;
	[tilespmem:$0x1B400] =	vst v63  }
0x24: {  	_ =	swait.ge [sflag:s23], $0x1280  }
0x25: {  	[sflag:s23] =	ssyncset.done $0x0  }
0x26: {  	[sflag:s23] =	ssyncadd.s32 $0xFFFFED80  }
0x27: {  	[spmem:s8] =	stream.linear.scatter [tilespmem:s24], [sflag:$0x1], $0x2000, $0x38;
	[tilespmem:$0x1B400] =	vst v63  }
0x28: {  	_ =	swait.ge [sflag:s23], $0x2000  }
0x29: {  	[sflag:s23] =	ssyncset.done $0x0  }
0x2a: {  	[sflag:s23] =	ssyncadd.s32 $0xFFFFE000  }
0x2b: {  	[spmem:s13] =	stream.linear.scatter [tilespmem:s24], [sflag:$0x1], $0x2000, $0x38;
	[tilespmem:$0x1B400] =	vst v63  }
0x2c: {  	_ =	swait.ge [sflag:s23], $0x2000  }
0x2d: {  	[sflag:s23] =	ssyncset.done $0x0  }
0x2e: {  	[sflag:s23] =	ssyncadd.s32 $0xFFFFE000  }
0x2f: {  	[spmem:s14] =	stream.linear.scatter [tilespmem:s24], [sflag:$0x1], $0x2000, $0x38;
	[tilespmem:$0x1B400] =	vst v63  }
0x30: {  	_ =	swait.ge [sflag:s23], $0x2000  }
0x31: {  	[sflag:s23] =	ssyncset.done $0x0  }
0x32: {  	[sflag:s23] =	ssyncadd.s32 $0xFFFFE000  }
0x33: {  	[spmem:s15] =	stream.linear.scatter [tilespmem:s24], [sflag:$0x1], $0x2000, $0x38;
	[tilespmem:$0x1B400] =	vst v63  }
0x34: {  	_ =	swait.ge [sflag:s23], $0x2000  }
0x35: {  	[sflag:s23] =	ssyncset.done $0x0  }
0x36: {  	[sflag:s23] =	ssyncadd.s32 $0xFFFFE000  }
0x37: {  	[spmem:s16] =	stream.linear.scatter [tilespmem:s24], [sflag:$0x1], $0x2000, $0x38;
	[tilespmem:$0x1B400] =	vst v63  }
0x38: {  	_ =	swait.ge [sflag:s23], $0x2000  }
0x39: {  	[sflag:s23] =	ssyncset.done $0x0  }
0x3a: {  	[sflag:s23] =	ssyncadd.s32 $0xFFFFE000  }
0x3b: {  	[spmem:s17] =	stream.linear.scatter [tilespmem:s24], [sflag:$0x1], $0x2000, $0x38;
	[tilespmem:$0x1B400] =	vst v63  }
0x3c: {  	_ =	swait.ge [sflag:s23], $0x2000  }
0x3d: {  	[sflag:s23] =	ssyncset.done $0x0  }
0x3e: {  	[sflag:s23] =	ssyncadd.s32 $0xFFFFE000  }
0x3f: {  	[spmem:s18] =	stream.linear.scatter [tilespmem:s24], [sflag:$0x1], $0x2000, $0x38;
	[tilespmem:$0x1B400] =	vst v63  }
0x40: {  	_ =	swait.ge [sflag:s23], $0x2000  }
0x41: {  	[sflag:s23] =	ssyncset.done $0x0  }
0x42: {  	[sflag:s23] =	ssyncadd.s32 $0xFFFFE000  }
0x43: {  	[spmem:s19] =	stream.linear.scatter [tilespmem:s24], [sflag:$0x1], $0x2000, $0x38;
	[tilespmem:$0x1B400] =	vst v63  }
0x44: {  	_ =	swait.ge [sflag:s23], $0x2000  }
0x45: {  	[sflag:s23] =	ssyncset.done $0x0  }
0x46: {  	[sflag:s23] =	ssyncadd.s32 $0xFFFFE000  }
0x47: {  	[spmem:s20] =	stream.linear.scatter [tilespmem:s24], [sflag:$0x1], $0x2000, $0x38;
	[tilespmem:$0x1B400] =	vst v63  }
0x48: {  	_ =	swait.ge [sflag:s23], $0x2000  }
0x49: {  	[sflag:s23] =	ssyncset.done $0x0  }
0x4a: {  	[sflag:s23] =	ssyncadd.s32 $0xFFFFE000  }
0x4b: {  	[spmem:s21] =	stream.linear.scatter [tilespmem:s24], [sflag:$0x1], $0x2000, $0x38;
	[tilespmem:$0x1B400] =	vst v63  }
0x4c: {  	_ =	swait.ge [sflag:s23], $0x2000  }
0x4d: {  	[sflag:s23] =	ssyncset.done $0x0  }
0x4e: {  	[sflag:s23] =	ssyncadd.s32 $0xFFFFE000  }
0x4f: {  	s29 =	simm.s32 $0x0;
	[bflag:$0x0] =	sbarrier.arrive $0xFFFF  }
0x50: {  	[spmem:s1] =	stream.indirect.scatter.add.f32 [tilespmem:s22], [sflag:$0x1], $0x80, s29, s26, $0xb8;
	[tilespmem:$0x1B400] =	vst v63  }
0x51: {  	_ =	swait.ge [sflag:s23], $0x4000  }
0x52: {  	s29 =	simm.s32 $0x200;
	[sflag:s23] =	ssyncset.done $0x0  }
.LBB2_6:
0x53: {  	s30 =	sshra.s32 s29, $0x2;
	[sflag:s23] =	ssyncadd.s32 $0xFFFFC000;
	p1 =	sne.s32 s29, $0x4800  }
0x54: {  	[spmem:s1] =	stream.indirect.scatter.add.f32 [tilespmem:s22], [sflag:$0x1], $0x80, s30, s26, $0xb8;
	[tilespmem:$0x1B400] =	vst v63  }
.Ltmp3:
0x55: {  	_ = 	snop;
	(pc) =	sbr.rel @p1 .LBB2_6-.Ltmp3, $4  }
0x56: {  	_ = 	snop  }
0x57: {  	s29 =	sadd.s32 $0x200, s29  }
0x58: {  	_ =	swait.ge [sflag:s23], $0x4000  }
0x59: {  	[sflag:s23] =	ssyncset.done $0x0  }
.Ltmp4:
0x5a: {  	_ = 	snop;
	(pc) =	sbr.rel .LBB2_7-.Ltmp4, $1  }
0x5b: {  	_ =	sdelay $0x3  }
.LBB2_2:
0x5c: {  	[tilespmem:s29], [sflag:$0x1] =	stream.linear.gather [hbm4b:s7+s29], $0x1280, $0x38;
	[tilespmem:$0x1B400] =	vst v63  }
0x5d: {  	_ =	swait.ge [sflag:s23], $0x1280  }
0x5e: {  	[sflag:s23] =	ssyncset.done $0x0  }
0x5f: {  	[sflag:s23] =	ssyncadd.s32 $0xFFFFED80  }
0x60: {  	[spmem:s8] =	stream.linear.scatter [tilespmem:s24], [sflag:$0x1], $0x2000, $0x38;
	[tilespmem:$0x1B400] =	vst v63  }
0x61: {  	_ =	swait.ge [sflag:s23], $0x2000  }
0x62: {  	[sflag:s23] =	ssyncset.done $0x0  }
0x63: {  	[sflag:s23] =	ssyncadd.s32 $0xFFFFE000  }
0x64: {  	[spmem:s13] =	stream.linear.scatter [tilespmem:s24], [sflag:$0x1], $0x2000, $0x38;
	[tilespmem:$0x1B400] =	vst v63  }
0x65: {  	_ =	swait.ge [sflag:s23], $0x2000  }
0x66: {  	[sflag:s23] =	ssyncset.done $0x0  }
0x67: {  	[sflag:s23] =	ssyncadd.s32 $0xFFFFE000  }
0x68: {  	[spmem:s14] =	stream.linear.scatter [tilespmem:s24], [sflag:$0x1], $0x2000, $0x38;
	[tilespmem:$0x1B400] =	vst v63  }
0x69: {  	_ =	swait.ge [sflag:s23], $0x2000  }
0x6a: {  	[sflag:s23] =	ssyncset.done $0x0  }
0x6b: {  	[sflag:s23] =	ssyncadd.s32 $0xFFFFE000  }
0x6c: {  	[spmem:s15] =	stream.linear.scatter [tilespmem:s24], [sflag:$0x1], $0x2000, $0x38;
	[tilespmem:$0x1B400] =	vst v63  }
0x6d: {  	_ =	swait.ge [sflag:s23], $0x2000  }
0x6e: {  	[sflag:s23] =	ssyncset.done $0x0  }
0x6f: {  	[sflag:s23] =	ssyncadd.s32 $0xFFFFE000  }
0x70: {  	[spmem:s16] =	stream.linear.scatter [tilespmem:s24], [sflag:$0x1], $0x2000, $0x38;
	[tilespmem:$0x1B400] =	vst v63  }
0x71: {  	_ =	swait.ge [sflag:s23], $0x2000  }
0x72: {  	[sflag:s23] =	ssyncset.done $0x0  }
0x73: {  	[sflag:s23] =	ssyncadd.s32 $0xFFFFE000  }
0x74: {  	[spmem:s17] =	stream.linear.scatter [tilespmem:s24], [sflag:$0x1], $0x2000, $0x38;
	[tilespmem:$0x1B400] =	vst v63  }
0x75: {  	_ =	swait.ge [sflag:s23], $0x2000  }
0x76: {  	[sflag:s23] =	ssyncset.done $0x0  }
0x77: {  	[sflag:s23] =	ssyncadd.s32 $0xFFFFE000  }
0x78: {  	[spmem:s18] =	stream.linear.scatter [tilespmem:s24], [sflag:$0x1], $0x2000, $0x38;
	[tilespmem:$0x1B400] =	vst v63  }
0x79: {  	_ =	swait.ge [sflag:s23], $0x2000  }
0x7a: {  	[sflag:s23] =	ssyncset.done $0x0  }
0x7b: {  	[sflag:s23] =	ssyncadd.s32 $0xFFFFE000  }
0x7c: {  	[spmem:s19] =	stream.linear.scatter [tilespmem:s24], [sflag:$0x1], $0x2000, $0x38;
	[tilespmem:$0x1B400] =	vst v63  }
0x7d: {  	_ =	swait.ge [sflag:s23], $0x2000  }
0x7e: {  	[sflag:s23] =	ssyncset.done $0x0  }
0x7f: {  	[sflag:s23] =	ssyncadd.s32 $0xFFFFE000  }
0x80: {  	[spmem:s20] =	stream.linear.scatter [tilespmem:s24], [sflag:$0x1], $0x2000, $0x38;
	[tilespmem:$0x1B400] =	vst v63  }
0x81: {  	_ =	swait.ge [sflag:s23], $0x2000  }
0x82: {  	[sflag:s23] =	ssyncset.done $0x0  }
0x83: {  	[sflag:s23] =	ssyncadd.s32 $0xFFFFE000  }
0x84: {  	[spmem:s21] =	stream.linear.scatter [tilespmem:s24], [sflag:$0x1], $0x2000, $0x38;
	[tilespmem:$0x1B400] =	vst v63  }
0x85: {  	_ =	swait.ge [sflag:s23], $0x2000  }
0x86: {  	[sflag:s23] =	ssyncset.done $0x0  }
0x87: {  	[sflag:s23] =	ssyncadd.s32 $0xFFFFE000  }
0x88: {  	s29 =	simm.s32 $0x0;
	[bflag:$0x0] =	sbarrier.arrive $0xFFFF  }
0x89: {  	[spmem:s1] =	stream.indirect.scatter.add.f32 [tilespmem:s22], [sflag:$0x1], $0x80, s29, s26, $0xb8;
	[tilespmem:$0x1B400] =	vst v63  }
0x8a: {  	_ =	swait.ge [sflag:s23], $0x4000  }
0x8b: {  	s29 =	simm.s32 $0x200;
	[sflag:s23] =	ssyncset.done $0x0  }
.LBB2_3:
0x8c: {  	s30 =	sshra.s32 s29, $0x2;
	[sflag:s23] =	ssyncadd.s32 $0xFFFFC000;
	p1 =	seq.s32 s29, $0x4800  }
0x8d: {  	[spmem:s1] =	stream.indirect.scatter.add.f32 [tilespmem:s22], [sflag:$0x1], $0x80, s30, s26, $0xb8;
	[tilespmem:$0x1B400] =	vst v63  }
.Ltmp5:
0x8e: {  	_ = 	snop;
	(pc) =	sbr.rel @!p1 .LBB2_3-.Ltmp5, $4  }
0x8f: {  	_ = 	snop  }
0x90: {  	s29 =	sadd.s32 $0x200, s29  }
0x91: {  	_ =	swait.ge [sflag:s23], $0x4000  }
0x92: {  	[sflag:s23] =	ssyncset.done $0x0  }
.Ltmp6:
0x93: {  	(pc) =	sbr.rel .LBB2_8-.Ltmp6, $2  }
0x94: {  	_ =	sdelay $0x2  }
0x95: {  	[sflag:s23] =	ssyncadd.s32 $0xFFFFC000;
	s29 =	smov.u32 s9  }
.LBB2_9:
0x96: {  	_ =	sfence.sel $0x180000  }
0x97: {  	[bflag:$0x0] =	sbarrier.arrive $0xFFFF  }
0x98: {  	p0 =	sne.s32 s3, $0x0;
	_ =	strace $0x90000047  }
0x99: {  	s0 =	sadd.s32 @!p0 $0x100000, s0;
	[bflag:$0x2] =	sbarrier.arrive $0xFFFF  }
0x9a: {  	[sflag:s0] =	ssyncadd.tile.s32 @!p0 $0x1;
	_ =	shalt  }
.Lfunc_end2:
_tile_overlayer_lowered:
.L_overlay_start_2:
0x9b: {  	(tag) =	ssettag $0x2  }
0x9c: {  	s0 =	rddreg [dreg:$0x0];
	s2 =	stileid.u32  }
0x9d: {  	s1 =	rddreg [dreg:$0x1];
	p0 =	sne.s32 s2, $0x0  }
0x9e: {  	s3 =	rddreg [dreg:$0x2];
	[bflag:$0x3] =	sbarrier.arrive $0xFFFF;
	s2 =	simm.s32 @!p0 $0x1C01  }
0x9f: {  	[timem:s3], [sflag:s2] =	dma.local @!p0 [hbm:s0], s1  }
0xa0: {  	s0 =	simm.s32 @!p0 $0x1  }
0xa1: {  	_ =	swait.ge @!p0 [sflag:s0], s1  }
0xa2: {  	s1 =	ssub.s32 @!p0 $0x0, s1;
	[sflag:s0] =	ssyncset.done @!p0 $0x0  }
0xa3: {  	[sflag:s0] =	ssyncadd.s32 @!p0 s1  }
0xa4: {  	[bflag:$0x3] =	sbarrier.arrive $0xFFFF  }
0xa5: {  	_ =	shalt  }

// kernel: kernel.13.cloned.1.call-start
scs
__scs_entry_jumppad:
0x0: {  	(pc) =	sbr.rel $0x88, $3  }
0x1: {  	(tag) =	ssettag $0x0;
	lr =	simm.s32 $0x1  }
0x2: {  	[smem:$0x3F93] =	sst lr;
	_ =	strace $0xD0000000  }
0x3: {  	_ = 	snop  }
0x4: {  	_ = 	snop  }
0x5: {  	_ = 	snop  }
0x6: {  	_ = 	snop  }
0x7: {  	_ = 	snop  }
__scs_overlays_trampoline_lowered:
0x8: {  	[smem:$0x3FA2] =	sst s0  }
0x9: {  	[smem:$0x3FA3] =	sst s1  }
0xa: {  	[smem:$0x3FA4] =	sst s2  }
0xb: {  	[smem:$0x3FA5] =	sst s3  }
0xc: {  	[smem:$0x3FA6] =	sst s4  }
0xd: {  	[smem:$0x3FA7] =	sst s5  }
0xe: {  	[smem:$0x3FA8] =	sst s6  }
0xf: {  	[smem:$0x3FA9] =	sst s7  }
0x10: {  	[smem:$0x3FAA] =	sst s8  }
0x11: {  	[smem:$0x3FAB] =	sst s9;
	s0 =	simm.s32 @!p0 $0x0  }
0x12: {  	s1 =	sld [smem:$0x3F91];
	s0 =	simm.s32 @p0 $0x1  }
0x13: {  	[smem:$0x3FAC] =	sst s0;
	s0 =	simm.s32 @!p1 $0x0  }
0x14: {  	s2 =	sld [smem:$0x3F90];
	s0 =	simm.s32 @p1 $0x1  }
0x15: {  	[smem:$0x3FAD] =	sst s0;
	s0 =	simm.s32 @!p2 $0x0  }
0x16: {  	s3 =	sld [smem:$0x3FDB];
	s0 =	simm.s32 @p2 $0x1  }
0x17: {  	s4 =	simm.s32 $0x1BF5;
	[smem:$0x3FAF] =	sst s0  }
0x18: {  	s0 =	sld [smem:$0x3F92];
	_ =	swait.ge [sflag:s4], $0x0  }
0x19: {  	s7 =	sld [smem:$0x3F93]  }
0x1a: {  	s8 =	sadd.s32 $0xFFFFE003, lr  }
0x1b: {  	s9 =	sadd.s32 $0xFFFFFEF7, lr;
	s5 =	simm.s32 $0xFFFFFFFF;
	p2 =	slt.u32 s8, $0xFFFFF086  }
0x1c: {  	p1 =	slt.u32 s9, $0xF7A;
	s5 =	simm.s32 @!p2 $0x0  }
0x1d: {  	s5 =	simm.s32 @p1 $0x1;
	p0 =	seq.s32 s7, s2  }
0x1e: {  	s7 =	smul.u32 @!p0 $0xF7A, s2;
	p2 =	seq.s32 @!p0 s5, $0x0  }
0x1f: {  	s9 =	smul.u32 $0xF7A, s1;
	s8 =	simm.s32 @!p0 $0x1BF5;
	p2 =	por !p2, p0  }
0x20: {  	[sflag:s8] =	ssyncset.s32 @!p0 $0xFFFFF086;
	s6 =	sadd.s32 @!p0 s3, s7;
	s7 =	simm.s32 @!p0 $0x108  }
0x21: {  	s3 =	sadd.s32 s3, s9;
	s6 =	sadd.s32 @!p0 $0x88, s6;
	s7 =	simm.s32 @p2 $0x1082  }
0x22: {  	[simem:s7], [sflag:s8] =	dma.local @!p0 [hbm:s6], $0xF7A  }
0x23: {  	s9 =	sor.u32 $0xD0000000, s2;
	s6 =	simm.s32 $0x108;
	_ =	swait.ge @!p0 [sflag:s8], $0x0  }
0x24: {  	s3 =	sadd.s32 $0x88, s3;
	s6 =	simm.s32 @!p1 $0x1082;
	[sflag:s4] =	ssyncset.s32 $0xFFFFF086  }
0x25: {  	[simem:s6], [sflag:s4] =	dma.local [hbm:s3], $0xF7A  }
0x26: {  	[smem:$0x3F93] =	sst s1;
	(tag) =	ssettag s2;
	_ =	strace s9  }
0x27: {  	s1 =	sld [smem:$0x3FA3]  }
0x28: {  	s2 =	sld [smem:$0x3FA4]  }
0x29: {  	s4 =	sld [smem:$0x3FA6]  }
0x2a: {  	p0 =	seq.s32 s5, $0x0;
	s5 =	sld [smem:$0x3FA7]  }
0x2b: {  	s6 =	sld [smem:$0x3FA8]  }
0x2c: {  	s7 =	sld [smem:$0x3FA9]  }
0x2d: {  	s3 =	simm.s32 $0x108;
	s8 =	sld [smem:$0x3FAA]  }
0x2e: {  	s3 =	simm.s32 @!p0 $0x1082;
	s9 =	sld [smem:$0x3FAB]  }
0x2f: {  	lr =	sadd.s32 s0, s3;
	s0 =	sld [smem:$0x3FA2]  }
0x30: {  	s3 =	sld [smem:$0x3FA5]  }
0x31: {  	[smem:$0x3FAE] =	sst s10  }
0x32: {  	s10 =	sld [smem:$0x3FAC];
	_ =	sdelay $0x3  }
0x33: {  	p0 =	seq.s32 s10, $0x1;
	s10 =	sld [smem:$0x3FAE];
	_ =	sdelay $0x3  }
0x34: {  	[smem:$0x3FAE] =	sst s10  }
0x35: {  	s10 =	sld [smem:$0x3FAD];
	_ =	sdelay $0x3  }
0x36: {  	p1 =	seq.s32 s10, $0x1;
	s10 =	sld [smem:$0x3FAE];
	_ =	sdelay $0x3  }
0x37: {  	[smem:$0x3FAE] =	sst s10  }
0x38: {  	s10 =	sld [smem:$0x3FAF]  }
0x39: {  	_ = 	snop;
	(pc) =	sbr.ind lr, $3  }
0x3a: {  	_ = 	snop  }
0x3b: {  	_ = 	snop  }
0x3c: {  	p2 =	seq.s32 s10, $0x1;
	s10 =	sld [smem:$0x3FAE]  }
0x3d: {  	_ =	shalt  }
0x3e: {  	_ =	shalt  }
0x3f: {  	_ =	shalt  }
0x40: {  	_ =	shalt  }
0x41: {  	_ =	shalt  }
0x42: {  	_ =	shalt  }
0x43: {  	_ =	shalt  }
0x44: {  	_ =	shalt  }
0x45: {  	_ =	shalt  }
0x46: {  	_ =	shalt  }
0x47: {  	_ =	shalt  }
0x48: {  	_ =	shalt  }
0x49: {  	_ =	shalt  }
0x4a: {  	_ =	shalt  }
0x4b: {  	_ =	shalt  }
0x4c: {  	_ =	shalt  }
0x4d: {  	_ =	shalt  }
0x4e: {  	_ =	shalt  }
0x4f: {  	_ =	shalt  }
0x50: {  	_ =	shalt  }
0x51: {  	_ =	shalt  }
0x52: {  	_ =	shalt  }
0x53: {  	_ =	shalt  }
0x54: {  	_ =	shalt  }
0x55: {  	_ =	shalt  }
0x56: {  	_ =	shalt  }
0x57: {  	_ =	shalt  }
0x58: {  	_ =	shalt  }
0x59: {  	_ =	shalt  }
0x5a: {  	_ =	shalt  }
0x5b: {  	_ =	shalt  }
0x5c: {  	_ =	shalt  }
0x5d: {  	_ =	shalt  }
0x5e: {  	_ =	shalt  }
0x5f: {  	_ =	shalt  }
0x60: {  	_ =	shalt  }
0x61: {  	_ =	shalt  }
0x62: {  	_ =	shalt  }
0x63: {  	_ =	shalt  }
0x64: {  	_ =	shalt  }
0x65: {  	_ =	shalt  }
0x66: {  	_ =	shalt  }
0x67: {  	_ =	shalt  }
0x68: {  	_ =	shalt  }
0x69: {  	_ =	shalt  }
0x6a: {  	_ =	shalt  }
0x6b: {  	_ =	shalt  }
0x6c: {  	_ =	shalt  }
0x6d: {  	_ =	shalt  }
0x6e: {  	_ =	shalt  }
0x6f: {  	_ =	shalt  }
0x70: {  	_ =	shalt  }
0x71: {  	_ =	shalt  }
0x72: {  	_ =	shalt  }
0x73: {  	_ =	shalt  }
0x74: {  	_ =	shalt  }
0x75: {  	_ =	shalt  }
0x76: {  	_ =	shalt  }
0x77: {  	_ =	shalt  }
0x78: {  	_ =	shalt  }
0x79: {  	_ =	shalt  }
0x7a: {  	_ =	shalt  }
0x7b: {  	_ =	shalt  }
0x7c: {  	_ =	shalt  }
0x7d: {  	_ =	shalt  }
0x7e: {  	_ =	shalt  }
0x7f: {  	_ =	shalt  }
0x80: {  	_ =	shalt  }
0x81: {  	_ =	shalt  }
0x82: {  	_ =	shalt  }
0x83: {  	_ =	shalt  }
0x84: {  	_ =	shalt  }
0x85: {  	_ =	shalt  }
0x86: {  	_ =	shalt  }
0x87: {  	_ =	shalt  }
.Lfunc_end0:
.L_simem_size_0:
called_computation.1_lowered:
.L_overlay_start_0:
0x88: {  	s2 =	sld [smem:$0x3FD9]  }
0x89: {  	s3 =	sld [smem:$0x3FFE];
	_ =	sdelay $0x1  }
0x8a: {  	s1 =	srdreg.scid  }
0x8b: {  	s0 =	sand.u32 $0x1, s1  }
0x8c: {  	s17 =	sshll.u32 s0, $0xA;
	s2 =	sadd.s32 s3, s2  }
0x8d: {  	s2 =	sadd.s32 s2, s17  }
0x8e: {  	[smem:$0x3FBA] =	sst s2  }
0x8f: {  	_ = 	snop  }
0x90: {  	s18 =	sld [smem:$0x3FD0];
	(tm) =	ssettm $0x1  }
0x91: {  	s19 =	sld [smem:$0x3FFB];
	_ =	sdelay $0x3  }
0x92: {  	_ =	strace s19  }
0x93: {  	s2 =	sld [smem:$0x3FFC];
	_ =	sdelay $0x3  }
0x94: {  	_ =	strace s2  }
0x95: {  	s2 =	sld [smem:$0x3FFD];
	_ =	sdelay $0x3  }
0x96: {  	_ =	strace s2  }
0x97: {  	_ =	strace $0x8FFFFFFF  }
0x98: {  	s20 =	sld [smem:$0x3FDB];
	_ =	sdelay $0x1  }
0x99: {  	s4 =	simm.s32 $_scs_section_size  }
0x9a: {  	s5 =	simm.s32 $_size__tile_overlayer_lowered;
	s6 =	simm.s32 $_tile_overlayer_lowered  }
0x9b: {  	s7 =	simm.s32 $0x1BFF;
	s21 =	sshll.u32 s6, $0x1;
	s4 =	sadd.s32 s4, s20  }
0x9c: {  	s22 =	simm.s32 $0x0;
	s5 =	sshll.u32 s5, $0x1;
	s6 =	sadd.s32 s21, s4  }
0x9d: {  	[timem:s22], [sflag:s7] =	dma.local [hbm:s6], s5  }
0x9e: {  	_ =	swait.ge [sflag:s7], s5  }
0x9f: {  	s5 =	ssub.s32 $0x0, s5;
	[sflag:s7] =	ssyncset.done $0x0  }
0xa0: {  	[sflag:s7] =	ssyncadd.s32 s5;
	_ =	sdelay $0x1  }
0xa1: {  	s23 =	simm.s32 $0x1B8B  }
0xa2: {  	_ =	swait.ge [sflag:s23], $0x1  }
0xa3: {  	[sflag:s23] =	ssyncset.done $0x0  }
0xa4: {  	[sflag:s23] =	ssyncadd.s32 $0xFFFFFFFF  }
0xa5: {  	s5 =	sld [smem:$0x0]  }
0xa6: {  	s6 =	sand.u32 $0xFFFFFFFE, s1  }
0xa7: {  	p0 =	sne.s32 s1, s6  }
0xa8: {  	s6 =	sshll.u32 @p0 s6, $0xE  }
0xa9: {  	s6 =	sadd.s32 @p0 $0x11B8D, s6;
	s7 =	sshll.u32 @p0 s5, $0x11  }
0xaa: {  	s6 =	sor.u32 @p0 s7, s6  }
0xab: {  	[sflag:s6] =	ssyncadd.remote.s32 @p0 $0x1;
	_ =	sdelay $0x1  }
0xac: {  	s6 =	simm.s32 @p0 $0x1B8D  }
0xad: {  	_ =	swait.eq @p0 [sflag:s6], $0x1  }
0xae: {  	[sflag:s6] =	ssyncadd.s32 @p0 $0xFFFFFFFF  }
0xaf: {  	s7 =	sshll.u32 @!p0 s1, $0xE  }
0xb0: {  	s7 =	sor.u32 @!p0 $0x4000, s7;
	s6 =	simm.s32 @!p0 $0x1B8D  }
0xb1: {  	s5 =	sshll.u32 @!p0 s5, $0x11;
	s7 =	sadd.s32 @!p0 $0x11B8D, s7;
	_ =	swait.eq @!p0 [sflag:s6], $0x1  }
0xb2: {  	s5 =	sor.u32 @!p0 s5, s7;
	[sflag:s6] =	ssyncadd.s32 @!p0 $0xFFFFFFFF  }
0xb3: {  	s25 =	simm.s32 $0x1B8E;
	s24 =	sld [smem:$0x3FFE];
	[sflag:s5] =	ssyncadd.remote.s32 @!p0 $0x1  }
0xb4: {  	s26 =	simm.s32 $execute0_lowered;
	[smem:$0x3FD2] =	sst s25  }
0xb5: {  	s6 =	sshll.u32 s26, $0x1;
	_ =	strace $0x80000049;
	[dreg:$0x1] =	wrdreg $0xFFFFFFFF  }
0xb6: {  	s28 =	simm.s32 $_size_execute0_lowered;
	s4 =	sadd.s32 s4, s6;
	[dreg:$0x0] =	wrdreg $0x0  }
0xb7: {  	s6 =	sshll.u32 s28, $0x1;
	[dreg:$0x2] =	wrdreg s4  }
0xb8: {  	[dreg:$0x3] =	wrdreg s6  }
0xb9: {  	[dreg:$0x4] =	wrdreg $0xC0  }
0xba: {  	_ =	task [dreg:s22], $0x5FFFF  }
0xbb: {  	[dreg:$0x1] =	wrdreg $0xFFFFFFFF  }
0xbc: {  	[dreg:$0x0] =	wrdreg $0x60  }
0xbd: {  	[dreg:$0x2] =	wrdreg s18  }
0xbe: {  	[dreg:$0x3] =	wrdreg s24  }
0xbf: {  	[dreg:$0x4] =	wrdreg $0x88000  }
0xc0: {  	[dreg:$0x5] =	wrdreg $0xA  }
0xc1: {  	_ =	task.clear_ibuf [dreg:s22], $0x6FFFF;
	_ =	strace $0x90000049  }
0xc2: {  	s29 =	simm.s32 $0xA;
	_ =	strace $0x8000004B  }
0xc3: {  	_ =	swait.ge [sflag:s29], $0x1  }
0xc4: {  	[sflag:s29] =	ssyncadd.s32 $0xFFFFFFFF  }
0xc5: {  	_ =	strace $0x9000004B  }
0xc6: {  	_ =	sfence  }
0xc7: {  	s30 =	sld [smem:$0x0];
	_ =	sdelay $0x2  }
0xc8: {  	s31 =	sshll.u32 s1, $0xD;
	s1 =	sshrl.u32 s1, $0x2  }
0xc9: {  	s4 =	sand.u32 $0x4000, s31;
	s1 =	sadd.s32 s1, s30  }
0xca: {  	s0 =	sor.u32 s4, s0;
	s1 =	sshll.u32 s1, $0x11  }
0xcb: {  	s0 =	sor.u32 s1, s0  }
0xcc: {  	s0 =	sadd.s32 $0x8F2B, s0  }
0xcd: {  	[sflag:s0] =	ssyncadd.remote.s32 $0x1  }
0xce: {  	_ =	sfence.sel $0xFFFF  }
0xcf: {  	[dreg:$0x0] =	wrdreg $0xFFFFFFFF;
	(pc) =	sbr.abs _section_cstart, $3  }
0xd0: {  	[dreg:$0x1] =	wrdreg $0xFFFFFFFF  }
0xd1: {  	_ =	task.clear_ibuf [dreg:s22], $0x2FFFF;
	_ =	strace $0x9FFFFFFF  }
0xd2: {  	(tm) =	ssettm $0x7FFFFFFF  }
0xd3: {  	_ =	shalt  }
tec
execute0_lowered:
.L_overlay_start_1:
0x0: {  	(tag) =	ssettag $0x1  }
0x1: {  	s1 =	rddreg [dreg:$0x0]  }
0x2: {  	s0 =	rddreg [dreg:$0x1]  }
0x3: {  	s2 =	rddreg [dreg:$0x2]  }
0x4: {  	s3 =	simm.s32 $0x0;
	s5 =	srdreg.scid;
	s4 =	stileid.u32  }
0x5: {  	[smem:$0x7FF] =	sst s3;
	s3 =	sadd.s32 $0x7C00, s0;
	s11 =	smul.u32 $0x280, s4  }
0x6: {  	s8 =	sadd.s32 $0x2C00, s0;
	s9 =	sand.u32 $0x1, s5;
	s13 =	smul.u32 $0x50000, s4  }
0x7: {  	s5 =	sadd.s32 $0xCC00, s0;
	s6 =	sadd.s32 $0x5D800, s0;
	s22 =	smul.u32 $0x14000, s4  }
0x8: {  	s7 =	sadd.s32 $0xFD800, s0;
	s20 =	smul.u32 $0x1400, s4;
	s14 =	sadd.s32 $0x4E200, s1  }
0x9: {  	s16 =	sadd.s32 $0x75300, s1;
	_ =	strace $0x8000004A;
	s10 =	ssub.s32 $0x2, s9  }
0xa: {  	p0 =	seq.s32 s9, $0x1;
	s9 =	simm.s32 $0x1;
	s12 =	sshrl.u32 s10, $0x1  }
0xb: {  	s23 =	sadd.s32 s3, s11;
	s24 =	sshrl.u32 s13, $0x2;
	s25 =	sadd.s32 s8, s11  }
0xc: {  	s26 =	sshrl.u32 s22, $0x3;
	s13 =	sshrl.u32 s20, $0x3;
	[dreg:$0x4] =	wrdreg s23  }
0xd: {  	s11 =	simm.s32 $0x2800;
	s0 =	ssub.s32 s10, s12;
	[dreg:$0x5] =	wrdreg s25  }
0xe: {  	s10 =	sadd.s32 s24, s2;
	s18 =	sadd.s32 s6, s26;
	s19 =	sadd.s32 $0x28000, s26  }
0xf: {  	s12 =	sadd.s32 $0x27100, s1;
	s15 =	sadd.s32 $0x50000, s26;
	s17 =	sadd.s32 $0x78000, s26  }
0x10: {  	s13 =	sadd.s32 $0x2800, s13;
	s24 =	sadd.s32 s7, s26;
	[dreg:$0x6] =	wrdreg s18  }
0x11: {  	s21 =	sadd.s32 s6, s19;
	s22 =	sadd.s32 s6, s15;
	s3 =	sadd.s32 s3, s13  }
0x12: {  	s23 =	sadd.s32 s8, s13;
	[dreg:$0xb] =	wrdreg s24;
	s25 =	sadd.s32 s7, s19  }
0x13: {  	s26 =	sadd.s32 s7, s15;
	s24 =	sadd.s32 $0x2000, s10;
	[dreg:$0x7] =	wrdreg s21  }
0x14: {  	s28 =	sadd.s32 $0x8000, s10;
	s29 =	sadd.s32 $0xA000, s10;
	[dreg:$0x8] =	wrdreg s22  }
.Ltmp0:
0x15: {  	s30 =	sadd.s32 $0xC000, s10;
	[dreg:$0x9] =	wrdreg s3;
	(pc) =	sbr.rel .LBB2_1-.Ltmp0, $4  }
0x16: {  	s31 =	sadd.s32 $0xE000, s10;
	s8 =	simm.s32 $0x6800;
	[dreg:$0xa] =	wrdreg s23  }
0x17: {  	s13 =	simm.s32 $0x80;
	s15 =	simm.s32 $0x0;
	[dreg:$0xc] =	wrdreg s25  }
0x18: {  	[dreg:$0xd] =	wrdreg s26;
	s23 =	smax.u32 s0, $0x1;
	s25 =	sadd.s32 $0x4000, s10  }
0x19: {  	s26 =	sadd.s32 $0x6000, s10;
	s0 =	sadd.s32 $0x10000, s10;
	s3 =	sadd.s32 $0x12000, s10  }
.LBB2_19:
0x1a: {  	s4 =	sshra.s32 s19, $0x2;
	[sflag:s9] =	ssyncadd.s32 $0xFFFFC000  }
0x1b: {  	[tilespmem:s11], [sflag:$0x1] =	stream.indirect.gather [hbm4b:s16+s13], $0x80, s4, s13, $0xb8;
	[tilespmem:$0x1C800] =	vst v63  }
0x1c: {  	_ =	swait.ge [sflag:s9], $0x4000  }
0x1d: {  	[sflag:s9] =	ssyncset.done $0x0  }
0x1e: {  	s4 =	sadd.s32 $0x1400, s4;
	[sflag:s9] =	ssyncadd.s32 $0xFFFFC000  }
0x1f: {  	[spmem:s2] =	stream.indirect.scatter.add.f32 [tilespmem:s11], [sflag:$0x1], $0x80, s4, s13, $0xb8;
	[tilespmem:$0x1C800] =	vst v63  }
0x20: {  	_ =	swait.ge [sflag:s9], $0x4000  }
0x21: {  	[sflag:s9] =	ssyncset.done $0x0  }
0x22: {  	s19 =	smov.u32 s7;
	[sflag:s9] =	ssyncadd.s32 $0xFFFFC000  }
.LBB2_20:
0x23: {  	s15 =	sadd.s32 $0x1, s15  }
0x24: {  	s4 =	sadd.s32 s19, s17;
	p1 =	sne.s32 s15, s23  }
.Ltmp1:
0x25: {  	[bflag:$0x0] =	sbarrier.arrive $0xFFFF;
	s22 =	sshrl.u32 s10, $0x3;
	(pc) =	sbr.rel @!p1 .LBB2_21-.Ltmp1, $4  }
0x26: {  	[hbm:s4], [sflag:s18] =	dma.local [spmem:s22], $0x2800  }
0x27: {  	_ =	swait.ge [sflag:s9], $0x2800  }
0x28: {  	[sflag:s9] =	ssyncset.done $0x0  }
0x29: {  	[sflag:s9] =	ssyncadd.s32 $0xFFFFD800  }
.LBB2_1:
.Ltmp2:
0x2a: {  	s4 =	simm.s32 $0x0;
	(pc) =	sbr.rel @!p0 .LBB2_2-.Ltmp2, $4  }
0x2b: {  	[tilespmem:s8], [sflag:$0x1] =	stream.linear.gather [hbm4b:s5+s4], $0x2000, $0x38;
	[tilespmem:$0x1C800] =	vst v63  }
0x2c: {  	_ =	swait.ge [sflag:s9], $0x2000  }
0x2d: {  	[sflag:s9] =	ssyncset.done $0x0  }
0x2e: {  	[sflag:s9] =	ssyncadd.s32 $0xFFFFE000  }
0x2f: {  	s4 =	simm.s32 $0x0;
	s18 =	rddreg [dreg:$0x9]  }
0x30: {  	[tilespmem:s4], [sflag:$0x1] =	stream.linear.gather [hbm4b:s18+s4], $0x1280, $0x38;
	[tilespmem:$0x1C800] =	vst v63  }
0x31: {  	_ =	swait.ge [sflag:s9], $0x1280  }
0x32: {  	[sflag:s9] =	ssyncset.done $0x0  }
0x33: {  	s19 =	simm.s32 $0x1400;
	s20 =	rddreg [dreg:$0xa];
	[sflag:s9] =	ssyncadd.s32 $0xFFFFED80  }
0x34: {  	[tilespmem:s19], [sflag:$0x1] =	stream.linear.gather [hbm4b:s20+s4], $0x1280, $0x38;
	[tilespmem:$0x1C800] =	vst v63  }
0x35: {  	_ =	swait.ge [sflag:s9], $0x1280  }
0x36: {  	[sflag:s9] =	ssyncset.done $0x0  }
0x37: {  	[sflag:s9] =	ssyncadd.s32 $0xFFFFED80  }
0x38: {  	[spmem:s10] =	stream.linear.scatter [tilespmem:s8], [sflag:$0x1], $0x2000, $0x38;
	[tilespmem:$0x1C800] =	vst v63  }
0x39: {  	_ =	swait.ge [sflag:s9], $0x2000  }
0x3a: {  	[sflag:s9] =	ssyncset.done $0x0  }
0x3b: {  	[sflag:s9] =	ssyncadd.s32 $0xFFFFE000  }
0x3c: {  	[spmem:s24] =	stream.linear.scatter [tilespmem:s8], [sflag:$0x1], $0x2000, $0x38;
	[tilespmem:$0x1C800] =	vst v63  }
0x3d: {  	_ =	swait.ge [sflag:s9], $0x2000  }
0x3e: {  	[sflag:s9] =	ssyncset.done $0x0  }
0x3f: {  	[sflag:s9] =	ssyncadd.s32 $0xFFFFE000  }
0x40: {  	[spmem:s25] =	stream.linear.scatter [tilespmem:s8], [sflag:$0x1], $0x2000, $0x38;
	[tilespmem:$0x1C800] =	vst v63  }
0x41: {  	_ =	swait.ge [sflag:s9], $0x2000  }
0x42: {  	[sflag:s9] =	ssyncset.done $0x0  }
0x43: {  	[sflag:s9] =	ssyncadd.s32 $0xFFFFE000  }
0x44: {  	[spmem:s26] =	stream.linear.scatter [tilespmem:s8], [sflag:$0x1], $0x2000, $0x38;
	[tilespmem:$0x1C800] =	vst v63  }
0x45: {  	_ =	swait.ge [sflag:s9], $0x2000  }
0x46: {  	[sflag:s9] =	ssyncset.done $0x0  }
0x47: {  	[sflag:s9] =	ssyncadd.s32 $0xFFFFE000  }
0x48: {  	[spmem:s28] =	stream.linear.scatter [tilespmem:s8], [sflag:$0x1], $0x2000, $0x38;
	[tilespmem:$0x1C800] =	vst v63  }
0x49: {  	_ =	swait.ge [sflag:s9], $0x2000  }
0x4a: {  	[sflag:s9] =	ssyncset.done $0x0  }
0x4b: {  	[sflag:s9] =	ssyncadd.s32 $0xFFFFE000  }
0x4c: {  	[spmem:s29] =	stream.linear.scatter [tilespmem:s8], [sflag:$0x1], $0x2000, $0x38;
	[tilespmem:$0x1C800] =	vst v63  }
0x4d: {  	_ =	swait.ge [sflag:s9], $0x2000  }
0x4e: {  	[sflag:s9] =	ssyncset.done $0x0  }
0x4f: {  	[sflag:s9] =	ssyncadd.s32 $0xFFFFE000  }
0x50: {  	[spmem:s30] =	stream.linear.scatter [tilespmem:s8], [sflag:$0x1], $0x2000, $0x38;
	[tilespmem:$0x1C800] =	vst v63  }
0x51: {  	_ =	swait.ge [sflag:s9], $0x2000  }
0x52: {  	[sflag:s9] =	ssyncset.done $0x0  }
0x53: {  	[sflag:s9] =	ssyncadd.s32 $0xFFFFE000  }
0x54: {  	[spmem:s31] =	stream.linear.scatter [tilespmem:s8], [sflag:$0x1], $0x2000, $0x38;
	[tilespmem:$0x1C800] =	vst v63  }
0x55: {  	_ =	swait.ge [sflag:s9], $0x2000  }
0x56: {  	[sflag:s9] =	ssyncset.done $0x0  }
0x57: {  	[sflag:s9] =	ssyncadd.s32 $0xFFFFE000  }
0x58: {  	[spmem:s0] =	stream.linear.scatter [tilespmem:s8], [sflag:$0x1], $0x2000, $0x38;
	[tilespmem:$0x1C800] =	vst v63  }
0x59: {  	_ =	swait.ge [sflag:s9], $0x2000  }
0x5a: {  	[sflag:s9] =	ssyncset.done $0x0  }
0x5b: {  	[sflag:s9] =	ssyncadd.s32 $0xFFFFE000  }
0x5c: {  	[spmem:s3] =	stream.linear.scatter [tilespmem:s8], [sflag:$0x1], $0x2000, $0x38;
	[tilespmem:$0x1C800] =	vst v63  }
0x5d: {  	_ =	swait.ge [sflag:s9], $0x2000  }
0x5e: {  	[sflag:s9] =	ssyncset.done $0x0  }
0x5f: {  	[sflag:s9] =	ssyncadd.s32 $0xFFFFE000  }
0x60: {  	s21 =	simm.s32 $0x0;
	[bflag:$0x0] =	sbarrier.arrive $0xFFFF  }
0x61: {  	[tilespmem:s11], [sflag:$0x1] =	stream.indirect.gather [hbm4b:s1+s13], $0x80, s21, s13, $0xb8;
	[tilespmem:$0x1C800] =	vst v63  }
0x62: {  	_ =	swait.ge [sflag:s9], $0x4000  }
0x63: {  	[sflag:s9] =	ssyncset.done $0x0  }
0x64: {  	s22 =	simm.s32 $0x1400;
	[sflag:s9] =	ssyncadd.s32 $0xFFFFC000  }
0x65: {  	[spmem:s2] =	stream.indirect.scatter.add.f32 [tilespmem:s11], [sflag:$0x1], $0x80, s22, s13, $0xb8;
	[tilespmem:$0x1C800] =	vst v63  }
0x66: {  	_ =	swait.ge [sflag:s9], $0x4000  }
0x67: {  	s18 =	simm.s32 $0x200;
	s19 =	simm.s32 $0x400;
	[sflag:s9] =	ssyncset.done $0x0  }
.LBB2_12:
0x68: {  	s4 =	sshra.s32 s18, $0x2  }
0x69: {  	[sflag:s9] =	ssyncadd.s32 $0xFFFFC000;
	s18 =	smov.u32 s19;
	s20 =	sadd.s32 $0x200, s19  }
0x6a: {  	[tilespmem:s11], [sflag:$0x1] =	stream.indirect.gather [hbm4b:s1+s13], $0x80, s4, s13, $0xb8;
	[tilespmem:$0x1C800] =	vst v63  }
0x6b: {  	p1 =	sne.s32 s19, $0x4800;
	_ =	swait.ge [sflag:s9], $0x4000  }
.Ltmp3:
0x6c: {  	[sflag:s9] =	ssyncset.done $0x0;
	(pc) =	sbr.rel @p1 .LBB2_12-.Ltmp3, $4  }
0x6d: {  	s4 =	sadd.s32 $0x1400, s4;
	[sflag:s9] =	ssyncadd.s32 $0xFFFFC000  }
0x6e: {  	[spmem:s2] =	stream.indirect.scatter.add.f32 [tilespmem:s11], [sflag:$0x1], $0x80, s4, s13, $0xb8;
	[tilespmem:$0x1C800] =	vst v63  }
0x6f: {  	_ =	swait.ge [sflag:s9], $0x4000  }
0x70: {  	s19 =	smov.u32 s20;
	[sflag:s9] =	ssyncset.done $0x0  }
0x71: {  	s4 =	sshra.s32 s18, $0x2;
	[sflag:s9] =	ssyncadd.s32 $0xFFFFC000  }
0x72: {  	[tilespmem:s11], [sflag:$0x1] =	stream.indirect.gather [hbm4b:s1+s13], $0x80, s4, s13, $0xb8;
	[tilespmem:$0x1C800] =	vst v63  }
0x73: {  	_ =	swait.ge [sflag:s9], $0x4000  }
0x74: {  	[sflag:s9] =	ssyncset.done $0x0  }
0x75: {  	s4 =	sadd.s32 $0x1400, s4;
	[sflag:s9] =	ssyncadd.s32 $0xFFFFC000  }
0x76: {  	[spmem:s2] =	stream.indirect.scatter.add.f32 [tilespmem:s11], [sflag:$0x1], $0x80, s4, s13, $0xb8;
	[tilespmem:$0x1C800] =	vst v63  }
0x77: {  	_ =	swait.ge [sflag:s9], $0x4000  }
0x78: {  	[sflag:s9] =	ssyncset.done $0x0  }
0x79: {  	s19 =	stileid.u32;
	[sflag:s9] =	ssyncadd.s32 $0xFFFFC000  }
0x7a: {  	s4 =	sshll.u32 s19, $0x6;
	[bflag:$0x0] =	sbarrier.arrive $0xFFFF  }
0x7b: {  	s19 =	sshrl.u32 s10, $0x3;
	s18 =	sor.u32 $0x1C01, s4;
	s20 =	rddreg [dreg:$0xb]  }
0x7c: {  	[hbm:s20], [sflag:s18] =	dma.local [spmem:s19], $0x2800  }
0x7d: {  	_ =	swait.ge [sflag:s9], $0x2800  }
0x7e: {  	[sflag:s9] =	ssyncset.done $0x0  }
0x7f: {  	[sflag:s9] =	ssyncadd.s32 $0xFFFFD800  }
0x80: {  	[spmem:s10] =	stream.linear.scatter [tilespmem:s8], [sflag:$0x1], $0x2000, $0x38;
	[tilespmem:$0x1C800] =	vst v63  }
0x81: {  	_ =	swait.ge [sflag:s9], $0x2000  }
0x82: {  	[sflag:s9] =	ssyncset.done $0x0  }
0x83: {  	[sflag:s9] =	ssyncadd.s32 $0xFFFFE000  }
0x84: {  	[spmem:s24] =	stream.linear.scatter [tilespmem:s8], [sflag:$0x1], $0x2000, $0x38;
	[tilespmem:$0x1C800] =	vst v63  }
0x85: {  	_ =	swait.ge [sflag:s9], $0x2000  }
0x86: {  	[sflag:s9] =	ssyncset.done $0x0  }
0x87: {  	[sflag:s9] =	ssyncadd.s32 $0xFFFFE000  }
0x88: {  	[spmem:s25] =	stream.linear.scatter [tilespmem:s8], [sflag:$0x1], $0x2000, $0x38;
	[tilespmem:$0x1C800] =	vst v63  }
0x89: {  	_ =	swait.ge [sflag:s9], $0x2000  }
0x8a: {  	[sflag:s9] =	ssyncset.done $0x0  }
0x8b: {  	[sflag:s9] =	ssyncadd.s32 $0xFFFFE000  }
0x8c: {  	[spmem:s26] =	stream.linear.scatter [tilespmem:s8], [sflag:$0x1], $0x2000, $0x38;
	[tilespmem:$0x1C800] =	vst v63  }
0x8d: {  	_ =	swait.ge [sflag:s9], $0x2000  }
0x8e: {  	[sflag:s9] =	ssyncset.done $0x0  }
0x8f: {  	[sflag:s9] =	ssyncadd.s32 $0xFFFFE000  }
0x90: {  	[spmem:s28] =	stream.linear.scatter [tilespmem:s8], [sflag:$0x1], $0x2000, $0x38;
	[tilespmem:$0x1C800] =	vst v63  }
0x91: {  	_ =	swait.ge [sflag:s9], $0x2000  }
0x92: {  	[sflag:s9] =	ssyncset.done $0x0  }
0x93: {  	[sflag:s9] =	ssyncadd.s32 $0xFFFFE000  }
0x94: {  	[spmem:s29] =	stream.linear.scatter [tilespmem:s8], [sflag:$0x1], $0x2000, $0x38;
	[tilespmem:$0x1C800] =	vst v63  }
0x95: {  	_ =	swait.ge [sflag:s9], $0x2000  }
0x96: {  	[sflag:s9] =	ssyncset.done $0x0  }
0x97: {  	[sflag:s9] =	ssyncadd.s32 $0xFFFFE000  }
0x98: {  	[spmem:s30] =	stream.linear.scatter [tilespmem:s8], [sflag:$0x1], $0x2000, $0x38;
	[tilespmem:$0x1C800] =	vst v63  }
0x99: {  	_ =	swait.ge [sflag:s9], $0x2000  }
0x9a: {  	[sflag:s9] =	ssyncset.done $0x0  }
0x9b: {  	[sflag:s9] =	ssyncadd.s32 $0xFFFFE000  }
0x9c: {  	[spmem:s31] =	stream.linear.scatter [tilespmem:s8], [sflag:$0x1], $0x2000, $0x38;
	[tilespmem:$0x1C800] =	vst v63  }
0x9d: {  	_ =	swait.ge [sflag:s9], $0x2000  }
0x9e: {  	[sflag:s9] =	ssyncset.done $0x0  }
0x9f: {  	[sflag:s9] =	ssyncadd.s32 $0xFFFFE000  }
0xa0: {  	[spmem:s0] =	stream.linear.scatter [tilespmem:s8], [sflag:$0x1], $0x2000, $0x38;
	[tilespmem:$0x1C800] =	vst v63  }
0xa1: {  	_ =	swait.ge [sflag:s9], $0x2000  }
0xa2: {  	[sflag:s9] =	ssyncset.done $0x0  }
0xa3: {  	[sflag:s9] =	ssyncadd.s32 $0xFFFFE000  }
0xa4: {  	[spmem:s3] =	stream.linear.scatter [tilespmem:s8], [sflag:$0x1], $0x2000, $0x38;
	[tilespmem:$0x1C800] =	vst v63  }
0xa5: {  	_ =	swait.ge [sflag:s9], $0x2000  }
0xa6: {  	[sflag:s9] =	ssyncset.done $0x0  }
0xa7: {  	[sflag:s9] =	ssyncadd.s32 $0xFFFFE000  }
0xa8: {  	s21 =	simm.s32 $0x0;
	[bflag:$0x0] =	sbarrier.arrive $0xFFFF  }
0xa9: {  	[tilespmem:s11], [sflag:$0x1] =	stream.indirect.gather [hbm4b:s12+s13], $0x80, s21, s13, $0xb8;
	[tilespmem:$0x1C800] =	vst v63  }
0xaa: {  	_ =	swait.ge [sflag:s9], $0x4000  }
0xab: {  	[sflag:s9] =	ssyncset.done $0x0  }
0xac: {  	s22 =	simm.s32 $0x1400;
	[sflag:s9] =	ssyncadd.s32 $0xFFFFC000  }
0xad: {  	[spmem:s2] =	stream.indirect.scatter.add.f32 [tilespmem:s11], [sflag:$0x1], $0x80, s22, s13, $0xb8;
	[tilespmem:$0x1C800] =	vst v63  }
0xae: {  	_ =	swait.ge [sflag:s9], $0x4000  }
0xaf: {  	s20 =	simm.s32 $0x200;
	s21 =	simm.s32 $0x400;
	[sflag:s9] =	ssyncset.done $0x0  }
.LBB2_14:
0xb0: {  	s4 =	sshra.s32 s20, $0x2  }
0xb1: {  	[sflag:s9] =	ssyncadd.s32 $0xFFFFC000;
	s20 =	smov.u32 s21;
	s22 =	sadd.s32 $0x200, s21  }
0xb2: {  	[tilespmem:s11], [sflag:$0x1] =	stream.indirect.gather [hbm4b:s12+s13], $0x80, s4, s13, $0xb8;
	[tilespmem:$0x1C800] =	vst v63  }
0xb3: {  	p1 =	sne.s32 s21, $0x4800;
	_ =	swait.ge [sflag:s9], $0x4000  }
.Ltmp4:
0xb4: {  	[sflag:s9] =	ssyncset.done $0x0;
	(pc) =	sbr.rel @p1 .LBB2_14-.Ltmp4, $4  }
0xb5: {  	s4 =	sadd.s32 $0x1400, s4;
	[sflag:s9] =	ssyncadd.s32 $0xFFFFC000  }
0xb6: {  	[spmem:s2] =	stream.indirect.scatter.add.f32 [tilespmem:s11], [sflag:$0x1], $0x80, s4, s13, $0xb8;
	[tilespmem:$0x1C800] =	vst v63  }
0xb7: {  	_ =	swait.ge [sflag:s9], $0x4000  }
0xb8: {  	s21 =	smov.u32 s22;
	[sflag:s9] =	ssyncset.done $0x0  }
0xb9: {  	s4 =	sshra.s32 s20, $0x2;
	[sflag:s9] =	ssyncadd.s32 $0xFFFFC000  }
0xba: {  	[tilespmem:s11], [sflag:$0x1] =	stream.indirect.gather [hbm4b:s12+s13], $0x80, s4, s13, $0xb8;
	[tilespmem:$0x1C800] =	vst v63  }
0xbb: {  	_ =	swait.ge [sflag:s9], $0x4000  }
0xbc: {  	[sflag:s9] =	ssyncset.done $0x0  }
0xbd: {  	s4 =	sadd.s32 $0x1400, s4;
	[sflag:s9] =	ssyncadd.s32 $0xFFFFC000  }
0xbe: {  	[spmem:s2] =	stream.indirect.scatter.add.f32 [tilespmem:s11], [sflag:$0x1], $0x80, s4, s13, $0xb8;
	[tilespmem:$0x1C800] =	vst v63  }
0xbf: {  	_ =	swait.ge [sflag:s9], $0x4000  }
0xc0: {  	[sflag:s9] =	ssyncset.done $0x0  }
0xc1: {  	[sflag:s9] =	ssyncadd.s32 $0xFFFFC000  }
0xc2: {  	[bflag:$0x0] =	sbarrier.arrive $0xFFFF  }
0xc3: {  	s20 =	rddreg [dreg:$0xc]  }
0xc4: {  	[hbm:s20], [sflag:s18] =	dma.local [spmem:s19], $0x2800  }
0xc5: {  	_ =	swait.ge [sflag:s9], $0x2800  }
0xc6: {  	[sflag:s9] =	ssyncset.done $0x0  }
0xc7: {  	[sflag:s9] =	ssyncadd.s32 $0xFFFFD800  }
0xc8: {  	[spmem:s10] =	stream.linear.scatter [tilespmem:s8], [sflag:$0x1], $0x2000, $0x38;
	[tilespmem:$0x1C800] =	vst v63  }
0xc9: {  	_ =	swait.ge [sflag:s9], $0x2000  }
0xca: {  	[sflag:s9] =	ssyncset.done $0x0  }
0xcb: {  	[sflag:s9] =	ssyncadd.s32 $0xFFFFE000  }
0xcc: {  	[spmem:s24] =	stream.linear.scatter [tilespmem:s8], [sflag:$0x1], $0x2000, $0x38;
	[tilespmem:$0x1C800] =	vst v63  }
0xcd: {  	_ =	swait.ge [sflag:s9], $0x2000  }
0xce: {  	[sflag:s9] =	ssyncset.done $0x0  }
0xcf: {  	[sflag:s9] =	ssyncadd.s32 $0xFFFFE000  }
0xd0: {  	[spmem:s25] =	stream.linear.scatter [tilespmem:s8], [sflag:$0x1], $0x2000, $0x38;
	[tilespmem:$0x1C800] =	vst v63  }
0xd1: {  	_ =	swait.ge [sflag:s9], $0x2000  }
0xd2: {  	[sflag:s9] =	ssyncset.done $0x0  }
0xd3: {  	[sflag:s9] =	ssyncadd.s32 $0xFFFFE000  }
0xd4: {  	[spmem:s26] =	stream.linear.scatter [tilespmem:s8], [sflag:$0x1], $0x2000, $0x38;
	[tilespmem:$0x1C800] =	vst v63  }
0xd5: {  	_ =	swait.ge [sflag:s9], $0x2000  }
0xd6: {  	[sflag:s9] =	ssyncset.done $0x0  }
0xd7: {  	[sflag:s9] =	ssyncadd.s32 $0xFFFFE000  }
0xd8: {  	[spmem:s28] =	stream.linear.scatter [tilespmem:s8], [sflag:$0x1], $0x2000, $0x38;
	[tilespmem:$0x1C800] =	vst v63  }
0xd9: {  	_ =	swait.ge [sflag:s9], $0x2000  }
0xda: {  	[sflag:s9] =	ssyncset.done $0x0  }
0xdb: {  	[sflag:s9] =	ssyncadd.s32 $0xFFFFE000  }
0xdc: {  	[spmem:s29] =	stream.linear.scatter [tilespmem:s8], [sflag:$0x1], $0x2000, $0x38;
	[tilespmem:$0x1C800] =	vst v63  }
0xdd: {  	_ =	swait.ge [sflag:s9], $0x2000  }
0xde: {  	[sflag:s9] =	ssyncset.done $0x0  }
0xdf: {  	[sflag:s9] =	ssyncadd.s32 $0xFFFFE000  }
0xe0: {  	[spmem:s30] =	stream.linear.scatter [tilespmem:s8], [sflag:$0x1], $0x2000, $0x38;
	[tilespmem:$0x1C800] =	vst v63  }
0xe1: {  	_ =	swait.ge [sflag:s9], $0x2000  }
0xe2: {  	[sflag:s9] =	ssyncset.done $0x0  }
0xe3: {  	[sflag:s9] =	ssyncadd.s32 $0xFFFFE000  }
0xe4: {  	[spmem:s31] =	stream.linear.scatter [tilespmem:s8], [sflag:$0x1], $0x2000, $0x38;
	[tilespmem:$0x1C800] =	vst v63  }
0xe5: {  	_ =	swait.ge [sflag:s9], $0x2000  }
0xe6: {  	[sflag:s9] =	ssyncset.done $0x0  }
0xe7: {  	[sflag:s9] =	ssyncadd.s32 $0xFFFFE000  }
0xe8: {  	[spmem:s0] =	stream.linear.scatter [tilespmem:s8], [sflag:$0x1], $0x2000, $0x38;
	[tilespmem:$0x1C800] =	vst v63  }
0xe9: {  	_ =	swait.ge [sflag:s9], $0x2000  }
0xea: {  	[sflag:s9] =	ssyncset.done $0x0  }
0xeb: {  	[sflag:s9] =	ssyncadd.s32 $0xFFFFE000  }
0xec: {  	[spmem:s3] =	stream.linear.scatter [tilespmem:s8], [sflag:$0x1], $0x2000, $0x38;
	[tilespmem:$0x1C800] =	vst v63  }
0xed: {  	_ =	swait.ge [sflag:s9], $0x2000  }
0xee: {  	[sflag:s9] =	ssyncset.done $0x0  }
0xef: {  	[sflag:s9] =	ssyncadd.s32 $0xFFFFE000  }
0xf0: {  	s21 =	simm.s32 $0x0;
	[bflag:$0x0] =	sbarrier.arrive $0xFFFF  }
0xf1: {  	[tilespmem:s11], [sflag:$0x1] =	stream.indirect.gather [hbm4b:s14+s13], $0x80, s21, s13, $0xb8;
	[tilespmem:$0x1C800] =	vst v63  }
0xf2: {  	_ =	swait.ge [sflag:s9], $0x4000  }
0xf3: {  	[sflag:s9] =	ssyncset.done $0x0  }
0xf4: {  	s22 =	simm.s32 $0x1400;
	[sflag:s9] =	ssyncadd.s32 $0xFFFFC000  }
0xf5: {  	[spmem:s2] =	stream.indirect.scatter.add.f32 [tilespmem:s11], [sflag:$0x1], $0x80, s22, s13, $0xb8;
	[tilespmem:$0x1C800] =	vst v63  }
0xf6: {  	_ =	swait.ge [sflag:s9], $0x4000  }
0xf7: {  	s20 =	simm.s32 $0x200;
	s21 =	simm.s32 $0x400;
	[sflag:s9] =	ssyncset.done $0x0  }
.LBB2_16:
0xf8: {  	s4 =	sshra.s32 s20, $0x2  }
0xf9: {  	[sflag:s9] =	ssyncadd.s32 $0xFFFFC000;
	s20 =	smov.u32 s21;
	s22 =	sadd.s32 $0x200, s21  }
0xfa: {  	[tilespmem:s11], [sflag:$0x1] =	stream.indirect.gather [hbm4b:s14+s13], $0x80, s4, s13, $0xb8;
	[tilespmem:$0x1C800] =	vst v63  }
0xfb: {  	p1 =	sne.s32 s21, $0x4800;
	_ =	swait.ge [sflag:s9], $0x4000  }
.Ltmp5:
0xfc: {  	[sflag:s9] =	ssyncset.done $0x0;
	(pc) =	sbr.rel @p1 .LBB2_16-.Ltmp5, $4  }
0xfd: {  	s4 =	sadd.s32 $0x1400, s4;
	[sflag:s9] =	ssyncadd.s32 $0xFFFFC000  }
0xfe: {  	[spmem:s2] =	stream.indirect.scatter.add.f32 [tilespmem:s11], [sflag:$0x1], $0x80, s4, s13, $0xb8;
	[tilespmem:$0x1C800] =	vst v63  }
0xff: {  	_ =	swait.ge [sflag:s9], $0x4000  }
0x100: {  	s21 =	smov.u32 s22;
	[sflag:s9] =	ssyncset.done $0x0  }
0x101: {  	s4 =	sshra.s32 s20, $0x2;
	[sflag:s9] =	ssyncadd.s32 $0xFFFFC000  }
0x102: {  	[tilespmem:s11], [sflag:$0x1] =	stream.indirect.gather [hbm4b:s14+s13], $0x80, s4, s13, $0xb8;
	[tilespmem:$0x1C800] =	vst v63  }
0x103: {  	_ =	swait.ge [sflag:s9], $0x4000  }
0x104: {  	[sflag:s9] =	ssyncset.done $0x0  }
0x105: {  	s4 =	sadd.s32 $0x1400, s4;
	[sflag:s9] =	ssyncadd.s32 $0xFFFFC000  }
0x106: {  	[spmem:s2] =	stream.indirect.scatter.add.f32 [tilespmem:s11], [sflag:$0x1], $0x80, s4, s13, $0xb8;
	[tilespmem:$0x1C800] =	vst v63  }
0x107: {  	_ =	swait.ge [sflag:s9], $0x4000  }
0x108: {  	[sflag:s9] =	ssyncset.done $0x0  }
0x109: {  	[sflag:s9] =	ssyncadd.s32 $0xFFFFC000  }
0x10a: {  	[bflag:$0x0] =	sbarrier.arrive $0xFFFF  }
0x10b: {  	s20 =	rddreg [dreg:$0xd]  }
0x10c: {  	[hbm:s20], [sflag:s18] =	dma.local [spmem:s19], $0x2800  }
0x10d: {  	_ =	swait.ge [sflag:s9], $0x2800  }
0x10e: {  	[sflag:s9] =	ssyncset.done $0x0  }
0x10f: {  	[sflag:s9] =	ssyncadd.s32 $0xFFFFD800  }
0x110: {  	[spmem:s10] =	stream.linear.scatter [tilespmem:s8], [sflag:$0x1], $0x2000, $0x38;
	[tilespmem:$0x1C800] =	vst v63  }
0x111: {  	_ =	swait.ge [sflag:s9], $0x2000  }
0x112: {  	[sflag:s9] =	ssyncset.done $0x0  }
0x113: {  	[sflag:s9] =	ssyncadd.s32 $0xFFFFE000  }
0x114: {  	[spmem:s24] =	stream.linear.scatter [tilespmem:s8], [sflag:$0x1], $0x2000, $0x38;
	[tilespmem:$0x1C800] =	vst v63  }
0x115: {  	_ =	swait.ge [sflag:s9], $0x2000  }
0x116: {  	[sflag:s9] =	ssyncset.done $0x0  }
0x117: {  	[sflag:s9] =	ssyncadd.s32 $0xFFFFE000  }
0x118: {  	[spmem:s25] =	stream.linear.scatter [tilespmem:s8], [sflag:$0x1], $0x2000, $0x38;
	[tilespmem:$0x1C800] =	vst v63  }
0x119: {  	_ =	swait.ge [sflag:s9], $0x2000  }
0x11a: {  	[sflag:s9] =	ssyncset.done $0x0  }
0x11b: {  	[sflag:s9] =	ssyncadd.s32 $0xFFFFE000  }
0x11c: {  	[spmem:s26] =	stream.linear.scatter [tilespmem:s8], [sflag:$0x1], $0x2000, $0x38;
	[tilespmem:$0x1C800] =	vst v63  }
0x11d: {  	_ =	swait.ge [sflag:s9], $0x2000  }
0x11e: {  	[sflag:s9] =	ssyncset.done $0x0  }
0x11f: {  	[sflag:s9] =	ssyncadd.s32 $0xFFFFE000  }
0x120: {  	[spmem:s28] =	stream.linear.scatter [tilespmem:s8], [sflag:$0x1], $0x2000, $0x38;
	[tilespmem:$0x1C800] =	vst v63  }
0x121: {  	_ =	swait.ge [sflag:s9], $0x2000  }
0x122: {  	[sflag:s9] =	ssyncset.done $0x0  }
0x123: {  	[sflag:s9] =	ssyncadd.s32 $0xFFFFE000  }
0x124: {  	[spmem:s29] =	stream.linear.scatter [tilespmem:s8], [sflag:$0x1], $0x2000, $0x38;
	[tilespmem:$0x1C800] =	vst v63  }
0x125: {  	_ =	swait.ge [sflag:s9], $0x2000  }
0x126: {  	[sflag:s9] =	ssyncset.done $0x0  }
0x127: {  	[sflag:s9] =	ssyncadd.s32 $0xFFFFE000  }
0x128: {  	[spmem:s30] =	stream.linear.scatter [tilespmem:s8], [sflag:$0x1], $0x2000, $0x38;
	[tilespmem:$0x1C800] =	vst v63  }
0x129: {  	_ =	swait.ge [sflag:s9], $0x2000  }
0x12a: {  	[sflag:s9] =	ssyncset.done $0x0  }
0x12b: {  	[sflag:s9] =	ssyncadd.s32 $0xFFFFE000  }
0x12c: {  	[spmem:s31] =	stream.linear.scatter [tilespmem:s8], [sflag:$0x1], $0x2000, $0x38;
	[tilespmem:$0x1C800] =	vst v63  }
0x12d: {  	_ =	swait.ge [sflag:s9], $0x2000  }
0x12e: {  	[sflag:s9] =	ssyncset.done $0x0  }
0x12f: {  	[sflag:s9] =	ssyncadd.s32 $0xFFFFE000  }
0x130: {  	[spmem:s0] =	stream.linear.scatter [tilespmem:s8], [sflag:$0x1], $0x2000, $0x38;
	[tilespmem:$0x1C800] =	vst v63  }
0x131: {  	_ =	swait.ge [sflag:s9], $0x2000  }
0x132: {  	[sflag:s9] =	ssyncset.done $0x0  }
0x133: {  	[sflag:s9] =	ssyncadd.s32 $0xFFFFE000  }
0x134: {  	[spmem:s3] =	stream.linear.scatter [tilespmem:s8], [sflag:$0x1], $0x2000, $0x38;
	[tilespmem:$0x1C800] =	vst v63  }
0x135: {  	_ =	swait.ge [sflag:s9], $0x2000  }
0x136: {  	[sflag:s9] =	ssyncset.done $0x0  }
0x137: {  	[sflag:s9] =	ssyncadd.s32 $0xFFFFE000  }
0x138: {  	s21 =	simm.s32 $0x0;
	[bflag:$0x0] =	sbarrier.arrive $0xFFFF  }
0x139: {  	[tilespmem:s11], [sflag:$0x1] =	stream.indirect.gather [hbm4b:s16+s13], $0x80, s21, s13, $0xb8;
	[tilespmem:$0x1C800] =	vst v63  }
0x13a: {  	_ =	swait.ge [sflag:s9], $0x4000  }
0x13b: {  	[sflag:s9] =	ssyncset.done $0x0  }
0x13c: {  	s22 =	simm.s32 $0x1400;
	[sflag:s9] =	ssyncadd.s32 $0xFFFFC000  }
0x13d: {  	[spmem:s2] =	stream.indirect.scatter.add.f32 [tilespmem:s11], [sflag:$0x1], $0x80, s22, s13, $0xb8;
	[tilespmem:$0x1C800] =	vst v63  }
0x13e: {  	_ =	swait.ge [sflag:s9], $0x4000  }
0x13f: {  	s19 =	simm.s32 $0x200;
	s20 =	simm.s32 $0x400;
	[sflag:s9] =	ssyncset.done $0x0  }
.LBB2_18:
0x140: {  	s4 =	sshra.s32 s19, $0x2  }
0x141: {  	[sflag:s9] =	ssyncadd.s32 $0xFFFFC000;
	s19 =	smov.u32 s20;
	s21 =	sadd.s32 $0x200, s20  }
0x142: {  	[tilespmem:s11], [sflag:$0x1] =	stream.indirect.gather [hbm4b:s16+s13], $0x80, s4, s13, $0xb8;
	[tilespmem:$0x1C800] =	vst v63  }
0x143: {  	p1 =	sne.s32 s20, $0x4800;
	_ =	swait.ge [sflag:s9], $0x4000  }
.Ltmp6:
0x144: {  	[sflag:s9] =	ssyncset.done $0x0;
	(pc) =	sbr.rel @p1 .LBB2_18-.Ltmp6, $4  }
0x145: {  	s4 =	sadd.s32 $0x1400, s4;
	[sflag:s9] =	ssyncadd.s32 $0xFFFFC000  }
0x146: {  	[spmem:s2] =	stream.indirect.scatter.add.f32 [tilespmem:s11], [sflag:$0x1], $0x80, s4, s13, $0xb8;
	[tilespmem:$0x1C800] =	vst v63  }
0x147: {  	_ =	swait.ge [sflag:s9], $0x4000  }
0x148: {  	s20 =	smov.u32 s21;
	[sflag:s9] =	ssyncset.done $0x0  }
.Ltmp7:
0x149: {  	_ = 	snop;
	(pc) =	sbr.rel .LBB2_19-.Ltmp7, $1  }
0x14a: {  	_ =	sdelay $0x3  }
.LBB2_2:
0x14b: {  	s18 =	simm.s32 $0x0;
	s4 =	rddreg [dreg:$0x4]  }
0x14c: {  	[tilespmem:s18], [sflag:$0x1] =	stream.linear.gather [hbm4b:s4+s18], $0x1280, $0x38;
	[tilespmem:$0x1C800] =	vst v63  }
0x14d: {  	_ =	swait.ge [sflag:s9], $0x1280  }
0x14e: {  	[sflag:s9] =	ssyncset.done $0x0  }
0x14f: {  	s19 =	simm.s32 $0x1400;
	s20 =	rddreg [dreg:$0x5];
	[sflag:s9] =	ssyncadd.s32 $0xFFFFED80  }
0x150: {  	[tilespmem:s19], [sflag:$0x1] =	stream.linear.gather [hbm4b:s20+s18], $0x1280, $0x38;
	[tilespmem:$0x1C800] =	vst v63  }
0x151: {  	_ =	swait.ge [sflag:s9], $0x1280  }
0x152: {  	[sflag:s9] =	ssyncset.done $0x0  }
0x153: {  	[sflag:s9] =	ssyncadd.s32 $0xFFFFED80  }
0x154: {  	[spmem:s10] =	stream.linear.scatter [tilespmem:s8], [sflag:$0x1], $0x2000, $0x38;
	[tilespmem:$0x1C800] =	vst v63  }
0x155: {  	_ =	swait.ge [sflag:s9], $0x2000  }
0x156: {  	[sflag:s9] =	ssyncset.done $0x0  }
0x157: {  	[sflag:s9] =	ssyncadd.s32 $0xFFFFE000  }
0x158: {  	[spmem:s24] =	stream.linear.scatter [tilespmem:s8], [sflag:$0x1], $0x2000, $0x38;
	[tilespmem:$0x1C800] =	vst v63  }
0x159: {  	_ =	swait.ge [sflag:s9], $0x2000  }
0x15a: {  	[sflag:s9] =	ssyncset.done $0x0  }
0x15b: {  	[sflag:s9] =	ssyncadd.s32 $0xFFFFE000  }
0x15c: {  	[spmem:s25] =	stream.linear.scatter [tilespmem:s8], [sflag:$0x1], $0x2000, $0x38;
	[tilespmem:$0x1C800] =	vst v63  }
0x15d: {  	_ =	swait.ge [sflag:s9], $0x2000  }
0x15e: {  	[sflag:s9] =	ssyncset.done $0x0  }
0x15f: {  	[sflag:s9] =	ssyncadd.s32 $0xFFFFE000  }
0x160: {  	[spmem:s26] =	stream.linear.scatter [tilespmem:s8], [sflag:$0x1], $0x2000, $0x38;
	[tilespmem:$0x1C800] =	vst v63  }
0x161: {  	_ =	swait.ge [sflag:s9], $0x2000  }
0x162: {  	[sflag:s9] =	ssyncset.done $0x0  }
0x163: {  	[sflag:s9] =	ssyncadd.s32 $0xFFFFE000  }
0x164: {  	[spmem:s28] =	stream.linear.scatter [tilespmem:s8], [sflag:$0x1], $0x2000, $0x38;
	[tilespmem:$0x1C800] =	vst v63  }
0x165: {  	_ =	swait.ge [sflag:s9], $0x2000  }
0x166: {  	[sflag:s9] =	ssyncset.done $0x0  }
0x167: {  	[sflag:s9] =	ssyncadd.s32 $0xFFFFE000  }
0x168: {  	[spmem:s29] =	stream.linear.scatter [tilespmem:s8], [sflag:$0x1], $0x2000, $0x38;
	[tilespmem:$0x1C800] =	vst v63  }
0x169: {  	_ =	swait.ge [sflag:s9], $0x2000  }
0x16a: {  	[sflag:s9] =	ssyncset.done $0x0  }
0x16b: {  	[sflag:s9] =	ssyncadd.s32 $0xFFFFE000  }
0x16c: {  	[spmem:s30] =	stream.linear.scatter [tilespmem:s8], [sflag:$0x1], $0x2000, $0x38;
	[tilespmem:$0x1C800] =	vst v63  }
0x16d: {  	_ =	swait.ge [sflag:s9], $0x2000  }
0x16e: {  	[sflag:s9] =	ssyncset.done $0x0  }
0x16f: {  	[sflag:s9] =	ssyncadd.s32 $0xFFFFE000  }
0x170: {  	[spmem:s31] =	stream.linear.scatter [tilespmem:s8], [sflag:$0x1], $0x2000, $0x38;
	[tilespmem:$0x1C800] =	vst v63  }
0x171: {  	_ =	swait.ge [sflag:s9], $0x2000  }
0x172: {  	[sflag:s9] =	ssyncset.done $0x0  }
0x173: {  	[sflag:s9] =	ssyncadd.s32 $0xFFFFE000  }
0x174: {  	[spmem:s0] =	stream.linear.scatter [tilespmem:s8], [sflag:$0x1], $0x2000, $0x38;
	[tilespmem:$0x1C800] =	vst v63  }
0x175: {  	_ =	swait.ge [sflag:s9], $0x2000  }
0x176: {  	[sflag:s9] =	ssyncset.done $0x0  }
0x177: {  	[sflag:s9] =	ssyncadd.s32 $0xFFFFE000  }
0x178: {  	[spmem:s3] =	stream.linear.scatter [tilespmem:s8], [sflag:$0x1], $0x2000, $0x38;
	[tilespmem:$0x1C800] =	vst v63  }
0x179: {  	_ =	swait.ge [sflag:s9], $0x2000  }
0x17a: {  	[sflag:s9] =	ssyncset.done $0x0  }
0x17b: {  	[sflag:s9] =	ssyncadd.s32 $0xFFFFE000  }
0x17c: {  	s21 =	simm.s32 $0x0;
	[bflag:$0x0] =	sbarrier.arrive $0xFFFF  }
0x17d: {  	[tilespmem:s11], [sflag:$0x1] =	stream.indirect.gather [hbm4b:s1+s13], $0x80, s21, s13, $0xb8;
	[tilespmem:$0x1C800] =	vst v63  }
0x17e: {  	_ =	swait.ge [sflag:s9], $0x4000  }
0x17f: {  	[sflag:s9] =	ssyncset.done $0x0  }
0x180: {  	s22 =	simm.s32 $0x1400;
	[sflag:s9] =	ssyncadd.s32 $0xFFFFC000  }
0x181: {  	[spmem:s2] =	stream.indirect.scatter.add.f32 [tilespmem:s11], [sflag:$0x1], $0x80, s22, s13, $0xb8;
	[tilespmem:$0x1C800] =	vst v63  }
0x182: {  	_ =	swait.ge [sflag:s9], $0x4000  }
0x183: {  	s18 =	simm.s32 $0x200;
	s19 =	simm.s32 $0x400;
	[sflag:s9] =	ssyncset.done $0x0  }
.LBB2_3:
0x184: {  	s20 =	sshra.s32 s18, $0x2  }
0x185: {  	[sflag:s9] =	ssyncadd.s32 $0xFFFFC000;
	s18 =	smov.u32 s19;
	s21 =	sadd.s32 $0x200, s19  }
0x186: {  	[tilespmem:s11], [sflag:$0x1] =	stream.indirect.gather [hbm4b:s1+s13], $0x80, s20, s13, $0xb8;
	[tilespmem:$0x1C800] =	vst v63  }
0x187: {  	p1 =	sne.s32 s19, $0x4800;
	_ =	swait.ge [sflag:s9], $0x4000  }
.Ltmp8:
0x188: {  	[sflag:s9] =	ssyncset.done $0x0;
	(pc) =	sbr.rel @p1 .LBB2_3-.Ltmp8, $4  }
0x189: {  	s19 =	sadd.s32 $0x1400, s20;
	[sflag:s9] =	ssyncadd.s32 $0xFFFFC000  }
0x18a: {  	[spmem:s2] =	stream.indirect.scatter.add.f32 [tilespmem:s11], [sflag:$0x1], $0x80, s19, s13, $0xb8;
	[tilespmem:$0x1C800] =	vst v63  }
0x18b: {  	_ =	swait.ge [sflag:s9], $0x4000  }
0x18c: {  	s19 =	smov.u32 s21;
	[sflag:s9] =	ssyncset.done $0x0  }
0x18d: {  	s18 =	sshra.s32 s18, $0x2;
	[sflag:s9] =	ssyncadd.s32 $0xFFFFC000  }
0x18e: {  	[tilespmem:s11], [sflag:$0x1] =	stream.indirect.gather [hbm4b:s1+s13], $0x80, s18, s13, $0xb8;
	[tilespmem:$0x1C800] =	vst v63  }
0x18f: {  	_ =	swait.ge [sflag:s9], $0x4000  }
0x190: {  	[sflag:s9] =	ssyncset.done $0x0  }
0x191: {  	s18 =	sadd.s32 $0x1400, s18;
	[sflag:s9] =	ssyncadd.s32 $0xFFFFC000  }
0x192: {  	[spmem:s2] =	stream.indirect.scatter.add.f32 [tilespmem:s11], [sflag:$0x1], $0x80, s18, s13, $0xb8;
	[tilespmem:$0x1C800] =	vst v63  }
0x193: {  	_ =	swait.ge [sflag:s9], $0x4000  }
0x194: {  	[sflag:s9] =	ssyncset.done $0x0  }
0x195: {  	s4 =	stileid.u32;
	[sflag:s9] =	ssyncadd.s32 $0xFFFFC000  }
0x196: {  	s20 =	sshll.u32 s4, $0x6;
	[bflag:$0x0] =	sbarrier.arrive $0xFFFF  }
0x197: {  	s19 =	sshrl.u32 s10, $0x3;
	s18 =	sor.u32 $0x1C01, s20;
	s21 =	rddreg [dreg:$0x6]  }
0x198: {  	[hbm:s21], [sflag:s18] =	dma.local [spmem:s19], $0x2800  }
0x199: {  	_ =	swait.ge [sflag:s9], $0x2800  }
0x19a: {  	[sflag:s9] =	ssyncset.done $0x0  }
0x19b: {  	[sflag:s9] =	ssyncadd.s32 $0xFFFFD800  }
0x19c: {  	[spmem:s10] =	stream.linear.scatter [tilespmem:s8], [sflag:$0x1], $0x2000, $0x38;
	[tilespmem:$0x1C800] =	vst v63  }
0x19d: {  	_ =	swait.ge [sflag:s9], $0x2000  }
0x19e: {  	[sflag:s9] =	ssyncset.done $0x0  }
0x19f: {  	[sflag:s9] =	ssyncadd.s32 $0xFFFFE000  }
0x1a0: {  	[spmem:s24] =	stream.linear.scatter [tilespmem:s8], [sflag:$0x1], $0x2000, $0x38;
	[tilespmem:$0x1C800] =	vst v63  }
0x1a1: {  	_ =	swait.ge [sflag:s9], $0x2000  }
0x1a2: {  	[sflag:s9] =	ssyncset.done $0x0  }
0x1a3: {  	[sflag:s9] =	ssyncadd.s32 $0xFFFFE000  }
0x1a4: {  	[spmem:s25] =	stream.linear.scatter [tilespmem:s8], [sflag:$0x1], $0x2000, $0x38;
	[tilespmem:$0x1C800] =	vst v63  }
0x1a5: {  	_ =	swait.ge [sflag:s9], $0x2000  }
0x1a6: {  	[sflag:s9] =	ssyncset.done $0x0  }
0x1a7: {  	[sflag:s9] =	ssyncadd.s32 $0xFFFFE000  }
0x1a8: {  	[spmem:s26] =	stream.linear.scatter [tilespmem:s8], [sflag:$0x1], $0x2000, $0x38;
	[tilespmem:$0x1C800] =	vst v63  }
0x1a9: {  	_ =	swait.ge [sflag:s9], $0x2000  }
0x1aa: {  	[sflag:s9] =	ssyncset.done $0x0  }
0x1ab: {  	[sflag:s9] =	ssyncadd.s32 $0xFFFFE000  }
0x1ac: {  	[spmem:s28] =	stream.linear.scatter [tilespmem:s8], [sflag:$0x1], $0x2000, $0x38;
	[tilespmem:$0x1C800] =	vst v63  }
0x1ad: {  	_ =	swait.ge [sflag:s9], $0x2000  }
0x1ae: {  	[sflag:s9] =	ssyncset.done $0x0  }
0x1af: {  	[sflag:s9] =	ssyncadd.s32 $0xFFFFE000  }
0x1b0: {  	[spmem:s29] =	stream.linear.scatter [tilespmem:s8], [sflag:$0x1], $0x2000, $0x38;
	[tilespmem:$0x1C800] =	vst v63  }
0x1b1: {  	_ =	swait.ge [sflag:s9], $0x2000  }
0x1b2: {  	[sflag:s9] =	ssyncset.done $0x0  }
0x1b3: {  	[sflag:s9] =	ssyncadd.s32 $0xFFFFE000  }
0x1b4: {  	[spmem:s30] =	stream.linear.scatter [tilespmem:s8], [sflag:$0x1], $0x2000, $0x38;
	[tilespmem:$0x1C800] =	vst v63  }
0x1b5: {  	_ =	swait.ge [sflag:s9], $0x2000  }
0x1b6: {  	[sflag:s9] =	ssyncset.done $0x0  }
0x1b7: {  	[sflag:s9] =	ssyncadd.s32 $0xFFFFE000  }
0x1b8: {  	[spmem:s31] =	stream.linear.scatter [tilespmem:s8], [sflag:$0x1], $0x2000, $0x38;
	[tilespmem:$0x1C800] =	vst v63  }
0x1b9: {  	_ =	swait.ge [sflag:s9], $0x2000  }
0x1ba: {  	[sflag:s9] =	ssyncset.done $0x0  }
0x1bb: {  	[sflag:s9] =	ssyncadd.s32 $0xFFFFE000  }
0x1bc: {  	[spmem:s0] =	stream.linear.scatter [tilespmem:s8], [sflag:$0x1], $0x2000, $0x38;
	[tilespmem:$0x1C800] =	vst v63  }
0x1bd: {  	_ =	swait.ge [sflag:s9], $0x2000  }
0x1be: {  	[sflag:s9] =	ssyncset.done $0x0  }
0x1bf: {  	[sflag:s9] =	ssyncadd.s32 $0xFFFFE000  }
0x1c0: {  	[spmem:s3] =	stream.linear.scatter [tilespmem:s8], [sflag:$0x1], $0x2000, $0x38;
	[tilespmem:$0x1C800] =	vst v63  }
0x1c1: {  	_ =	swait.ge [sflag:s9], $0x2000  }
0x1c2: {  	[sflag:s9] =	ssyncset.done $0x0  }
0x1c3: {  	[sflag:s9] =	ssyncadd.s32 $0xFFFFE000  }
0x1c4: {  	s20 =	simm.s32 $0x0;
	[bflag:$0x0] =	sbarrier.arrive $0xFFFF  }
0x1c5: {  	[tilespmem:s11], [sflag:$0x1] =	stream.indirect.gather [hbm4b:s12+s13], $0x80, s20, s13, $0xb8;
	[tilespmem:$0x1C800] =	vst v63  }
0x1c6: {  	_ =	swait.ge [sflag:s9], $0x4000  }
0x1c7: {  	[sflag:s9] =	ssyncset.done $0x0  }
0x1c8: {  	s22 =	simm.s32 $0x1400;
	[sflag:s9] =	ssyncadd.s32 $0xFFFFC000  }
0x1c9: {  	[spmem:s2] =	stream.indirect.scatter.add.f32 [tilespmem:s11], [sflag:$0x1], $0x80, s22, s13, $0xb8;
	[tilespmem:$0x1C800] =	vst v63  }
0x1ca: {  	_ =	swait.ge [sflag:s9], $0x4000  }
0x1cb: {  	s21 =	simm.s32 $0x400;
	s20 =	simm.s32 $0x200;
	[sflag:s9] =	ssyncset.done $0x0  }
.LBB2_5:
0x1cc: {  	s22 =	sshra.s32 s20, $0x2  }
0x1cd: {  	[sflag:s9] =	ssyncadd.s32 $0xFFFFC000;
	s20 =	smov.u32 s21;
	s4 =	sadd.s32 $0x200, s21  }
0x1ce: {  	[tilespmem:s11], [sflag:$0x1] =	stream.indirect.gather [hbm4b:s12+s13], $0x80, s22, s13, $0xb8;
	[tilespmem:$0x1C800] =	vst v63  }
0x1cf: {  	p1 =	sne.s32 s21, $0x4800;
	_ =	swait.ge [sflag:s9], $0x4000  }
.Ltmp9:
0x1d0: {  	[sflag:s9] =	ssyncset.done $0x0;
	(pc) =	sbr.rel @p1 .LBB2_5-.Ltmp9, $4  }
0x1d1: {  	s21 =	sadd.s32 $0x1400, s22;
	[sflag:s9] =	ssyncadd.s32 $0xFFFFC000  }
0x1d2: {  	[spmem:s2] =	stream.indirect.scatter.add.f32 [tilespmem:s11], [sflag:$0x1], $0x80, s21, s13, $0xb8;
	[tilespmem:$0x1C800] =	vst v63  }
0x1d3: {  	_ =	swait.ge [sflag:s9], $0x4000  }
0x1d4: {  	s21 =	smov.u32 s4;
	[sflag:s9] =	ssyncset.done $0x0  }
0x1d5: {  	s4 =	sshra.s32 s20, $0x2;
	[sflag:s9] =	ssyncadd.s32 $0xFFFFC000  }
0x1d6: {  	[tilespmem:s11], [sflag:$0x1] =	stream.indirect.gather [hbm4b:s12+s13], $0x80, s4, s13, $0xb8;
	[tilespmem:$0x1C800] =	vst v63  }
0x1d7: {  	_ =	swait.ge [sflag:s9], $0x4000  }
0x1d8: {  	[sflag:s9] =	ssyncset.done $0x0  }
0x1d9: {  	s4 =	sadd.s32 $0x1400, s4;
	[sflag:s9] =	ssyncadd.s32 $0xFFFFC000  }
0x1da: {  	[spmem:s2] =	stream.indirect.scatter.add.f32 [tilespmem:s11], [sflag:$0x1], $0x80, s4, s13, $0xb8;
	[tilespmem:$0x1C800] =	vst v63  }
0x1db: {  	_ =	swait.ge [sflag:s9], $0x4000  }
0x1dc: {  	[sflag:s9] =	ssyncset.done $0x0  }
0x1dd: {  	[sflag:s9] =	ssyncadd.s32 $0xFFFFC000  }
0x1de: {  	[bflag:$0x0] =	sbarrier.arrive $0xFFFF  }
0x1df: {  	s20 =	rddreg [dreg:$0x7]  }
0x1e0: {  	[hbm:s20], [sflag:s18] =	dma.local [spmem:s19], $0x2800  }
0x1e1: {  	_ =	swait.ge [sflag:s9], $0x2800  }
0x1e2: {  	[sflag:s9] =	ssyncset.done $0x0  }
0x1e3: {  	[sflag:s9] =	ssyncadd.s32 $0xFFFFD800  }
0x1e4: {  	[spmem:s10] =	stream.linear.scatter [tilespmem:s8], [sflag:$0x1], $0x2000, $0x38;
	[tilespmem:$0x1C800] =	vst v63  }
0x1e5: {  	_ =	swait.ge [sflag:s9], $0x2000  }
0x1e6: {  	[sflag:s9] =	ssyncset.done $0x0  }
0x1e7: {  	[sflag:s9] =	ssyncadd.s32 $0xFFFFE000  }
0x1e8: {  	[spmem:s24] =	stream.linear.scatter [tilespmem:s8], [sflag:$0x1], $0x2000, $0x38;
	[tilespmem:$0x1C800] =	vst v63  }
0x1e9: {  	_ =	swait.ge [sflag:s9], $0x2000  }
0x1ea: {  	[sflag:s9] =	ssyncset.done $0x0  }
0x1eb: {  	[sflag:s9] =	ssyncadd.s32 $0xFFFFE000  }
0x1ec: {  	[spmem:s25] =	stream.linear.scatter [tilespmem:s8], [sflag:$0x1], $0x2000, $0x38;
	[tilespmem:$0x1C800] =	vst v63  }
0x1ed: {  	_ =	swait.ge [sflag:s9], $0x2000  }
0x1ee: {  	[sflag:s9] =	ssyncset.done $0x0  }
0x1ef: {  	[sflag:s9] =	ssyncadd.s32 $0xFFFFE000  }
0x1f0: {  	[spmem:s26] =	stream.linear.scatter [tilespmem:s8], [sflag:$0x1], $0x2000, $0x38;
	[tilespmem:$0x1C800] =	vst v63  }
0x1f1: {  	_ =	swait.ge [sflag:s9], $0x2000  }
0x1f2: {  	[sflag:s9] =	ssyncset.done $0x0  }
0x1f3: {  	[sflag:s9] =	ssyncadd.s32 $0xFFFFE000  }
0x1f4: {  	[spmem:s28] =	stream.linear.scatter [tilespmem:s8], [sflag:$0x1], $0x2000, $0x38;
	[tilespmem:$0x1C800] =	vst v63  }
0x1f5: {  	_ =	swait.ge [sflag:s9], $0x2000  }
0x1f6: {  	[sflag:s9] =	ssyncset.done $0x0  }
0x1f7: {  	[sflag:s9] =	ssyncadd.s32 $0xFFFFE000  }
0x1f8: {  	[spmem:s29] =	stream.linear.scatter [tilespmem:s8], [sflag:$0x1], $0x2000, $0x38;
	[tilespmem:$0x1C800] =	vst v63  }
0x1f9: {  	_ =	swait.ge [sflag:s9], $0x2000  }
0x1fa: {  	[sflag:s9] =	ssyncset.done $0x0  }
0x1fb: {  	[sflag:s9] =	ssyncadd.s32 $0xFFFFE000  }
0x1fc: {  	[spmem:s30] =	stream.linear.scatter [tilespmem:s8], [sflag:$0x1], $0x2000, $0x38;
	[tilespmem:$0x1C800] =	vst v63  }
0x1fd: {  	_ =	swait.ge [sflag:s9], $0x2000  }
0x1fe: {  	[sflag:s9] =	ssyncset.done $0x0  }
0x1ff: {  	[sflag:s9] =	ssyncadd.s32 $0xFFFFE000  }
0x200: {  	[spmem:s31] =	stream.linear.scatter [tilespmem:s8], [sflag:$0x1], $0x2000, $0x38;
	[tilespmem:$0x1C800] =	vst v63  }
0x201: {  	_ =	swait.ge [sflag:s9], $0x2000  }
0x202: {  	[sflag:s9] =	ssyncset.done $0x0  }
0x203: {  	[sflag:s9] =	ssyncadd.s32 $0xFFFFE000  }
0x204: {  	[spmem:s0] =	stream.linear.scatter [tilespmem:s8], [sflag:$0x1], $0x2000, $0x38;
	[tilespmem:$0x1C800] =	vst v63  }
0x205: {  	_ =	swait.ge [sflag:s9], $0x2000  }
0x206: {  	[sflag:s9] =	ssyncset.done $0x0  }
0x207: {  	[sflag:s9] =	ssyncadd.s32 $0xFFFFE000  }
0x208: {  	[spmem:s3] =	stream.linear.scatter [tilespmem:s8], [sflag:$0x1], $0x2000, $0x38;
	[tilespmem:$0x1C800] =	vst v63  }
0x209: {  	_ =	swait.ge [sflag:s9], $0x2000  }
0x20a: {  	[sflag:s9] =	ssyncset.done $0x0  }
0x20b: {  	[sflag:s9] =	ssyncadd.s32 $0xFFFFE000  }
0x20c: {  	s21 =	simm.s32 $0x0;
	[bflag:$0x0] =	sbarrier.arrive $0xFFFF  }
0x20d: {  	[tilespmem:s11], [sflag:$0x1] =	stream.indirect.gather [hbm4b:s14+s13], $0x80, s21, s13, $0xb8;
	[tilespmem:$0x1C800] =	vst v63  }
0x20e: {  	_ =	swait.ge [sflag:s9], $0x4000  }
0x20f: {  	[sflag:s9] =	ssyncset.done $0x0  }
0x210: {  	s22 =	simm.s32 $0x1400;
	[sflag:s9] =	ssyncadd.s32 $0xFFFFC000  }
0x211: {  	[spmem:s2] =	stream.indirect.scatter.add.f32 [tilespmem:s11], [sflag:$0x1], $0x80, s22, s13, $0xb8;
	[tilespmem:$0x1C800] =	vst v63  }
0x212: {  	_ =	swait.ge [sflag:s9], $0x4000  }
0x213: {  	s20 =	simm.s32 $0x200;
	s21 =	simm.s32 $0x400;
	[sflag:s9] =	ssyncset.done $0x0  }
.LBB2_7:
0x214: {  	s4 =	sshra.s32 s20, $0x2  }
0x215: {  	[sflag:s9] =	ssyncadd.s32 $0xFFFFC000;
	s20 =	smov.u32 s21;
	s22 =	sadd.s32 $0x200, s21  }
0x216: {  	[tilespmem:s11], [sflag:$0x1] =	stream.indirect.gather [hbm4b:s14+s13], $0x80, s4, s13, $0xb8;
	[tilespmem:$0x1C800] =	vst v63  }
0x217: {  	p1 =	sne.s32 s21, $0x4800;
	_ =	swait.ge [sflag:s9], $0x4000  }
.Ltmp10:
0x218: {  	[sflag:s9] =	ssyncset.done $0x0;
	(pc) =	sbr.rel @p1 .LBB2_7-.Ltmp10, $4  }
0x219: {  	s4 =	sadd.s32 $0x1400, s4;
	[sflag:s9] =	ssyncadd.s32 $0xFFFFC000  }
0x21a: {  	[spmem:s2] =	stream.indirect.scatter.add.f32 [tilespmem:s11], [sflag:$0x1], $0x80, s4, s13, $0xb8;
	[tilespmem:$0x1C800] =	vst v63  }
0x21b: {  	_ =	swait.ge [sflag:s9], $0x4000  }
0x21c: {  	s21 =	smov.u32 s22;
	[sflag:s9] =	ssyncset.done $0x0  }
0x21d: {  	s4 =	sshra.s32 s20, $0x2;
	[sflag:s9] =	ssyncadd.s32 $0xFFFFC000  }
0x21e: {  	[tilespmem:s11], [sflag:$0x1] =	stream.indirect.gather [hbm4b:s14+s13], $0x80, s4, s13, $0xb8;
	[tilespmem:$0x1C800] =	vst v63  }
0x21f: {  	_ =	swait.ge [sflag:s9], $0x4000  }
0x220: {  	[sflag:s9] =	ssyncset.done $0x0  }
0x221: {  	s4 =	sadd.s32 $0x1400, s4;
	[sflag:s9] =	ssyncadd.s32 $0xFFFFC000  }
0x222: {  	[spmem:s2] =	stream.indirect.scatter.add.f32 [tilespmem:s11], [sflag:$0x1], $0x80, s4, s13, $0xb8;
	[tilespmem:$0x1C800] =	vst v63  }
0x223: {  	_ =	swait.ge [sflag:s9], $0x4000  }
0x224: {  	[sflag:s9] =	ssyncset.done $0x0  }
0x225: {  	[sflag:s9] =	ssyncadd.s32 $0xFFFFC000  }
0x226: {  	[bflag:$0x0] =	sbarrier.arrive $0xFFFF  }
0x227: {  	s20 =	rddreg [dreg:$0x8]  }
0x228: {  	[hbm:s20], [sflag:s18] =	dma.local [spmem:s19], $0x2800  }
0x229: {  	_ =	swait.ge [sflag:s9], $0x2800  }
0x22a: {  	[sflag:s9] =	ssyncset.done $0x0  }
0x22b: {  	[sflag:s9] =	ssyncadd.s32 $0xFFFFD800  }
0x22c: {  	[spmem:s10] =	stream.linear.scatter [tilespmem:s8], [sflag:$0x1], $0x2000, $0x38;
	[tilespmem:$0x1C800] =	vst v63  }
0x22d: {  	_ =	swait.ge [sflag:s9], $0x2000  }
0x22e: {  	[sflag:s9] =	ssyncset.done $0x0  }
0x22f: {  	[sflag:s9] =	ssyncadd.s32 $0xFFFFE000  }
0x230: {  	[spmem:s24] =	stream.linear.scatter [tilespmem:s8], [sflag:$0x1], $0x2000, $0x38;
	[tilespmem:$0x1C800] =	vst v63  }
0x231: {  	_ =	swait.ge [sflag:s9], $0x2000  }
0x232: {  	[sflag:s9] =	ssyncset.done $0x0  }
0x233: {  	[sflag:s9] =	ssyncadd.s32 $0xFFFFE000  }
0x234: {  	[spmem:s25] =	stream.linear.scatter [tilespmem:s8], [sflag:$0x1], $0x2000, $0x38;
	[tilespmem:$0x1C800] =	vst v63  }
0x235: {  	_ =	swait.ge [sflag:s9], $0x2000  }
0x236: {  	[sflag:s9] =	ssyncset.done $0x0  }
0x237: {  	[sflag:s9] =	ssyncadd.s32 $0xFFFFE000  }
0x238: {  	[spmem:s26] =	stream.linear.scatter [tilespmem:s8], [sflag:$0x1], $0x2000, $0x38;
	[tilespmem:$0x1C800] =	vst v63  }
0x239: {  	_ =	swait.ge [sflag:s9], $0x2000  }
0x23a: {  	[sflag:s9] =	ssyncset.done $0x0  }
0x23b: {  	[sflag:s9] =	ssyncadd.s32 $0xFFFFE000  }
0x23c: {  	[spmem:s28] =	stream.linear.scatter [tilespmem:s8], [sflag:$0x1], $0x2000, $0x38;
	[tilespmem:$0x1C800] =	vst v63  }
0x23d: {  	_ =	swait.ge [sflag:s9], $0x2000  }
0x23e: {  	[sflag:s9] =	ssyncset.done $0x0  }
0x23f: {  	[sflag:s9] =	ssyncadd.s32 $0xFFFFE000  }
0x240: {  	[spmem:s29] =	stream.linear.scatter [tilespmem:s8], [sflag:$0x1], $0x2000, $0x38;
	[tilespmem:$0x1C800] =	vst v63  }
0x241: {  	_ =	swait.ge [sflag:s9], $0x2000  }
0x242: {  	[sflag:s9] =	ssyncset.done $0x0  }
0x243: {  	[sflag:s9] =	ssyncadd.s32 $0xFFFFE000  }
0x244: {  	[spmem:s30] =	stream.linear.scatter [tilespmem:s8], [sflag:$0x1], $0x2000, $0x38;
	[tilespmem:$0x1C800] =	vst v63  }
0x245: {  	_ =	swait.ge [sflag:s9], $0x2000  }
0x246: {  	[sflag:s9] =	ssyncset.done $0x0  }
0x247: {  	[sflag:s9] =	ssyncadd.s32 $0xFFFFE000  }
0x248: {  	[spmem:s31] =	stream.linear.scatter [tilespmem:s8], [sflag:$0x1], $0x2000, $0x38;
	[tilespmem:$0x1C800] =	vst v63  }
0x249: {  	_ =	swait.ge [sflag:s9], $0x2000  }
0x24a: {  	[sflag:s9] =	ssyncset.done $0x0  }
0x24b: {  	[sflag:s9] =	ssyncadd.s32 $0xFFFFE000  }
0x24c: {  	[spmem:s0] =	stream.linear.scatter [tilespmem:s8], [sflag:$0x1], $0x2000, $0x38;
	[tilespmem:$0x1C800] =	vst v63  }
0x24d: {  	_ =	swait.ge [sflag:s9], $0x2000  }
0x24e: {  	[sflag:s9] =	ssyncset.done $0x0  }
0x24f: {  	[sflag:s9] =	ssyncadd.s32 $0xFFFFE000  }
0x250: {  	[spmem:s3] =	stream.linear.scatter [tilespmem:s8], [sflag:$0x1], $0x2000, $0x38;
	[tilespmem:$0x1C800] =	vst v63  }
0x251: {  	_ =	swait.ge [sflag:s9], $0x2000  }
0x252: {  	[sflag:s9] =	ssyncset.done $0x0  }
0x253: {  	[sflag:s9] =	ssyncadd.s32 $0xFFFFE000  }
0x254: {  	s21 =	simm.s32 $0x0;
	[bflag:$0x0] =	sbarrier.arrive $0xFFFF  }
0x255: {  	[tilespmem:s11], [sflag:$0x1] =	stream.indirect.gather [hbm4b:s16+s13], $0x80, s21, s13, $0xb8;
	[tilespmem:$0x1C800] =	vst v63  }
0x256: {  	_ =	swait.ge [sflag:s9], $0x4000  }
0x257: {  	[sflag:s9] =	ssyncset.done $0x0  }
0x258: {  	s22 =	simm.s32 $0x1400;
	[sflag:s9] =	ssyncadd.s32 $0xFFFFC000  }
0x259: {  	[spmem:s2] =	stream.indirect.scatter.add.f32 [tilespmem:s11], [sflag:$0x1], $0x80, s22, s13, $0xb8;
	[tilespmem:$0x1C800] =	vst v63  }
0x25a: {  	_ =	swait.ge [sflag:s9], $0x4000  }
0x25b: {  	s19 =	simm.s32 $0x200;
	s20 =	simm.s32 $0x400;
	[sflag:s9] =	ssyncset.done $0x0  }
.LBB2_9:
0x25c: {  	s4 =	sshra.s32 s19, $0x2  }
0x25d: {  	[sflag:s9] =	ssyncadd.s32 $0xFFFFC000;
	s19 =	smov.u32 s20;
	s21 =	sadd.s32 $0x200, s20  }
0x25e: {  	[tilespmem:s11], [sflag:$0x1] =	stream.indirect.gather [hbm4b:s16+s13], $0x80, s4, s13, $0xb8;
	[tilespmem:$0x1C800] =	vst v63  }
0x25f: {  	p1 =	seq.s32 s20, $0x4800;
	_ =	swait.ge [sflag:s9], $0x4000  }
.Ltmp11:
0x260: {  	[sflag:s9] =	ssyncset.done $0x0;
	(pc) =	sbr.rel @!p1 .LBB2_9-.Ltmp11, $4  }
0x261: {  	s4 =	sadd.s32 $0x1400, s4;
	[sflag:s9] =	ssyncadd.s32 $0xFFFFC000  }
0x262: {  	[spmem:s2] =	stream.indirect.scatter.add.f32 [tilespmem:s11], [sflag:$0x1], $0x80, s4, s13, $0xb8;
	[tilespmem:$0x1C800] =	vst v63  }
0x263: {  	_ =	swait.ge [sflag:s9], $0x4000  }
0x264: {  	s20 =	smov.u32 s21;
	[sflag:s9] =	ssyncset.done $0x0  }
0x265: {  	s4 =	sshra.s32 s19, $0x2;
	[sflag:s9] =	ssyncadd.s32 $0xFFFFC000  }
0x266: {  	[tilespmem:s11], [sflag:$0x1] =	stream.indirect.gather [hbm4b:s16+s13], $0x80, s4, s13, $0xb8;
	[tilespmem:$0x1C800] =	vst v63  }
0x267: {  	_ =	swait.ge [sflag:s9], $0x4000  }
0x268: {  	[sflag:s9] =	ssyncset.done $0x0  }
.Ltmp12:
0x269: {  	s4 =	sadd.s32 $0x1400, s4;
	[sflag:s9] =	ssyncadd.s32 $0xFFFFC000;
	(pc) =	sbr.rel .LBB2_20-.Ltmp12, $4  }
0x26a: {  	[spmem:s2] =	stream.indirect.scatter.add.f32 [tilespmem:s11], [sflag:$0x1], $0x80, s4, s13, $0xb8;
	[tilespmem:$0x1C800] =	vst v63  }
0x26b: {  	_ =	swait.ge [sflag:s9], $0x4000  }
0x26c: {  	[sflag:s9] =	ssyncset.done $0x0  }
0x26d: {  	s19 =	smov.u32 s6;
	[sflag:s9] =	ssyncadd.s32 $0xFFFFC000  }
.LBB2_21:
0x26e: {  	_ =	sfence.sel $0x180000  }
0x26f: {  	[bflag:$0x0] =	sbarrier.arrive $0xFFFF  }
0x270: {  	_ =	strace $0x9000004A  }
0x271: {  	s0 =	stileid.u32;
	[bflag:$0x2] =	sbarrier.arrive $0xFFFF  }
0x272: {  	p0 =	sne.s32 s0, $0x0;
	s0 =	rddreg [dreg:$0x3]  }
0x273: {  	s0 =	sadd.s32 @!p0 $0x100000, s0  }
0x274: {  	[sflag:s0] =	ssyncadd.tile.s32 @!p0 $0x1;
	_ =	shalt  }
.Lfunc_end2:
_tile_overlayer_lowered:
.L_overlay_start_2:
0x275: {  	(tag) =	ssettag $0x2  }
0x276: {  	s0 =	rddreg [dreg:$0x0];
	s2 =	stileid.u32  }
0x277: {  	s1 =	rddreg [dreg:$0x1];
	p0 =	sne.s32 s2, $0x0  }
0x278: {  	s3 =	rddreg [dreg:$0x2];
	[bflag:$0x3] =	sbarrier.arrive $0xFFFF;
	s2 =	simm.s32 @!p0 $0x1C01  }
0x279: {  	[timem:s3], [sflag:s2] =	dma.local @!p0 [hbm:s0], s1  }
0x27a: {  	s0 =	simm.s32 @!p0 $0x1  }
0x27b: {  	_ =	swait.ge @!p0 [sflag:s0], s1  }
0x27c: {  	s1 =	ssub.s32 @!p0 $0x0, s1;
	[sflag:s0] =	ssyncset.done @!p0 $0x0  }
0x27d: {  	[sflag:s0] =	ssyncadd.s32 @!p0 s1  }
0x27e: {  	[bflag:$0x3] =	sbarrier.arrive $0xFFFF  }
0x27f: {  	_ =	shalt  }

// kernel: kernel.16.cloned.1.call-start
scs
__scs_entry_jumppad:
0x0: {  	(pc) =	sbr.rel $0x88, $3  }
0x1: {  	(tag) =	ssettag $0x0;
	lr =	simm.s32 $0x1  }
0x2: {  	[smem:$0x3F93] =	sst lr;
	_ =	strace $0xD0000000  }
0x3: {  	_ = 	snop  }
0x4: {  	_ = 	snop  }
0x5: {  	_ = 	snop  }
0x6: {  	_ = 	snop  }
0x7: {  	_ = 	snop  }
__scs_overlays_trampoline_lowered:
0x8: {  	[smem:$0x3FA2] =	sst s0  }
0x9: {  	[smem:$0x3FA3] =	sst s1  }
0xa: {  	[smem:$0x3FA4] =	sst s2  }
0xb: {  	[smem:$0x3FA5] =	sst s3  }
0xc: {  	[smem:$0x3FA6] =	sst s4  }
0xd: {  	[smem:$0x3FA7] =	sst s5  }
0xe: {  	[smem:$0x3FA8] =	sst s6  }
0xf: {  	[smem:$0x3FA9] =	sst s7  }
0x10: {  	[smem:$0x3FAA] =	sst s8  }
0x11: {  	[smem:$0x3FAB] =	sst s9;
	s0 =	simm.s32 @!p0 $0x0  }
0x12: {  	s1 =	sld [smem:$0x3F91];
	s0 =	simm.s32 @p0 $0x1  }
0x13: {  	[smem:$0x3FAC] =	sst s0;
	s0 =	simm.s32 @!p1 $0x0  }
0x14: {  	s2 =	sld [smem:$0x3F90];
	s0 =	simm.s32 @p1 $0x1  }
0x15: {  	[smem:$0x3FAD] =	sst s0;
	s0 =	simm.s32 @!p2 $0x0  }
0x16: {  	s3 =	sld [smem:$0x3FDB];
	s0 =	simm.s32 @p2 $0x1  }
0x17: {  	s4 =	simm.s32 $0x1BF5;
	[smem:$0x3FAF] =	sst s0  }
0x18: {  	s0 =	sld [smem:$0x3F92];
	_ =	swait.ge [sflag:s4], $0x0  }
0x19: {  	s7 =	sld [smem:$0x3F93]  }
0x1a: {  	s8 =	sadd.s32 $0xFFFFE003, lr  }
0x1b: {  	s9 =	sadd.s32 $0xFFFFFEF7, lr;
	s5 =	simm.s32 $0xFFFFFFFF;
	p2 =	slt.u32 s8, $0xFFFFF086  }
0x1c: {  	p1 =	slt.u32 s9, $0xF7A;
	s5 =	simm.s32 @!p2 $0x0  }
0x1d: {  	s5 =	simm.s32 @p1 $0x1;
	p0 =	seq.s32 s7, s2  }
0x1e: {  	s7 =	smul.u32 @!p0 $0xF7A, s2;
	p2 =	seq.s32 @!p0 s5, $0x0  }
0x1f: {  	s9 =	smul.u32 $0xF7A, s1;
	s8 =	simm.s32 @!p0 $0x1BF5;
	p2 =	por !p2, p0  }
0x20: {  	[sflag:s8] =	ssyncset.s32 @!p0 $0xFFFFF086;
	s6 =	sadd.s32 @!p0 s3, s7;
	s7 =	simm.s32 @!p0 $0x108  }
0x21: {  	s3 =	sadd.s32 s3, s9;
	s6 =	sadd.s32 @!p0 $0x88, s6;
	s7 =	simm.s32 @p2 $0x1082  }
0x22: {  	[simem:s7], [sflag:s8] =	dma.local @!p0 [hbm:s6], $0xF7A  }
0x23: {  	s9 =	sor.u32 $0xD0000000, s2;
	s6 =	simm.s32 $0x108;
	_ =	swait.ge @!p0 [sflag:s8], $0x0  }
0x24: {  	s3 =	sadd.s32 $0x88, s3;
	s6 =	simm.s32 @!p1 $0x1082;
	[sflag:s4] =	ssyncset.s32 $0xFFFFF086  }
0x25: {  	[simem:s6], [sflag:s4] =	dma.local [hbm:s3], $0xF7A  }
0x26: {  	[smem:$0x3F93] =	sst s1;
	(tag) =	ssettag s2;
	_ =	strace s9  }
0x27: {  	s1 =	sld [smem:$0x3FA3]  }
0x28: {  	s2 =	sld [smem:$0x3FA4]  }
0x29: {  	s4 =	sld [smem:$0x3FA6]  }
0x2a: {  	p0 =	seq.s32 s5, $0x0;
	s5 =	sld [smem:$0x3FA7]  }
0x2b: {  	s6 =	sld [smem:$0x3FA8]  }
0x2c: {  	s7 =	sld [smem:$0x3FA9]  }
0x2d: {  	s3 =	simm.s32 $0x108;
	s8 =	sld [smem:$0x3FAA]  }
0x2e: {  	s3 =	simm.s32 @!p0 $0x1082;
	s9 =	sld [smem:$0x3FAB]  }
0x2f: {  	lr =	sadd.s32 s0, s3;
	s0 =	sld [smem:$0x3FA2]  }
0x30: {  	s3 =	sld [smem:$0x3FA5]  }
0x31: {  	[smem:$0x3FAE] =	sst s10  }
0x32: {  	s10 =	sld [smem:$0x3FAC];
	_ =	sdelay $0x3  }
0x33: {  	p0 =	seq.s32 s10, $0x1;
	s10 =	sld [smem:$0x3FAE];
	_ =	sdelay $0x3  }
0x34: {  	[smem:$0x3FAE] =	sst s10  }
0x35: {  	s10 =	sld [smem:$0x3FAD];
	_ =	sdelay $0x3  }
0x36: {  	p1 =	seq.s32 s10, $0x1;
	s10 =	sld [smem:$0x3FAE];
	_ =	sdelay $0x3  }
0x37: {  	[smem:$0x3FAE] =	sst s10  }
0x38: {  	s10 =	sld [smem:$0x3FAF]  }
0x39: {  	_ = 	snop;
	(pc) =	sbr.ind lr, $3  }
0x3a: {  	_ = 	snop  }
0x3b: {  	_ = 	snop  }
0x3c: {  	p2 =	seq.s32 s10, $0x1;
	s10 =	sld [smem:$0x3FAE]  }
0x3d: {  	_ =	shalt  }
0x3e: {  	_ =	shalt  }
0x3f: {  	_ =	shalt  }
0x40: {  	_ =	shalt  }
0x41: {  	_ =	shalt  }
0x42: {  	_ =	shalt  }
0x43: {  	_ =	shalt  }
0x44: {  	_ =	shalt  }
0x45: {  	_ =	shalt  }
0x46: {  	_ =	shalt  }
0x47: {  	_ =	shalt  }
0x48: {  	_ =	shalt  }
0x49: {  	_ =	shalt  }
0x4a: {  	_ =	shalt  }
0x4b: {  	_ =	shalt  }
0x4c: {  	_ =	shalt  }
0x4d: {  	_ =	shalt  }
0x4e: {  	_ =	shalt  }
0x4f: {  	_ =	shalt  }
0x50: {  	_ =	shalt  }
0x51: {  	_ =	shalt  }
0x52: {  	_ =	shalt  }
0x53: {  	_ =	shalt  }
0x54: {  	_ =	shalt  }
0x55: {  	_ =	shalt  }
0x56: {  	_ =	shalt  }
0x57: {  	_ =	shalt  }
0x58: {  	_ =	shalt  }
0x59: {  	_ =	shalt  }
0x5a: {  	_ =	shalt  }
0x5b: {  	_ =	shalt  }
0x5c: {  	_ =	shalt  }
0x5d: {  	_ =	shalt  }
0x5e: {  	_ =	shalt  }
0x5f: {  	_ =	shalt  }
0x60: {  	_ =	shalt  }
0x61: {  	_ =	shalt  }
0x62: {  	_ =	shalt  }
0x63: {  	_ =	shalt  }
0x64: {  	_ =	shalt  }
0x65: {  	_ =	shalt  }
0x66: {  	_ =	shalt  }
0x67: {  	_ =	shalt  }
0x68: {  	_ =	shalt  }
0x69: {  	_ =	shalt  }
0x6a: {  	_ =	shalt  }
0x6b: {  	_ =	shalt  }
0x6c: {  	_ =	shalt  }
0x6d: {  	_ =	shalt  }
0x6e: {  	_ =	shalt  }
0x6f: {  	_ =	shalt  }
0x70: {  	_ =	shalt  }
0x71: {  	_ =	shalt  }
0x72: {  	_ =	shalt  }
0x73: {  	_ =	shalt  }
0x74: {  	_ =	shalt  }
0x75: {  	_ =	shalt  }
0x76: {  	_ =	shalt  }
0x77: {  	_ =	shalt  }
0x78: {  	_ =	shalt  }
0x79: {  	_ =	shalt  }
0x7a: {  	_ =	shalt  }
0x7b: {  	_ =	shalt  }
0x7c: {  	_ =	shalt  }
0x7d: {  	_ =	shalt  }
0x7e: {  	_ =	shalt  }
0x7f: {  	_ =	shalt  }
0x80: {  	_ =	shalt  }
0x81: {  	_ =	shalt  }
0x82: {  	_ =	shalt  }
0x83: {  	_ =	shalt  }
0x84: {  	_ =	shalt  }
0x85: {  	_ =	shalt  }
0x86: {  	_ =	shalt  }
0x87: {  	_ =	shalt  }
.Lfunc_end0:
.L_simem_size_0:
called_computation.2_lowered:
.L_overlay_start_0:
0x88: {  	s2 =	sld [smem:$0x3FD9]  }
0x89: {  	s3 =	sld [smem:$0x3FFE];
	_ =	sdelay $0x1  }
0x8a: {  	s1 =	srdreg.scid  }
0x8b: {  	s0 =	sand.u32 $0x1, s1  }
0x8c: {  	s16 =	sshll.u32 s0, $0xA;
	s2 =	sadd.s32 s3, s2  }
0x8d: {  	s2 =	sadd.s32 s2, s16  }
0x8e: {  	[smem:$0x3FBA] =	sst s2  }
0x8f: {  	_ = 	snop  }
0x90: {  	(tm) =	ssettm $0x1  }
0x91: {  	s17 =	sld [smem:$0x3FFB];
	_ =	sdelay $0x3  }
0x92: {  	_ =	strace s17  }
0x93: {  	s2 =	sld [smem:$0x3FFC];
	_ =	sdelay $0x3  }
0x94: {  	_ =	strace s2  }
0x95: {  	s2 =	sld [smem:$0x3FFD];
	_ =	sdelay $0x3  }
0x96: {  	_ =	strace s2  }
0x97: {  	_ =	strace $0x8FFFFFFF  }
0x98: {  	s18 =	sld [smem:$0x3FDB];
	_ =	sdelay $0x1  }
0x99: {  	s19 =	simm.s32 $_scs_section_size  }
0x9a: {  	s4 =	simm.s32 $_size__tile_overlayer_lowered;
	s5 =	simm.s32 $_tile_overlayer_lowered  }
0x9b: {  	s22 =	simm.s32 $0x1BFF;
	s21 =	sshll.u32 s5, $0x1;
	s2 =	sadd.s32 s19, s18  }
0x9c: {  	s6 =	simm.s32 $0x0;
	s20 =	sshll.u32 s4, $0x1;
	s4 =	sadd.s32 s21, s2  }
0x9d: {  	[timem:s6], [sflag:s22] =	dma.local [hbm:s4], s20  }
0x9e: {  	_ =	swait.ge [sflag:s22], s20  }
0x9f: {  	s3 =	ssub.s32 $0x0, s20;
	[sflag:s22] =	ssyncset.done $0x0  }
0xa0: {  	[sflag:s22] =	ssyncadd.s32 s3;
	_ =	sdelay $0x1  }
0xa1: {  	s23 =	simm.s32 $0x1B8B  }
0xa2: {  	_ =	swait.ge [sflag:s23], $0x1  }
0xa3: {  	[sflag:s23] =	ssyncset.done $0x0  }
0xa4: {  	s25 =	simm.s32 $0x1B8E;
	s24 =	sld [smem:$0x3FFE];
	[sflag:s23] =	ssyncadd.s32 $0xFFFFFFFF  }
0xa5: {  	s26 =	simm.s32 $execute0_lowered;
	[smem:$0x3FD2] =	sst s25  }
0xa6: {  	s4 =	sshll.u32 s26, $0x1;
	_ =	strace $0x8000004C;
	[dreg:$0x1] =	wrdreg $0xFFFFFFFF  }
0xa7: {  	s28 =	simm.s32 $_size_execute0_lowered;
	s2 =	sadd.s32 s2, s4;
	[dreg:$0x0] =	wrdreg $0x0  }
0xa8: {  	s4 =	sshll.u32 s28, $0x1;
	[dreg:$0x2] =	wrdreg s2  }
0xa9: {  	[dreg:$0x3] =	wrdreg s4  }
0xaa: {  	[dreg:$0x4] =	wrdreg $0xC0  }
0xab: {  	_ =	task [dreg:s6], $0x5FFFF  }
0xac: {  	[dreg:$0x1] =	wrdreg $0xFFFFFFFF  }
0xad: {  	[dreg:$0x0] =	wrdreg $0x60  }
0xae: {  	[dreg:$0x2] =	wrdreg s24  }
0xaf: {  	[dreg:$0x3] =	wrdreg $0x88000  }
0xb0: {  	[dreg:$0x4] =	wrdreg $0x9  }
0xb1: {  	_ =	task.clear_ibuf [dreg:s6], $0x5FFFF;
	_ =	strace $0x9000004C  }
0xb2: {  	s29 =	simm.s32 $0x9;
	_ =	strace $0x8000004E  }
0xb3: {  	_ =	swait.ge [sflag:s29], $0x1  }
0xb4: {  	[sflag:s29] =	ssyncadd.s32 $0xFFFFFFFF  }
0xb5: {  	_ =	strace $0x9000004E  }
0xb6: {  	_ =	sfence  }
0xb7: {  	s30 =	sld [smem:$0x0];
	_ =	sdelay $0x2  }
0xb8: {  	s31 =	sshll.u32 s1, $0xD;
	s1 =	sshrl.u32 s1, $0x2  }
0xb9: {  	s3 =	sand.u32 $0x4000, s31;
	s1 =	sadd.s32 s1, s30  }
0xba: {  	s0 =	sor.u32 s3, s0;
	s1 =	sshll.u32 s1, $0x11  }
0xbb: {  	s0 =	sor.u32 s1, s0  }
0xbc: {  	s0 =	sadd.s32 $0x8F2B, s0  }
0xbd: {  	[sflag:s0] =	ssyncadd.remote.s32 $0x1  }
0xbe: {  	_ =	sfence.sel $0xFFFF  }
0xbf: {  	[dreg:$0x0] =	wrdreg $0xFFFFFFFF;
	(pc) =	sbr.abs _section_cstart, $3  }
0xc0: {  	[dreg:$0x1] =	wrdreg $0xFFFFFFFF  }
0xc1: {  	_ =	task.clear_ibuf [dreg:s6], $0x2FFFF;
	_ =	strace $0x9FFFFFFF  }
0xc2: {  	(tm) =	ssettm $0x7FFFFFFF  }
0xc3: {  	_ =	shalt  }
tec
execute0_lowered:
.L_overlay_start_1:
0x0: {  	(tag) =	ssettag $0x1  }
0x1: {  	s0 =	rddreg [dreg:$0x0]  }
0x2: {  	s1 =	rddreg [dreg:$0x1];
	s2 =	simm.s32 $0x0;
	s5 =	srdreg.scid  }
0x3: {  	s3 =	stileid.u32;
	[smem:$0x7FF] =	sst s2  }
0x4: {  	s4 =	sadd.s32 $0x19D800, s0;
	s2 =	sadd.s32 $0x7C00, s0;
	s11 =	smul.u32 $0x280, s3  }
0x5: {  	s8 =	sadd.s32 $0x2C00, s0;
	s9 =	sand.u32 $0x1, s5;
	s13 =	smul.u32 $0x50000, s3  }
0x6: {  	s5 =	sadd.s32 $0xCC00, s0;
	s6 =	sadd.s32 $0xD000, s0;
	s22 =	smul.u32 $0x14000, s3  }
0x7: {  	s7 =	sadd.s32 $0xAD000, s0;
	s20 =	smul.u32 $0x1400, s3;
	s14 =	sadd.s32 $0x1ED800, s0  }
0x8: {  	s16 =	sadd.s32 $0x215800, s0;
	_ =	strace $0x8000004D;
	s10 =	ssub.s32 $0x2, s9  }
0x9: {  	p0 =	seq.s32 s9, $0x1;
	s9 =	simm.s32 $0x1;
	s12 =	sshrl.u32 s10, $0x1  }
0xa: {  	s23 =	sadd.s32 s2, s11;
	s24 =	sshrl.u32 s13, $0x2;
	s25 =	sadd.s32 s8, s11  }
0xb: {  	s26 =	sshrl.u32 s22, $0x3;
	s13 =	sshrl.u32 s20, $0x3;
	[dreg:$0x3] =	wrdreg s23  }
0xc: {  	s11 =	simm.s32 $0x2800;
	s15 =	ssub.s32 s10, s12;
	[dreg:$0x4] =	wrdreg s25  }
0xd: {  	s10 =	sadd.s32 s24, s1;
	s18 =	sadd.s32 s6, s26;
	s19 =	sadd.s32 $0x28000, s26  }
0xe: {  	s12 =	sadd.s32 $0x1C5800, s0;
	s17 =	sadd.s32 $0x78000, s26;
	s23 =	sadd.s32 $0x2800, s13  }
0xf: {  	s24 =	sadd.s32 s7, s26;
	s13 =	simm.s32 $0x80;
	[dreg:$0x5] =	wrdreg s18  }
0x10: {  	s21 =	sadd.s32 s6, s19;
	s18 =	sadd.s32 $0x50000, s26;
	s2 =	sadd.s32 s2, s23  }
0x11: {  	s0 =	sadd.s32 s8, s23;
	[dreg:$0xa] =	wrdreg s24;
	s25 =	sadd.s32 s7, s19  }
0x12: {  	s23 =	smax.u32 s15, $0x1;
	s24 =	sadd.s32 $0x2000, s10;
	s28 =	sadd.s32 $0x8000, s10  }
0x13: {  	s29 =	sadd.s32 $0xA000, s10;
	s30 =	sadd.s32 $0xC000, s10;
	[dreg:$0x6] =	wrdreg s21  }
.Ltmp0:
0x14: {  	s31 =	sadd.s32 $0xE000, s10;
	[dreg:$0x8] =	wrdreg s2;
	(pc) =	sbr.rel .LBB2_1-.Ltmp0, $4  }
0x15: {  	s8 =	simm.s32 $0x6800;
	s15 =	simm.s32 $0x0;
	[dreg:$0x9] =	wrdreg s0  }
0x16: {  	s22 =	sadd.s32 s6, s18;
	[dreg:$0xb] =	wrdreg s25;
	s26 =	sadd.s32 s7, s18  }
0x17: {  	s25 =	sadd.s32 $0x4000, s10;
	s0 =	sadd.s32 $0x10000, s10;
	[dreg:$0x7] =	wrdreg s22  }
0x18: {  	s2 =	sadd.s32 $0x12000, s10;
	[dreg:$0xc] =	wrdreg s26;
	s26 =	sadd.s32 $0x6000, s10  }
.LBB2_19:
0x19: {  	s3 =	sshra.s32 s19, $0x2;
	[sflag:s9] =	ssyncadd.s32 $0xFFFFC000  }
0x1a: {  	[tilespmem:s11], [sflag:$0x1] =	stream.indirect.gather [hbm4b:s16+s13], $0x80, s3, s13, $0xb8;
	[tilespmem:$0x1C800] =	vst v63  }
0x1b: {  	_ =	swait.ge [sflag:s9], $0x4000  }
0x1c: {  	[sflag:s9] =	ssyncset.done $0x0  }
0x1d: {  	s3 =	sadd.s32 $0x1400, s3;
	[sflag:s9] =	ssyncadd.s32 $0xFFFFC000  }
0x1e: {  	[spmem:s1] =	stream.indirect.scatter.add.f32 [tilespmem:s11], [sflag:$0x1], $0x80, s3, s13, $0xb8;
	[tilespmem:$0x1C800] =	vst v63  }
0x1f: {  	_ =	swait.ge [sflag:s9], $0x4000  }
0x20: {  	[sflag:s9] =	ssyncset.done $0x0  }
0x21: {  	s19 =	smov.u32 s7;
	[sflag:s9] =	ssyncadd.s32 $0xFFFFC000  }
.LBB2_20:
0x22: {  	s15 =	sadd.s32 $0x1, s15  }
0x23: {  	s3 =	sadd.s32 s19, s17;
	p1 =	sne.s32 s15, s23  }
.Ltmp1:
0x24: {  	[bflag:$0x0] =	sbarrier.arrive $0xFFFF;
	s22 =	sshrl.u32 s10, $0x3;
	(pc) =	sbr.rel @!p1 .LBB2_21-.Ltmp1, $4  }
0x25: {  	[hbm:s3], [sflag:s18] =	dma.local [spmem:s22], $0x2800  }
0x26: {  	_ =	swait.ge [sflag:s9], $0x2800  }
0x27: {  	[sflag:s9] =	ssyncset.done $0x0  }
0x28: {  	[sflag:s9] =	ssyncadd.s32 $0xFFFFD800  }
.LBB2_1:
.Ltmp2:
0x29: {  	s3 =	simm.s32 $0x0;
	(pc) =	sbr.rel @!p0 .LBB2_2-.Ltmp2, $4  }
0x2a: {  	[tilespmem:s8], [sflag:$0x1] =	stream.linear.gather [hbm4b:s5+s3], $0x2000, $0x38;
	[tilespmem:$0x1C800] =	vst v63  }
0x2b: {  	_ =	swait.ge [sflag:s9], $0x2000  }
0x2c: {  	[sflag:s9] =	ssyncset.done $0x0  }
0x2d: {  	[sflag:s9] =	ssyncadd.s32 $0xFFFFE000  }
0x2e: {  	s3 =	simm.s32 $0x0;
	s18 =	rddreg [dreg:$0x8]  }
0x2f: {  	[tilespmem:s3], [sflag:$0x1] =	stream.linear.gather [hbm4b:s18+s3], $0x1280, $0x38;
	[tilespmem:$0x1C800] =	vst v63  }
0x30: {  	_ =	swait.ge [sflag:s9], $0x1280  }
0x31: {  	[sflag:s9] =	ssyncset.done $0x0  }
0x32: {  	s19 =	simm.s32 $0x1400;
	s20 =	rddreg [dreg:$0x9];
	[sflag:s9] =	ssyncadd.s32 $0xFFFFED80  }
0x33: {  	[tilespmem:s19], [sflag:$0x1] =	stream.linear.gather [hbm4b:s20+s3], $0x1280, $0x38;
	[tilespmem:$0x1C800] =	vst v63  }
0x34: {  	_ =	swait.ge [sflag:s9], $0x1280  }
0x35: {  	[sflag:s9] =	ssyncset.done $0x0  }
0x36: {  	[sflag:s9] =	ssyncadd.s32 $0xFFFFED80  }
0x37: {  	[spmem:s10] =	stream.linear.scatter [tilespmem:s8], [sflag:$0x1], $0x2000, $0x38;
	[tilespmem:$0x1C800] =	vst v63  }
0x38: {  	_ =	swait.ge [sflag:s9], $0x2000  }
0x39: {  	[sflag:s9] =	ssyncset.done $0x0  }
0x3a: {  	[sflag:s9] =	ssyncadd.s32 $0xFFFFE000  }
0x3b: {  	[spmem:s24] =	stream.linear.scatter [tilespmem:s8], [sflag:$0x1], $0x2000, $0x38;
	[tilespmem:$0x1C800] =	vst v63  }
0x3c: {  	_ =	swait.ge [sflag:s9], $0x2000  }
0x3d: {  	[sflag:s9] =	ssyncset.done $0x0  }
0x3e: {  	[sflag:s9] =	ssyncadd.s32 $0xFFFFE000  }
0x3f: {  	[spmem:s25] =	stream.linear.scatter [tilespmem:s8], [sflag:$0x1], $0x2000, $0x38;
	[tilespmem:$0x1C800] =	vst v63  }
0x40: {  	_ =	swait.ge [sflag:s9], $0x2000  }
0x41: {  	[sflag:s9] =	ssyncset.done $0x0  }
0x42: {  	[sflag:s9] =	ssyncadd.s32 $0xFFFFE000  }
0x43: {  	[spmem:s26] =	stream.linear.scatter [tilespmem:s8], [sflag:$0x1], $0x2000, $0x38;
	[tilespmem:$0x1C800] =	vst v63  }
0x44: {  	_ =	swait.ge [sflag:s9], $0x2000  }
0x45: {  	[sflag:s9] =	ssyncset.done $0x0  }
0x46: {  	[sflag:s9] =	ssyncadd.s32 $0xFFFFE000  }
0x47: {  	[spmem:s28] =	stream.linear.scatter [tilespmem:s8], [sflag:$0x1], $0x2000, $0x38;
	[tilespmem:$0x1C800] =	vst v63  }
0x48: {  	_ =	swait.ge [sflag:s9], $0x2000  }
0x49: {  	[sflag:s9] =	ssyncset.done $0x0  }
0x4a: {  	[sflag:s9] =	ssyncadd.s32 $0xFFFFE000  }
0x4b: {  	[spmem:s29] =	stream.linear.scatter [tilespmem:s8], [sflag:$0x1], $0x2000, $0x38;
	[tilespmem:$0x1C800] =	vst v63  }
0x4c: {  	_ =	swait.ge [sflag:s9], $0x2000  }
0x4d: {  	[sflag:s9] =	ssyncset.done $0x0  }
0x4e: {  	[sflag:s9] =	ssyncadd.s32 $0xFFFFE000  }
0x4f: {  	[spmem:s30] =	stream.linear.scatter [tilespmem:s8], [sflag:$0x1], $0x2000, $0x38;
	[tilespmem:$0x1C800] =	vst v63  }
0x50: {  	_ =	swait.ge [sflag:s9], $0x2000  }
0x51: {  	[sflag:s9] =	ssyncset.done $0x0  }
0x52: {  	[sflag:s9] =	ssyncadd.s32 $0xFFFFE000  }
0x53: {  	[spmem:s31] =	stream.linear.scatter [tilespmem:s8], [sflag:$0x1], $0x2000, $0x38;
	[tilespmem:$0x1C800] =	vst v63  }
0x54: {  	_ =	swait.ge [sflag:s9], $0x2000  }
0x55: {  	[sflag:s9] =	ssyncset.done $0x0  }
0x56: {  	[sflag:s9] =	ssyncadd.s32 $0xFFFFE000  }
0x57: {  	[spmem:s0] =	stream.linear.scatter [tilespmem:s8], [sflag:$0x1], $0x2000, $0x38;
	[tilespmem:$0x1C800] =	vst v63  }
0x58: {  	_ =	swait.ge [sflag:s9], $0x2000  }
0x59: {  	[sflag:s9] =	ssyncset.done $0x0  }
0x5a: {  	[sflag:s9] =	ssyncadd.s32 $0xFFFFE000  }
0x5b: {  	[spmem:s2] =	stream.linear.scatter [tilespmem:s8], [sflag:$0x1], $0x2000, $0x38;
	[tilespmem:$0x1C800] =	vst v63  }
0x5c: {  	_ =	swait.ge [sflag:s9], $0x2000  }
0x5d: {  	[sflag:s9] =	ssyncset.done $0x0  }
0x5e: {  	[sflag:s9] =	ssyncadd.s32 $0xFFFFE000  }
0x5f: {  	s21 =	simm.s32 $0x0;
	[bflag:$0x0] =	sbarrier.arrive $0xFFFF  }
0x60: {  	[tilespmem:s11], [sflag:$0x1] =	stream.indirect.gather [hbm4b:s4+s13], $0x80, s21, s13, $0xb8;
	[tilespmem:$0x1C800] =	vst v63  }
0x61: {  	_ =	swait.ge [sflag:s9], $0x4000  }
0x62: {  	[sflag:s9] =	ssyncset.done $0x0  }
0x63: {  	s22 =	simm.s32 $0x1400;
	[sflag:s9] =	ssyncadd.s32 $0xFFFFC000  }
0x64: {  	[spmem:s1] =	stream.indirect.scatter.add.f32 [tilespmem:s11], [sflag:$0x1], $0x80, s22, s13, $0xb8;
	[tilespmem:$0x1C800] =	vst v63  }
0x65: {  	_ =	swait.ge [sflag:s9], $0x4000  }
0x66: {  	s18 =	simm.s32 $0x200;
	s19 =	simm.s32 $0x400;
	[sflag:s9] =	ssyncset.done $0x0  }
.LBB2_12:
0x67: {  	s3 =	sshra.s32 s18, $0x2  }
0x68: {  	[sflag:s9] =	ssyncadd.s32 $0xFFFFC000;
	s18 =	smov.u32 s19;
	s20 =	sadd.s32 $0x200, s19  }
0x69: {  	[tilespmem:s11], [sflag:$0x1] =	stream.indirect.gather [hbm4b:s4+s13], $0x80, s3, s13, $0xb8;
	[tilespmem:$0x1C800] =	vst v63  }
0x6a: {  	p1 =	sne.s32 s19, $0x4800;
	_ =	swait.ge [sflag:s9], $0x4000  }
.Ltmp3:
0x6b: {  	[sflag:s9] =	ssyncset.done $0x0;
	(pc) =	sbr.rel @p1 .LBB2_12-.Ltmp3, $4  }
0x6c: {  	s3 =	sadd.s32 $0x1400, s3;
	[sflag:s9] =	ssyncadd.s32 $0xFFFFC000  }
0x6d: {  	[spmem:s1] =	stream.indirect.scatter.add.f32 [tilespmem:s11], [sflag:$0x1], $0x80, s3, s13, $0xb8;
	[tilespmem:$0x1C800] =	vst v63  }
0x6e: {  	_ =	swait.ge [sflag:s9], $0x4000  }
0x6f: {  	s19 =	smov.u32 s20;
	[sflag:s9] =	ssyncset.done $0x0  }
0x70: {  	s3 =	sshra.s32 s18, $0x2;
	[sflag:s9] =	ssyncadd.s32 $0xFFFFC000  }
0x71: {  	[tilespmem:s11], [sflag:$0x1] =	stream.indirect.gather [hbm4b:s4+s13], $0x80, s3, s13, $0xb8;
	[tilespmem:$0x1C800] =	vst v63  }
0x72: {  	_ =	swait.ge [sflag:s9], $0x4000  }
0x73: {  	[sflag:s9] =	ssyncset.done $0x0  }
0x74: {  	s3 =	sadd.s32 $0x1400, s3;
	[sflag:s9] =	ssyncadd.s32 $0xFFFFC000  }
0x75: {  	[spmem:s1] =	stream.indirect.scatter.add.f32 [tilespmem:s11], [sflag:$0x1], $0x80, s3, s13, $0xb8;
	[tilespmem:$0x1C800] =	vst v63  }
0x76: {  	_ =	swait.ge [sflag:s9], $0x4000  }
0x77: {  	[sflag:s9] =	ssyncset.done $0x0  }
0x78: {  	s19 =	stileid.u32;
	[sflag:s9] =	ssyncadd.s32 $0xFFFFC000  }
0x79: {  	s3 =	sshll.u32 s19, $0x6;
	[bflag:$0x0] =	sbarrier.arrive $0xFFFF  }
0x7a: {  	s19 =	sshrl.u32 s10, $0x3;
	s18 =	sor.u32 $0x1C01, s3;
	s20 =	rddreg [dreg:$0xa]  }
0x7b: {  	[hbm:s20], [sflag:s18] =	dma.local [spmem:s19], $0x2800  }
0x7c: {  	_ =	swait.ge [sflag:s9], $0x2800  }
0x7d: {  	[sflag:s9] =	ssyncset.done $0x0  }
0x7e: {  	[sflag:s9] =	ssyncadd.s32 $0xFFFFD800  }
0x7f: {  	[spmem:s10] =	stream.linear.scatter [tilespmem:s8], [sflag:$0x1], $0x2000, $0x38;
	[tilespmem:$0x1C800] =	vst v63  }
0x80: {  	_ =	swait.ge [sflag:s9], $0x2000  }
0x81: {  	[sflag:s9] =	ssyncset.done $0x0  }
0x82: {  	[sflag:s9] =	ssyncadd.s32 $0xFFFFE000  }
0x83: {  	[spmem:s24] =	stream.linear.scatter [tilespmem:s8], [sflag:$0x1], $0x2000, $0x38;
	[tilespmem:$0x1C800] =	vst v63  }
0x84: {  	_ =	swait.ge [sflag:s9], $0x2000  }
0x85: {  	[sflag:s9] =	ssyncset.done $0x0  }
0x86: {  	[sflag:s9] =	ssyncadd.s32 $0xFFFFE000  }
0x87: {  	[spmem:s25] =	stream.linear.scatter [tilespmem:s8], [sflag:$0x1], $0x2000, $0x38;
	[tilespmem:$0x1C800] =	vst v63  }
0x88: {  	_ =	swait.ge [sflag:s9], $0x2000  }
0x89: {  	[sflag:s9] =	ssyncset.done $0x0  }
0x8a: {  	[sflag:s9] =	ssyncadd.s32 $0xFFFFE000  }
0x8b: {  	[spmem:s26] =	stream.linear.scatter [tilespmem:s8], [sflag:$0x1], $0x2000, $0x38;
	[tilespmem:$0x1C800] =	vst v63  }
0x8c: {  	_ =	swait.ge [sflag:s9], $0x2000  }
0x8d: {  	[sflag:s9] =	ssyncset.done $0x0  }
0x8e: {  	[sflag:s9] =	ssyncadd.s32 $0xFFFFE000  }
0x8f: {  	[spmem:s28] =	stream.linear.scatter [tilespmem:s8], [sflag:$0x1], $0x2000, $0x38;
	[tilespmem:$0x1C800] =	vst v63  }
0x90: {  	_ =	swait.ge [sflag:s9], $0x2000  }
0x91: {  	[sflag:s9] =	ssyncset.done $0x0  }
0x92: {  	[sflag:s9] =	ssyncadd.s32 $0xFFFFE000  }
0x93: {  	[spmem:s29] =	stream.linear.scatter [tilespmem:s8], [sflag:$0x1], $0x2000, $0x38;
	[tilespmem:$0x1C800] =	vst v63  }
0x94: {  	_ =	swait.ge [sflag:s9], $0x2000  }
0x95: {  	[sflag:s9] =	ssyncset.done $0x0  }
0x96: {  	[sflag:s9] =	ssyncadd.s32 $0xFFFFE000  }
0x97: {  	[spmem:s30] =	stream.linear.scatter [tilespmem:s8], [sflag:$0x1], $0x2000, $0x38;
	[tilespmem:$0x1C800] =	vst v63  }
0x98: {  	_ =	swait.ge [sflag:s9], $0x2000  }
0x99: {  	[sflag:s9] =	ssyncset.done $0x0  }
0x9a: {  	[sflag:s9] =	ssyncadd.s32 $0xFFFFE000  }
0x9b: {  	[spmem:s31] =	stream.linear.scatter [tilespmem:s8], [sflag:$0x1], $0x2000, $0x38;
	[tilespmem:$0x1C800] =	vst v63  }
0x9c: {  	_ =	swait.ge [sflag:s9], $0x2000  }
0x9d: {  	[sflag:s9] =	ssyncset.done $0x0  }
0x9e: {  	[sflag:s9] =	ssyncadd.s32 $0xFFFFE000  }
0x9f: {  	[spmem:s0] =	stream.linear.scatter [tilespmem:s8], [sflag:$0x1], $0x2000, $0x38;
	[tilespmem:$0x1C800] =	vst v63  }
0xa0: {  	_ =	swait.ge [sflag:s9], $0x2000  }
0xa1: {  	[sflag:s9] =	ssyncset.done $0x0  }
0xa2: {  	[sflag:s9] =	ssyncadd.s32 $0xFFFFE000  }
0xa3: {  	[spmem:s2] =	stream.linear.scatter [tilespmem:s8], [sflag:$0x1], $0x2000, $0x38;
	[tilespmem:$0x1C800] =	vst v63  }
0xa4: {  	_ =	swait.ge [sflag:s9], $0x2000  }
0xa5: {  	[sflag:s9] =	ssyncset.done $0x0  }
0xa6: {  	[sflag:s9] =	ssyncadd.s32 $0xFFFFE000  }
0xa7: {  	s21 =	simm.s32 $0x0;
	[bflag:$0x0] =	sbarrier.arrive $0xFFFF  }
0xa8: {  	[tilespmem:s11], [sflag:$0x1] =	stream.indirect.gather [hbm4b:s12+s13], $0x80, s21, s13, $0xb8;
	[tilespmem:$0x1C800] =	vst v63  }
0xa9: {  	_ =	swait.ge [sflag:s9], $0x4000  }
0xaa: {  	[sflag:s9] =	ssyncset.done $0x0  }
0xab: {  	s22 =	simm.s32 $0x1400;
	[sflag:s9] =	ssyncadd.s32 $0xFFFFC000  }
0xac: {  	[spmem:s1] =	stream.indirect.scatter.add.f32 [tilespmem:s11], [sflag:$0x1], $0x80, s22, s13, $0xb8;
	[tilespmem:$0x1C800] =	vst v63  }
0xad: {  	_ =	swait.ge [sflag:s9], $0x4000  }
0xae: {  	s20 =	simm.s32 $0x200;
	s21 =	simm.s32 $0x400;
	[sflag:s9] =	ssyncset.done $0x0  }
.LBB2_14:
0xaf: {  	s3 =	sshra.s32 s20, $0x2  }
0xb0: {  	[sflag:s9] =	ssyncadd.s32 $0xFFFFC000;
	s20 =	smov.u32 s21;
	s22 =	sadd.s32 $0x200, s21  }
0xb1: {  	[tilespmem:s11], [sflag:$0x1] =	stream.indirect.gather [hbm4b:s12+s13], $0x80, s3, s13, $0xb8;
	[tilespmem:$0x1C800] =	vst v63  }
0xb2: {  	p1 =	sne.s32 s21, $0x4800;
	_ =	swait.ge [sflag:s9], $0x4000  }
.Ltmp4:
0xb3: {  	[sflag:s9] =	ssyncset.done $0x0;
	(pc) =	sbr.rel @p1 .LBB2_14-.Ltmp4, $4  }
0xb4: {  	s3 =	sadd.s32 $0x1400, s3;
	[sflag:s9] =	ssyncadd.s32 $0xFFFFC000  }
0xb5: {  	[spmem:s1] =	stream.indirect.scatter.add.f32 [tilespmem:s11], [sflag:$0x1], $0x80, s3, s13, $0xb8;
	[tilespmem:$0x1C800] =	vst v63  }
0xb6: {  	_ =	swait.ge [sflag:s9], $0x4000  }
0xb7: {  	s21 =	smov.u32 s22;
	[sflag:s9] =	ssyncset.done $0x0  }
0xb8: {  	s3 =	sshra.s32 s20, $0x2;
	[sflag:s9] =	ssyncadd.s32 $0xFFFFC000  }
0xb9: {  	[tilespmem:s11], [sflag:$0x1] =	stream.indirect.gather [hbm4b:s12+s13], $0x80, s3, s13, $0xb8;
	[tilespmem:$0x1C800] =	vst v63  }
0xba: {  	_ =	swait.ge [sflag:s9], $0x4000  }
0xbb: {  	[sflag:s9] =	ssyncset.done $0x0  }
0xbc: {  	s3 =	sadd.s32 $0x1400, s3;
	[sflag:s9] =	ssyncadd.s32 $0xFFFFC000  }
0xbd: {  	[spmem:s1] =	stream.indirect.scatter.add.f32 [tilespmem:s11], [sflag:$0x1], $0x80, s3, s13, $0xb8;
	[tilespmem:$0x1C800] =	vst v63  }
0xbe: {  	_ =	swait.ge [sflag:s9], $0x4000  }
0xbf: {  	[sflag:s9] =	ssyncset.done $0x0  }
0xc0: {  	[sflag:s9] =	ssyncadd.s32 $0xFFFFC000  }
0xc1: {  	[bflag:$0x0] =	sbarrier.arrive $0xFFFF  }
0xc2: {  	s20 =	rddreg [dreg:$0xb]  }
0xc3: {  	[hbm:s20], [sflag:s18] =	dma.local [spmem:s19], $0x2800  }
0xc4: {  	_ =	swait.ge [sflag:s9], $0x2800  }
0xc5: {  	[sflag:s9] =	ssyncset.done $0x0  }
0xc6: {  	[sflag:s9] =	ssyncadd.s32 $0xFFFFD800  }
0xc7: {  	[spmem:s10] =	stream.linear.scatter [tilespmem:s8], [sflag:$0x1], $0x2000, $0x38;
	[tilespmem:$0x1C800] =	vst v63  }
0xc8: {  	_ =	swait.ge [sflag:s9], $0x2000  }
0xc9: {  	[sflag:s9] =	ssyncset.done $0x0  }
0xca: {  	[sflag:s9] =	ssyncadd.s32 $0xFFFFE000  }
0xcb: {  	[spmem:s24] =	stream.linear.scatter [tilespmem:s8], [sflag:$0x1], $0x2000, $0x38;
	[tilespmem:$0x1C800] =	vst v63  }
0xcc: {  	_ =	swait.ge [sflag:s9], $0x2000  }
0xcd: {  	[sflag:s9] =	ssyncset.done $0x0  }
0xce: {  	[sflag:s9] =	ssyncadd.s32 $0xFFFFE000  }
0xcf: {  	[spmem:s25] =	stream.linear.scatter [tilespmem:s8], [sflag:$0x1], $0x2000, $0x38;
	[tilespmem:$0x1C800] =	vst v63  }
0xd0: {  	_ =	swait.ge [sflag:s9], $0x2000  }
0xd1: {  	[sflag:s9] =	ssyncset.done $0x0  }
0xd2: {  	[sflag:s9] =	ssyncadd.s32 $0xFFFFE000  }
0xd3: {  	[spmem:s26] =	stream.linear.scatter [tilespmem:s8], [sflag:$0x1], $0x2000, $0x38;
	[tilespmem:$0x1C800] =	vst v63  }
0xd4: {  	_ =	swait.ge [sflag:s9], $0x2000  }
0xd5: {  	[sflag:s9] =	ssyncset.done $0x0  }
0xd6: {  	[sflag:s9] =	ssyncadd.s32 $0xFFFFE000  }
0xd7: {  	[spmem:s28] =	stream.linear.scatter [tilespmem:s8], [sflag:$0x1], $0x2000, $0x38;
	[tilespmem:$0x1C800] =	vst v63  }
0xd8: {  	_ =	swait.ge [sflag:s9], $0x2000  }
0xd9: {  	[sflag:s9] =	ssyncset.done $0x0  }
0xda: {  	[sflag:s9] =	ssyncadd.s32 $0xFFFFE000  }
0xdb: {  	[spmem:s29] =	stream.linear.scatter [tilespmem:s8], [sflag:$0x1], $0x2000, $0x38;
	[tilespmem:$0x1C800] =	vst v63  }
0xdc: {  	_ =	swait.ge [sflag:s9], $0x2000  }
0xdd: {  	[sflag:s9] =	ssyncset.done $0x0  }
0xde: {  	[sflag:s9] =	ssyncadd.s32 $0xFFFFE000  }
0xdf: {  	[spmem:s30] =	stream.linear.scatter [tilespmem:s8], [sflag:$0x1], $0x2000, $0x38;
	[tilespmem:$0x1C800] =	vst v63  }
0xe0: {  	_ =	swait.ge [sflag:s9], $0x2000  }
0xe1: {  	[sflag:s9] =	ssyncset.done $0x0  }
0xe2: {  	[sflag:s9] =	ssyncadd.s32 $0xFFFFE000  }
0xe3: {  	[spmem:s31] =	stream.linear.scatter [tilespmem:s8], [sflag:$0x1], $0x2000, $0x38;
	[tilespmem:$0x1C800] =	vst v63  }
0xe4: {  	_ =	swait.ge [sflag:s9], $0x2000  }
0xe5: {  	[sflag:s9] =	ssyncset.done $0x0  }
0xe6: {  	[sflag:s9] =	ssyncadd.s32 $0xFFFFE000  }
0xe7: {  	[spmem:s0] =	stream.linear.scatter [tilespmem:s8], [sflag:$0x1], $0x2000, $0x38;
	[tilespmem:$0x1C800] =	vst v63  }
0xe8: {  	_ =	swait.ge [sflag:s9], $0x2000  }
0xe9: {  	[sflag:s9] =	ssyncset.done $0x0  }
0xea: {  	[sflag:s9] =	ssyncadd.s32 $0xFFFFE000  }
0xeb: {  	[spmem:s2] =	stream.linear.scatter [tilespmem:s8], [sflag:$0x1], $0x2000, $0x38;
	[tilespmem:$0x1C800] =	vst v63  }
0xec: {  	_ =	swait.ge [sflag:s9], $0x2000  }
0xed: {  	[sflag:s9] =	ssyncset.done $0x0  }
0xee: {  	[sflag:s9] =	ssyncadd.s32 $0xFFFFE000  }
0xef: {  	s21 =	simm.s32 $0x0;
	[bflag:$0x0] =	sbarrier.arrive $0xFFFF  }
0xf0: {  	[tilespmem:s11], [sflag:$0x1] =	stream.indirect.gather [hbm4b:s14+s13], $0x80, s21, s13, $0xb8;
	[tilespmem:$0x1C800] =	vst v63  }
0xf1: {  	_ =	swait.ge [sflag:s9], $0x4000  }
0xf2: {  	[sflag:s9] =	ssyncset.done $0x0  }
0xf3: {  	s22 =	simm.s32 $0x1400;
	[sflag:s9] =	ssyncadd.s32 $0xFFFFC000  }
0xf4: {  	[spmem:s1] =	stream.indirect.scatter.add.f32 [tilespmem:s11], [sflag:$0x1], $0x80, s22, s13, $0xb8;
	[tilespmem:$0x1C800] =	vst v63  }
0xf5: {  	_ =	swait.ge [sflag:s9], $0x4000  }
0xf6: {  	s20 =	simm.s32 $0x200;
	s21 =	simm.s32 $0x400;
	[sflag:s9] =	ssyncset.done $0x0  }
.LBB2_16:
0xf7: {  	s3 =	sshra.s32 s20, $0x2  }
0xf8: {  	[sflag:s9] =	ssyncadd.s32 $0xFFFFC000;
	s20 =	smov.u32 s21;
	s22 =	sadd.s32 $0x200, s21  }
0xf9: {  	[tilespmem:s11], [sflag:$0x1] =	stream.indirect.gather [hbm4b:s14+s13], $0x80, s3, s13, $0xb8;
	[tilespmem:$0x1C800] =	vst v63  }
0xfa: {  	p1 =	sne.s32 s21, $0x4800;
	_ =	swait.ge [sflag:s9], $0x4000  }
.Ltmp5:
0xfb: {  	[sflag:s9] =	ssyncset.done $0x0;
	(pc) =	sbr.rel @p1 .LBB2_16-.Ltmp5, $4  }
0xfc: {  	s3 =	sadd.s32 $0x1400, s3;
	[sflag:s9] =	ssyncadd.s32 $0xFFFFC000  }
0xfd: {  	[spmem:s1] =	stream.indirect.scatter.add.f32 [tilespmem:s11], [sflag:$0x1], $0x80, s3, s13, $0xb8;
	[tilespmem:$0x1C800] =	vst v63  }
0xfe: {  	_ =	swait.ge [sflag:s9], $0x4000  }
0xff: {  	s21 =	smov.u32 s22;
	[sflag:s9] =	ssyncset.done $0x0  }
0x100: {  	s3 =	sshra.s32 s20, $0x2;
	[sflag:s9] =	ssyncadd.s32 $0xFFFFC000  }
0x101: {  	[tilespmem:s11], [sflag:$0x1] =	stream.indirect.gather [hbm4b:s14+s13], $0x80, s3, s13, $0xb8;
	[tilespmem:$0x1C800] =	vst v63  }
0x102: {  	_ =	swait.ge [sflag:s9], $0x4000  }
0x103: {  	[sflag:s9] =	ssyncset.done $0x0  }
0x104: {  	s3 =	sadd.s32 $0x1400, s3;
	[sflag:s9] =	ssyncadd.s32 $0xFFFFC000  }
0x105: {  	[spmem:s1] =	stream.indirect.scatter.add.f32 [tilespmem:s11], [sflag:$0x1], $0x80, s3, s13, $0xb8;
	[tilespmem:$0x1C800] =	vst v63  }
0x106: {  	_ =	swait.ge [sflag:s9], $0x4000  }
0x107: {  	[sflag:s9] =	ssyncset.done $0x0  }
0x108: {  	[sflag:s9] =	ssyncadd.s32 $0xFFFFC000  }
0x109: {  	[bflag:$0x0] =	sbarrier.arrive $0xFFFF  }
0x10a: {  	s20 =	rddreg [dreg:$0xc]  }
0x10b: {  	[hbm:s20], [sflag:s18] =	dma.local [spmem:s19], $0x2800  }
0x10c: {  	_ =	swait.ge [sflag:s9], $0x2800  }
0x10d: {  	[sflag:s9] =	ssyncset.done $0x0  }
0x10e: {  	[sflag:s9] =	ssyncadd.s32 $0xFFFFD800  }
0x10f: {  	[spmem:s10] =	stream.linear.scatter [tilespmem:s8], [sflag:$0x1], $0x2000, $0x38;
	[tilespmem:$0x1C800] =	vst v63  }
0x110: {  	_ =	swait.ge [sflag:s9], $0x2000  }
0x111: {  	[sflag:s9] =	ssyncset.done $0x0  }
0x112: {  	[sflag:s9] =	ssyncadd.s32 $0xFFFFE000  }
0x113: {  	[spmem:s24] =	stream.linear.scatter [tilespmem:s8], [sflag:$0x1], $0x2000, $0x38;
	[tilespmem:$0x1C800] =	vst v63  }
0x114: {  	_ =	swait.ge [sflag:s9], $0x2000  }
0x115: {  	[sflag:s9] =	ssyncset.done $0x0  }
0x116: {  	[sflag:s9] =	ssyncadd.s32 $0xFFFFE000  }
0x117: {  	[spmem:s25] =	stream.linear.scatter [tilespmem:s8], [sflag:$0x1], $0x2000, $0x38;
	[tilespmem:$0x1C800] =	vst v63  }
0x118: {  	_ =	swait.ge [sflag:s9], $0x2000  }
0x119: {  	[sflag:s9] =	ssyncset.done $0x0  }
0x11a: {  	[sflag:s9] =	ssyncadd.s32 $0xFFFFE000  }
0x11b: {  	[spmem:s26] =	stream.linear.scatter [tilespmem:s8], [sflag:$0x1], $0x2000, $0x38;
	[tilespmem:$0x1C800] =	vst v63  }
0x11c: {  	_ =	swait.ge [sflag:s9], $0x2000  }
0x11d: {  	[sflag:s9] =	ssyncset.done $0x0  }
0x11e: {  	[sflag:s9] =	ssyncadd.s32 $0xFFFFE000  }
0x11f: {  	[spmem:s28] =	stream.linear.scatter [tilespmem:s8], [sflag:$0x1], $0x2000, $0x38;
	[tilespmem:$0x1C800] =	vst v63  }
0x120: {  	_ =	swait.ge [sflag:s9], $0x2000  }
0x121: {  	[sflag:s9] =	ssyncset.done $0x0  }
0x122: {  	[sflag:s9] =	ssyncadd.s32 $0xFFFFE000  }
0x123: {  	[spmem:s29] =	stream.linear.scatter [tilespmem:s8], [sflag:$0x1], $0x2000, $0x38;
	[tilespmem:$0x1C800] =	vst v63  }
0x124: {  	_ =	swait.ge [sflag:s9], $0x2000  }
0x125: {  	[sflag:s9] =	ssyncset.done $0x0  }
0x126: {  	[sflag:s9] =	ssyncadd.s32 $0xFFFFE000  }
0x127: {  	[spmem:s30] =	stream.linear.scatter [tilespmem:s8], [sflag:$0x1], $0x2000, $0x38;
	[tilespmem:$0x1C800] =	vst v63  }
0x128: {  	_ =	swait.ge [sflag:s9], $0x2000  }
0x129: {  	[sflag:s9] =	ssyncset.done $0x0  }
0x12a: {  	[sflag:s9] =	ssyncadd.s32 $0xFFFFE000  }
0x12b: {  	[spmem:s31] =	stream.linear.scatter [tilespmem:s8], [sflag:$0x1], $0x2000, $0x38;
	[tilespmem:$0x1C800] =	vst v63  }
0x12c: {  	_ =	swait.ge [sflag:s9], $0x2000  }
0x12d: {  	[sflag:s9] =	ssyncset.done $0x0  }
0x12e: {  	[sflag:s9] =	ssyncadd.s32 $0xFFFFE000  }
0x12f: {  	[spmem:s0] =	stream.linear.scatter [tilespmem:s8], [sflag:$0x1], $0x2000, $0x38;
	[tilespmem:$0x1C800] =	vst v63  }
0x130: {  	_ =	swait.ge [sflag:s9], $0x2000  }
0x131: {  	[sflag:s9] =	ssyncset.done $0x0  }
0x132: {  	[sflag:s9] =	ssyncadd.s32 $0xFFFFE000  }
0x133: {  	[spmem:s2] =	stream.linear.scatter [tilespmem:s8], [sflag:$0x1], $0x2000, $0x38;
	[tilespmem:$0x1C800] =	vst v63  }
0x134: {  	_ =	swait.ge [sflag:s9], $0x2000  }
0x135: {  	[sflag:s9] =	ssyncset.done $0x0  }
0x136: {  	[sflag:s9] =	ssyncadd.s32 $0xFFFFE000  }
0x137: {  	s21 =	simm.s32 $0x0;
	[bflag:$0x0] =	sbarrier.arrive $0xFFFF  }
0x138: {  	[tilespmem:s11], [sflag:$0x1] =	stream.indirect.gather [hbm4b:s16+s13], $0x80, s21, s13, $0xb8;
	[tilespmem:$0x1C800] =	vst v63  }
0x139: {  	_ =	swait.ge [sflag:s9], $0x4000  }
0x13a: {  	[sflag:s9] =	ssyncset.done $0x0  }
0x13b: {  	s22 =	simm.s32 $0x1400;
	[sflag:s9] =	ssyncadd.s32 $0xFFFFC000  }
0x13c: {  	[spmem:s1] =	stream.indirect.scatter.add.f32 [tilespmem:s11], [sflag:$0x1], $0x80, s22, s13, $0xb8;
	[tilespmem:$0x1C800] =	vst v63  }
0x13d: {  	_ =	swait.ge [sflag:s9], $0x4000  }
0x13e: {  	s19 =	simm.s32 $0x200;
	s20 =	simm.s32 $0x400;
	[sflag:s9] =	ssyncset.done $0x0  }
.LBB2_18:
0x13f: {  	s3 =	sshra.s32 s19, $0x2  }
0x140: {  	[sflag:s9] =	ssyncadd.s32 $0xFFFFC000;
	s19 =	smov.u32 s20;
	s21 =	sadd.s32 $0x200, s20  }
0x141: {  	[tilespmem:s11], [sflag:$0x1] =	stream.indirect.gather [hbm4b:s16+s13], $0x80, s3, s13, $0xb8;
	[tilespmem:$0x1C800] =	vst v63  }
0x142: {  	p1 =	sne.s32 s20, $0x4800;
	_ =	swait.ge [sflag:s9], $0x4000  }
.Ltmp6:
0x143: {  	[sflag:s9] =	ssyncset.done $0x0;
	(pc) =	sbr.rel @p1 .LBB2_18-.Ltmp6, $4  }
0x144: {  	s3 =	sadd.s32 $0x1400, s3;
	[sflag:s9] =	ssyncadd.s32 $0xFFFFC000  }
0x145: {  	[spmem:s1] =	stream.indirect.scatter.add.f32 [tilespmem:s11], [sflag:$0x1], $0x80, s3, s13, $0xb8;
	[tilespmem:$0x1C800] =	vst v63  }
0x146: {  	_ =	swait.ge [sflag:s9], $0x4000  }
0x147: {  	s20 =	smov.u32 s21;
	[sflag:s9] =	ssyncset.done $0x0  }
.Ltmp7:
0x148: {  	_ = 	snop;
	(pc) =	sbr.rel .LBB2_19-.Ltmp7, $1  }
0x149: {  	_ =	sdelay $0x3  }
.LBB2_2:
0x14a: {  	s18 =	simm.s32 $0x0;
	s3 =	rddreg [dreg:$0x3]  }
0x14b: {  	[tilespmem:s18], [sflag:$0x1] =	stream.linear.gather [hbm4b:s3+s18], $0x1280, $0x38;
	[tilespmem:$0x1C800] =	vst v63  }
0x14c: {  	_ =	swait.ge [sflag:s9], $0x1280  }
0x14d: {  	[sflag:s9] =	ssyncset.done $0x0  }
0x14e: {  	s19 =	simm.s32 $0x1400;
	s20 =	rddreg [dreg:$0x4];
	[sflag:s9] =	ssyncadd.s32 $0xFFFFED80  }
0x14f: {  	[tilespmem:s19], [sflag:$0x1] =	stream.linear.gather [hbm4b:s20+s18], $0x1280, $0x38;
	[tilespmem:$0x1C800] =	vst v63  }
0x150: {  	_ =	swait.ge [sflag:s9], $0x1280  }
0x151: {  	[sflag:s9] =	ssyncset.done $0x0  }
0x152: {  	[sflag:s9] =	ssyncadd.s32 $0xFFFFED80  }
0x153: {  	[spmem:s10] =	stream.linear.scatter [tilespmem:s8], [sflag:$0x1], $0x2000, $0x38;
	[tilespmem:$0x1C800] =	vst v63  }
0x154: {  	_ =	swait.ge [sflag:s9], $0x2000  }
0x155: {  	[sflag:s9] =	ssyncset.done $0x0  }
0x156: {  	[sflag:s9] =	ssyncadd.s32 $0xFFFFE000  }
0x157: {  	[spmem:s24] =	stream.linear.scatter [tilespmem:s8], [sflag:$0x1], $0x2000, $0x38;
	[tilespmem:$0x1C800] =	vst v63  }
0x158: {  	_ =	swait.ge [sflag:s9], $0x2000  }
0x159: {  	[sflag:s9] =	ssyncset.done $0x0  }
0x15a: {  	[sflag:s9] =	ssyncadd.s32 $0xFFFFE000  }
0x15b: {  	[spmem:s25] =	stream.linear.scatter [tilespmem:s8], [sflag:$0x1], $0x2000, $0x38;
	[tilespmem:$0x1C800] =	vst v63  }
0x15c: {  	_ =	swait.ge [sflag:s9], $0x2000  }
0x15d: {  	[sflag:s9] =	ssyncset.done $0x0  }
0x15e: {  	[sflag:s9] =	ssyncadd.s32 $0xFFFFE000  }
0x15f: {  	[spmem:s26] =	stream.linear.scatter [tilespmem:s8], [sflag:$0x1], $0x2000, $0x38;
	[tilespmem:$0x1C800] =	vst v63  }
0x160: {  	_ =	swait.ge [sflag:s9], $0x2000  }
0x161: {  	[sflag:s9] =	ssyncset.done $0x0  }
0x162: {  	[sflag:s9] =	ssyncadd.s32 $0xFFFFE000  }
0x163: {  	[spmem:s28] =	stream.linear.scatter [tilespmem:s8], [sflag:$0x1], $0x2000, $0x38;
	[tilespmem:$0x1C800] =	vst v63  }
0x164: {  	_ =	swait.ge [sflag:s9], $0x2000  }
0x165: {  	[sflag:s9] =	ssyncset.done $0x0  }
0x166: {  	[sflag:s9] =	ssyncadd.s32 $0xFFFFE000  }
0x167: {  	[spmem:s29] =	stream.linear.scatter [tilespmem:s8], [sflag:$0x1], $0x2000, $0x38;
	[tilespmem:$0x1C800] =	vst v63  }
0x168: {  	_ =	swait.ge [sflag:s9], $0x2000  }
0x169: {  	[sflag:s9] =	ssyncset.done $0x0  }
0x16a: {  	[sflag:s9] =	ssyncadd.s32 $0xFFFFE000  }
0x16b: {  	[spmem:s30] =	stream.linear.scatter [tilespmem:s8], [sflag:$0x1], $0x2000, $0x38;
	[tilespmem:$0x1C800] =	vst v63  }
0x16c: {  	_ =	swait.ge [sflag:s9], $0x2000  }
0x16d: {  	[sflag:s9] =	ssyncset.done $0x0  }
0x16e: {  	[sflag:s9] =	ssyncadd.s32 $0xFFFFE000  }
0x16f: {  	[spmem:s31] =	stream.linear.scatter [tilespmem:s8], [sflag:$0x1], $0x2000, $0x38;
	[tilespmem:$0x1C800] =	vst v63  }
0x170: {  	_ =	swait.ge [sflag:s9], $0x2000  }
0x171: {  	[sflag:s9] =	ssyncset.done $0x0  }
0x172: {  	[sflag:s9] =	ssyncadd.s32 $0xFFFFE000  }
0x173: {  	[spmem:s0] =	stream.linear.scatter [tilespmem:s8], [sflag:$0x1], $0x2000, $0x38;
	[tilespmem:$0x1C800] =	vst v63  }
0x174: {  	_ =	swait.ge [sflag:s9], $0x2000  }
0x175: {  	[sflag:s9] =	ssyncset.done $0x0  }
0x176: {  	[sflag:s9] =	ssyncadd.s32 $0xFFFFE000  }
0x177: {  	[spmem:s2] =	stream.linear.scatter [tilespmem:s8], [sflag:$0x1], $0x2000, $0x38;
	[tilespmem:$0x1C800] =	vst v63  }
0x178: {  	_ =	swait.ge [sflag:s9], $0x2000  }
0x179: {  	[sflag:s9] =	ssyncset.done $0x0  }
0x17a: {  	[sflag:s9] =	ssyncadd.s32 $0xFFFFE000  }
0x17b: {  	s21 =	simm.s32 $0x0;
	[bflag:$0x0] =	sbarrier.arrive $0xFFFF  }
0x17c: {  	[tilespmem:s11], [sflag:$0x1] =	stream.indirect.gather [hbm4b:s4+s13], $0x80, s21, s13, $0xb8;
	[tilespmem:$0x1C800] =	vst v63  }
0x17d: {  	_ =	swait.ge [sflag:s9], $0x4000  }
0x17e: {  	[sflag:s9] =	ssyncset.done $0x0  }
0x17f: {  	s22 =	simm.s32 $0x1400;
	[sflag:s9] =	ssyncadd.s32 $0xFFFFC000  }
0x180: {  	[spmem:s1] =	stream.indirect.scatter.add.f32 [tilespmem:s11], [sflag:$0x1], $0x80, s22, s13, $0xb8;
	[tilespmem:$0x1C800] =	vst v63  }
0x181: {  	_ =	swait.ge [sflag:s9], $0x4000  }
0x182: {  	s18 =	simm.s32 $0x200;
	s19 =	simm.s32 $0x400;
	[sflag:s9] =	ssyncset.done $0x0  }
.LBB2_3:
0x183: {  	s20 =	sshra.s32 s18, $0x2  }
0x184: {  	[sflag:s9] =	ssyncadd.s32 $0xFFFFC000;
	s18 =	smov.u32 s19;
	s21 =	sadd.s32 $0x200, s19  }
0x185: {  	[tilespmem:s11], [sflag:$0x1] =	stream.indirect.gather [hbm4b:s4+s13], $0x80, s20, s13, $0xb8;
	[tilespmem:$0x1C800] =	vst v63  }
0x186: {  	p1 =	sne.s32 s19, $0x4800;
	_ =	swait.ge [sflag:s9], $0x4000  }
.Ltmp8:
0x187: {  	[sflag:s9] =	ssyncset.done $0x0;
	(pc) =	sbr.rel @p1 .LBB2_3-.Ltmp8, $4  }
0x188: {  	s19 =	sadd.s32 $0x1400, s20;
	[sflag:s9] =	ssyncadd.s32 $0xFFFFC000  }
0x189: {  	[spmem:s1] =	stream.indirect.scatter.add.f32 [tilespmem:s11], [sflag:$0x1], $0x80, s19, s13, $0xb8;
	[tilespmem:$0x1C800] =	vst v63  }
0x18a: {  	_ =	swait.ge [sflag:s9], $0x4000  }
0x18b: {  	s19 =	smov.u32 s21;
	[sflag:s9] =	ssyncset.done $0x0  }
0x18c: {  	s18 =	sshra.s32 s18, $0x2;
	[sflag:s9] =	ssyncadd.s32 $0xFFFFC000  }
0x18d: {  	[tilespmem:s11], [sflag:$0x1] =	stream.indirect.gather [hbm4b:s4+s13], $0x80, s18, s13, $0xb8;
	[tilespmem:$0x1C800] =	vst v63  }
0x18e: {  	_ =	swait.ge [sflag:s9], $0x4000  }
0x18f: {  	[sflag:s9] =	ssyncset.done $0x0  }
0x190: {  	s18 =	sadd.s32 $0x1400, s18;
	[sflag:s9] =	ssyncadd.s32 $0xFFFFC000  }
0x191: {  	[spmem:s1] =	stream.indirect.scatter.add.f32 [tilespmem:s11], [sflag:$0x1], $0x80, s18, s13, $0xb8;
	[tilespmem:$0x1C800] =	vst v63  }
0x192: {  	_ =	swait.ge [sflag:s9], $0x4000  }
0x193: {  	[sflag:s9] =	ssyncset.done $0x0  }
0x194: {  	s3 =	stileid.u32;
	[sflag:s9] =	ssyncadd.s32 $0xFFFFC000  }
0x195: {  	s20 =	sshll.u32 s3, $0x6;
	[bflag:$0x0] =	sbarrier.arrive $0xFFFF  }
0x196: {  	s19 =	sshrl.u32 s10, $0x3;
	s18 =	sor.u32 $0x1C01, s20;
	s21 =	rddreg [dreg:$0x5]  }
0x197: {  	[hbm:s21], [sflag:s18] =	dma.local [spmem:s19], $0x2800  }
0x198: {  	_ =	swait.ge [sflag:s9], $0x2800  }
0x199: {  	[sflag:s9] =	ssyncset.done $0x0  }
0x19a: {  	[sflag:s9] =	ssyncadd.s32 $0xFFFFD800  }
0x19b: {  	[spmem:s10] =	stream.linear.scatter [tilespmem:s8], [sflag:$0x1], $0x2000, $0x38;
	[tilespmem:$0x1C800] =	vst v63  }
0x19c: {  	_ =	swait.ge [sflag:s9], $0x2000  }
0x19d: {  	[sflag:s9] =	ssyncset.done $0x0  }
0x19e: {  	[sflag:s9] =	ssyncadd.s32 $0xFFFFE000  }
0x19f: {  	[spmem:s24] =	stream.linear.scatter [tilespmem:s8], [sflag:$0x1], $0x2000, $0x38;
	[tilespmem:$0x1C800] =	vst v63  }
0x1a0: {  	_ =	swait.ge [sflag:s9], $0x2000  }
0x1a1: {  	[sflag:s9] =	ssyncset.done $0x0  }
0x1a2: {  	[sflag:s9] =	ssyncadd.s32 $0xFFFFE000  }
0x1a3: {  	[spmem:s25] =	stream.linear.scatter [tilespmem:s8], [sflag:$0x1], $0x2000, $0x38;
	[tilespmem:$0x1C800] =	vst v63  }
0x1a4: {  	_ =	swait.ge [sflag:s9], $0x2000  }
0x1a5: {  	[sflag:s9] =	ssyncset.done $0x0  }
0x1a6: {  	[sflag:s9] =	ssyncadd.s32 $0xFFFFE000  }
0x1a7: {  	[spmem:s26] =	stream.linear.scatter [tilespmem:s8], [sflag:$0x1], $0x2000, $0x38;
	[tilespmem:$0x1C800] =	vst v63  }
0x1a8: {  	_ =	swait.ge [sflag:s9], $0x2000  }
0x1a9: {  	[sflag:s9] =	ssyncset.done $0x0  }
0x1aa: {  	[sflag:s9] =	ssyncadd.s32 $0xFFFFE000  }
0x1ab: {  	[spmem:s28] =	stream.linear.scatter [tilespmem:s8], [sflag:$0x1], $0x2000, $0x38;
	[tilespmem:$0x1C800] =	vst v63  }
0x1ac: {  	_ =	swait.ge [sflag:s9], $0x2000  }
0x1ad: {  	[sflag:s9] =	ssyncset.done $0x0  }
0x1ae: {  	[sflag:s9] =	ssyncadd.s32 $0xFFFFE000  }
0x1af: {  	[spmem:s29] =	stream.linear.scatter [tilespmem:s8], [sflag:$0x1], $0x2000, $0x38;
	[tilespmem:$0x1C800] =	vst v63  }
0x1b0: {  	_ =	swait.ge [sflag:s9], $0x2000  }
0x1b1: {  	[sflag:s9] =	ssyncset.done $0x0  }
0x1b2: {  	[sflag:s9] =	ssyncadd.s32 $0xFFFFE000  }
0x1b3: {  	[spmem:s30] =	stream.linear.scatter [tilespmem:s8], [sflag:$0x1], $0x2000, $0x38;
	[tilespmem:$0x1C800] =	vst v63  }
0x1b4: {  	_ =	swait.ge [sflag:s9], $0x2000  }
0x1b5: {  	[sflag:s9] =	ssyncset.done $0x0  }
0x1b6: {  	[sflag:s9] =	ssyncadd.s32 $0xFFFFE000  }
0x1b7: {  	[spmem:s31] =	stream.linear.scatter [tilespmem:s8], [sflag:$0x1], $0x2000, $0x38;
	[tilespmem:$0x1C800] =	vst v63  }
0x1b8: {  	_ =	swait.ge [sflag:s9], $0x2000  }
0x1b9: {  	[sflag:s9] =	ssyncset.done $0x0  }
0x1ba: {  	[sflag:s9] =	ssyncadd.s32 $0xFFFFE000  }
0x1bb: {  	[spmem:s0] =	stream.linear.scatter [tilespmem:s8], [sflag:$0x1], $0x2000, $0x38;
	[tilespmem:$0x1C800] =	vst v63  }
0x1bc: {  	_ =	swait.ge [sflag:s9], $0x2000  }
0x1bd: {  	[sflag:s9] =	ssyncset.done $0x0  }
0x1be: {  	[sflag:s9] =	ssyncadd.s32 $0xFFFFE000  }
0x1bf: {  	[spmem:s2] =	stream.linear.scatter [tilespmem:s8], [sflag:$0x1], $0x2000, $0x38;
	[tilespmem:$0x1C800] =	vst v63  }
0x1c0: {  	_ =	swait.ge [sflag:s9], $0x2000  }
0x1c1: {  	[sflag:s9] =	ssyncset.done $0x0  }
0x1c2: {  	[sflag:s9] =	ssyncadd.s32 $0xFFFFE000  }
0x1c3: {  	s20 =	simm.s32 $0x0;
	[bflag:$0x0] =	sbarrier.arrive $0xFFFF  }
0x1c4: {  	[tilespmem:s11], [sflag:$0x1] =	stream.indirect.gather [hbm4b:s12+s13], $0x80, s20, s13, $0xb8;
	[tilespmem:$0x1C800] =	vst v63  }
0x1c5: {  	_ =	swait.ge [sflag:s9], $0x4000  }
0x1c6: {  	[sflag:s9] =	ssyncset.done $0x0  }
0x1c7: {  	s22 =	simm.s32 $0x1400;
	[sflag:s9] =	ssyncadd.s32 $0xFFFFC000  }
0x1c8: {  	[spmem:s1] =	stream.indirect.scatter.add.f32 [tilespmem:s11], [sflag:$0x1], $0x80, s22, s13, $0xb8;
	[tilespmem:$0x1C800] =	vst v63  }
0x1c9: {  	_ =	swait.ge [sflag:s9], $0x4000  }
0x1ca: {  	s21 =	simm.s32 $0x400;
	s20 =	simm.s32 $0x200;
	[sflag:s9] =	ssyncset.done $0x0  }
.LBB2_5:
0x1cb: {  	s22 =	sshra.s32 s20, $0x2  }
0x1cc: {  	[sflag:s9] =	ssyncadd.s32 $0xFFFFC000;
	s20 =	smov.u32 s21;
	s3 =	sadd.s32 $0x200, s21  }
0x1cd: {  	[tilespmem:s11], [sflag:$0x1] =	stream.indirect.gather [hbm4b:s12+s13], $0x80, s22, s13, $0xb8;
	[tilespmem:$0x1C800] =	vst v63  }
0x1ce: {  	p1 =	sne.s32 s21, $0x4800;
	_ =	swait.ge [sflag:s9], $0x4000  }
.Ltmp9:
0x1cf: {  	[sflag:s9] =	ssyncset.done $0x0;
	(pc) =	sbr.rel @p1 .LBB2_5-.Ltmp9, $4  }
0x1d0: {  	s21 =	sadd.s32 $0x1400, s22;
	[sflag:s9] =	ssyncadd.s32 $0xFFFFC000  }
0x1d1: {  	[spmem:s1] =	stream.indirect.scatter.add.f32 [tilespmem:s11], [sflag:$0x1], $0x80, s21, s13, $0xb8;
	[tilespmem:$0x1C800] =	vst v63  }
0x1d2: {  	_ =	swait.ge [sflag:s9], $0x4000  }
0x1d3: {  	s21 =	smov.u32 s3;
	[sflag:s9] =	ssyncset.done $0x0  }
0x1d4: {  	s3 =	sshra.s32 s20, $0x2;
	[sflag:s9] =	ssyncadd.s32 $0xFFFFC000  }
0x1d5: {  	[tilespmem:s11], [sflag:$0x1] =	stream.indirect.gather [hbm4b:s12+s13], $0x80, s3, s13, $0xb8;
	[tilespmem:$0x1C800] =	vst v63  }
0x1d6: {  	_ =	swait.ge [sflag:s9], $0x4000  }
0x1d7: {  	[sflag:s9] =	ssyncset.done $0x0  }
0x1d8: {  	s3 =	sadd.s32 $0x1400, s3;
	[sflag:s9] =	ssyncadd.s32 $0xFFFFC000  }
0x1d9: {  	[spmem:s1] =	stream.indirect.scatter.add.f32 [tilespmem:s11], [sflag:$0x1], $0x80, s3, s13, $0xb8;
	[tilespmem:$0x1C800] =	vst v63  }
0x1da: {  	_ =	swait.ge [sflag:s9], $0x4000  }
0x1db: {  	[sflag:s9] =	ssyncset.done $0x0  }
0x1dc: {  	[sflag:s9] =	ssyncadd.s32 $0xFFFFC000  }
0x1dd: {  	[bflag:$0x0] =	sbarrier.arrive $0xFFFF  }
0x1de: {  	s20 =	rddreg [dreg:$0x6]  }
0x1df: {  	[hbm:s20], [sflag:s18] =	dma.local [spmem:s19], $0x2800  }
0x1e0: {  	_ =	swait.ge [sflag:s9], $0x2800  }
0x1e1: {  	[sflag:s9] =	ssyncset.done $0x0  }
0x1e2: {  	[sflag:s9] =	ssyncadd.s32 $0xFFFFD800  }
0x1e3: {  	[spmem:s10] =	stream.linear.scatter [tilespmem:s8], [sflag:$0x1], $0x2000, $0x38;
	[tilespmem:$0x1C800] =	vst v63  }
0x1e4: {  	_ =	swait.ge [sflag:s9], $0x2000  }
0x1e5: {  	[sflag:s9] =	ssyncset.done $0x0  }
0x1e6: {  	[sflag:s9] =	ssyncadd.s32 $0xFFFFE000  }
0x1e7: {  	[spmem:s24] =	stream.linear.scatter [tilespmem:s8], [sflag:$0x1], $0x2000, $0x38;
	[tilespmem:$0x1C800] =	vst v63  }
0x1e8: {  	_ =	swait.ge [sflag:s9], $0x2000  }
0x1e9: {  	[sflag:s9] =	ssyncset.done $0x0  }
0x1ea: {  	[sflag:s9] =	ssyncadd.s32 $0xFFFFE000  }
0x1eb: {  	[spmem:s25] =	stream.linear.scatter [tilespmem:s8], [sflag:$0x1], $0x2000, $0x38;
	[tilespmem:$0x1C800] =	vst v63  }
0x1ec: {  	_ =	swait.ge [sflag:s9], $0x2000  }
0x1ed: {  	[sflag:s9] =	ssyncset.done $0x0  }
0x1ee: {  	[sflag:s9] =	ssyncadd.s32 $0xFFFFE000  }
0x1ef: {  	[spmem:s26] =	stream.linear.scatter [tilespmem:s8], [sflag:$0x1], $0x2000, $0x38;
	[tilespmem:$0x1C800] =	vst v63  }
0x1f0: {  	_ =	swait.ge [sflag:s9], $0x2000  }
0x1f1: {  	[sflag:s9] =	ssyncset.done $0x0  }
0x1f2: {  	[sflag:s9] =	ssyncadd.s32 $0xFFFFE000  }
0x1f3: {  	[spmem:s28] =	stream.linear.scatter [tilespmem:s8], [sflag:$0x1], $0x2000, $0x38;
	[tilespmem:$0x1C800] =	vst v63  }
0x1f4: {  	_ =	swait.ge [sflag:s9], $0x2000  }
0x1f5: {  	[sflag:s9] =	ssyncset.done $0x0  }
0x1f6: {  	[sflag:s9] =	ssyncadd.s32 $0xFFFFE000  }
0x1f7: {  	[spmem:s29] =	stream.linear.scatter [tilespmem:s8], [sflag:$0x1], $0x2000, $0x38;
	[tilespmem:$0x1C800] =	vst v63  }
0x1f8: {  	_ =	swait.ge [sflag:s9], $0x2000  }
0x1f9: {  	[sflag:s9] =	ssyncset.done $0x0  }
0x1fa: {  	[sflag:s9] =	ssyncadd.s32 $0xFFFFE000  }
0x1fb: {  	[spmem:s30] =	stream.linear.scatter [tilespmem:s8], [sflag:$0x1], $0x2000, $0x38;
	[tilespmem:$0x1C800] =	vst v63  }
0x1fc: {  	_ =	swait.ge [sflag:s9], $0x2000  }
0x1fd: {  	[sflag:s9] =	ssyncset.done $0x0  }
0x1fe: {  	[sflag:s9] =	ssyncadd.s32 $0xFFFFE000  }
0x1ff: {  	[spmem:s31] =	stream.linear.scatter [tilespmem:s8], [sflag:$0x1], $0x2000, $0x38;
	[tilespmem:$0x1C800] =	vst v63  }
0x200: {  	_ =	swait.ge [sflag:s9], $0x2000  }
0x201: {  	[sflag:s9] =	ssyncset.done $0x0  }
0x202: {  	[sflag:s9] =	ssyncadd.s32 $0xFFFFE000  }
0x203: {  	[spmem:s0] =	stream.linear.scatter [tilespmem:s8], [sflag:$0x1], $0x2000, $0x38;
	[tilespmem:$0x1C800] =	vst v63  }
0x204: {  	_ =	swait.ge [sflag:s9], $0x2000  }
0x205: {  	[sflag:s9] =	ssyncset.done $0x0  }
0x206: {  	[sflag:s9] =	ssyncadd.s32 $0xFFFFE000  }
0x207: {  	[spmem:s2] =	stream.linear.scatter [tilespmem:s8], [sflag:$0x1], $0x2000, $0x38;
	[tilespmem:$0x1C800] =	vst v63  }
0x208: {  	_ =	swait.ge [sflag:s9], $0x2000  }
0x209: {  	[sflag:s9] =	ssyncset.done $0x0  }
0x20a: {  	[sflag:s9] =	ssyncadd.s32 $0xFFFFE000  }
0x20b: {  	s21 =	simm.s32 $0x0;
	[bflag:$0x0] =	sbarrier.arrive $0xFFFF  }
0x20c: {  	[tilespmem:s11], [sflag:$0x1] =	stream.indirect.gather [hbm4b:s14+s13], $0x80, s21, s13, $0xb8;
	[tilespmem:$0x1C800] =	vst v63  }
0x20d: {  	_ =	swait.ge [sflag:s9], $0x4000  }
0x20e: {  	[sflag:s9] =	ssyncset.done $0x0  }
0x20f: {  	s22 =	simm.s32 $0x1400;
	[sflag:s9] =	ssyncadd.s32 $0xFFFFC000  }
0x210: {  	[spmem:s1] =	stream.indirect.scatter.add.f32 [tilespmem:s11], [sflag:$0x1], $0x80, s22, s13, $0xb8;
	[tilespmem:$0x1C800] =	vst v63  }
0x211: {  	_ =	swait.ge [sflag:s9], $0x4000  }
0x212: {  	s20 =	simm.s32 $0x200;
	s21 =	simm.s32 $0x400;
	[sflag:s9] =	ssyncset.done $0x0  }
.LBB2_7:
0x213: {  	s3 =	sshra.s32 s20, $0x2  }
0x214: {  	[sflag:s9] =	ssyncadd.s32 $0xFFFFC000;
	s20 =	smov.u32 s21;
	s22 =	sadd.s32 $0x200, s21  }
0x215: {  	[tilespmem:s11], [sflag:$0x1] =	stream.indirect.gather [hbm4b:s14+s13], $0x80, s3, s13, $0xb8;
	[tilespmem:$0x1C800] =	vst v63  }
0x216: {  	p1 =	sne.s32 s21, $0x4800;
	_ =	swait.ge [sflag:s9], $0x4000  }
.Ltmp10:
0x217: {  	[sflag:s9] =	ssyncset.done $0x0;
	(pc) =	sbr.rel @p1 .LBB2_7-.Ltmp10, $4  }
0x218: {  	s3 =	sadd.s32 $0x1400, s3;
	[sflag:s9] =	ssyncadd.s32 $0xFFFFC000  }
0x219: {  	[spmem:s1] =	stream.indirect.scatter.add.f32 [tilespmem:s11], [sflag:$0x1], $0x80, s3, s13, $0xb8;
	[tilespmem:$0x1C800] =	vst v63  }
0x21a: {  	_ =	swait.ge [sflag:s9], $0x4000  }
0x21b: {  	s21 =	smov.u32 s22;
	[sflag:s9] =	ssyncset.done $0x0  }
0x21c: {  	s3 =	sshra.s32 s20, $0x2;
	[sflag:s9] =	ssyncadd.s32 $0xFFFFC000  }
0x21d: {  	[tilespmem:s11], [sflag:$0x1] =	stream.indirect.gather [hbm4b:s14+s13], $0x80, s3, s13, $0xb8;
	[tilespmem:$0x1C800] =	vst v63  }
0x21e: {  	_ =	swait.ge [sflag:s9], $0x4000  }
0x21f: {  	[sflag:s9] =	ssyncset.done $0x0  }
0x220: {  	s3 =	sadd.s32 $0x1400, s3;
	[sflag:s9] =	ssyncadd.s32 $0xFFFFC000  }
0x221: {  	[spmem:s1] =	stream.indirect.scatter.add.f32 [tilespmem:s11], [sflag:$0x1], $0x80, s3, s13, $0xb8;
	[tilespmem:$0x1C800] =	vst v63  }
0x222: {  	_ =	swait.ge [sflag:s9], $0x4000  }
0x223: {  	[sflag:s9] =	ssyncset.done $0x0  }
0x224: {  	[sflag:s9] =	ssyncadd.s32 $0xFFFFC000  }
0x225: {  	[bflag:$0x0] =	sbarrier.arrive $0xFFFF  }
0x226: {  	s20 =	rddreg [dreg:$0x7]  }
0x227: {  	[hbm:s20], [sflag:s18] =	dma.local [spmem:s19], $0x2800  }
0x228: {  	_ =	swait.ge [sflag:s9], $0x2800  }
0x229: {  	[sflag:s9] =	ssyncset.done $0x0  }
0x22a: {  	[sflag:s9] =	ssyncadd.s32 $0xFFFFD800  }
0x22b: {  	[spmem:s10] =	stream.linear.scatter [tilespmem:s8], [sflag:$0x1], $0x2000, $0x38;
	[tilespmem:$0x1C800] =	vst v63  }
0x22c: {  	_ =	swait.ge [sflag:s9], $0x2000  }
0x22d: {  	[sflag:s9] =	ssyncset.done $0x0  }
0x22e: {  	[sflag:s9] =	ssyncadd.s32 $0xFFFFE000  }
0x22f: {  	[spmem:s24] =	stream.linear.scatter [tilespmem:s8], [sflag:$0x1], $0x2000, $0x38;
	[tilespmem:$0x1C800] =	vst v63  }
0x230: {  	_ =	swait.ge [sflag:s9], $0x2000  }
0x231: {  	[sflag:s9] =	ssyncset.done $0x0  }
0x232: {  	[sflag:s9] =	ssyncadd.s32 $0xFFFFE000  }
0x233: {  	[spmem:s25] =	stream.linear.scatter [tilespmem:s8], [sflag:$0x1], $0x2000, $0x38;
	[tilespmem:$0x1C800] =	vst v63  }
0x234: {  	_ =	swait.ge [sflag:s9], $0x2000  }
0x235: {  	[sflag:s9] =	ssyncset.done $0x0  }
0x236: {  	[sflag:s9] =	ssyncadd.s32 $0xFFFFE000  }
0x237: {  	[spmem:s26] =	stream.linear.scatter [tilespmem:s8], [sflag:$0x1], $0x2000, $0x38;
	[tilespmem:$0x1C800] =	vst v63  }
0x238: {  	_ =	swait.ge [sflag:s9], $0x2000  }
0x239: {  	[sflag:s9] =	ssyncset.done $0x0  }
0x23a: {  	[sflag:s9] =	ssyncadd.s32 $0xFFFFE000  }
0x23b: {  	[spmem:s28] =	stream.linear.scatter [tilespmem:s8], [sflag:$0x1], $0x2000, $0x38;
	[tilespmem:$0x1C800] =	vst v63  }
0x23c: {  	_ =	swait.ge [sflag:s9], $0x2000  }
0x23d: {  	[sflag:s9] =	ssyncset.done $0x0  }
0x23e: {  	[sflag:s9] =	ssyncadd.s32 $0xFFFFE000  }
0x23f: {  	[spmem:s29] =	stream.linear.scatter [tilespmem:s8], [sflag:$0x1], $0x2000, $0x38;
	[tilespmem:$0x1C800] =	vst v63  }
0x240: {  	_ =	swait.ge [sflag:s9], $0x2000  }
0x241: {  	[sflag:s9] =	ssyncset.done $0x0  }
0x242: {  	[sflag:s9] =	ssyncadd.s32 $0xFFFFE000  }
0x243: {  	[spmem:s30] =	stream.linear.scatter [tilespmem:s8], [sflag:$0x1], $0x2000, $0x38;
	[tilespmem:$0x1C800] =	vst v63  }
0x244: {  	_ =	swait.ge [sflag:s9], $0x2000  }
0x245: {  	[sflag:s9] =	ssyncset.done $0x0  }
0x246: {  	[sflag:s9] =	ssyncadd.s32 $0xFFFFE000  }
0x247: {  	[spmem:s31] =	stream.linear.scatter [tilespmem:s8], [sflag:$0x1], $0x2000, $0x38;
	[tilespmem:$0x1C800] =	vst v63  }
0x248: {  	_ =	swait.ge [sflag:s9], $0x2000  }
0x249: {  	[sflag:s9] =	ssyncset.done $0x0  }
0x24a: {  	[sflag:s9] =	ssyncadd.s32 $0xFFFFE000  }
0x24b: {  	[spmem:s0] =	stream.linear.scatter [tilespmem:s8], [sflag:$0x1], $0x2000, $0x38;
	[tilespmem:$0x1C800] =	vst v63  }
0x24c: {  	_ =	swait.ge [sflag:s9], $0x2000  }
0x24d: {  	[sflag:s9] =	ssyncset.done $0x0  }
0x24e: {  	[sflag:s9] =	ssyncadd.s32 $0xFFFFE000  }
0x24f: {  	[spmem:s2] =	stream.linear.scatter [tilespmem:s8], [sflag:$0x1], $0x2000, $0x38;
	[tilespmem:$0x1C800] =	vst v63  }
0x250: {  	_ =	swait.ge [sflag:s9], $0x2000  }
0x251: {  	[sflag:s9] =	ssyncset.done $0x0  }
0x252: {  	[sflag:s9] =	ssyncadd.s32 $0xFFFFE000  }
0x253: {  	s21 =	simm.s32 $0x0;
	[bflag:$0x0] =	sbarrier.arrive $0xFFFF  }
0x254: {  	[tilespmem:s11], [sflag:$0x1] =	stream.indirect.gather [hbm4b:s16+s13], $0x80, s21, s13, $0xb8;
	[tilespmem:$0x1C800] =	vst v63  }
0x255: {  	_ =	swait.ge [sflag:s9], $0x4000  }
0x256: {  	[sflag:s9] =	ssyncset.done $0x0  }
0x257: {  	s22 =	simm.s32 $0x1400;
	[sflag:s9] =	ssyncadd.s32 $0xFFFFC000  }
0x258: {  	[spmem:s1] =	stream.indirect.scatter.add.f32 [tilespmem:s11], [sflag:$0x1], $0x80, s22, s13, $0xb8;
	[tilespmem:$0x1C800] =	vst v63  }
0x259: {  	_ =	swait.ge [sflag:s9], $0x4000  }
0x25a: {  	s19 =	simm.s32 $0x200;
	s20 =	simm.s32 $0x400;
	[sflag:s9] =	ssyncset.done $0x0  }
.LBB2_9:
0x25b: {  	s3 =	sshra.s32 s19, $0x2  }
0x25c: {  	[sflag:s9] =	ssyncadd.s32 $0xFFFFC000;
	s19 =	smov.u32 s20;
	s21 =	sadd.s32 $0x200, s20  }
0x25d: {  	[tilespmem:s11], [sflag:$0x1] =	stream.indirect.gather [hbm4b:s16+s13], $0x80, s3, s13, $0xb8;
	[tilespmem:$0x1C800] =	vst v63  }
0x25e: {  	p1 =	seq.s32 s20, $0x4800;
	_ =	swait.ge [sflag:s9], $0x4000  }
.Ltmp11:
0x25f: {  	[sflag:s9] =	ssyncset.done $0x0;
	(pc) =	sbr.rel @!p1 .LBB2_9-.Ltmp11, $4  }
0x260: {  	s3 =	sadd.s32 $0x1400, s3;
	[sflag:s9] =	ssyncadd.s32 $0xFFFFC000  }
0x261: {  	[spmem:s1] =	stream.indirect.scatter.add.f32 [tilespmem:s11], [sflag:$0x1], $0x80, s3, s13, $0xb8;
	[tilespmem:$0x1C800] =	vst v63  }
0x262: {  	_ =	swait.ge [sflag:s9], $0x4000  }
0x263: {  	s20 =	smov.u32 s21;
	[sflag:s9] =	ssyncset.done $0x0  }
0x264: {  	s3 =	sshra.s32 s19, $0x2;
	[sflag:s9] =	ssyncadd.s32 $0xFFFFC000  }
0x265: {  	[tilespmem:s11], [sflag:$0x1] =	stream.indirect.gather [hbm4b:s16+s13], $0x80, s3, s13, $0xb8;
	[tilespmem:$0x1C800] =	vst v63  }
0x266: {  	_ =	swait.ge [sflag:s9], $0x4000  }
0x267: {  	[sflag:s9] =	ssyncset.done $0x0  }
.Ltmp12:
0x268: {  	s3 =	sadd.s32 $0x1400, s3;
	[sflag:s9] =	ssyncadd.s32 $0xFFFFC000;
	(pc) =	sbr.rel .LBB2_20-.Ltmp12, $4  }
0x269: {  	[spmem:s1] =	stream.indirect.scatter.add.f32 [tilespmem:s11], [sflag:$0x1], $0x80, s3, s13, $0xb8;
	[tilespmem:$0x1C800] =	vst v63  }
0x26a: {  	_ =	swait.ge [sflag:s9], $0x4000  }
0x26b: {  	[sflag:s9] =	ssyncset.done $0x0  }
0x26c: {  	s19 =	smov.u32 s6;
	[sflag:s9] =	ssyncadd.s32 $0xFFFFC000  }
.LBB2_21:
0x26d: {  	_ =	sfence.sel $0x180000  }
0x26e: {  	[bflag:$0x0] =	sbarrier.arrive $0xFFFF  }
0x26f: {  	_ =	strace $0x9000004D  }
0x270: {  	s0 =	stileid.u32;
	[bflag:$0x2] =	sbarrier.arrive $0xFFFF  }
0x271: {  	p0 =	sne.s32 s0, $0x0;
	s0 =	rddreg [dreg:$0x2]  }
0x272: {  	s0 =	sadd.s32 @!p0 $0x100000, s0  }
0x273: {  	[sflag:s0] =	ssyncadd.tile.s32 @!p0 $0x1;
	_ =	shalt  }
.Lfunc_end2:
_tile_overlayer_lowered:
.L_overlay_start_2:
0x274: {  	(tag) =	ssettag $0x2  }
0x275: {  	s0 =	rddreg [dreg:$0x0];
	s2 =	stileid.u32  }
0x276: {  	s1 =	rddreg [dreg:$0x1];
	p0 =	sne.s32 s2, $0x0  }
0x277: {  	s3 =	rddreg [dreg:$0x2];
	[bflag:$0x3] =	sbarrier.arrive $0xFFFF;
	s2 =	simm.s32 @!p0 $0x1C01  }
0x278: {  	[timem:s3], [sflag:s2] =	dma.local @!p0 [hbm:s0], s1  }
0x279: {  	s0 =	simm.s32 @!p0 $0x1  }
0x27a: {  	_ =	swait.ge @!p0 [sflag:s0], s1  }
0x27b: {  	s1 =	ssub.s32 @!p0 $0x0, s1;
	[sflag:s0] =	ssyncset.done @!p0 $0x0  }
0x27c: {  	[sflag:s0] =	ssyncadd.s32 @!p0 s1  }
0x27d: {  	[bflag:$0x3] =	sbarrier.arrive $0xFFFF  }
0x27e: {  	_ =	shalt  }

// kernel: kernel.19.cloned.1.call-start
scs
__scs_entry_jumppad:
0x0: {  	(pc) =	sbr.rel $0x88, $3  }
0x1: {  	(tag) =	ssettag $0x0;
	lr =	simm.s32 $0x1  }
0x2: {  	[smem:$0x3F93] =	sst lr;
	_ =	strace $0xD0000000  }
0x3: {  	_ = 	snop  }
0x4: {  	_ = 	snop  }
0x5: {  	_ = 	snop  }
0x6: {  	_ = 	snop  }
0x7: {  	_ = 	snop  }
__scs_overlays_trampoline_lowered:
0x8: {  	[smem:$0x3FA2] =	sst s0  }
0x9: {  	[smem:$0x3FA3] =	sst s1  }
0xa: {  	[smem:$0x3FA4] =	sst s2  }
0xb: {  	[smem:$0x3FA5] =	sst s3  }
0xc: {  	[smem:$0x3FA6] =	sst s4  }
0xd: {  	[smem:$0x3FA7] =	sst s5  }
0xe: {  	[smem:$0x3FA8] =	sst s6  }
0xf: {  	[smem:$0x3FA9] =	sst s7  }
0x10: {  	[smem:$0x3FAA] =	sst s8  }
0x11: {  	[smem:$0x3FAB] =	sst s9;
	s0 =	simm.s32 @!p0 $0x0  }
0x12: {  	s1 =	sld [smem:$0x3F91];
	s0 =	simm.s32 @p0 $0x1  }
0x13: {  	[smem:$0x3FAC] =	sst s0;
	s0 =	simm.s32 @!p1 $0x0  }
0x14: {  	s2 =	sld [smem:$0x3F90];
	s0 =	simm.s32 @p1 $0x1  }
0x15: {  	[smem:$0x3FAD] =	sst s0;
	s0 =	simm.s32 @!p2 $0x0  }
0x16: {  	s3 =	sld [smem:$0x3FDB];
	s0 =	simm.s32 @p2 $0x1  }
0x17: {  	s4 =	simm.s32 $0x1BF5;
	[smem:$0x3FAF] =	sst s0  }
0x18: {  	s0 =	sld [smem:$0x3F92];
	_ =	swait.ge [sflag:s4], $0x0  }
0x19: {  	s7 =	sld [smem:$0x3F93]  }
0x1a: {  	s8 =	sadd.s32 $0xFFFFE003, lr  }
0x1b: {  	s9 =	sadd.s32 $0xFFFFFEF7, lr;
	s5 =	simm.s32 $0xFFFFFFFF;
	p2 =	slt.u32 s8, $0xFFFFF086  }
0x1c: {  	p1 =	slt.u32 s9, $0xF7A;
	s5 =	simm.s32 @!p2 $0x0  }
0x1d: {  	s5 =	simm.s32 @p1 $0x1;
	p0 =	seq.s32 s7, s2  }
0x1e: {  	s7 =	smul.u32 @!p0 $0xF7A, s2;
	p2 =	seq.s32 @!p0 s5, $0x0  }
0x1f: {  	s9 =	smul.u32 $0xF7A, s1;
	s8 =	simm.s32 @!p0 $0x1BF5;
	p2 =	por !p2, p0  }
0x20: {  	[sflag:s8] =	ssyncset.s32 @!p0 $0xFFFFF086;
	s6 =	sadd.s32 @!p0 s3, s7;
	s7 =	simm.s32 @!p0 $0x108  }
0x21: {  	s3 =	sadd.s32 s3, s9;
	s6 =	sadd.s32 @!p0 $0x88, s6;
	s7 =	simm.s32 @p2 $0x1082  }
0x22: {  	[simem:s7], [sflag:s8] =	dma.local @!p0 [hbm:s6], $0xF7A  }
0x23: {  	s9 =	sor.u32 $0xD0000000, s2;
	s6 =	simm.s32 $0x108;
	_ =	swait.ge @!p0 [sflag:s8], $0x0  }
0x24: {  	s3 =	sadd.s32 $0x88, s3;
	s6 =	simm.s32 @!p1 $0x1082;
	[sflag:s4] =	ssyncset.s32 $0xFFFFF086  }
0x25: {  	[simem:s6], [sflag:s4] =	dma.local [hbm:s3], $0xF7A  }
0x26: {  	[smem:$0x3F93] =	sst s1;
	(tag) =	ssettag s2;
	_ =	strace s9  }
0x27: {  	s1 =	sld [smem:$0x3FA3]  }
0x28: {  	s2 =	sld [smem:$0x3FA4]  }
0x29: {  	s4 =	sld [smem:$0x3FA6]  }
0x2a: {  	p0 =	seq.s32 s5, $0x0;
	s5 =	sld [smem:$0x3FA7]  }
0x2b: {  	s6 =	sld [smem:$0x3FA8]  }
0x2c: {  	s7 =	sld [smem:$0x3FA9]  }
0x2d: {  	s3 =	simm.s32 $0x108;
	s8 =	sld [smem:$0x3FAA]  }
0x2e: {  	s3 =	simm.s32 @!p0 $0x1082;
	s9 =	sld [smem:$0x3FAB]  }
0x2f: {  	lr =	sadd.s32 s0, s3;
	s0 =	sld [smem:$0x3FA2]  }
0x30: {  	s3 =	sld [smem:$0x3FA5]  }
0x31: {  	[smem:$0x3FAE] =	sst s10  }
0x32: {  	s10 =	sld [smem:$0x3FAC];
	_ =	sdelay $0x3  }
0x33: {  	p0 =	seq.s32 s10, $0x1;
	s10 =	sld [smem:$0x3FAE];
	_ =	sdelay $0x3  }
0x34: {  	[smem:$0x3FAE] =	sst s10  }
0x35: {  	s10 =	sld [smem:$0x3FAD];
	_ =	sdelay $0x3  }
0x36: {  	p1 =	seq.s32 s10, $0x1;
	s10 =	sld [smem:$0x3FAE];
	_ =	sdelay $0x3  }
0x37: {  	[smem:$0x3FAE] =	sst s10  }
0x38: {  	s10 =	sld [smem:$0x3FAF]  }
0x39: {  	_ = 	snop;
	(pc) =	sbr.ind lr, $3  }
0x3a: {  	_ = 	snop  }
0x3b: {  	_ = 	snop  }
0x3c: {  	p2 =	seq.s32 s10, $0x1;
	s10 =	sld [smem:$0x3FAE]  }
0x3d: {  	_ =	shalt  }
0x3e: {  	_ =	shalt  }
0x3f: {  	_ =	shalt  }
0x40: {  	_ =	shalt  }
0x41: {  	_ =	shalt  }
0x42: {  	_ =	shalt  }
0x43: {  	_ =	shalt  }
0x44: {  	_ =	shalt  }
0x45: {  	_ =	shalt  }
0x46: {  	_ =	shalt  }
0x47: {  	_ =	shalt  }
0x48: {  	_ =	shalt  }
0x49: {  	_ =	shalt  }
0x4a: {  	_ =	shalt  }
0x4b: {  	_ =	shalt  }
0x4c: {  	_ =	shalt  }
0x4d: {  	_ =	shalt  }
0x4e: {  	_ =	shalt  }
0x4f: {  	_ =	shalt  }
0x50: {  	_ =	shalt  }
0x51: {  	_ =	shalt  }
0x52: {  	_ =	shalt  }
0x53: {  	_ =	shalt  }
0x54: {  	_ =	shalt  }
0x55: {  	_ =	shalt  }
0x56: {  	_ =	shalt  }
0x57: {  	_ =	shalt  }
0x58: {  	_ =	shalt  }
0x59: {  	_ =	shalt  }
0x5a: {  	_ =	shalt  }
0x5b: {  	_ =	shalt  }
0x5c: {  	_ =	shalt  }
0x5d: {  	_ =	shalt  }
0x5e: {  	_ =	shalt  }
0x5f: {  	_ =	shalt  }
0x60: {  	_ =	shalt  }
0x61: {  	_ =	shalt  }
0x62: {  	_ =	shalt  }
0x63: {  	_ =	shalt  }
0x64: {  	_ =	shalt  }
0x65: {  	_ =	shalt  }
0x66: {  	_ =	shalt  }
0x67: {  	_ =	shalt  }
0x68: {  	_ =	shalt  }
0x69: {  	_ =	shalt  }
0x6a: {  	_ =	shalt  }
0x6b: {  	_ =	shalt  }
0x6c: {  	_ =	shalt  }
0x6d: {  	_ =	shalt  }
0x6e: {  	_ =	shalt  }
0x6f: {  	_ =	shalt  }
0x70: {  	_ =	shalt  }
0x71: {  	_ =	shalt  }
0x72: {  	_ =	shalt  }
0x73: {  	_ =	shalt  }
0x74: {  	_ =	shalt  }
0x75: {  	_ =	shalt  }
0x76: {  	_ =	shalt  }
0x77: {  	_ =	shalt  }
0x78: {  	_ =	shalt  }
0x79: {  	_ =	shalt  }
0x7a: {  	_ =	shalt  }
0x7b: {  	_ =	shalt  }
0x7c: {  	_ =	shalt  }
0x7d: {  	_ =	shalt  }
0x7e: {  	_ =	shalt  }
0x7f: {  	_ =	shalt  }
0x80: {  	_ =	shalt  }
0x81: {  	_ =	shalt  }
0x82: {  	_ =	shalt  }
0x83: {  	_ =	shalt  }
0x84: {  	_ =	shalt  }
0x85: {  	_ =	shalt  }
0x86: {  	_ =	shalt  }
0x87: {  	_ =	shalt  }
.Lfunc_end0:
.L_simem_size_0:
called_computation.3_lowered:
.L_overlay_start_0:
0x88: {  	s2 =	sld [smem:$0x3FD9]  }
0x89: {  	s3 =	sld [smem:$0x3FFE];
	_ =	sdelay $0x1  }
0x8a: {  	s1 =	srdreg.scid  }
0x8b: {  	s0 =	sand.u32 $0x1, s1  }
0x8c: {  	s17 =	sshll.u32 s0, $0xA;
	s2 =	sadd.s32 s3, s2  }
0x8d: {  	s2 =	sadd.s32 s2, s17  }
0x8e: {  	[smem:$0x3FBA] =	sst s2  }
0x8f: {  	_ = 	snop  }
0x90: {  	s2 =	sld [smem:$0x3FD0];
	(tm) =	ssettm $0x1  }
0x91: {  	s18 =	sld [smem:$0x3FFB];
	_ =	sdelay $0x3  }
0x92: {  	_ =	strace s18  }
0x93: {  	s3 =	sld [smem:$0x3FFC];
	_ =	sdelay $0x3  }
0x94: {  	_ =	strace s3  }
0x95: {  	s3 =	sld [smem:$0x3FFD];
	_ =	sdelay $0x3  }
0x96: {  	_ =	strace s3  }
0x97: {  	_ =	strace $0x8FFFFFFF  }
0x98: {  	s19 =	sld [smem:$0x3FDB];
	_ =	sdelay $0x1  }
0x99: {  	s4 =	simm.s32 $_scs_section_size  }
0x9a: {  	s5 =	simm.s32 $_size__tile_overlayer_lowered;
	s6 =	simm.s32 $_tile_overlayer_lowered  }
0x9b: {  	s22 =	simm.s32 $0x1BFF;
	s21 =	sshll.u32 s6, $0x1;
	s3 =	sadd.s32 s4, s19  }
0x9c: {  	s7 =	simm.s32 $0x0;
	s20 =	sshll.u32 s5, $0x1;
	s5 =	sadd.s32 s21, s3  }
0x9d: {  	[timem:s7], [sflag:s22] =	dma.local [hbm:s5], s20  }
0x9e: {  	_ =	swait.ge [sflag:s22], s20  }
0x9f: {  	s4 =	ssub.s32 $0x0, s20;
	[sflag:s22] =	ssyncset.done $0x0  }
0xa0: {  	[sflag:s22] =	ssyncadd.s32 s4;
	_ =	sdelay $0x1  }
0xa1: {  	s23 =	simm.s32 $0x1B8B  }
0xa2: {  	_ =	swait.ge [sflag:s23], $0x1  }
0xa3: {  	[sflag:s23] =	ssyncset.done $0x0  }
0xa4: {  	s25 =	simm.s32 $0x1B8E;
	s24 =	sld [smem:$0x3FFE];
	[sflag:s23] =	ssyncadd.s32 $0xFFFFFFFF  }
0xa5: {  	s26 =	simm.s32 $execute0_lowered;
	[smem:$0x3FD2] =	sst s25  }
0xa6: {  	s5 =	sshll.u32 s26, $0x1;
	_ =	strace $0x8000004F;
	[dreg:$0x1] =	wrdreg $0xFFFFFFFF  }
0xa7: {  	s28 =	simm.s32 $_size_execute0_lowered;
	s3 =	sadd.s32 s3, s5;
	[dreg:$0x0] =	wrdreg $0x0  }
0xa8: {  	s5 =	sshll.u32 s28, $0x1;
	[dreg:$0x2] =	wrdreg s3  }
0xa9: {  	[dreg:$0x3] =	wrdreg s5  }
0xaa: {  	[dreg:$0x4] =	wrdreg $0xC0  }
0xab: {  	_ =	task [dreg:s7], $0x5FFFF  }
0xac: {  	[dreg:$0x1] =	wrdreg $0xFFFFFFFF  }
0xad: {  	[dreg:$0x0] =	wrdreg $0x60  }
0xae: {  	[dreg:$0x2] =	wrdreg s24  }
0xaf: {  	[dreg:$0x3] =	wrdreg s2  }
0xb0: {  	[dreg:$0x4] =	wrdreg $0x9  }
0xb1: {  	_ =	task.clear_ibuf [dreg:s7], $0x5FFFF;
	_ =	strace $0x9000004F  }
0xb2: {  	s29 =	simm.s32 $0x9;
	_ =	strace $0x80000051  }
0xb3: {  	_ =	swait.ge [sflag:s29], $0x1  }
0xb4: {  	[sflag:s29] =	ssyncadd.s32 $0xFFFFFFFF  }
0xb5: {  	_ =	strace $0x90000051  }
0xb6: {  	_ =	sfence  }
0xb7: {  	s30 =	sld [smem:$0x0];
	_ =	sdelay $0x2  }
0xb8: {  	s31 =	sshll.u32 s1, $0xD;
	s1 =	sshrl.u32 s1, $0x2  }
0xb9: {  	s3 =	sand.u32 $0x4000, s31;
	s1 =	sadd.s32 s1, s30  }
0xba: {  	s0 =	sor.u32 s3, s0;
	s1 =	sshll.u32 s1, $0x11  }
0xbb: {  	s0 =	sor.u32 s1, s0  }
0xbc: {  	s0 =	sadd.s32 $0x8F2B, s0  }
0xbd: {  	[sflag:s0] =	ssyncadd.remote.s32 $0x1  }
0xbe: {  	_ =	sfence.sel $0xFFFF  }
0xbf: {  	[dreg:$0x0] =	wrdreg $0xFFFFFFFF;
	(pc) =	sbr.abs _section_cstart, $3  }
0xc0: {  	[dreg:$0x1] =	wrdreg $0xFFFFFFFF  }
0xc1: {  	_ =	task.clear_ibuf [dreg:s7], $0x2FFFF;
	_ =	strace $0x9FFFFFFF  }
0xc2: {  	(tm) =	ssettm $0x7FFFFFFF  }
0xc3: {  	_ =	shalt  }
tec
execute0_lowered:
.L_overlay_start_1:
0x0: {  	(tag) =	ssettag $0x1  }
0x1: {  	s5 =	rddreg [dreg:$0x0]  }
0x2: {  	s6 =	rddreg [dreg:$0x1]  }
0x3: {  	s0 =	rddreg [dreg:$0x2]  }
0x4: {  	s2 =	simm.s32 $0x0;
	s3 =	srdreg.scid;
	s1 =	stileid.u32  }
0x5: {  	s10 =	simm.s32 $0x880;
	s11 =	simm.s32 $0x1080;
	s12 =	simm.s32 $0x1880  }
0x6: {  	s13 =	simm.s32 $0x2080;
	s14 =	simm.s32 $0x2880;
	s15 =	simm.s32 $0x3080  }
0x7: {  	s16 =	simm.s32 $0x3880;
	s17 =	simm.s32 $0x4080;
	s18 =	simm.s32 $0x4880  }
0x8: {  	s19 =	simm.s32 $0x5080;
	s20 =	simm.s32 $0x5880;
	s21 =	simm.s32 $0x6080  }
0x9: {  	s22 =	simm.s32 $0x6880;
	s23 =	simm.s32 $0x7080;
	s24 =	simm.s32 $0x7880  }
0xa: {  	[smem:$0x7FF] =	sst s2;
	s3 =	sand.u32 $0x1, s3;
	s4 =	sshll.u32 s1, $0x1  }
0xb: {  	_ =	strace $0x80000050;
	s4 =	sor.u32 s3, s4;
	s7 =	ssub.s32 $0x2, s3  }
0xc: {  	s3 =	sadd.s32 $0x14D200, s5;
	s8 =	sshll.u32 s4, $0x4;
	s9 =	sshrl.u32 s7, $0x1  }
0xd: {  	v2 =	vlaneseq.u32;
	s31 =	sshll.u32 s4, $0xC;
	s8 =	sadd.s32 s8, s5;
	s7 =	ssub.s32 s7, s9  }
0xe: {  	vm0 =	vmmov $0xffff;
	v1 =	vshrl.u32 v2, $0x3;
	s5 =	sadd.s32 $0x14D300, s5;
	s6 =	sadd.s32 s6, s31;
	s9 =	simm.s32 $0x80  }
0xf: {  	v0 =	vand.u32 $0x7, v2;
	v2 =	vor.u32 $0x8, v2;
	v1 =	vmul.u32 $0x8, v1;
	s4 =	sadd.s32 $0x14D000, s8;
	s7 =	smax.u32 s7, $0x1;
	s8 =	simm.s32 $0x1  }
.LBB2_1:
0x10: {  	[tilespmem:s2], [sflag:$0x1] =	stream.linear.gather [hbm4b:s4+s2], $0x80, $0x38;
	[tilespmem:$0x8080] =	vst v63  }
0x11: {  	_ =	swait.ge [sflag:s8], $0x80  }
0x12: {  	[sflag:s8] =	ssyncset.done $0x0  }
0x13: {  	[sflag:s8] =	ssyncadd.s32 $0xFFFFFF80  }
0x14: {  	v3 =	vld [tilespmem:$0x0];
	_ =	sdelay $0x4  }
0x15: {  	v4 =	vshll.u32 v3, $0x2  }
0x16: {  	v3 =	vand.u32 $0x7, v3;
	v4 =	vand.u32 $0xFFFFFFE0, v4  }
0x17: {  	v3 =	vor.u32 v3, v4  }
0x18: {  	v4 =	vperm.xlane v3, v0;
	_ =	sdelay $0x1  }
0x19: {  	v4 =	vadd.s32 v1, v4;
	_ =	sdelay $0x1  }
0x1a: {  	v3 =	vperm.xlane v3, v2;
	_ =	sdelay $0x1  }
0x1b: {  	v3 =	vadd.s32 v1, v3  }
0x1c: {  	[tilespmem:s9], [sflag:$0x1] =	stream.indirect_vreg.gather [hbm4b:s3+s2], $0x80, v4, vm0, $0xb8;
	[tilespmem:$0x8080] =	vst v63  }
0x1d: {  	_ = 	snop  }
0x1e: {  	[tilespmem:s10], [sflag:$0x1] =	stream.indirect_vreg.gather [hbm4b:s5+s2], $0x80, v4, vm0, $0xb8;
	[tilespmem:$0x8080] =	vst v63  }
0x1f: {  	_ = 	snop  }
0x20: {  	[tilespmem:s11], [sflag:$0x1] =	stream.indirect_vreg.gather [hbm4b:s3+s2], $0x80, v3, vm0, $0xb8;
	[tilespmem:$0x8080] =	vst v63  }
0x21: {  	_ = 	snop  }
0x22: {  	[tilespmem:s12], [sflag:$0x1] =	stream.indirect_vreg.gather [hbm4b:s5+s2], $0x80, v3, vm0, $0xb8;
	[tilespmem:$0x8080] =	vst v63  }
0x23: {  	v3 =	vld [tilespmem:$0x10];
	_ =	sdelay $0x4  }
0x24: {  	v61 =	vshll.u32 v3, $0x2  }
0x25: {  	v3 =	vand.u32 $0x7, v3;
	v4 =	vand.u32 $0xFFFFFFE0, v61  }
0x26: {  	v3 =	vor.u32 v3, v4  }
0x27: {  	v4 =	vperm.xlane v3, v0;
	_ =	sdelay $0x1  }
0x28: {  	v4 =	vadd.s32 v1, v4;
	_ =	sdelay $0x1  }
0x29: {  	v3 =	vperm.xlane v3, v2;
	_ =	sdelay $0x1  }
0x2a: {  	v3 =	vadd.s32 v1, v3  }
0x2b: {  	[tilespmem:s13], [sflag:$0x1] =	stream.indirect_vreg.gather [hbm4b:s3+s2], $0x80, v4, vm0, $0xb8;
	[tilespmem:$0x8080] =	vst v63  }
0x2c: {  	_ = 	snop  }
0x2d: {  	[tilespmem:s14], [sflag:$0x1] =	stream.indirect_vreg.gather [hbm4b:s5+s2], $0x80, v4, vm0, $0xb8;
	[tilespmem:$0x8080] =	vst v63  }
0x2e: {  	_ = 	snop  }
0x2f: {  	[tilespmem:s15], [sflag:$0x1] =	stream.indirect_vreg.gather [hbm4b:s3+s2], $0x80, v3, vm0, $0xb8;
	[tilespmem:$0x8080] =	vst v63  }
0x30: {  	_ = 	snop  }
0x31: {  	[tilespmem:s16], [sflag:$0x1] =	stream.indirect_vreg.gather [hbm4b:s5+s2], $0x80, v3, vm0, $0xb8;
	[tilespmem:$0x8080] =	vst v63  }
0x32: {  	v3 =	vld [tilespmem:$0x20];
	_ =	sdelay $0x4  }
0x33: {  	v62 =	vshll.u32 v3, $0x2  }
0x34: {  	v3 =	vand.u32 $0x7, v3;
	v4 =	vand.u32 $0xFFFFFFE0, v62  }
0x35: {  	v3 =	vor.u32 v3, v4  }
0x36: {  	v4 =	vperm.xlane v3, v0;
	_ =	sdelay $0x1  }
0x37: {  	v4 =	vadd.s32 v1, v4;
	_ =	sdelay $0x1  }
0x38: {  	v3 =	vperm.xlane v3, v2;
	_ =	sdelay $0x1  }
0x39: {  	v3 =	vadd.s32 v1, v3  }
0x3a: {  	[tilespmem:s17], [sflag:$0x1] =	stream.indirect_vreg.gather [hbm4b:s3+s2], $0x80, v4, vm0, $0xb8;
	[tilespmem:$0x8080] =	vst v63  }
0x3b: {  	_ = 	snop  }
0x3c: {  	[tilespmem:s18], [sflag:$0x1] =	stream.indirect_vreg.gather [hbm4b:s5+s2], $0x80, v4, vm0, $0xb8;
	[tilespmem:$0x8080] =	vst v63  }
0x3d: {  	_ = 	snop  }
0x3e: {  	[tilespmem:s19], [sflag:$0x1] =	stream.indirect_vreg.gather [hbm4b:s3+s2], $0x80, v3, vm0, $0xb8;
	[tilespmem:$0x8080] =	vst v63  }
0x3f: {  	_ = 	snop  }
0x40: {  	[tilespmem:s20], [sflag:$0x1] =	stream.indirect_vreg.gather [hbm4b:s5+s2], $0x80, v3, vm0, $0xb8;
	[tilespmem:$0x8080] =	vst v63  }
0x41: {  	v3 =	vld [tilespmem:$0x30];
	_ =	sdelay $0x4  }
0x42: {  	v63 =	vshll.u32 v3, $0x2  }
0x43: {  	v3 =	vand.u32 $0x7, v3;
	v4 =	vand.u32 $0xFFFFFFE0, v63  }
0x44: {  	v3 =	vor.u32 v3, v4  }
0x45: {  	v4 =	vperm.xlane v3, v0;
	_ =	sdelay $0x1  }
0x46: {  	v4 =	vadd.s32 v1, v4;
	_ =	sdelay $0x1  }
0x47: {  	v3 =	vperm.xlane v3, v2;
	_ =	sdelay $0x1  }
0x48: {  	v3 =	vadd.s32 v1, v3  }
0x49: {  	[tilespmem:s21], [sflag:$0x1] =	stream.indirect_vreg.gather [hbm4b:s3+s2], $0x80, v4, vm0, $0xb8;
	[tilespmem:$0x8080] =	vst v63  }
0x4a: {  	_ = 	snop  }
0x4b: {  	[tilespmem:s22], [sflag:$0x1] =	stream.indirect_vreg.gather [hbm4b:s5+s2], $0x80, v4, vm0, $0xb8;
	[tilespmem:$0x8080] =	vst v63  }
0x4c: {  	_ = 	snop  }
0x4d: {  	[tilespmem:s23], [sflag:$0x1] =	stream.indirect_vreg.gather [hbm4b:s3+s2], $0x80, v3, vm0, $0xb8;
	[tilespmem:$0x8080] =	vst v63  }
0x4e: {  	_ = 	snop  }
0x4f: {  	[tilespmem:s24], [sflag:$0x1] =	stream.indirect_vreg.gather [hbm4b:s5+s2], $0x80, v3, vm0, $0xb8;
	[tilespmem:$0x8080] =	vst v63  }
0x50: {  	_ =	swait.ge [sflag:s8], $0x8000  }
0x51: {  	p0 =	sne.s32 s7, $0x1;
	[sflag:s8] =	ssyncset.done $0x0  }
.Ltmp0:
0x52: {  	[sflag:s8] =	ssyncadd.s32 $0xFFFF8000;
	(pc) =	sbr.rel @p0 .LBB2_1-.Ltmp0, $4  }
0x53: {  	[hbm4b:s6+s2] =	stream.linear.scatter [tilespmem:s9], [sflag:$0x1], $0x8000, $0x38;
	[tilespmem:$0x8080] =	vst v63  }
0x54: {  	_ =	swait.ge [sflag:s8], $0x8000  }
0x55: {  	[sflag:s8] =	ssyncset.done $0x0  }
0x56: {  	s7 =	sadd.s32 $0xFFFFFFFF, s7;
	[sflag:s8] =	ssyncadd.s32 $0xFFFF8000  }
0x57: {  	_ =	sfence.sel $0x180000  }
0x58: {  	[bflag:$0x0] =	sbarrier.arrive $0xFFFF  }
0x59: {  	p0 =	sne.s32 s1, $0x0;
	_ =	strace $0x90000050  }
0x5a: {  	s0 =	sadd.s32 @!p0 $0x100000, s0;
	[bflag:$0x2] =	sbarrier.arrive $0xFFFF  }
0x5b: {  	[sflag:s0] =	ssyncadd.tile.s32 @!p0 $0x1;
	_ =	shalt  }
.Lfunc_end2:
_tile_overlayer_lowered:
.L_overlay_start_2:
0x5c: {  	(tag) =	ssettag $0x2  }
0x5d: {  	s0 =	rddreg [dreg:$0x0];
	s2 =	stileid.u32  }
0x5e: {  	s1 =	rddreg [dreg:$0x1];
	p0 =	sne.s32 s2, $0x0  }
0x5f: {  	s3 =	rddreg [dreg:$0x2];
	[bflag:$0x3] =	sbarrier.arrive $0xFFFF;
	s2 =	simm.s32 @!p0 $0x1C01  }
0x60: {  	[timem:s3], [sflag:s2] =	dma.local @!p0 [hbm:s0], s1  }
0x61: {  	s0 =	simm.s32 @!p0 $0x1  }
0x62: {  	_ =	swait.ge @!p0 [sflag:s0], s1  }
0x63: {  	s1 =	ssub.s32 @!p0 $0x0, s1;
	[sflag:s0] =	ssyncset.done @!p0 $0x0  }
0x64: {  	[sflag:s0] =	ssyncadd.s32 @!p0 s1  }
0x65: {  	[bflag:$0x3] =	sbarrier.arrive $0xFFFF  }
0x66: {  	_ =	shalt  }

// kernel: kernel.22.cloned.1.call-start
scs
__scs_entry_jumppad:
0x0: {  	(pc) =	sbr.rel $0x88, $3  }
0x1: {  	(tag) =	ssettag $0x0;
	lr =	simm.s32 $0x1  }
0x2: {  	[smem:$0x3F93] =	sst lr;
	_ =	strace $0xD0000000  }
0x3: {  	_ = 	snop  }
0x4: {  	_ = 	snop  }
0x5: {  	_ = 	snop  }
0x6: {  	_ = 	snop  }
0x7: {  	_ = 	snop  }
__scs_overlays_trampoline_lowered:
0x8: {  	[smem:$0x3FA2] =	sst s0  }
0x9: {  	[smem:$0x3FA3] =	sst s1  }
0xa: {  	[smem:$0x3FA4] =	sst s2  }
0xb: {  	[smem:$0x3FA5] =	sst s3  }
0xc: {  	[smem:$0x3FA6] =	sst s4  }
0xd: {  	[smem:$0x3FA7] =	sst s5  }
0xe: {  	[smem:$0x3FA8] =	sst s6  }
0xf: {  	[smem:$0x3FA9] =	sst s7  }
0x10: {  	[smem:$0x3FAA] =	sst s8  }
0x11: {  	[smem:$0x3FAB] =	sst s9;
	s0 =	simm.s32 @!p0 $0x0  }
0x12: {  	s1 =	sld [smem:$0x3F91];
	s0 =	simm.s32 @p0 $0x1  }
0x13: {  	[smem:$0x3FAC] =	sst s0;
	s0 =	simm.s32 @!p1 $0x0  }
0x14: {  	s2 =	sld [smem:$0x3F90];
	s0 =	simm.s32 @p1 $0x1  }
0x15: {  	[smem:$0x3FAD] =	sst s0;
	s0 =	simm.s32 @!p2 $0x0  }
0x16: {  	s3 =	sld [smem:$0x3FDB];
	s0 =	simm.s32 @p2 $0x1  }
0x17: {  	s4 =	simm.s32 $0x1BF5;
	[smem:$0x3FAF] =	sst s0  }
0x18: {  	s0 =	sld [smem:$0x3F92];
	_ =	swait.ge [sflag:s4], $0x0  }
0x19: {  	s7 =	sld [smem:$0x3F93]  }
0x1a: {  	s8 =	sadd.s32 $0xFFFFE003, lr  }
0x1b: {  	s9 =	sadd.s32 $0xFFFFFEF7, lr;
	s5 =	simm.s32 $0xFFFFFFFF;
	p2 =	slt.u32 s8, $0xFFFFF086  }
0x1c: {  	p1 =	slt.u32 s9, $0xF7A;
	s5 =	simm.s32 @!p2 $0x0  }
0x1d: {  	s5 =	simm.s32 @p1 $0x1;
	p0 =	seq.s32 s7, s2  }
0x1e: {  	s7 =	smul.u32 @!p0 $0xF7A, s2;
	p2 =	seq.s32 @!p0 s5, $0x0  }
0x1f: {  	s9 =	smul.u32 $0xF7A, s1;
	s8 =	simm.s32 @!p0 $0x1BF5;
	p2 =	por !p2, p0  }
0x20: {  	[sflag:s8] =	ssyncset.s32 @!p0 $0xFFFFF086;
	s6 =	sadd.s32 @!p0 s3, s7;
	s7 =	simm.s32 @!p0 $0x108  }
0x21: {  	s3 =	sadd.s32 s3, s9;
	s6 =	sadd.s32 @!p0 $0x88, s6;
	s7 =	simm.s32 @p2 $0x1082  }
0x22: {  	[simem:s7], [sflag:s8] =	dma.local @!p0 [hbm:s6], $0xF7A  }
0x23: {  	s9 =	sor.u32 $0xD0000000, s2;
	s6 =	simm.s32 $0x108;
	_ =	swait.ge @!p0 [sflag:s8], $0x0  }
0x24: {  	s3 =	sadd.s32 $0x88, s3;
	s6 =	simm.s32 @!p1 $0x1082;
	[sflag:s4] =	ssyncset.s32 $0xFFFFF086  }
0x25: {  	[simem:s6], [sflag:s4] =	dma.local [hbm:s3], $0xF7A  }
0x26: {  	[smem:$0x3F93] =	sst s1;
	(tag) =	ssettag s2;
	_ =	strace s9  }
0x27: {  	s1 =	sld [smem:$0x3FA3]  }
0x28: {  	s2 =	sld [smem:$0x3FA4]  }
0x29: {  	s4 =	sld [smem:$0x3FA6]  }
0x2a: {  	p0 =	seq.s32 s5, $0x0;
	s5 =	sld [smem:$0x3FA7]  }
0x2b: {  	s6 =	sld [smem:$0x3FA8]  }
0x2c: {  	s7 =	sld [smem:$0x3FA9]  }
0x2d: {  	s3 =	simm.s32 $0x108;
	s8 =	sld [smem:$0x3FAA]  }
0x2e: {  	s3 =	simm.s32 @!p0 $0x1082;
	s9 =	sld [smem:$0x3FAB]  }
0x2f: {  	lr =	sadd.s32 s0, s3;
	s0 =	sld [smem:$0x3FA2]  }
0x30: {  	s3 =	sld [smem:$0x3FA5]  }
0x31: {  	[smem:$0x3FAE] =	sst s10  }
0x32: {  	s10 =	sld [smem:$0x3FAC];
	_ =	sdelay $0x3  }
0x33: {  	p0 =	seq.s32 s10, $0x1;
	s10 =	sld [smem:$0x3FAE];
	_ =	sdelay $0x3  }
0x34: {  	[smem:$0x3FAE] =	sst s10  }
0x35: {  	s10 =	sld [smem:$0x3FAD];
	_ =	sdelay $0x3  }
0x36: {  	p1 =	seq.s32 s10, $0x1;
	s10 =	sld [smem:$0x3FAE];
	_ =	sdelay $0x3  }
0x37: {  	[smem:$0x3FAE] =	sst s10  }
0x38: {  	s10 =	sld [smem:$0x3FAF]  }
0x39: {  	_ = 	snop;
	(pc) =	sbr.ind lr, $3  }
0x3a: {  	_ = 	snop  }
0x3b: {  	_ = 	snop  }
0x3c: {  	p2 =	seq.s32 s10, $0x1;
	s10 =	sld [smem:$0x3FAE]  }
0x3d: {  	_ =	shalt  }
0x3e: {  	_ =	shalt  }
0x3f: {  	_ =	shalt  }
0x40: {  	_ =	shalt  }
0x41: {  	_ =	shalt  }
0x42: {  	_ =	shalt  }
0x43: {  	_ =	shalt  }
0x44: {  	_ =	shalt  }
0x45: {  	_ =	shalt  }
0x46: {  	_ =	shalt  }
0x47: {  	_ =	shalt  }
0x48: {  	_ =	shalt  }
0x49: {  	_ =	shalt  }
0x4a: {  	_ =	shalt  }
0x4b: {  	_ =	shalt  }
0x4c: {  	_ =	shalt  }
0x4d: {  	_ =	shalt  }
0x4e: {  	_ =	shalt  }
0x4f: {  	_ =	shalt  }
0x50: {  	_ =	shalt  }
0x51: {  	_ =	shalt  }
0x52: {  	_ =	shalt  }
0x53: {  	_ =	shalt  }
0x54: {  	_ =	shalt  }
0x55: {  	_ =	shalt  }
0x56: {  	_ =	shalt  }
0x57: {  	_ =	shalt  }
0x58: {  	_ =	shalt  }
0x59: {  	_ =	shalt  }
0x5a: {  	_ =	shalt  }
0x5b: {  	_ =	shalt  }
0x5c: {  	_ =	shalt  }
0x5d: {  	_ =	shalt  }
0x5e: {  	_ =	shalt  }
0x5f: {  	_ =	shalt  }
0x60: {  	_ =	shalt  }
0x61: {  	_ =	shalt  }
0x62: {  	_ =	shalt  }
0x63: {  	_ =	shalt  }
0x64: {  	_ =	shalt  }
0x65: {  	_ =	shalt  }
0x66: {  	_ =	shalt  }
0x67: {  	_ =	shalt  }
0x68: {  	_ =	shalt  }
0x69: {  	_ =	shalt  }
0x6a: {  	_ =	shalt  }
0x6b: {  	_ =	shalt  }
0x6c: {  	_ =	shalt  }
0x6d: {  	_ =	shalt  }
0x6e: {  	_ =	shalt  }
0x6f: {  	_ =	shalt  }
0x70: {  	_ =	shalt  }
0x71: {  	_ =	shalt  }
0x72: {  	_ =	shalt  }
0x73: {  	_ =	shalt  }
0x74: {  	_ =	shalt  }
0x75: {  	_ =	shalt  }
0x76: {  	_ =	shalt  }
0x77: {  	_ =	shalt  }
0x78: {  	_ =	shalt  }
0x79: {  	_ =	shalt  }
0x7a: {  	_ =	shalt  }
0x7b: {  	_ =	shalt  }
0x7c: {  	_ =	shalt  }
0x7d: {  	_ =	shalt  }
0x7e: {  	_ =	shalt  }
0x7f: {  	_ =	shalt  }
0x80: {  	_ =	shalt  }
0x81: {  	_ =	shalt  }
0x82: {  	_ =	shalt  }
0x83: {  	_ =	shalt  }
0x84: {  	_ =	shalt  }
0x85: {  	_ =	shalt  }
0x86: {  	_ =	shalt  }
0x87: {  	_ =	shalt  }
.Lfunc_end0:
.L_simem_size_0:
called_computation.4_lowered:
.L_overlay_start_0:
0x88: {  	s2 =	sld [smem:$0x3FD9]  }
0x89: {  	s3 =	sld [smem:$0x3FFE];
	_ =	sdelay $0x1  }
0x8a: {  	s1 =	srdreg.scid  }
0x8b: {  	s0 =	sand.u32 $0x1, s1  }
0x8c: {  	s17 =	sshll.u32 s0, $0xA;
	s2 =	sadd.s32 s3, s2  }
0x8d: {  	s2 =	sadd.s32 s2, s17  }
0x8e: {  	[smem:$0x3FBA] =	sst s2  }
0x8f: {  	_ = 	snop  }
0x90: {  	s2 =	sld [smem:$0x3FC6]  }
0x91: {  	s18 =	sld [smem:$0x3FD0];
	(tm) =	ssettm $0x1  }
0x92: {  	s4 =	sld [smem:$0x3FFB];
	_ =	sdelay $0x3  }
0x93: {  	_ =	strace s4  }
0x94: {  	s4 =	sld [smem:$0x3FFC];
	_ =	sdelay $0x3  }
0x95: {  	_ =	strace s4  }
0x96: {  	s4 =	sld [smem:$0x3FFD];
	_ =	sdelay $0x3  }
0x97: {  	_ =	strace s4  }
0x98: {  	_ =	strace $0x8FFFFFFF  }
0x99: {  	s19 =	sld [smem:$0x3FDB];
	_ =	sdelay $0x1  }
0x9a: {  	s5 =	simm.s32 $_scs_section_size  }
0x9b: {  	s6 =	simm.s32 $_size__tile_overlayer_lowered;
	s7 =	simm.s32 $_tile_overlayer_lowered  }
0x9c: {  	s22 =	simm.s32 $0x1BFF;
	s21 =	sshll.u32 s7, $0x1;
	s4 =	sadd.s32 s5, s19  }
0x9d: {  	s8 =	simm.s32 $0x0;
	s20 =	sshll.u32 s6, $0x1;
	s6 =	sadd.s32 s21, s4  }
0x9e: {  	[timem:s8], [sflag:s22] =	dma.local [hbm:s6], s20  }
0x9f: {  	_ =	swait.ge [sflag:s22], s20  }
0xa0: {  	s5 =	ssub.s32 $0x0, s20;
	[sflag:s22] =	ssyncset.done $0x0  }
0xa1: {  	[sflag:s22] =	ssyncadd.s32 s5;
	_ =	sdelay $0x1  }
0xa2: {  	s23 =	simm.s32 $0x1B8B  }
0xa3: {  	_ =	swait.ge [sflag:s23], $0x1  }
0xa4: {  	[sflag:s23] =	ssyncset.done $0x0  }
0xa5: {  	s25 =	simm.s32 $0x1B8E;
	s24 =	sld [smem:$0x3FFE];
	[sflag:s23] =	ssyncadd.s32 $0xFFFFFFFF  }
0xa6: {  	s26 =	simm.s32 $execute0_lowered;
	[smem:$0x3FD2] =	sst s25  }
0xa7: {  	s6 =	sshll.u32 s26, $0x1;
	_ =	strace $0x80000052;
	[dreg:$0x1] =	wrdreg $0xFFFFFFFF  }
0xa8: {  	s28 =	simm.s32 $_size_execute0_lowered;
	s4 =	sadd.s32 s4, s6;
	[dreg:$0x0] =	wrdreg $0x0  }
0xa9: {  	s6 =	sshll.u32 s28, $0x1;
	[dreg:$0x2] =	wrdreg s4  }
0xaa: {  	[dreg:$0x3] =	wrdreg s6  }
0xab: {  	[dreg:$0x4] =	wrdreg $0xC0  }
0xac: {  	_ =	task [dreg:s8], $0x5FFFF  }
0xad: {  	[dreg:$0x1] =	wrdreg $0xFFFFFFFF  }
0xae: {  	[dreg:$0x0] =	wrdreg $0x60  }
0xaf: {  	[dreg:$0x2] =	wrdreg s24  }
0xb0: {  	[dreg:$0x3] =	wrdreg s18  }
0xb1: {  	[dreg:$0x4] =	wrdreg s2  }
0xb2: {  	[dreg:$0x5] =	wrdreg $0x9  }
0xb3: {  	_ =	task.clear_ibuf [dreg:s8], $0x6FFFF;
	_ =	strace $0x90000052  }
0xb4: {  	s29 =	simm.s32 $0x9;
	_ =	strace $0x80000054  }
0xb5: {  	_ =	swait.ge [sflag:s29], $0x1  }
0xb6: {  	[sflag:s29] =	ssyncadd.s32 $0xFFFFFFFF  }
0xb7: {  	_ =	strace $0x90000054  }
0xb8: {  	_ =	sfence  }
0xb9: {  	s30 =	sld [smem:$0x0];
	_ =	sdelay $0x2  }
0xba: {  	s31 =	sshll.u32 s1, $0xD;
	s1 =	sshrl.u32 s1, $0x2  }
0xbb: {  	s3 =	sand.u32 $0x4000, s31;
	s1 =	sadd.s32 s1, s30  }
0xbc: {  	s0 =	sor.u32 s3, s0;
	s1 =	sshll.u32 s1, $0x11  }
0xbd: {  	s0 =	sor.u32 s1, s0  }
0xbe: {  	s0 =	sadd.s32 $0x8F2B, s0  }
0xbf: {  	[sflag:s0] =	ssyncadd.remote.s32 $0x1  }
0xc0: {  	_ =	sfence.sel $0xFFFF  }
0xc1: {  	[dreg:$0x0] =	wrdreg $0xFFFFFFFF;
	(pc) =	sbr.abs _section_cstart, $3  }
0xc2: {  	[dreg:$0x1] =	wrdreg $0xFFFFFFFF  }
0xc3: {  	_ =	task.clear_ibuf [dreg:s8], $0x2FFFF;
	_ =	strace $0x9FFFFFFF  }
0xc4: {  	(tm) =	ssettm $0x7FFFFFFF  }
0xc5: {  	_ =	shalt  }
tec
execute0_lowered:
.L_overlay_start_1:
0x0: {  	(tag) =	ssettag $0x1  }
0x1: {  	s1 =	srdreg.scid  }
0x2: {  	s1 =	sand.u32 $0x1, s1  }
0x3: {  	p0 =	seq.s32 s1, $0x1  }
.Ltmp0:
0x4: {  	s4 =	rddreg [dreg:$0x0];
	(pc) =	sbr.rel @p0 .LBB2_2-.Ltmp0, $4  }
0x5: {  	s5 =	rddreg [dreg:$0x1]  }
0x6: {  	s6 =	rddreg [dreg:$0x2];
	s2 =	simm.s32 $0x0  }
0x7: {  	[smem:$0x7FF] =	sst s2  }
0x8: {  	s0 =	rddreg [dreg:$0x3];
	_ =	strace $0x80000053;
	s1 =	stileid.u32  }
0x9: {  	s3 =	smul.u32 $0x50000, s1;
	_ =	sdelay $0x1  }
0xa: {  	s8 =	sadd.s32 $0x14D200, s4;
	s9 =	sshrl.u32 s3, $0x3  }
0xb: {  	s7 =	simm.s32 $0x80;
	s3 =	sadd.s32 s8, s9  }
0xc: {  	[tilespmem:s7], [sflag:$0x1] =	stream.linear.gather [hbm4b:s3+s2], $0x8000, $0x38;
	[tilespmem:$0x18080] =	vst v63  }
0xd: {  	s3 =	simm.s32 $0x1  }
0xe: {  	_ =	swait.ge [sflag:s3], $0x8000  }
0xf: {  	s4 =	sadd.s32 $0x2C00, s4;
	[sflag:s3] =	ssyncset.done $0x0  }
0x10: {  	s10 =	sadd.s32 s4, s9;
	[sflag:s3] =	ssyncadd.s32 $0xFFFF8000  }
0x11: {  	[hbm4b:s10+s2] =	stream.linear.scatter [tilespmem:s7], [sflag:$0x1], $0x8000, $0x38;
	[tilespmem:$0x18080] =	vst v63  }
0x12: {  	_ =	swait.ge [sflag:s3], $0x8000  }
0x13: {  	s24 =	sor.u32 $0x1000, s9;
	[sflag:s3] =	ssyncset.done $0x0  }
0x14: {  	s11 =	sadd.s32 s8, s24;
	[sflag:s3] =	ssyncadd.s32 $0xFFFF8000  }
0x15: {  	[tilespmem:s7], [sflag:$0x1] =	stream.linear.gather [hbm4b:s11+s2], $0x8000, $0x38;
	[tilespmem:$0x18080] =	vst v63  }
0x16: {  	_ =	swait.ge [sflag:s3], $0x8000  }
0x17: {  	[sflag:s3] =	ssyncset.done $0x0  }
0x18: {  	s10 =	sadd.s32 s4, s24;
	[sflag:s3] =	ssyncadd.s32 $0xFFFF8000  }
0x19: {  	[hbm4b:s10+s2] =	stream.linear.scatter [tilespmem:s7], [sflag:$0x1], $0x8000, $0x38;
	[tilespmem:$0x18080] =	vst v63  }
0x1a: {  	_ =	swait.ge [sflag:s3], $0x8000  }
0x1b: {  	s25 =	sadd.s32 $0x2000, s9;
	[sflag:s3] =	ssyncset.done $0x0  }
0x1c: {  	s26 =	sadd.s32 s8, s25;
	[sflag:s3] =	ssyncadd.s32 $0xFFFF8000  }
0x1d: {  	[tilespmem:s7], [sflag:$0x1] =	stream.linear.gather [hbm4b:s26+s2], $0x8000, $0x38;
	[tilespmem:$0x18080] =	vst v63  }
0x1e: {  	_ =	swait.ge [sflag:s3], $0x8000  }
0x1f: {  	[sflag:s3] =	ssyncset.done $0x0  }
0x20: {  	s10 =	sadd.s32 s4, s25;
	[sflag:s3] =	ssyncadd.s32 $0xFFFF8000  }
0x21: {  	[hbm4b:s10+s2] =	stream.linear.scatter [tilespmem:s7], [sflag:$0x1], $0x8000, $0x38;
	[tilespmem:$0x18080] =	vst v63  }
0x22: {  	_ =	swait.ge [sflag:s3], $0x8000  }
0x23: {  	s28 =	sadd.s32 $0x3000, s9;
	[sflag:s3] =	ssyncset.done $0x0  }
0x24: {  	s29 =	sadd.s32 s8, s28;
	[sflag:s3] =	ssyncadd.s32 $0xFFFF8000  }
0x25: {  	[tilespmem:s7], [sflag:$0x1] =	stream.linear.gather [hbm4b:s29+s2], $0x8000, $0x38;
	[tilespmem:$0x18080] =	vst v63  }
0x26: {  	_ =	swait.ge [sflag:s3], $0x8000  }
0x27: {  	[sflag:s3] =	ssyncset.done $0x0  }
0x28: {  	s10 =	sadd.s32 s4, s28;
	[sflag:s3] =	ssyncadd.s32 $0xFFFF8000  }
0x29: {  	[hbm4b:s10+s2] =	stream.linear.scatter [tilespmem:s7], [sflag:$0x1], $0x8000, $0x38;
	[tilespmem:$0x18080] =	vst v63  }
0x2a: {  	_ =	swait.ge [sflag:s3], $0x8000  }
0x2b: {  	s30 =	sadd.s32 $0x4000, s9;
	[sflag:s3] =	ssyncset.done $0x0  }
0x2c: {  	s31 =	sadd.s32 s8, s30;
	[sflag:s3] =	ssyncadd.s32 $0xFFFF8000  }
0x2d: {  	[tilespmem:s7], [sflag:$0x1] =	stream.linear.gather [hbm4b:s31+s2], $0x8000, $0x38;
	[tilespmem:$0x18080] =	vst v63  }
0x2e: {  	_ =	swait.ge [sflag:s3], $0x8000  }
0x2f: {  	[sflag:s3] =	ssyncset.done $0x0  }
0x30: {  	s10 =	sadd.s32 s4, s30;
	[sflag:s3] =	ssyncadd.s32 $0xFFFF8000  }
0x31: {  	[hbm4b:s10+s2] =	stream.linear.scatter [tilespmem:s7], [sflag:$0x1], $0x8000, $0x38;
	[tilespmem:$0x18080] =	vst v63  }
0x32: {  	_ =	swait.ge [sflag:s3], $0x8000  }
0x33: {  	s12 =	sadd.s32 $0x5000, s9;
	[sflag:s3] =	ssyncset.done $0x0  }
0x34: {  	s13 =	sadd.s32 s8, s12;
	[sflag:s3] =	ssyncadd.s32 $0xFFFF8000  }
0x35: {  	[tilespmem:s7], [sflag:$0x1] =	stream.linear.gather [hbm4b:s13+s2], $0x8000, $0x38;
	[tilespmem:$0x18080] =	vst v63  }
0x36: {  	_ =	swait.ge [sflag:s3], $0x8000  }
0x37: {  	[sflag:s3] =	ssyncset.done $0x0  }
0x38: {  	s10 =	sadd.s32 s4, s12;
	[sflag:s3] =	ssyncadd.s32 $0xFFFF8000  }
0x39: {  	[hbm4b:s10+s2] =	stream.linear.scatter [tilespmem:s7], [sflag:$0x1], $0x8000, $0x38;
	[tilespmem:$0x18080] =	vst v63  }
0x3a: {  	_ =	swait.ge [sflag:s3], $0x8000  }
0x3b: {  	s14 =	sadd.s32 $0x6000, s9;
	[sflag:s3] =	ssyncset.done $0x0  }
0x3c: {  	s15 =	sadd.s32 s8, s14;
	[sflag:s3] =	ssyncadd.s32 $0xFFFF8000  }
0x3d: {  	[tilespmem:s7], [sflag:$0x1] =	stream.linear.gather [hbm4b:s15+s2], $0x8000, $0x38;
	[tilespmem:$0x18080] =	vst v63  }
0x3e: {  	_ =	swait.ge [sflag:s3], $0x8000  }
0x3f: {  	[sflag:s3] =	ssyncset.done $0x0  }
0x40: {  	s10 =	sadd.s32 s4, s14;
	[sflag:s3] =	ssyncadd.s32 $0xFFFF8000  }
0x41: {  	[hbm4b:s10+s2] =	stream.linear.scatter [tilespmem:s7], [sflag:$0x1], $0x8000, $0x38;
	[tilespmem:$0x18080] =	vst v63  }
0x42: {  	_ =	swait.ge [sflag:s3], $0x8000  }
0x43: {  	s16 =	sadd.s32 $0x7000, s9;
	[sflag:s3] =	ssyncset.done $0x0  }
0x44: {  	s17 =	sadd.s32 s8, s16;
	[sflag:s3] =	ssyncadd.s32 $0xFFFF8000  }
0x45: {  	[tilespmem:s7], [sflag:$0x1] =	stream.linear.gather [hbm4b:s17+s2], $0x8000, $0x38;
	[tilespmem:$0x18080] =	vst v63  }
0x46: {  	_ =	swait.ge [sflag:s3], $0x8000  }
0x47: {  	[sflag:s3] =	ssyncset.done $0x0  }
0x48: {  	s10 =	sadd.s32 s4, s16;
	[sflag:s3] =	ssyncadd.s32 $0xFFFF8000  }
0x49: {  	[hbm4b:s10+s2] =	stream.linear.scatter [tilespmem:s7], [sflag:$0x1], $0x8000, $0x38;
	[tilespmem:$0x18080] =	vst v63  }
0x4a: {  	_ =	swait.ge [sflag:s3], $0x8000  }
0x4b: {  	s18 =	sadd.s32 $0x8000, s9;
	[sflag:s3] =	ssyncset.done $0x0  }
0x4c: {  	s19 =	sadd.s32 s8, s18;
	[sflag:s3] =	ssyncadd.s32 $0xFFFF8000  }
0x4d: {  	[tilespmem:s7], [sflag:$0x1] =	stream.linear.gather [hbm4b:s19+s2], $0x8000, $0x38;
	[tilespmem:$0x18080] =	vst v63  }
0x4e: {  	_ =	swait.ge [sflag:s3], $0x8000  }
0x4f: {  	[sflag:s3] =	ssyncset.done $0x0  }
0x50: {  	s10 =	sadd.s32 s4, s18;
	[sflag:s3] =	ssyncadd.s32 $0xFFFF8000  }
0x51: {  	[hbm4b:s10+s2] =	stream.linear.scatter [tilespmem:s7], [sflag:$0x1], $0x8000, $0x38;
	[tilespmem:$0x18080] =	vst v63  }
0x52: {  	_ =	swait.ge [sflag:s3], $0x8000  }
0x53: {  	s9 =	sadd.s32 $0x9000, s9;
	[sflag:s3] =	ssyncset.done $0x0  }
0x54: {  	s8 =	sadd.s32 s8, s9;
	[sflag:s3] =	ssyncadd.s32 $0xFFFF8000  }
0x55: {  	[tilespmem:s7], [sflag:$0x1] =	stream.linear.gather [hbm4b:s8+s2], $0x8000, $0x38;
	[tilespmem:$0x18080] =	vst v63  }
0x56: {  	_ =	swait.ge [sflag:s3], $0x8000  }
0x57: {  	[sflag:s3] =	ssyncset.done $0x0  }
0x58: {  	s20 =	sadd.s32 s4, s9;
	[sflag:s3] =	ssyncadd.s32 $0xFFFF8000  }
0x59: {  	[hbm4b:s20+s2] =	stream.linear.scatter [tilespmem:s7], [sflag:$0x1], $0x8000, $0x38;
	[tilespmem:$0x18080] =	vst v63  }
0x5a: {  	_ =	swait.ge [sflag:s3], $0x8000  }
0x5b: {  	[sflag:s3] =	ssyncset.done $0x0  }
0x5c: {  	s21 =	sshll.u32 s1, $0x4;
	[sflag:s3] =	ssyncadd.s32 $0xFFFF8000  }
0x5d: {  	s6 =	sadd.s32 s6, s21;
	[bflag:$0x0] =	sbarrier.arrive $0xFFFF  }
0x5e: {  	[tilespmem:s2], [sflag:$0x1] =	stream.linear.gather [hbm4b:s6+s2], $0x80, $0x38;
	[tilespmem:$0x18080] =	vst v63  }
0x5f: {  	_ =	swait.ge [sflag:s3], $0x80  }
0x60: {  	s22 =	sshll.u32 s1, $0xD;
	[sflag:s3] =	ssyncset.done $0x0  }
0x61: {  	s23 =	simm.s32 $0x8080;
	s5 =	sadd.s32 s5, s22;
	[sflag:s3] =	ssyncadd.s32 $0xFFFFFF80  }
0x62: {  	[tilespmem:s23], [sflag:$0x1] =	stream.linear.gather [hbm4b:s5+s2], $0x10000, $0x38;
	[tilespmem:$0x18080] =	vst v63  }
0x63: {  	_ =	swait.ge [sflag:s3], $0x10000  }
0x64: {  	[sflag:s3] =	ssyncset.done $0x0  }
0x65: {  	[sflag:s3] =	ssyncadd.s32 $0xFFFF0000  }
0x66: {  	v0 =	vld [tilespmem:$0x0];
	_ =	sdelay $0x4  }
0x67: {  	v1 =	vshll.u32 v0, $0x2  }
0x68: {  	v2 =	vlaneseq.u32;
	v0 =	vand.u32 $0x7, v0;
	v1 =	vand.u32 $0xFFFFFFE0, v1  }
0x69: {  	v56 =	vand.u32 $0x7, v2;
	v3 =	vshrl.u32 v2, $0x3;
	v0 =	vor.u32 v0, v1  }
0x6a: {  	v3 =	vmul.u32 $0x8, v3;
	v4 =	vperm.xlane v0, v56;
	_ =	sdelay $0x1  }
0x6b: {  	v4 =	vadd.s32 v3, v4  }
0x6c: {  	v2 =	vor.u32 $0x8, v2  }
0x6d: {  	v0 =	vperm.xlane v0, v2;
	_ =	sdelay $0x1  }
0x6e: {  	vm0 =	vmmov $0xffff;
	v0 =	vadd.s32 v3, v0  }
0x6f: {  	[hbm4b:s4+s2] =	stream.indirect_vreg.scatter [tilespmem:s23], [sflag:$0x1], $0x80, v4, vm0, $0xb8;
	[tilespmem:$0x18080] =	vst v63  }
0x70: {  	s24 =	simm.s32 $0x8880;
	s5 =	sadd.s32 $0x100, s4  }
0x71: {  	[hbm4b:s5+s2] =	stream.indirect_vreg.scatter [tilespmem:s24], [sflag:$0x1], $0x80, v4, vm0, $0xb8;
	[tilespmem:$0x18080] =	vst v63  }
0x72: {  	s25 =	simm.s32 $0x9080  }
0x73: {  	[hbm4b:s4+s2] =	stream.indirect_vreg.scatter [tilespmem:s25], [sflag:$0x1], $0x80, v0, vm0, $0xb8;
	[tilespmem:$0x18080] =	vst v63  }
0x74: {  	s26 =	simm.s32 $0x9880  }
0x75: {  	[hbm4b:s5+s2] =	stream.indirect_vreg.scatter [tilespmem:s26], [sflag:$0x1], $0x80, v0, vm0, $0xb8;
	[tilespmem:$0x18080] =	vst v63  }
0x76: {  	v0 =	vld [tilespmem:$0x10];
	_ =	sdelay $0x4  }
0x77: {  	v57 =	vshll.u32 v0, $0x2  }
0x78: {  	v0 =	vand.u32 $0x7, v0;
	v4 =	vand.u32 $0xFFFFFFE0, v57  }
0x79: {  	v0 =	vor.u32 v0, v4  }
0x7a: {  	v4 =	vperm.xlane v0, v56;
	_ =	sdelay $0x1  }
0x7b: {  	v4 =	vadd.s32 v3, v4;
	_ =	sdelay $0x1  }
0x7c: {  	v0 =	vperm.xlane v0, v2;
	_ =	sdelay $0x1  }
0x7d: {  	s28 =	simm.s32 $0xA080;
	v0 =	vadd.s32 v3, v0  }
0x7e: {  	[hbm4b:s4+s2] =	stream.indirect_vreg.scatter [tilespmem:s28], [sflag:$0x1], $0x80, v4, vm0, $0xb8;
	[tilespmem:$0x18080] =	vst v63  }
0x7f: {  	s29 =	simm.s32 $0xA880  }
0x80: {  	[hbm4b:s5+s2] =	stream.indirect_vreg.scatter [tilespmem:s29], [sflag:$0x1], $0x80, v4, vm0, $0xb8;
	[tilespmem:$0x18080] =	vst v63  }
0x81: {  	s30 =	simm.s32 $0xB080  }
0x82: {  	[hbm4b:s4+s2] =	stream.indirect_vreg.scatter [tilespmem:s30], [sflag:$0x1], $0x80, v0, vm0, $0xb8;
	[tilespmem:$0x18080] =	vst v63  }
0x83: {  	s31 =	simm.s32 $0xB880  }
0x84: {  	[hbm4b:s5+s2] =	stream.indirect_vreg.scatter [tilespmem:s31], [sflag:$0x1], $0x80, v0, vm0, $0xb8;
	[tilespmem:$0x18080] =	vst v63  }
0x85: {  	v0 =	vld [tilespmem:$0x20];
	_ =	sdelay $0x4  }
0x86: {  	v58 =	vshll.u32 v0, $0x2  }
0x87: {  	v0 =	vand.u32 $0x7, v0;
	v4 =	vand.u32 $0xFFFFFFE0, v58  }
0x88: {  	v0 =	vor.u32 v0, v4  }
0x89: {  	v4 =	vperm.xlane v0, v56;
	_ =	sdelay $0x1  }
0x8a: {  	v4 =	vadd.s32 v3, v4;
	_ =	sdelay $0x1  }
0x8b: {  	v0 =	vperm.xlane v0, v2;
	_ =	sdelay $0x1  }
0x8c: {  	s7 =	simm.s32 $0xC080;
	v0 =	vadd.s32 v3, v0  }
0x8d: {  	[hbm4b:s4+s2] =	stream.indirect_vreg.scatter [tilespmem:s7], [sflag:$0x1], $0x80, v4, vm0, $0xb8;
	[tilespmem:$0x18080] =	vst v63  }
0x8e: {  	s8 =	simm.s32 $0xC880  }
0x8f: {  	[hbm4b:s5+s2] =	stream.indirect_vreg.scatter [tilespmem:s8], [sflag:$0x1], $0x80, v4, vm0, $0xb8;
	[tilespmem:$0x18080] =	vst v63  }
0x90: {  	s9 =	simm.s32 $0xD080  }
0x91: {  	[hbm4b:s4+s2] =	stream.indirect_vreg.scatter [tilespmem:s9], [sflag:$0x1], $0x80, v0, vm0, $0xb8;
	[tilespmem:$0x18080] =	vst v63  }
0x92: {  	s10 =	simm.s32 $0xD880  }
0x93: {  	[hbm4b:s5+s2] =	stream.indirect_vreg.scatter [tilespmem:s10], [sflag:$0x1], $0x80, v0, vm0, $0xb8;
	[tilespmem:$0x18080] =	vst v63  }
0x94: {  	v0 =	vld [tilespmem:$0x30];
	_ =	sdelay $0x4  }
0x95: {  	v59 =	vshll.u32 v0, $0x2  }
0x96: {  	v0 =	vand.u32 $0x7, v0;
	v4 =	vand.u32 $0xFFFFFFE0, v59  }
0x97: {  	v0 =	vor.u32 v0, v4  }
0x98: {  	v4 =	vperm.xlane v0, v56;
	_ =	sdelay $0x1  }
0x99: {  	v4 =	vadd.s32 v3, v4;
	_ =	sdelay $0x1  }
0x9a: {  	v0 =	vperm.xlane v0, v2;
	_ =	sdelay $0x1  }
0x9b: {  	s11 =	simm.s32 $0xE080;
	v0 =	vadd.s32 v3, v0  }
0x9c: {  	[hbm4b:s4+s2] =	stream.indirect_vreg.scatter [tilespmem:s11], [sflag:$0x1], $0x80, v4, vm0, $0xb8;
	[tilespmem:$0x18080] =	vst v63  }
0x9d: {  	s12 =	simm.s32 $0xE880  }
0x9e: {  	[hbm4b:s5+s2] =	stream.indirect_vreg.scatter [tilespmem:s12], [sflag:$0x1], $0x80, v4, vm0, $0xb8;
	[tilespmem:$0x18080] =	vst v63  }
0x9f: {  	s13 =	simm.s32 $0xF080  }
0xa0: {  	[hbm4b:s4+s2] =	stream.indirect_vreg.scatter [tilespmem:s13], [sflag:$0x1], $0x80, v0, vm0, $0xb8;
	[tilespmem:$0x18080] =	vst v63  }
0xa1: {  	s14 =	simm.s32 $0xF880  }
0xa2: {  	[hbm4b:s5+s2] =	stream.indirect_vreg.scatter [tilespmem:s14], [sflag:$0x1], $0x80, v0, vm0, $0xb8;
	[tilespmem:$0x18080] =	vst v63  }
0xa3: {  	v0 =	vld [tilespmem:$0x40];
	_ =	sdelay $0x4  }
0xa4: {  	v60 =	vshll.u32 v0, $0x2  }
0xa5: {  	v0 =	vand.u32 $0x7, v0;
	v4 =	vand.u32 $0xFFFFFFE0, v60  }
0xa6: {  	v0 =	vor.u32 v0, v4  }
0xa7: {  	v4 =	vperm.xlane v0, v56;
	_ =	sdelay $0x1  }
0xa8: {  	v4 =	vadd.s32 v3, v4;
	_ =	sdelay $0x1  }
0xa9: {  	v0 =	vperm.xlane v0, v2;
	_ =	sdelay $0x1  }
0xaa: {  	s15 =	simm.s32 $0x10080;
	v0 =	vadd.s32 v3, v0  }
0xab: {  	[hbm4b:s4+s2] =	stream.indirect_vreg.scatter [tilespmem:s15], [sflag:$0x1], $0x80, v4, vm0, $0xb8;
	[tilespmem:$0x18080] =	vst v63  }
0xac: {  	s16 =	simm.s32 $0x10880  }
0xad: {  	[hbm4b:s5+s2] =	stream.indirect_vreg.scatter [tilespmem:s16], [sflag:$0x1], $0x80, v4, vm0, $0xb8;
	[tilespmem:$0x18080] =	vst v63  }
0xae: {  	s17 =	simm.s32 $0x11080  }
0xaf: {  	[hbm4b:s4+s2] =	stream.indirect_vreg.scatter [tilespmem:s17], [sflag:$0x1], $0x80, v0, vm0, $0xb8;
	[tilespmem:$0x18080] =	vst v63  }
0xb0: {  	s18 =	simm.s32 $0x11880  }
0xb1: {  	[hbm4b:s5+s2] =	stream.indirect_vreg.scatter [tilespmem:s18], [sflag:$0x1], $0x80, v0, vm0, $0xb8;
	[tilespmem:$0x18080] =	vst v63  }
0xb2: {  	v0 =	vld [tilespmem:$0x50];
	_ =	sdelay $0x4  }
0xb3: {  	v61 =	vshll.u32 v0, $0x2  }
0xb4: {  	v0 =	vand.u32 $0x7, v0;
	v4 =	vand.u32 $0xFFFFFFE0, v61  }
0xb5: {  	v0 =	vor.u32 v0, v4  }
0xb6: {  	v4 =	vperm.xlane v0, v56;
	_ =	sdelay $0x1  }
0xb7: {  	v4 =	vadd.s32 v3, v4;
	_ =	sdelay $0x1  }
0xb8: {  	v0 =	vperm.xlane v0, v2;
	_ =	sdelay $0x1  }
0xb9: {  	s19 =	simm.s32 $0x12080;
	v0 =	vadd.s32 v3, v0  }
0xba: {  	[hbm4b:s4+s2] =	stream.indirect_vreg.scatter [tilespmem:s19], [sflag:$0x1], $0x80, v4, vm0, $0xb8;
	[tilespmem:$0x18080] =	vst v63  }
0xbb: {  	s20 =	simm.s32 $0x12880  }
0xbc: {  	[hbm4b:s5+s2] =	stream.indirect_vreg.scatter [tilespmem:s20], [sflag:$0x1], $0x80, v4, vm0, $0xb8;
	[tilespmem:$0x18080] =	vst v63  }
0xbd: {  	s21 =	simm.s32 $0x13080  }
0xbe: {  	[hbm4b:s4+s2] =	stream.indirect_vreg.scatter [tilespmem:s21], [sflag:$0x1], $0x80, v0, vm0, $0xb8;
	[tilespmem:$0x18080] =	vst v63  }
0xbf: {  	s22 =	simm.s32 $0x13880  }
0xc0: {  	[hbm4b:s5+s2] =	stream.indirect_vreg.scatter [tilespmem:s22], [sflag:$0x1], $0x80, v0, vm0, $0xb8;
	[tilespmem:$0x18080] =	vst v63  }
0xc1: {  	v0 =	vld [tilespmem:$0x60];
	_ =	sdelay $0x4  }
0xc2: {  	v62 =	vshll.u32 v0, $0x2  }
0xc3: {  	v0 =	vand.u32 $0x7, v0;
	v4 =	vand.u32 $0xFFFFFFE0, v62  }
0xc4: {  	v0 =	vor.u32 v0, v4  }
0xc5: {  	v4 =	vperm.xlane v0, v56;
	_ =	sdelay $0x1  }
0xc6: {  	v4 =	vadd.s32 v3, v4;
	_ =	sdelay $0x1  }
0xc7: {  	v0 =	vperm.xlane v0, v2;
	_ =	sdelay $0x1  }
0xc8: {  	s23 =	simm.s32 $0x14080;
	v0 =	vadd.s32 v3, v0  }
0xc9: {  	[hbm4b:s4+s2] =	stream.indirect_vreg.scatter [tilespmem:s23], [sflag:$0x1], $0x80, v4, vm0, $0xb8;
	[tilespmem:$0x18080] =	vst v63  }
0xca: {  	s24 =	simm.s32 $0x14880  }
0xcb: {  	[hbm4b:s5+s2] =	stream.indirect_vreg.scatter [tilespmem:s24], [sflag:$0x1], $0x80, v4, vm0, $0xb8;
	[tilespmem:$0x18080] =	vst v63  }
0xcc: {  	s25 =	simm.s32 $0x15080  }
0xcd: {  	[hbm4b:s4+s2] =	stream.indirect_vreg.scatter [tilespmem:s25], [sflag:$0x1], $0x80, v0, vm0, $0xb8;
	[tilespmem:$0x18080] =	vst v63  }
0xce: {  	s26 =	simm.s32 $0x15880  }
0xcf: {  	[hbm4b:s5+s2] =	stream.indirect_vreg.scatter [tilespmem:s26], [sflag:$0x1], $0x80, v0, vm0, $0xb8;
	[tilespmem:$0x18080] =	vst v63  }
0xd0: {  	v0 =	vld [tilespmem:$0x70];
	_ =	sdelay $0x4  }
0xd1: {  	v63 =	vshll.u32 v0, $0x2  }
0xd2: {  	v0 =	vand.u32 $0x7, v0;
	v4 =	vand.u32 $0xFFFFFFE0, v63  }
0xd3: {  	v0 =	vor.u32 v0, v4  }
0xd4: {  	v1 =	vperm.xlane v0, v56;
	_ =	sdelay $0x1  }
0xd5: {  	v1 =	vadd.s32 v3, v1;
	_ =	sdelay $0x1  }
0xd6: {  	v0 =	vperm.xlane v0, v2;
	_ =	sdelay $0x1  }
0xd7: {  	s28 =	simm.s32 $0x16080;
	v0 =	vadd.s32 v3, v0  }
0xd8: {  	[hbm4b:s4+s2] =	stream.indirect_vreg.scatter [tilespmem:s28], [sflag:$0x1], $0x80, v1, vm0, $0xb8;
	[tilespmem:$0x18080] =	vst v63  }
0xd9: {  	s29 =	simm.s32 $0x16880  }
0xda: {  	[hbm4b:s5+s2] =	stream.indirect_vreg.scatter [tilespmem:s29], [sflag:$0x1], $0x80, v1, vm0, $0xb8;
	[tilespmem:$0x18080] =	vst v63  }
0xdb: {  	s30 =	simm.s32 $0x17080  }
0xdc: {  	[hbm4b:s4+s2] =	stream.indirect_vreg.scatter [tilespmem:s30], [sflag:$0x1], $0x80, v0, vm0, $0xb8;
	[tilespmem:$0x18080] =	vst v63  }
0xdd: {  	s31 =	simm.s32 $0x17880  }
0xde: {  	[hbm4b:s5+s2] =	stream.indirect_vreg.scatter [tilespmem:s31], [sflag:$0x1], $0x80, v0, vm0, $0xb8;
	[tilespmem:$0x18080] =	vst v63  }
0xdf: {  	_ =	swait.ge [sflag:s3], $0x10000  }
0xe0: {  	[sflag:s3] =	ssyncset.done $0x0  }
0xe1: {  	[sflag:s3] =	ssyncadd.s32 $0xFFFF0000  }
.LBB2_2:
0xe2: {  	_ =	sfence.sel $0x180000  }
0xe3: {  	[bflag:$0x0] =	sbarrier.arrive $0xFFFF  }
0xe4: {  	p0 =	sne.s32 s1, $0x0;
	_ =	strace $0x90000053  }
0xe5: {  	s0 =	sadd.s32 @!p0 $0x100000, s0;
	[bflag:$0x2] =	sbarrier.arrive $0xFFFF  }
0xe6: {  	[sflag:s0] =	ssyncadd.tile.s32 @!p0 $0x1;
	_ =	shalt  }
.Lfunc_end2:
_tile_overlayer_lowered:
.L_overlay_start_2:
0xe7: {  	(tag) =	ssettag $0x2  }
0xe8: {  	s0 =	rddreg [dreg:$0x0];
	s2 =	stileid.u32  }
0xe9: {  	s1 =	rddreg [dreg:$0x1];
	p0 =	sne.s32 s2, $0x0  }
0xea: {  	s3 =	rddreg [dreg:$0x2];
	[bflag:$0x3] =	sbarrier.arrive $0xFFFF;
	s2 =	simm.s32 @!p0 $0x1C01  }
0xeb: {  	[timem:s3], [sflag:s2] =	dma.local @!p0 [hbm:s0], s1  }
0xec: {  	s0 =	simm.s32 @!p0 $0x1  }
0xed: {  	_ =	swait.ge @!p0 [sflag:s0], s1  }
0xee: {  	s1 =	ssub.s32 @!p0 $0x0, s1;
	[sflag:s0] =	ssyncset.done @!p0 $0x0  }
0xef: {  	[sflag:s0] =	ssyncadd.s32 @!p0 s1  }
0xf0: {  	[bflag:$0x3] =	sbarrier.arrive $0xFFFF  }
0xf1: {  	_ =	shalt  }

</sc_bundles>
